<compile_context>
chip_gen: v7x
topology: tpu7x:2x2x1
jax: 0.10.2.dev20260603
libtpu: 0.0.44.dev20260713+nightly
codegen_flags: <defaults>
</compile_context>

<pallas_src>
import functools

import jax
import jax.numpy as jnp
from jax import lax
from jax.experimental import pallas as pl
from jax.experimental.pallas import tpu as pltpu
from jax.experimental.pallas import tpu_sc as plsc

VOCAB = 1000000
DIM = 64
BATCH = 4096
SEQ = 200

NC = 2
NS = 16
NW = NC * NS
C = BATCH // NW
NCH = SEQ
L = 16

NWIN = 7813
WPT = 245
VPAD = NWIN * 128

_COMPILER_PARAMS = pltpu.CompilerParams(
    use_tc_tiling_on_sc=True, needs_layout_passes=False)
_MESH = plsc.VectorSubcoreMesh(core_axis_name="c", subcore_axis_name="s")


def _diag_bases(iota):
    gb = [iota * 128 + ((iota + j) & (L - 1)) for j in range(L)]
    sb = [((iota + j) & (L - 1)) * 128 + iota for j in range(L)]
    return gb, sb


def _repack_body(tabt_hbm, out_hbm, wbuf0, wbuf1, tbuf0, tbuf1,
                 g0, g1, w0, w1):
    wbuf = (wbuf0, wbuf1)
    tbuf = (tbuf0, tbuf1)
    gsem = (g0, g1)
    wsem = (w0, w1)
    wid = lax.axis_index("s") * NC + lax.axis_index("c")
    iota = lax.iota(jnp.int32, L)
    zero = jnp.zeros((L,), jnp.int32)
    gb0, sb0 = _diag_bases(iota)

    def col0(i):
        w = jnp.minimum(i * NW + wid, NWIN - 1)
        return w * 128

    def start_read(i, b):
        pltpu.async_copy(tabt_hbm.at[:, pl.ds(col0(i), 128)], wbuf[b], gsem[b])

    def wait_read(b):
        pltpu.make_async_copy(
            tabt_hbm.at[:, pl.ds(0, 128)], wbuf[b], gsem[b]).wait()

    def transpose_win(b):
        def blk(m, carry):
            cg = m // 4
            dg = m - cg * 4
            gv = zero + (dg * (L * 128) + cg * L)
            sv = zero + (cg * (L * 128) + dg * L)
            for j0 in range(0, L, 16):
                vs = [plsc.load_gather(wbuf[b], [zero, sb0[j] + gv])
                      for j in range(j0, j0 + 16)]
                for i, j in enumerate(range(j0, j0 + 16)):
                    plsc.store_scatter(tbuf[b], [zero, gb0[j] + sv], vs[i])
            return carry

        lax.fori_loop(0, 32, blk, 0)

    def start_write(i, b):
        pltpu.async_copy(tbuf[b], out_hbm.at[pl.ds(col0(i), 128)], wsem[b])

    def wait_write(b):
        pltpu.make_async_copy(
            tbuf[b], out_hbm.at[pl.ds(0, 128)], wsem[b]).wait()

    start_read(0, 0)
    start_read(1, 1)
    start_write(0, 0)
    start_write(1, 1)

    def body(k, carry):
        for b in range(2):
            i = 2 * k + b
            wait_read(b)
            wait_write(b)
            transpose_win(b)
            start_read(i + 2, b)
            start_write(i, b)
        return carry

    lax.fori_loop(0, (WPT - 2) // 2, body, 0)
    done = 2 * ((WPT - 2) // 2)
    for i in range(done, WPT):
        b = i % 2
        wait_read(b)
        wait_write(b)
        transpose_win(b)
        if i + 2 < WPT:
            start_read(i + 2, b)
        start_write(i, b)
    wait_write(0)
    wait_write(1)


_repack_call = functools.partial(
    pl.kernel,
    mesh=_MESH,
    out_type=jax.ShapeDtypeStruct((VPAD, 128), jnp.float32),
    scratch_types=(
        [pltpu.VMEM((DIM, 128), jnp.float32) for _ in range(2)]
        + [pltpu.VMEM((128, 128), jnp.float32) for _ in range(2)]
        + [pltpu.SemaphoreType.DMA for _ in range(4)]
    ),
    compiler_params=_COMPILER_PARAMS,
)(_repack_body)


def _embed_body(idx_hbm, tab_hbm, out_hbm, idx_v, *refs):
    rows = refs[0:2]
    trans = refs[2:4]
    gsem = refs[4:6]
    wsem = refs[6:8]
    wid = lax.axis_index("s") * NC + lax.axis_index("c")
    b0 = wid * C

    pltpu.sync_copy(idx_hbm.at[:, pl.ds(b0, C)], idx_v)

    iota = lax.iota(jnp.int32, L)
    zero = jnp.zeros((L,), jnp.int32)
    gb0, sb0 = _diag_bases(iota)

    def start_gather(s, b):
        pltpu.async_copy(tab_hbm.at[idx_v.at[s]], rows[b], gsem[b])

    def wait_gather(b):
        pltpu.make_async_copy(tab_hbm.at[idx_v.at[0]], rows[b], gsem[b]).wait()

    def transpose_chunk(b):
        def blk(m, carry):
            cg = m // 4
            dg = m - cg * 4
            gv = zero + (cg * (L * 128) + dg * L)
            sv = zero + (dg * (L * 128) + cg * L)
            for j0 in range(0, L, 16):
                vs = [plsc.load_gather(rows[b], [zero, gb0[j] + gv])
                      for j in range(j0, j0 + 16)]
                for i, j in enumerate(range(j0, j0 + 16)):
                    plsc.store_scatter(trans[b], [zero, sb0[j] + sv], vs[i])
            return carry

        lax.fori_loop(0, 32, blk, 0)

    def start_write(s, b):
        pltpu.async_copy(trans[b], out_hbm.at[s, :, pl.ds(b0, C)], wsem[b])

    def wait_write(b):
        pltpu.make_async_copy(trans[b], out_hbm.at[0, :, pl.ds(b0, C)], wsem[b]).wait()

    start_gather(0, 0)
    start_gather(1, 1)
    start_write(0, 0)
    start_write(1, 1)

    def body(k, carry):
        for b in range(2):
            t = 2 * k + b
            wait_gather(b)
            wait_write(b)
            transpose_chunk(b)
            start_gather(t + 2, b)
            start_write(t, b)
        return carry

    lax.fori_loop(0, (NCH - 2) // 2, body, 0)

    for b in range(2):
        t = NCH - 2 + b
        wait_gather(b)
        wait_write(b)
        transpose_chunk(b)
        start_write(t, b)
    wait_write(0)
    wait_write(1)


_embed_call = functools.partial(
    pl.kernel,
    mesh=_MESH,
    out_type=jax.ShapeDtypeStruct((SEQ, DIM, BATCH), jnp.float32),
    scratch_types=(
        [pltpu.VMEM((NCH, C), jnp.int32)]
        + [pltpu.VMEM((C, 128), jnp.float32) for _ in range(2)]
        + [pltpu.VMEM((DIM, C), jnp.float32) for _ in range(2)]
        + [pltpu.SemaphoreType.DMA for _ in range(4)]
    ),
    compiler_params=_COMPILER_PARAMS,
)(_embed_body)


def kernel(token_ids, table):
    idx_t = token_ids.T.astype(jnp.int32)
    tab_t = table.T
    tab_rm = _repack_call(tab_t)
    out_p = _embed_call(idx_t, tab_rm)
    return out_p.transpose(2, 0, 1)

# --- scband reference (transcript-rebuilt; emitter-appended) ---
"""Pipeline reference for scband-shared-embedding-9045201125550 (READ-ONLY COPY).

The authoritative reference and input builder live on the scoring server;
editing this copy changes nothing except your own understanding.
"""

import jax, jax.numpy as jnp
import numpy as np

VOCAB = 1000000
DIM = 64
PAD = 0
BATCH = 4096
SEQ = 200


def setup_inputs(seed: int = 0) -> dict:
    key = jax.random.key(seed)
    k1, k2 = jax.random.split(key)
    token_ids = jax.random.randint(k1, (BATCH, SEQ), 0, VOCAB)
    table = jax.random.normal(k2, (VOCAB, DIM), dtype=jnp.float32)
    # nn.Embedding with padding_idx zeros that row at init
    table = table.at[PAD].set(0.0)
    return {"token_ids": token_ids, "table": table}


def reference(token_ids, table):
    # Faithful to nn.Embedding(padding_idx=0): row PAD is always zero
    tbl = table.at[PAD].set(0.0)
    return jnp.take(tbl, token_ids, axis=0)

if __name__ == "__main__":
    import jax
    _d = setup_inputs()
    print(jax.jit(kernel)(*tuple(_d.values())))

</pallas_src>

<mosaic_0001>
#map = affine_map<(d0, d1) -> (0, 0)>
module attributes {stable_mosaic.version = 14 : i64} {
  func.func @_repack_body(%arg0: i32, %arg1: i32, %arg2: memref<64x1000000xf32, #tpu.memory_space<hbm>>, %arg3: memref<1000064x128xf32, #tpu.memory_space<hbm>>, %arg4: memref<64x128xf32, #tpu.memory_space<vmem>>, %arg5: memref<64x128xf32, #tpu.memory_space<vmem>>, %arg6: memref<128x128xf32, #tpu.memory_space<vmem>>, %arg7: memref<128x128xf32, #tpu.memory_space<vmem>>, %arg8: memref<!tpu.dma_semaphore, #tpu.memory_space<semaphore_mem>>, %arg9: memref<!tpu.dma_semaphore, #tpu.memory_space<semaphore_mem>>, %arg10: memref<!tpu.dma_semaphore, #tpu.memory_space<semaphore_mem>>, %arg11: memref<!tpu.dma_semaphore, #tpu.memory_space<semaphore_mem>>) attributes {dimension_semantics = [#tpu.dimension_semantics<core_parallel>, #tpu.dimension_semantics<subcore_parallel>], iteration_bounds = array<i64: 2, 16>, scalar_prefetch = 0 : i64, scratch_operands = 8 : i64, tpu.core_type = #tpu.core_type<sc_vector_subcore>, window_params = [{transform_indices = #map}, {transform_indices = #map}]} {
    %mul3A = arith.constant 2 : i32
    %mul3A_0 = arith.muli %arg1, %mul3A : i32
    %add3A = arith.addi %mul3A_0, %arg0 : i32
    %iota3A = tpu.iota {dimensions = array<i32: 0>} : vector<16xi32>
    %broadcast_in_dim3A = arith.constant 0 : i32
    %broadcast_in_dim3A_1 = vector.broadcast %broadcast_in_dim3A : i32 to vector<16xi32>
    %mul3A_2 = arith.constant 128 : i32
    %mul3A_3 = vector.broadcast %mul3A_2 : i32 to vector<16xi32>
    %mul3A_4 = arith.muli %iota3A, %mul3A_3 : vector<16xi32>
    %add3A_5 = arith.constant 0 : i32
    %add3A_6 = vector.broadcast %add3A_5 : i32 to vector<16xi32>
    %add3A_7 = arith.addi %iota3A, %add3A_6 : vector<16xi32>
    %and3A = arith.constant 15 : i32
    %and3A_8 = vector.broadcast %and3A : i32 to vector<16xi32>
    %and3A_9 = arith.andi %add3A_7, %and3A_8 : vector<16xi32>
    %add3A_10 = arith.addi %mul3A_4, %and3A_9 : vector<16xi32>
    %mul3A_11 = arith.constant 128 : i32
    %mul3A_12 = vector.broadcast %mul3A_11 : i32 to vector<16xi32>
    %mul3A_13 = arith.muli %iota3A, %mul3A_12 : vector<16xi32>
    %add3A_14 = arith.constant 1 : i32
    %add3A_15 = vector.broadcast %add3A_14 : i32 to vector<16xi32>
    %add3A_16 = arith.addi %iota3A, %add3A_15 : vector<16xi32>
    %and3A_17 = arith.constant 15 : i32
    %and3A_18 = vector.broadcast %and3A_17 : i32 to vector<16xi32>
    %and3A_19 = arith.andi %add3A_16, %and3A_18 : vector<16xi32>
    %add3A_20 = arith.addi %mul3A_13, %and3A_19 : vector<16xi32>
    %mul3A_21 = arith.constant 128 : i32
    %mul3A_22 = vector.broadcast %mul3A_21 : i32 to vector<16xi32>
    %mul3A_23 = arith.muli %iota3A, %mul3A_22 : vector<16xi32>
    %add3A_24 = arith.constant 2 : i32
    %add3A_25 = vector.broadcast %add3A_24 : i32 to vector<16xi32>
    %add3A_26 = arith.addi %iota3A, %add3A_25 : vector<16xi32>
    %and3A_27 = arith.constant 15 : i32
    %and3A_28 = vector.broadcast %and3A_27 : i32 to vector<16xi32>
    %and3A_29 = arith.andi %add3A_26, %and3A_28 : vector<16xi32>
    %add3A_30 = arith.addi %mul3A_23, %and3A_29 : vector<16xi32>
    %mul3A_31 = arith.constant 128 : i32
    %mul3A_32 = vector.broadcast %mul3A_31 : i32 to vector<16xi32>
    %mul3A_33 = arith.muli %iota3A, %mul3A_32 : vector<16xi32>
    %add3A_34 = arith.constant 3 : i32
    %add3A_35 = vector.broadcast %add3A_34 : i32 to vector<16xi32>
    %add3A_36 = arith.addi %iota3A, %add3A_35 : vector<16xi32>
    %and3A_37 = arith.constant 15 : i32
    %and3A_38 = vector.broadcast %and3A_37 : i32 to vector<16xi32>
    %and3A_39 = arith.andi %add3A_36, %and3A_38 : vector<16xi32>
    %add3A_40 = arith.addi %mul3A_33, %and3A_39 : vector<16xi32>
    %mul3A_41 = arith.constant 128 : i32
    %mul3A_42 = vector.broadcast %mul3A_41 : i32 to vector<16xi32>
    %mul3A_43 = arith.muli %iota3A, %mul3A_42 : vector<16xi32>
    %add3A_44 = arith.constant 4 : i32
    %add3A_45 = vector.broadcast %add3A_44 : i32 to vector<16xi32>
    %add3A_46 = arith.addi %iota3A, %add3A_45 : vector<16xi32>
    %and3A_47 = arith.constant 15 : i32
    %and3A_48 = vector.broadcast %and3A_47 : i32 to vector<16xi32>
    %and3A_49 = arith.andi %add3A_46, %and3A_48 : vector<16xi32>
    %add3A_50 = arith.addi %mul3A_43, %and3A_49 : vector<16xi32>
    %mul3A_51 = arith.constant 128 : i32
    %mul3A_52 = vector.broadcast %mul3A_51 : i32 to vector<16xi32>
    %mul3A_53 = arith.muli %iota3A, %mul3A_52 : vector<16xi32>
    %add3A_54 = arith.constant 5 : i32
    %add3A_55 = vector.broadcast %add3A_54 : i32 to vector<16xi32>
    %add3A_56 = arith.addi %iota3A, %add3A_55 : vector<16xi32>
    %and3A_57 = arith.constant 15 : i32
    %and3A_58 = vector.broadcast %and3A_57 : i32 to vector<16xi32>
    %and3A_59 = arith.andi %add3A_56, %and3A_58 : vector<16xi32>
    %add3A_60 = arith.addi %mul3A_53, %and3A_59 : vector<16xi32>
    %mul3A_61 = arith.constant 128 : i32
    %mul3A_62 = vector.broadcast %mul3A_61 : i32 to vector<16xi32>
    %mul3A_63 = arith.muli %iota3A, %mul3A_62 : vector<16xi32>
    %add3A_64 = arith.constant 6 : i32
    %add3A_65 = vector.broadcast %add3A_64 : i32 to vector<16xi32>
    %add3A_66 = arith.addi %iota3A, %add3A_65 : vector<16xi32>
    %and3A_67 = arith.constant 15 : i32
    %and3A_68 = vector.broadcast %and3A_67 : i32 to vector<16xi32>
    %and3A_69 = arith.andi %add3A_66, %and3A_68 : vector<16xi32>
    %add3A_70 = arith.addi %mul3A_63, %and3A_69 : vector<16xi32>
    %mul3A_71 = arith.constant 128 : i32
    %mul3A_72 = vector.broadcast %mul3A_71 : i32 to vector<16xi32>
    %mul3A_73 = arith.muli %iota3A, %mul3A_72 : vector<16xi32>
    %add3A_74 = arith.constant 7 : i32
    %add3A_75 = vector.broadcast %add3A_74 : i32 to vector<16xi32>
    %add3A_76 = arith.addi %iota3A, %add3A_75 : vector<16xi32>
    %and3A_77 = arith.constant 15 : i32
    %and3A_78 = vector.broadcast %and3A_77 : i32 to vector<16xi32>
    %and3A_79 = arith.andi %add3A_76, %and3A_78 : vector<16xi32>
    %add3A_80 = arith.addi %mul3A_73, %and3A_79 : vector<16xi32>
    %mul3A_81 = arith.constant 128 : i32
    %mul3A_82 = vector.broadcast %mul3A_81 : i32 to vector<16xi32>
    %mul3A_83 = arith.muli %iota3A, %mul3A_82 : vector<16xi32>
    %add3A_84 = arith.constant 8 : i32
    %add3A_85 = vector.broadcast %add3A_84 : i32 to vector<16xi32>
    %add3A_86 = arith.addi %iota3A, %add3A_85 : vector<16xi32>
    %and3A_87 = arith.constant 15 : i32
    %and3A_88 = vector.broadcast %and3A_87 : i32 to vector<16xi32>
    %and3A_89 = arith.andi %add3A_86, %and3A_88 : vector<16xi32>
    %add3A_90 = arith.addi %mul3A_83, %and3A_89 : vector<16xi32>
    %mul3A_91 = arith.constant 128 : i32
    %mul3A_92 = vector.broadcast %mul3A_91 : i32 to vector<16xi32>
    %mul3A_93 = arith.muli %iota3A, %mul3A_92 : vector<16xi32>
    %add3A_94 = arith.constant 9 : i32
    %add3A_95 = vector.broadcast %add3A_94 : i32 to vector<16xi32>
    %add3A_96 = arith.addi %iota3A, %add3A_95 : vector<16xi32>
    %and3A_97 = arith.constant 15 : i32
    %and3A_98 = vector.broadcast %and3A_97 : i32 to vector<16xi32>
    %and3A_99 = arith.andi %add3A_96, %and3A_98 : vector<16xi32>
    %add3A_100 = arith.addi %mul3A_93, %and3A_99 : vector<16xi32>
    %mul3A_101 = arith.constant 128 : i32
    %mul3A_102 = vector.broadcast %mul3A_101 : i32 to vector<16xi32>
    %mul3A_103 = arith.muli %iota3A, %mul3A_102 : vector<16xi32>
    %add3A_104 = arith.constant 10 : i32
    %add3A_105 = vector.broadcast %add3A_104 : i32 to vector<16xi32>
    %add3A_106 = arith.addi %iota3A, %add3A_105 : vector<16xi32>
    %and3A_107 = arith.constant 15 : i32
    %and3A_108 = vector.broadcast %and3A_107 : i32 to vector<16xi32>
    %and3A_109 = arith.andi %add3A_106, %and3A_108 : vector<16xi32>
    %add3A_110 = arith.addi %mul3A_103, %and3A_109 : vector<16xi32>
    %mul3A_111 = arith.constant 128 : i32
    %mul3A_112 = vector.broadcast %mul3A_111 : i32 to vector<16xi32>
    %mul3A_113 = arith.muli %iota3A, %mul3A_112 : vector<16xi32>
    %add3A_114 = arith.constant 11 : i32
    %add3A_115 = vector.broadcast %add3A_114 : i32 to vector<16xi32>
    %add3A_116 = arith.addi %iota3A, %add3A_115 : vector<16xi32>
    %and3A_117 = arith.constant 15 : i32
    %and3A_118 = vector.broadcast %and3A_117 : i32 to vector<16xi32>
    %and3A_119 = arith.andi %add3A_116, %and3A_118 : vector<16xi32>
    %add3A_120 = arith.addi %mul3A_113, %and3A_119 : vector<16xi32>
    %mul3A_121 = arith.constant 128 : i32
    %mul3A_122 = vector.broadcast %mul3A_121 : i32 to vector<16xi32>
    %mul3A_123 = arith.muli %iota3A, %mul3A_122 : vector<16xi32>
    %add3A_124 = arith.constant 12 : i32
    %add3A_125 = vector.broadcast %add3A_124 : i32 to vector<16xi32>
    %add3A_126 = arith.addi %iota3A, %add3A_125 : vector<16xi32>
    %and3A_127 = arith.constant 15 : i32
    %and3A_128 = vector.broadcast %and3A_127 : i32 to vector<16xi32>
    %and3A_129 = arith.andi %add3A_126, %and3A_128 : vector<16xi32>
    %add3A_130 = arith.addi %mul3A_123, %and3A_129 : vector<16xi32>
    %mul3A_131 = arith.constant 128 : i32
    %mul3A_132 = vector.broadcast %mul3A_131 : i32 to vector<16xi32>
    %mul3A_133 = arith.muli %iota3A, %mul3A_132 : vector<16xi32>
    %add3A_134 = arith.constant 13 : i32
    %add3A_135 = vector.broadcast %add3A_134 : i32 to vector<16xi32>
    %add3A_136 = arith.addi %iota3A, %add3A_135 : vector<16xi32>
    %and3A_137 = arith.constant 15 : i32
    %and3A_138 = vector.broadcast %and3A_137 : i32 to vector<16xi32>
    %and3A_139 = arith.andi %add3A_136, %and3A_138 : vector<16xi32>
    %add3A_140 = arith.addi %mul3A_133, %and3A_139 : vector<16xi32>
    %mul3A_141 = arith.constant 128 : i32
    %mul3A_142 = vector.broadcast %mul3A_141 : i32 to vector<16xi32>
    %mul3A_143 = arith.muli %iota3A, %mul3A_142 : vector<16xi32>
    %add3A_144 = arith.constant 14 : i32
    %add3A_145 = vector.broadcast %add3A_144 : i32 to vector<16xi32>
    %add3A_146 = arith.addi %iota3A, %add3A_145 : vector<16xi32>
    %and3A_147 = arith.constant 15 : i32
    %and3A_148 = vector.broadcast %and3A_147 : i32 to vector<16xi32>
    %and3A_149 = arith.andi %add3A_146, %and3A_148 : vector<16xi32>
    %add3A_150 = arith.addi %mul3A_143, %and3A_149 : vector<16xi32>
    %mul3A_151 = arith.constant 128 : i32
    %mul3A_152 = vector.broadcast %mul3A_151 : i32 to vector<16xi32>
    %mul3A_153 = arith.muli %iota3A, %mul3A_152 : vector<16xi32>
    %add3A_154 = arith.constant 15 : i32
    %add3A_155 = vector.broadcast %add3A_154 : i32 to vector<16xi32>
    %add3A_156 = arith.addi %iota3A, %add3A_155 : vector<16xi32>
    %and3A_157 = arith.constant 15 : i32
    %and3A_158 = vector.broadcast %and3A_157 : i32 to vector<16xi32>
    %and3A_159 = arith.andi %add3A_156, %and3A_158 : vector<16xi32>
    %add3A_160 = arith.addi %mul3A_153, %and3A_159 : vector<16xi32>
    %add3A_161 = arith.constant 0 : i32
    %add3A_162 = vector.broadcast %add3A_161 : i32 to vector<16xi32>
    %add3A_163 = arith.addi %iota3A, %add3A_162 : vector<16xi32>
    %and3A_164 = arith.constant 15 : i32
    %and3A_165 = vector.broadcast %and3A_164 : i32 to vector<16xi32>
    %and3A_166 = arith.andi %add3A_163, %and3A_165 : vector<16xi32>
    %mul3A_167 = arith.constant 128 : i32
    %mul3A_168 = vector.broadcast %mul3A_167 : i32 to vector<16xi32>
    %mul3A_169 = arith.muli %and3A_166, %mul3A_168 : vector<16xi32>
    %add3A_170 = arith.addi %mul3A_169, %iota3A : vector<16xi32>
    %add3A_171 = arith.constant 1 : i32
    %add3A_172 = vector.broadcast %add3A_171 : i32 to vector<16xi32>
    %add3A_173 = arith.addi %iota3A, %add3A_172 : vector<16xi32>
    %and3A_174 = arith.constant 15 : i32
    %and3A_175 = vector.broadcast %and3A_174 : i32 to vector<16xi32>
    %and3A_176 = arith.andi %add3A_173, %and3A_175 : vector<16xi32>
    %mul3A_177 = arith.constant 128 : i32
    %mul3A_178 = vector.broadcast %mul3A_177 : i32 to vector<16xi32>
    %mul3A_179 = arith.muli %and3A_176, %mul3A_178 : vector<16xi32>
    %add3A_180 = arith.addi %mul3A_179, %iota3A : vector<16xi32>
    %add3A_181 = arith.constant 2 : i32
    %add3A_182 = vector.broadcast %add3A_181 : i32 to vector<16xi32>
    %add3A_183 = arith.addi %iota3A, %add3A_182 : vector<16xi32>
    %and3A_184 = arith.constant 15 : i32
    %and3A_185 = vector.broadcast %and3A_184 : i32 to vector<16xi32>
    %and3A_186 = arith.andi %add3A_183, %and3A_185 : vector<16xi32>
    %mul3A_187 = arith.constant 128 : i32
    %mul3A_188 = vector.broadcast %mul3A_187 : i32 to vector<16xi32>
    %mul3A_189 = arith.muli %and3A_186, %mul3A_188 : vector<16xi32>
    %add3A_190 = arith.addi %mul3A_189, %iota3A : vector<16xi32>
    %add3A_191 = arith.constant 3 : i32
    %add3A_192 = vector.broadcast %add3A_191 : i32 to vector<16xi32>
    %add3A_193 = arith.addi %iota3A, %add3A_192 : vector<16xi32>
    %and3A_194 = arith.constant 15 : i32
    %and3A_195 = vector.broadcast %and3A_194 : i32 to vector<16xi32>
    %and3A_196 = arith.andi %add3A_193, %and3A_195 : vector<16xi32>
    %mul3A_197 = arith.constant 128 : i32
    %mul3A_198 = vector.broadcast %mul3A_197 : i32 to vector<16xi32>
    %mul3A_199 = arith.muli %and3A_196, %mul3A_198 : vector<16xi32>
    %add3A_200 = arith.addi %mul3A_199, %iota3A : vector<16xi32>
    %add3A_201 = arith.constant 4 : i32
    %add3A_202 = vector.broadcast %add3A_201 : i32 to vector<16xi32>
    %add3A_203 = arith.addi %iota3A, %add3A_202 : vector<16xi32>
    %and3A_204 = arith.constant 15 : i32
    %and3A_205 = vector.broadcast %and3A_204 : i32 to vector<16xi32>
    %and3A_206 = arith.andi %add3A_203, %and3A_205 : vector<16xi32>
    %mul3A_207 = arith.constant 128 : i32
    %mul3A_208 = vector.broadcast %mul3A_207 : i32 to vector<16xi32>
    %mul3A_209 = arith.muli %and3A_206, %mul3A_208 : vector<16xi32>
    %add3A_210 = arith.addi %mul3A_209, %iota3A : vector<16xi32>
    %add3A_211 = arith.constant 5 : i32
    %add3A_212 = vector.broadcast %add3A_211 : i32 to vector<16xi32>
    %add3A_213 = arith.addi %iota3A, %add3A_212 : vector<16xi32>
    %and3A_214 = arith.constant 15 : i32
    %and3A_215 = vector.broadcast %and3A_214 : i32 to vector<16xi32>
    %and3A_216 = arith.andi %add3A_213, %and3A_215 : vector<16xi32>
    %mul3A_217 = arith.constant 128 : i32
    %mul3A_218 = vector.broadcast %mul3A_217 : i32 to vector<16xi32>
    %mul3A_219 = arith.muli %and3A_216, %mul3A_218 : vector<16xi32>
    %add3A_220 = arith.addi %mul3A_219, %iota3A : vector<16xi32>
    %add3A_221 = arith.constant 6 : i32
    %add3A_222 = vector.broadcast %add3A_221 : i32 to vector<16xi32>
    %add3A_223 = arith.addi %iota3A, %add3A_222 : vector<16xi32>
    %and3A_224 = arith.constant 15 : i32
    %and3A_225 = vector.broadcast %and3A_224 : i32 to vector<16xi32>
    %and3A_226 = arith.andi %add3A_223, %and3A_225 : vector<16xi32>
    %mul3A_227 = arith.constant 128 : i32
    %mul3A_228 = vector.broadcast %mul3A_227 : i32 to vector<16xi32>
    %mul3A_229 = arith.muli %and3A_226, %mul3A_228 : vector<16xi32>
    %add3A_230 = arith.addi %mul3A_229, %iota3A : vector<16xi32>
    %add3A_231 = arith.constant 7 : i32
    %add3A_232 = vector.broadcast %add3A_231 : i32 to vector<16xi32>
    %add3A_233 = arith.addi %iota3A, %add3A_232 : vector<16xi32>
    %and3A_234 = arith.constant 15 : i32
    %and3A_235 = vector.broadcast %and3A_234 : i32 to vector<16xi32>
    %and3A_236 = arith.andi %add3A_233, %and3A_235 : vector<16xi32>
    %mul3A_237 = arith.constant 128 : i32
    %mul3A_238 = vector.broadcast %mul3A_237 : i32 to vector<16xi32>
    %mul3A_239 = arith.muli %and3A_236, %mul3A_238 : vector<16xi32>
    %add3A_240 = arith.addi %mul3A_239, %iota3A : vector<16xi32>
    %add3A_241 = arith.constant 8 : i32
    %add3A_242 = vector.broadcast %add3A_241 : i32 to vector<16xi32>
    %add3A_243 = arith.addi %iota3A, %add3A_242 : vector<16xi32>
    %and3A_244 = arith.constant 15 : i32
    %and3A_245 = vector.broadcast %and3A_244 : i32 to vector<16xi32>
    %and3A_246 = arith.andi %add3A_243, %and3A_245 : vector<16xi32>
    %mul3A_247 = arith.constant 128 : i32
    %mul3A_248 = vector.broadcast %mul3A_247 : i32 to vector<16xi32>
    %mul3A_249 = arith.muli %and3A_246, %mul3A_248 : vector<16xi32>
    %add3A_250 = arith.addi %mul3A_249, %iota3A : vector<16xi32>
    %add3A_251 = arith.constant 9 : i32
    %add3A_252 = vector.broadcast %add3A_251 : i32 to vector<16xi32>
    %add3A_253 = arith.addi %iota3A, %add3A_252 : vector<16xi32>
    %and3A_254 = arith.constant 15 : i32
    %and3A_255 = vector.broadcast %and3A_254 : i32 to vector<16xi32>
    %and3A_256 = arith.andi %add3A_253, %and3A_255 : vector<16xi32>
    %mul3A_257 = arith.constant 128 : i32
    %mul3A_258 = vector.broadcast %mul3A_257 : i32 to vector<16xi32>
    %mul3A_259 = arith.muli %and3A_256, %mul3A_258 : vector<16xi32>
    %add3A_260 = arith.addi %mul3A_259, %iota3A : vector<16xi32>
    %add3A_261 = arith.constant 10 : i32
    %add3A_262 = vector.broadcast %add3A_261 : i32 to vector<16xi32>
    %add3A_263 = arith.addi %iota3A, %add3A_262 : vector<16xi32>
    %and3A_264 = arith.constant 15 : i32
    %and3A_265 = vector.broadcast %and3A_264 : i32 to vector<16xi32>
    %and3A_266 = arith.andi %add3A_263, %and3A_265 : vector<16xi32>
    %mul3A_267 = arith.constant 128 : i32
    %mul3A_268 = vector.broadcast %mul3A_267 : i32 to vector<16xi32>
    %mul3A_269 = arith.muli %and3A_266, %mul3A_268 : vector<16xi32>
    %add3A_270 = arith.addi %mul3A_269, %iota3A : vector<16xi32>
    %add3A_271 = arith.constant 11 : i32
    %add3A_272 = vector.broadcast %add3A_271 : i32 to vector<16xi32>
    %add3A_273 = arith.addi %iota3A, %add3A_272 : vector<16xi32>
    %and3A_274 = arith.constant 15 : i32
    %and3A_275 = vector.broadcast %and3A_274 : i32 to vector<16xi32>
    %and3A_276 = arith.andi %add3A_273, %and3A_275 : vector<16xi32>
    %mul3A_277 = arith.constant 128 : i32
    %mul3A_278 = vector.broadcast %mul3A_277 : i32 to vector<16xi32>
    %mul3A_279 = arith.muli %and3A_276, %mul3A_278 : vector<16xi32>
    %add3A_280 = arith.addi %mul3A_279, %iota3A : vector<16xi32>
    %add3A_281 = arith.constant 12 : i32
    %add3A_282 = vector.broadcast %add3A_281 : i32 to vector<16xi32>
    %add3A_283 = arith.addi %iota3A, %add3A_282 : vector<16xi32>
    %and3A_284 = arith.constant 15 : i32
    %and3A_285 = vector.broadcast %and3A_284 : i32 to vector<16xi32>
    %and3A_286 = arith.andi %add3A_283, %and3A_285 : vector<16xi32>
    %mul3A_287 = arith.constant 128 : i32
    %mul3A_288 = vector.broadcast %mul3A_287 : i32 to vector<16xi32>
    %mul3A_289 = arith.muli %and3A_286, %mul3A_288 : vector<16xi32>
    %add3A_290 = arith.addi %mul3A_289, %iota3A : vector<16xi32>
    %add3A_291 = arith.constant 13 : i32
    %add3A_292 = vector.broadcast %add3A_291 : i32 to vector<16xi32>
    %add3A_293 = arith.addi %iota3A, %add3A_292 : vector<16xi32>
    %and3A_294 = arith.constant 15 : i32
    %and3A_295 = vector.broadcast %and3A_294 : i32 to vector<16xi32>
    %and3A_296 = arith.andi %add3A_293, %and3A_295 : vector<16xi32>
    %mul3A_297 = arith.constant 128 : i32
    %mul3A_298 = vector.broadcast %mul3A_297 : i32 to vector<16xi32>
    %mul3A_299 = arith.muli %and3A_296, %mul3A_298 : vector<16xi32>
    %add3A_300 = arith.addi %mul3A_299, %iota3A : vector<16xi32>
    %add3A_301 = arith.constant 14 : i32
    %add3A_302 = vector.broadcast %add3A_301 : i32 to vector<16xi32>
    %add3A_303 = arith.addi %iota3A, %add3A_302 : vector<16xi32>
    %and3A_304 = arith.constant 15 : i32
    %and3A_305 = vector.broadcast %and3A_304 : i32 to vector<16xi32>
    %and3A_306 = arith.andi %add3A_303, %and3A_305 : vector<16xi32>
    %mul3A_307 = arith.constant 128 : i32
    %mul3A_308 = vector.broadcast %mul3A_307 : i32 to vector<16xi32>
    %mul3A_309 = arith.muli %and3A_306, %mul3A_308 : vector<16xi32>
    %add3A_310 = arith.addi %mul3A_309, %iota3A : vector<16xi32>
    %add3A_311 = arith.constant 15 : i32
    %add3A_312 = vector.broadcast %add3A_311 : i32 to vector<16xi32>
    %add3A_313 = arith.addi %iota3A, %add3A_312 : vector<16xi32>
    %and3A_314 = arith.constant 15 : i32
    %and3A_315 = vector.broadcast %and3A_314 : i32 to vector<16xi32>
    %and3A_316 = arith.andi %add3A_313, %and3A_315 : vector<16xi32>
    %mul3A_317 = arith.constant 128 : i32
    %mul3A_318 = vector.broadcast %mul3A_317 : i32 to vector<16xi32>
    %mul3A_319 = arith.muli %and3A_316, %mul3A_318 : vector<16xi32>
    %add3A_320 = arith.addi %mul3A_319, %iota3A : vector<16xi32>
    %add3A_321 = arith.constant 0 : i32
    %add3A_322 = arith.addi %add3A_321, %add3A : i32
    %min3A = arith.constant 7812 : i32
    %min3A_323 = arith.minsi %add3A_322, %min3A : i32
    %mul3A_324 = arith.constant 128 : i32
    %mul3A_325 = arith.muli %min3A_323, %mul3A_324 : i32
    %dma_start3A = arith.constant 0 : i32
    %dma_start3A_326 = tpu.memref_slice %arg2[%dma_start3A, %mul3A_325] : memref<64x1000000xf32, #tpu.memory_space<hbm>> -> memref<64x128xf32, #tpu.memory_space<hbm>>
    %dma_start3A_327 = arith.constant 0 : i32
    %dma_start3A_328 = tpu.memref_slice %arg2[%dma_start3A_327, %mul3A_325] : memref<64x1000000xf32, #tpu.memory_space<hbm>> -> memref<64x128xf32, #tpu.memory_space<hbm>>
    tpu.enqueue_dma source(%dma_start3A_328 : memref<64x128xf32, #tpu.memory_space<hbm>>) target(%arg4 : memref<64x128xf32, #tpu.memory_space<vmem>>) target_semaphore(%arg8 : memref<!tpu.dma_semaphore, #tpu.memory_space<semaphore_mem>>)
    %add3A_329 = arith.constant 32 : i32
    %add3A_330 = arith.addi %add3A_329, %add3A : i32
    %min3A_331 = arith.constant 7812 : i32
    %min3A_332 = arith.minsi %add3A_330, %min3A_331 : i32
    %mul3A_333 = arith.constant 128 : i32
    %mul3A_334 = arith.muli %min3A_332, %mul3A_333 : i32
    %dma_start3A_335 = arith.constant 0 : i32
    %dma_start3A_336 = tpu.memref_slice %arg2[%dma_start3A_335, %mul3A_334] : memref<64x1000000xf32, #tpu.memory_space<hbm>> -> memref<64x128xf32, #tpu.memory_space<hbm>>
    %dma_start3A_337 = arith.constant 0 : i32
    %dma_start3A_338 = tpu.memref_slice %arg2[%dma_start3A_337, %mul3A_334] : memref<64x1000000xf32, #tpu.memory_space<hbm>> -> memref<64x128xf32, #tpu.memory_space<hbm>>
    tpu.enqueue_dma source(%dma_start3A_338 : memref<64x128xf32, #tpu.memory_space<hbm>>) target(%arg5 : memref<64x128xf32, #tpu.memory_space<vmem>>) target_semaphore(%arg9 : memref<!tpu.dma_semaphore, #tpu.memory_space<semaphore_mem>>)
    %add3A_339 = arith.constant 0 : i32
    %add3A_340 = arith.addi %add3A_339, %add3A : i32
    %min3A_341 = arith.constant 7812 : i32
    %min3A_342 = arith.minsi %add3A_340, %min3A_341 : i32
    %mul3A_343 = arith.constant 128 : i32
    %mul3A_344 = arith.muli %min3A_342, %mul3A_343 : i32
    %dma_start3A_345 = arith.constant 0 : i32
    %dma_start3A_346 = tpu.memref_slice %arg3[%mul3A_344, %dma_start3A_345] : memref<1000064x128xf32, #tpu.memory_space<hbm>> -> memref<128x128xf32, #tpu.memory_space<hbm>>
    %dma_start3A_347 = arith.constant 0 : i32
    %dma_start3A_348 = tpu.memref_slice %arg3[%mul3A_344, %dma_start3A_347] : memref<1000064x128xf32, #tpu.memory_space<hbm>> -> memref<128x128xf32, #tpu.memory_space<hbm>>
    tpu.enqueue_dma source(%arg6 : memref<128x128xf32, #tpu.memory_space<vmem>>) target(%dma_start3A_348 : memref<128x128xf32, #tpu.memory_space<hbm>>) target_semaphore(%arg10 : memref<!tpu.dma_semaphore, #tpu.memory_space<semaphore_mem>>)
    %add3A_349 = arith.constant 32 : i32
    %add3A_350 = arith.addi %add3A_349, %add3A : i32
    %min3A_351 = arith.constant 7812 : i32
    %min3A_352 = arith.minsi %add3A_350, %min3A_351 : i32
    %mul3A_353 = arith.constant 128 : i32
    %mul3A_354 = arith.muli %min3A_352, %mul3A_353 : i32
    %dma_start3A_355 = arith.constant 0 : i32
    %dma_start3A_356 = tpu.memref_slice %arg3[%mul3A_354, %dma_start3A_355] : memref<1000064x128xf32, #tpu.memory_space<hbm>> -> memref<128x128xf32, #tpu.memory_space<hbm>>
    %dma_start3A_357 = arith.constant 0 : i32
    %dma_start3A_358 = tpu.memref_slice %arg3[%mul3A_354, %dma_start3A_357] : memref<1000064x128xf32, #tpu.memory_space<hbm>> -> memref<128x128xf32, #tpu.memory_space<hbm>>
    tpu.enqueue_dma source(%arg7 : memref<128x128xf32, #tpu.memory_space<vmem>>) target(%dma_start3A_358 : memref<128x128xf32, #tpu.memory_space<hbm>>) target_semaphore(%arg11 : memref<!tpu.dma_semaphore, #tpu.memory_space<semaphore_mem>>)
    %scan3A = arith.constant 0 : i32
    %scan3A_359 = arith.constant 0 : i32
    %scan3A_360 = arith.constant 121 : i32
    %scan3A_361 = arith.addi %scan3A_359, %scan3A_360 : i32
    %scan3A_362 = arith.constant 1 : i32
    scf.for %scan3A_469 = %scan3A_359 to %scan3A_361 step %scan3A_362  : i32 {
      %mul3A_470 = arith.constant 2 : i32
      %mul3A_471 = arith.muli %mul3A_470, %scan3A_469 : i32
      %add3A_472 = arith.constant 0 : i32
      %add3A_473 = arith.addi %mul3A_471, %add3A_472 : i32
      %dma_wait3A_474 = arith.constant 0 : i32
      %dma_wait3A_475 = arith.constant 0 : i32
      %dma_wait3A_476 = tpu.memref_slice %arg2[%dma_wait3A_474, %dma_wait3A_475] : memref<64x1000000xf32, #tpu.memory_space<hbm>> -> memref<64x128xf32, #tpu.memory_space<hbm>>
      %dma_wait3A_477 = arith.constant 0 : i32
      %dma_wait3A_478 = arith.constant 0 : i32
      %dma_wait3A_479 = tpu.memref_slice %arg2[%dma_wait3A_477, %dma_wait3A_478] : memref<64x1000000xf32, #tpu.memory_space<hbm>> -> memref<64x128xf32, #tpu.memory_space<hbm>>
      tpu.wait_dma2 semaphore(%arg8 : memref<!tpu.dma_semaphore, #tpu.memory_space<semaphore_mem>>) src(%dma_wait3A_479 : memref<64x128xf32, #tpu.memory_space<hbm>>) dst(%arg4 : memref<64x128xf32, #tpu.memory_space<vmem>>)
      %dma_wait3A_480 = arith.constant 0 : i32
      %dma_wait3A_481 = arith.constant 0 : i32
      %dma_wait3A_482 = tpu.memref_slice %arg3[%dma_wait3A_480, %dma_wait3A_481] : memref<1000064x128xf32, #tpu.memory_space<hbm>> -> memref<128x128xf32, #tpu.memory_space<hbm>>
      %dma_wait3A_483 = arith.constant 0 : i32
      %dma_wait3A_484 = arith.constant 0 : i32
      %dma_wait3A_485 = tpu.memref_slice %arg3[%dma_wait3A_483, %dma_wait3A_484] : memref<1000064x128xf32, #tpu.memory_space<hbm>> -> memref<128x128xf32, #tpu.memory_space<hbm>>
      tpu.wait_dma2 semaphore(%arg10 : memref<!tpu.dma_semaphore, #tpu.memory_space<semaphore_mem>>) src(%arg6 : memref<128x128xf32, #tpu.memory_space<vmem>>) dst(%dma_wait3A_485 : memref<128x128xf32, #tpu.memory_space<hbm>>)
      %scan3A_486 = arith.constant 0 : i32
      %scan3A_487 = arith.constant 0 : i32
      %scan3A_488 = arith.constant 32 : i32
      %scan3A_489 = arith.addi %scan3A_487, %scan3A_488 : i32
      %scan3A_490 = arith.constant 1 : i32
      scf.for %scan3A_562 = %scan3A_487 to %scan3A_489 step %scan3A_490  : i32 {
        %jit3A = arith.constant 4 : i32
        %div3A = arith.divsi %scan3A_562, %jit3A : i32
        %sign3A = arith.constant 0 : i32
        %sign3A_563 = arith.cmpi sgt, %scan3A_562, %sign3A : i32
        %sign3A_564 = arith.extui %sign3A_563 : i1 to i32
        %sign3A_565 = arith.constant 0 : i32
        %sign3A_566 = arith.cmpi slt, %scan3A_562, %sign3A_565 : i32
        %sign3A_567 = arith.extui %sign3A_566 : i1 to i32
        %sign3A_568 = arith.subi %sign3A_564, %sign3A_567 : i32
        %sign3A_569 = arith.constant 0 : i32
        %sign3A_570 = arith.cmpi sgt, %jit3A, %sign3A_569 : i32
        %sign3A_571 = arith.extui %sign3A_570 : i1 to i32
        %sign3A_572 = arith.constant 0 : i32
        %sign3A_573 = arith.cmpi slt, %jit3A, %sign3A_572 : i32
        %sign3A_574 = arith.extui %sign3A_573 : i1 to i32
        %sign3A_575 = arith.subi %sign3A_571, %sign3A_574 : i32
        %ne3A = arith.cmpi ne, %sign3A_568, %sign3A_575 : i32
        %rem3A = arith.remsi %scan3A_562, %jit3A : i32
        %ne3A_576 = arith.constant 0 : i32
        %ne3A_577 = arith.cmpi ne, %rem3A, %ne3A_576 : i32
        %and3A_578 = arith.andi %ne3A, %ne3A_577 : i1
        %sub3A = arith.constant 1 : i32
        %sub3A_579 = arith.subi %div3A, %sub3A : i32
        %select_n3A = arith.select %and3A_578, %sub3A_579, %div3A : i32
        %mul3A_580 = arith.constant 4 : i32
        %mul3A_581 = arith.muli %select_n3A, %mul3A_580 : i32
        %sub3A_582 = arith.subi %scan3A_562, %mul3A_581 : i32
        %mul3A_583 = arith.constant 2048 : i32
        %mul3A_584 = arith.muli %sub3A_582, %mul3A_583 : i32
        %mul3A_585 = arith.constant 16 : i32
        %mul3A_586 = arith.muli %select_n3A, %mul3A_585 : i32
        %add3A_587 = arith.addi %mul3A_584, %mul3A_586 : i32
        %add3A_588 = vector.broadcast %add3A_587 : i32 to vector<16xi32>
        %add3A_589 = arith.addi %broadcast_in_dim3A_1, %add3A_588 : vector<16xi32>
        %mul3A_590 = arith.constant 2048 : i32
        %mul3A_591 = arith.muli %select_n3A, %mul3A_590 : i32
        %mul3A_592 = arith.constant 16 : i32
        %mul3A_593 = arith.muli %sub3A_582, %mul3A_592 : i32
        %add3A_594 = arith.addi %mul3A_591, %mul3A_593 : i32
        %add3A_595 = vector.broadcast %add3A_594 : i32 to vector<16xi32>
        %add3A_596 = arith.addi %broadcast_in_dim3A_1, %add3A_595 : vector<16xi32>
        %add3A_597 = arith.addi %add3A_170, %add3A_589 : vector<16xi32>
        %gather3A = tpu.vector_load_idx %arg4[%broadcast_in_dim3A_1, %add3A_597] : memref<64x128xf32, #tpu.memory_space<vmem>>[vector<16xi32>, vector<16xi32>], vector<16xf32>,
        %add3A_598 = arith.addi %add3A_180, %add3A_589 : vector<16xi32>
        %gather3A_599 = tpu.vector_load_idx %arg4[%broadcast_in_dim3A_1, %add3A_598] : memref<64x128xf32, #tpu.memory_space<vmem>>[vector<16xi32>, vector<16xi32>], vector<16xf32>,
        %add3A_600 = arith.addi %add3A_190, %add3A_589 : vector<16xi32>
        %gather3A_601 = tpu.vector_load_idx %arg4[%broadcast_in_dim3A_1, %add3A_600] : memref<64x128xf32, #tpu.memory_space<vmem>>[vector<16xi32>, vector<16xi32>], vector<16xf32>,
        %add3A_602 = arith.addi %add3A_200, %add3A_589 : vector<16xi32>
        %gather3A_603 = tpu.vector_load_idx %arg4[%broadcast_in_dim3A_1, %add3A_602] : memref<64x128xf32, #tpu.memory_space<vmem>>[vector<16xi32>, vector<16xi32>], vector<16xf32>,
        %add3A_604 = arith.addi %add3A_210, %add3A_589 : vector<16xi32>
        %gather3A_605 = tpu.vector_load_idx %arg4[%broadcast_in_dim3A_1, %add3A_604] : memref<64x128xf32, #tpu.memory_space<vmem>>[vector<16xi32>, vector<16xi32>], vector<16xf32>,
        %add3A_606 = arith.addi %add3A_220, %add3A_589 : vector<16xi32>
        %gather3A_607 = tpu.vector_load_idx %arg4[%broadcast_in_dim3A_1, %add3A_606] : memref<64x128xf32, #tpu.memory_space<vmem>>[vector<16xi32>, vector<16xi32>], vector<16xf32>,
        %add3A_608 = arith.addi %add3A_230, %add3A_589 : vector<16xi32>
        %gather3A_609 = tpu.vector_load_idx %arg4[%broadcast_in_dim3A_1, %add3A_608] : memref<64x128xf32, #tpu.memory_space<vmem>>[vector<16xi32>, vector<16xi32>], vector<16xf32>,
        %add3A_610 = arith.addi %add3A_240, %add3A_589 : vector<16xi32>
        %gather3A_611 = tpu.vector_load_idx %arg4[%broadcast_in_dim3A_1, %add3A_610] : memref<64x128xf32, #tpu.memory_space<vmem>>[vector<16xi32>, vector<16xi32>], vector<16xf32>,
        %add3A_612 = arith.addi %add3A_250, %add3A_589 : vector<16xi32>
        %gather3A_613 = tpu.vector_load_idx %arg4[%broadcast_in_dim3A_1, %add3A_612] : memref<64x128xf32, #tpu.memory_space<vmem>>[vector<16xi32>, vector<16xi32>], vector<16xf32>,
        %add3A_614 = arith.addi %add3A_260, %add3A_589 : vector<16xi32>
        %gather3A_615 = tpu.vector_load_idx %arg4[%broadcast_in_dim3A_1, %add3A_614] : memref<64x128xf32, #tpu.memory_space<vmem>>[vector<16xi32>, vector<16xi32>], vector<16xf32>,
        %add3A_616 = arith.addi %add3A_270, %add3A_589 : vector<16xi32>
        %gather3A_617 = tpu.vector_load_idx %arg4[%broadcast_in_dim3A_1, %add3A_616] : memref<64x128xf32, #tpu.memory_space<vmem>>[vector<16xi32>, vector<16xi32>], vector<16xf32>,
        %add3A_618 = arith.addi %add3A_280, %add3A_589 : vector<16xi32>
        %gather3A_619 = tpu.vector_load_idx %arg4[%broadcast_in_dim3A_1, %add3A_618] : memref<64x128xf32, #tpu.memory_space<vmem>>[vector<16xi32>, vector<16xi32>], vector<16xf32>,
        %add3A_620 = arith.addi %add3A_290, %add3A_589 : vector<16xi32>
        %gather3A_621 = tpu.vector_load_idx %arg4[%broadcast_in_dim3A_1, %add3A_620] : memref<64x128xf32, #tpu.memory_space<vmem>>[vector<16xi32>, vector<16xi32>], vector<16xf32>,
        %add3A_622 = arith.addi %add3A_300, %add3A_589 : vector<16xi32>
        %gather3A_623 = tpu.vector_load_idx %arg4[%broadcast_in_dim3A_1, %add3A_622] : memref<64x128xf32, #tpu.memory_space<vmem>>[vector<16xi32>, vector<16xi32>], vector<16xf32>,
        %add3A_624 = arith.addi %add3A_310, %add3A_589 : vector<16xi32>
        %gather3A_625 = tpu.vector_load_idx %arg4[%broadcast_in_dim3A_1, %add3A_624] : memref<64x128xf32, #tpu.memory_space<vmem>>[vector<16xi32>, vector<16xi32>], vector<16xf32>,
        %add3A_626 = arith.addi %add3A_320, %add3A_589 : vector<16xi32>
        %gather3A_627 = tpu.vector_load_idx %arg4[%broadcast_in_dim3A_1, %add3A_626] : memref<64x128xf32, #tpu.memory_space<vmem>>[vector<16xi32>, vector<16xi32>], vector<16xf32>,
        %add3A_628 = arith.addi %add3A_10, %add3A_596 : vector<16xi32>
        tpu.vector_store_idx %arg6[%broadcast_in_dim3A_1, %add3A_628], %gather3A : memref<128x128xf32, #tpu.memory_space<vmem>>[vector<16xi32>, vector<16xi32>], vector<16xf32>,
        %add3A_629 = arith.addi %add3A_20, %add3A_596 : vector<16xi32>
        tpu.vector_store_idx %arg6[%broadcast_in_dim3A_1, %add3A_629], %gather3A_599 : memref<128x128xf32, #tpu.memory_space<vmem>>[vector<16xi32>, vector<16xi32>], vector<16xf32>,
        %add3A_630 = arith.addi %add3A_30, %add3A_596 : vector<16xi32>
        tpu.vector_store_idx %arg6[%broadcast_in_dim3A_1, %add3A_630], %gather3A_601 : memref<128x128xf32, #tpu.memory_space<vmem>>[vector<16xi32>, vector<16xi32>], vector<16xf32>,
        %add3A_631 = arith.addi %add3A_40, %add3A_596 : vector<16xi32>
        tpu.vector_store_idx %arg6[%broadcast_in_dim3A_1, %add3A_631], %gather3A_603 : memref<128x128xf32, #tpu.memory_space<vmem>>[vector<16xi32>, vector<16xi32>], vector<16xf32>,
        %add3A_632 = arith.addi %add3A_50, %add3A_596 : vector<16xi32>
        tpu.vector_store_idx %arg6[%broadcast_in_dim3A_1, %add3A_632], %gather3A_605 : memref<128x128xf32, #tpu.memory_space<vmem>>[vector<16xi32>, vector<16xi32>], vector<16xf32>,
        %add3A_633 = arith.addi %add3A_60, %add3A_596 : vector<16xi32>
        tpu.vector_store_idx %arg6[%broadcast_in_dim3A_1, %add3A_633], %gather3A_607 : memref<128x128xf32, #tpu.memory_space<vmem>>[vector<16xi32>, vector<16xi32>], vector<16xf32>,
        %add3A_634 = arith.addi %add3A_70, %add3A_596 : vector<16xi32>
        tpu.vector_store_idx %arg6[%broadcast_in_dim3A_1, %add3A_634], %gather3A_609 : memref<128x128xf32, #tpu.memory_space<vmem>>[vector<16xi32>, vector<16xi32>], vector<16xf32>,
        %add3A_635 = arith.addi %add3A_80, %add3A_596 : vector<16xi32>
        tpu.vector_store_idx %arg6[%broadcast_in_dim3A_1, %add3A_635], %gather3A_611 : memref<128x128xf32, #tpu.memory_space<vmem>>[vector<16xi32>, vector<16xi32>], vector<16xf32>,
        %add3A_636 = arith.addi %add3A_90, %add3A_596 : vector<16xi32>
        tpu.vector_store_idx %arg6[%broadcast_in_dim3A_1, %add3A_636], %gather3A_613 : memref<128x128xf32, #tpu.memory_space<vmem>>[vector<16xi32>, vector<16xi32>], vector<16xf32>,
        %add3A_637 = arith.addi %add3A_100, %add3A_596 : vector<16xi32>
        tpu.vector_store_idx %arg6[%broadcast_in_dim3A_1, %add3A_637], %gather3A_615 : memref<128x128xf32, #tpu.memory_space<vmem>>[vector<16xi32>, vector<16xi32>], vector<16xf32>,
        %add3A_638 = arith.addi %add3A_110, %add3A_596 : vector<16xi32>
        tpu.vector_store_idx %arg6[%broadcast_in_dim3A_1, %add3A_638], %gather3A_617 : memref<128x128xf32, #tpu.memory_space<vmem>>[vector<16xi32>, vector<16xi32>], vector<16xf32>,
        %add3A_639 = arith.addi %add3A_120, %add3A_596 : vector<16xi32>
        tpu.vector_store_idx %arg6[%broadcast_in_dim3A_1, %add3A_639], %gather3A_619 : memref<128x128xf32, #tpu.memory_space<vmem>>[vector<16xi32>, vector<16xi32>], vector<16xf32>,
        %add3A_640 = arith.addi %add3A_130, %add3A_596 : vector<16xi32>
        tpu.vector_store_idx %arg6[%broadcast_in_dim3A_1, %add3A_640], %gather3A_621 : memref<128x128xf32, #tpu.memory_space<vmem>>[vector<16xi32>, vector<16xi32>], vector<16xf32>,
        %add3A_641 = arith.addi %add3A_140, %add3A_596 : vector<16xi32>
        tpu.vector_store_idx %arg6[%broadcast_in_dim3A_1, %add3A_641], %gather3A_623 : memref<128x128xf32, #tpu.memory_space<vmem>>[vector<16xi32>, vector<16xi32>], vector<16xf32>,
        %add3A_642 = arith.addi %add3A_150, %add3A_596 : vector<16xi32>
        tpu.vector_store_idx %arg6[%broadcast_in_dim3A_1, %add3A_642], %gather3A_625 : memref<128x128xf32, #tpu.memory_space<vmem>>[vector<16xi32>, vector<16xi32>], vector<16xf32>,
        %add3A_643 = arith.addi %add3A_160, %add3A_596 : vector<16xi32>
        tpu.vector_store_idx %arg6[%broadcast_in_dim3A_1, %add3A_643], %gather3A_627 : memref<128x128xf32, #tpu.memory_space<vmem>>[vector<16xi32>, vector<16xi32>], vector<16xf32>,
      }
      %scan3A_491 = arith.constant 32 : i32
      %add3A_492 = arith.constant 2 : i32
      %add3A_493 = arith.addi %add3A_473, %add3A_492 : i32
      %mul3A_494 = arith.constant 32 : i32
      %mul3A_495 = arith.muli %add3A_493, %mul3A_494 : i32
      %add3A_496 = arith.addi %mul3A_495, %add3A : i32
      %min3A_497 = arith.constant 7812 : i32
      %min3A_498 = arith.minsi %add3A_496, %min3A_497 : i32
      %mul3A_499 = arith.constant 128 : i32
      %mul3A_500 = arith.muli %min3A_498, %mul3A_499 : i32
      %dma_start3A_501 = arith.constant 0 : i32
      %dma_start3A_502 = tpu.memref_slice %arg2[%dma_start3A_501, %mul3A_500] : memref<64x1000000xf32, #tpu.memory_space<hbm>> -> memref<64x128xf32, #tpu.memory_space<hbm>>
      %dma_start3A_503 = arith.constant 0 : i32
      %dma_start3A_504 = tpu.memref_slice %arg2[%dma_start3A_503, %mul3A_500] : memref<64x1000000xf32, #tpu.memory_space<hbm>> -> memref<64x128xf32, #tpu.memory_space<hbm>>
      tpu.enqueue_dma source(%dma_start3A_504 : memref<64x128xf32, #tpu.memory_space<hbm>>) target(%arg4 : memref<64x128xf32, #tpu.memory_space<vmem>>) target_semaphore(%arg8 : memref<!tpu.dma_semaphore, #tpu.memory_space<semaphore_mem>>)
      %mul3A_505 = arith.constant 32 : i32
      %mul3A_506 = arith.muli %add3A_473, %mul3A_505 : i32
      %add3A_507 = arith.addi %mul3A_506, %add3A : i32
      %min3A_508 = arith.constant 7812 : i32
      %min3A_509 = arith.minsi %add3A_507, %min3A_508 : i32
      %mul3A_510 = arith.constant 128 : i32
      %mul3A_511 = arith.muli %min3A_509, %mul3A_510 : i32
      %dma_start3A_512 = arith.constant 0 : i32
      %dma_start3A_513 = tpu.memref_slice %arg3[%mul3A_511, %dma_start3A_512] : memref<1000064x128xf32, #tpu.memory_space<hbm>> -> memref<128x128xf32, #tpu.memory_space<hbm>>
      %dma_start3A_514 = arith.constant 0 : i32
      %dma_start3A_515 = tpu.memref_slice %arg3[%mul3A_511, %dma_start3A_514] : memref<1000064x128xf32, #tpu.memory_space<hbm>> -> memref<128x128xf32, #tpu.memory_space<hbm>>
      tpu.enqueue_dma source(%arg6 : memref<128x128xf32, #tpu.memory_space<vmem>>) target(%dma_start3A_515 : memref<128x128xf32, #tpu.memory_space<hbm>>) target_semaphore(%arg10 : memref<!tpu.dma_semaphore, #tpu.memory_space<semaphore_mem>>)
      %mul3A_516 = arith.constant 2 : i32
      %mul3A_517 = arith.muli %mul3A_516, %scan3A_469 : i32
      %add3A_518 = arith.constant 1 : i32
      %add3A_519 = arith.addi %mul3A_517, %add3A_518 : i32
      %dma_wait3A_520 = arith.constant 0 : i32
      %dma_wait3A_521 = arith.constant 0 : i32
      %dma_wait3A_522 = tpu.memref_slice %arg2[%dma_wait3A_520, %dma_wait3A_521] : memref<64x1000000xf32, #tpu.memory_space<hbm>> -> memref<64x128xf32, #tpu.memory_space<hbm>>
      %dma_wait3A_523 = arith.constant 0 : i32
      %dma_wait3A_524 = arith.constant 0 : i32
      %dma_wait3A_525 = tpu.memref_slice %arg2[%dma_wait3A_523, %dma_wait3A_524] : memref<64x1000000xf32, #tpu.memory_space<hbm>> -> memref<64x128xf32, #tpu.memory_space<hbm>>
      tpu.wait_dma2 semaphore(%arg9 : memref<!tpu.dma_semaphore, #tpu.memory_space<semaphore_mem>>) src(%dma_wait3A_525 : memref<64x128xf32, #tpu.memory_space<hbm>>) dst(%arg5 : memref<64x128xf32, #tpu.memory_space<vmem>>)
      %dma_wait3A_526 = arith.constant 0 : i32
      %dma_wait3A_527 = arith.constant 0 : i32
      %dma_wait3A_528 = tpu.memref_slice %arg3[%dma_wait3A_526, %dma_wait3A_527] : memref<1000064x128xf32, #tpu.memory_space<hbm>> -> memref<128x128xf32, #tpu.memory_space<hbm>>
      %dma_wait3A_529 = arith.constant 0 : i32
      %dma_wait3A_530 = arith.constant 0 : i32
      %dma_wait3A_531 = tpu.memref_slice %arg3[%dma_wait3A_529, %dma_wait3A_530] : memref<1000064x128xf32, #tpu.memory_space<hbm>> -> memref<128x128xf32, #tpu.memory_space<hbm>>
      tpu.wait_dma2 semaphore(%arg11 : memref<!tpu.dma_semaphore, #tpu.memory_space<semaphore_mem>>) src(%arg7 : memref<128x128xf32, #tpu.memory_space<vmem>>) dst(%dma_wait3A_531 : memref<128x128xf32, #tpu.memory_space<hbm>>)
      %scan3A_532 = arith.constant 0 : i32
      %scan3A_533 = arith.constant 0 : i32
      %scan3A_534 = arith.constant 32 : i32
      %scan3A_535 = arith.addi %scan3A_533, %scan3A_534 : i32
      %scan3A_536 = arith.constant 1 : i32
      scf.for %scan3A_562 = %scan3A_533 to %scan3A_535 step %scan3A_536  : i32 {
        %jit3A = arith.constant 4 : i32
        %div3A = arith.divsi %scan3A_562, %jit3A : i32
        %sign3A = arith.constant 0 : i32
        %sign3A_563 = arith.cmpi sgt, %scan3A_562, %sign3A : i32
        %sign3A_564 = arith.extui %sign3A_563 : i1 to i32
        %sign3A_565 = arith.constant 0 : i32
        %sign3A_566 = arith.cmpi slt, %scan3A_562, %sign3A_565 : i32
        %sign3A_567 = arith.extui %sign3A_566 : i1 to i32
        %sign3A_568 = arith.subi %sign3A_564, %sign3A_567 : i32
        %sign3A_569 = arith.constant 0 : i32
        %sign3A_570 = arith.cmpi sgt, %jit3A, %sign3A_569 : i32
        %sign3A_571 = arith.extui %sign3A_570 : i1 to i32
        %sign3A_572 = arith.constant 0 : i32
        %sign3A_573 = arith.cmpi slt, %jit3A, %sign3A_572 : i32
        %sign3A_574 = arith.extui %sign3A_573 : i1 to i32
        %sign3A_575 = arith.subi %sign3A_571, %sign3A_574 : i32
        %ne3A = arith.cmpi ne, %sign3A_568, %sign3A_575 : i32
        %rem3A = arith.remsi %scan3A_562, %jit3A : i32
        %ne3A_576 = arith.constant 0 : i32
        %ne3A_577 = arith.cmpi ne, %rem3A, %ne3A_576 : i32
        %and3A_578 = arith.andi %ne3A, %ne3A_577 : i1
        %sub3A = arith.constant 1 : i32
        %sub3A_579 = arith.subi %div3A, %sub3A : i32
        %select_n3A = arith.select %and3A_578, %sub3A_579, %div3A : i32
        %mul3A_580 = arith.constant 4 : i32
        %mul3A_581 = arith.muli %select_n3A, %mul3A_580 : i32
        %sub3A_582 = arith.subi %scan3A_562, %mul3A_581 : i32
        %mul3A_583 = arith.constant 2048 : i32
        %mul3A_584 = arith.muli %sub3A_582, %mul3A_583 : i32
        %mul3A_585 = arith.constant 16 : i32
        %mul3A_586 = arith.muli %select_n3A, %mul3A_585 : i32
        %add3A_587 = arith.addi %mul3A_584, %mul3A_586 : i32
        %add3A_588 = vector.broadcast %add3A_587 : i32 to vector<16xi32>
        %add3A_589 = arith.addi %broadcast_in_dim3A_1, %add3A_588 : vector<16xi32>
        %mul3A_590 = arith.constant 2048 : i32
        %mul3A_591 = arith.muli %select_n3A, %mul3A_590 : i32
        %mul3A_592 = arith.constant 16 : i32
        %mul3A_593 = arith.muli %sub3A_582, %mul3A_592 : i32
        %add3A_594 = arith.addi %mul3A_591, %mul3A_593 : i32
        %add3A_595 = vector.broadcast %add3A_594 : i32 to vector<16xi32>
        %add3A_596 = arith.addi %broadcast_in_dim3A_1, %add3A_595 : vector<16xi32>
        %add3A_597 = arith.addi %add3A_170, %add3A_589 : vector<16xi32>
        %gather3A = tpu.vector_load_idx %arg5[%broadcast_in_dim3A_1, %add3A_597] : memref<64x128xf32, #tpu.memory_space<vmem>>[vector<16xi32>, vector<16xi32>], vector<16xf32>,
        %add3A_598 = arith.addi %add3A_180, %add3A_589 : vector<16xi32>
        %gather3A_599 = tpu.vector_load_idx %arg5[%broadcast_in_dim3A_1, %add3A_598] : memref<64x128xf32, #tpu.memory_space<vmem>>[vector<16xi32>, vector<16xi32>], vector<16xf32>,
        %add3A_600 = arith.addi %add3A_190, %add3A_589 : vector<16xi32>
        %gather3A_601 = tpu.vector_load_idx %arg5[%broadcast_in_dim3A_1, %add3A_600] : memref<64x128xf32, #tpu.memory_space<vmem>>[vector<16xi32>, vector<16xi32>], vector<16xf32>,
        %add3A_602 = arith.addi %add3A_200, %add3A_589 : vector<16xi32>
        %gather3A_603 = tpu.vector_load_idx %arg5[%broadcast_in_dim3A_1, %add3A_602] : memref<64x128xf32, #tpu.memory_space<vmem>>[vector<16xi32>, vector<16xi32>], vector<16xf32>,
        %add3A_604 = arith.addi %add3A_210, %add3A_589 : vector<16xi32>
        %gather3A_605 = tpu.vector_load_idx %arg5[%broadcast_in_dim3A_1, %add3A_604] : memref<64x128xf32, #tpu.memory_space<vmem>>[vector<16xi32>, vector<16xi32>], vector<16xf32>,
        %add3A_606 = arith.addi %add3A_220, %add3A_589 : vector<16xi32>
        %gather3A_607 = tpu.vector_load_idx %arg5[%broadcast_in_dim3A_1, %add3A_606] : memref<64x128xf32, #tpu.memory_space<vmem>>[vector<16xi32>, vector<16xi32>], vector<16xf32>,
        %add3A_608 = arith.addi %add3A_230, %add3A_589 : vector<16xi32>
        %gather3A_609 = tpu.vector_load_idx %arg5[%broadcast_in_dim3A_1, %add3A_608] : memref<64x128xf32, #tpu.memory_space<vmem>>[vector<16xi32>, vector<16xi32>], vector<16xf32>,
        %add3A_610 = arith.addi %add3A_240, %add3A_589 : vector<16xi32>
        %gather3A_611 = tpu.vector_load_idx %arg5[%broadcast_in_dim3A_1, %add3A_610] : memref<64x128xf32, #tpu.memory_space<vmem>>[vector<16xi32>, vector<16xi32>], vector<16xf32>,
        %add3A_612 = arith.addi %add3A_250, %add3A_589 : vector<16xi32>
        %gather3A_613 = tpu.vector_load_idx %arg5[%broadcast_in_dim3A_1, %add3A_612] : memref<64x128xf32, #tpu.memory_space<vmem>>[vector<16xi32>, vector<16xi32>], vector<16xf32>,
        %add3A_614 = arith.addi %add3A_260, %add3A_589 : vector<16xi32>
        %gather3A_615 = tpu.vector_load_idx %arg5[%broadcast_in_dim3A_1, %add3A_614] : memref<64x128xf32, #tpu.memory_space<vmem>>[vector<16xi32>, vector<16xi32>], vector<16xf32>,
        %add3A_616 = arith.addi %add3A_270, %add3A_589 : vector<16xi32>
        %gather3A_617 = tpu.vector_load_idx %arg5[%broadcast_in_dim3A_1, %add3A_616] : memref<64x128xf32, #tpu.memory_space<vmem>>[vector<16xi32>, vector<16xi32>], vector<16xf32>,
        %add3A_618 = arith.addi %add3A_280, %add3A_589 : vector<16xi32>
        %gather3A_619 = tpu.vector_load_idx %arg5[%broadcast_in_dim3A_1, %add3A_618] : memref<64x128xf32, #tpu.memory_space<vmem>>[vector<16xi32>, vector<16xi32>], vector<16xf32>,
        %add3A_620 = arith.addi %add3A_290, %add3A_589 : vector<16xi32>
        %gather3A_621 = tpu.vector_load_idx %arg5[%broadcast_in_dim3A_1, %add3A_620] : memref<64x128xf32, #tpu.memory_space<vmem>>[vector<16xi32>, vector<16xi32>], vector<16xf32>,
        %add3A_622 = arith.addi %add3A_300, %add3A_589 : vector<16xi32>
        %gather3A_623 = tpu.vector_load_idx %arg5[%broadcast_in_dim3A_1, %add3A_622] : memref<64x128xf32, #tpu.memory_space<vmem>>[vector<16xi32>, vector<16xi32>], vector<16xf32>,
        %add3A_624 = arith.addi %add3A_310, %add3A_589 : vector<16xi32>
        %gather3A_625 = tpu.vector_load_idx %arg5[%broadcast_in_dim3A_1, %add3A_624] : memref<64x128xf32, #tpu.memory_space<vmem>>[vector<16xi32>, vector<16xi32>], vector<16xf32>,
        %add3A_626 = arith.addi %add3A_320, %add3A_589 : vector<16xi32>
        %gather3A_627 = tpu.vector_load_idx %arg5[%broadcast_in_dim3A_1, %add3A_626] : memref<64x128xf32, #tpu.memory_space<vmem>>[vector<16xi32>, vector<16xi32>], vector<16xf32>,
        %add3A_628 = arith.addi %add3A_10, %add3A_596 : vector<16xi32>
        tpu.vector_store_idx %arg7[%broadcast_in_dim3A_1, %add3A_628], %gather3A : memref<128x128xf32, #tpu.memory_space<vmem>>[vector<16xi32>, vector<16xi32>], vector<16xf32>,
        %add3A_629 = arith.addi %add3A_20, %add3A_596 : vector<16xi32>
        tpu.vector_store_idx %arg7[%broadcast_in_dim3A_1, %add3A_629], %gather3A_599 : memref<128x128xf32, #tpu.memory_space<vmem>>[vector<16xi32>, vector<16xi32>], vector<16xf32>,
        %add3A_630 = arith.addi %add3A_30, %add3A_596 : vector<16xi32>
        tpu.vector_store_idx %arg7[%broadcast_in_dim3A_1, %add3A_630], %gather3A_601 : memref<128x128xf32, #tpu.memory_space<vmem>>[vector<16xi32>, vector<16xi32>], vector<16xf32>,
        %add3A_631 = arith.addi %add3A_40, %add3A_596 : vector<16xi32>
        tpu.vector_store_idx %arg7[%broadcast_in_dim3A_1, %add3A_631], %gather3A_603 : memref<128x128xf32, #tpu.memory_space<vmem>>[vector<16xi32>, vector<16xi32>], vector<16xf32>,
        %add3A_632 = arith.addi %add3A_50, %add3A_596 : vector<16xi32>
        tpu.vector_store_idx %arg7[%broadcast_in_dim3A_1, %add3A_632], %gather3A_605 : memref<128x128xf32, #tpu.memory_space<vmem>>[vector<16xi32>, vector<16xi32>], vector<16xf32>,
        %add3A_633 = arith.addi %add3A_60, %add3A_596 : vector<16xi32>
        tpu.vector_store_idx %arg7[%broadcast_in_dim3A_1, %add3A_633], %gather3A_607 : memref<128x128xf32, #tpu.memory_space<vmem>>[vector<16xi32>, vector<16xi32>], vector<16xf32>,
        %add3A_634 = arith.addi %add3A_70, %add3A_596 : vector<16xi32>
        tpu.vector_store_idx %arg7[%broadcast_in_dim3A_1, %add3A_634], %gather3A_609 : memref<128x128xf32, #tpu.memory_space<vmem>>[vector<16xi32>, vector<16xi32>], vector<16xf32>,
        %add3A_635 = arith.addi %add3A_80, %add3A_596 : vector<16xi32>
        tpu.vector_store_idx %arg7[%broadcast_in_dim3A_1, %add3A_635], %gather3A_611 : memref<128x128xf32, #tpu.memory_space<vmem>>[vector<16xi32>, vector<16xi32>], vector<16xf32>,
        %add3A_636 = arith.addi %add3A_90, %add3A_596 : vector<16xi32>
        tpu.vector_store_idx %arg7[%broadcast_in_dim3A_1, %add3A_636], %gather3A_613 : memref<128x128xf32, #tpu.memory_space<vmem>>[vector<16xi32>, vector<16xi32>], vector<16xf32>,
        %add3A_637 = arith.addi %add3A_100, %add3A_596 : vector<16xi32>
        tpu.vector_store_idx %arg7[%broadcast_in_dim3A_1, %add3A_637], %gather3A_615 : memref<128x128xf32, #tpu.memory_space<vmem>>[vector<16xi32>, vector<16xi32>], vector<16xf32>,
        %add3A_638 = arith.addi %add3A_110, %add3A_596 : vector<16xi32>
        tpu.vector_store_idx %arg7[%broadcast_in_dim3A_1, %add3A_638], %gather3A_617 : memref<128x128xf32, #tpu.memory_space<vmem>>[vector<16xi32>, vector<16xi32>], vector<16xf32>,
        %add3A_639 = arith.addi %add3A_120, %add3A_596 : vector<16xi32>
        tpu.vector_store_idx %arg7[%broadcast_in_dim3A_1, %add3A_639], %gather3A_619 : memref<128x128xf32, #tpu.memory_space<vmem>>[vector<16xi32>, vector<16xi32>], vector<16xf32>,
        %add3A_640 = arith.addi %add3A_130, %add3A_596 : vector<16xi32>
        tpu.vector_store_idx %arg7[%broadcast_in_dim3A_1, %add3A_640], %gather3A_621 : memref<128x128xf32, #tpu.memory_space<vmem>>[vector<16xi32>, vector<16xi32>], vector<16xf32>,
        %add3A_641 = arith.addi %add3A_140, %add3A_596 : vector<16xi32>
        tpu.vector_store_idx %arg7[%broadcast_in_dim3A_1, %add3A_641], %gather3A_623 : memref<128x128xf32, #tpu.memory_space<vmem>>[vector<16xi32>, vector<16xi32>], vector<16xf32>,
        %add3A_642 = arith.addi %add3A_150, %add3A_596 : vector<16xi32>
        tpu.vector_store_idx %arg7[%broadcast_in_dim3A_1, %add3A_642], %gather3A_625 : memref<128x128xf32, #tpu.memory_space<vmem>>[vector<16xi32>, vector<16xi32>], vector<16xf32>,
        %add3A_643 = arith.addi %add3A_160, %add3A_596 : vector<16xi32>
        tpu.vector_store_idx %arg7[%broadcast_in_dim3A_1, %add3A_643], %gather3A_627 : memref<128x128xf32, #tpu.memory_space<vmem>>[vector<16xi32>, vector<16xi32>], vector<16xf32>,
      }
      %scan3A_537 = arith.constant 32 : i32
      %add3A_538 = arith.constant 2 : i32
      %add3A_539 = arith.addi %add3A_519, %add3A_538 : i32
      %mul3A_540 = arith.constant 32 : i32
      %mul3A_541 = arith.muli %add3A_539, %mul3A_540 : i32
      %add3A_542 = arith.addi %mul3A_541, %add3A : i32
      %min3A_543 = arith.constant 7812 : i32
      %min3A_544 = arith.minsi %add3A_542, %min3A_543 : i32
      %mul3A_545 = arith.constant 128 : i32
      %mul3A_546 = arith.muli %min3A_544, %mul3A_545 : i32
      %dma_start3A_547 = arith.constant 0 : i32
      %dma_start3A_548 = tpu.memref_slice %arg2[%dma_start3A_547, %mul3A_546] : memref<64x1000000xf32, #tpu.memory_space<hbm>> -> memref<64x128xf32, #tpu.memory_space<hbm>>
      %dma_start3A_549 = arith.constant 0 : i32
      %dma_start3A_550 = tpu.memref_slice %arg2[%dma_start3A_549, %mul3A_546] : memref<64x1000000xf32, #tpu.memory_space<hbm>> -> memref<64x128xf32, #tpu.memory_space<hbm>>
      tpu.enqueue_dma source(%dma_start3A_550 : memref<64x128xf32, #tpu.memory_space<hbm>>) target(%arg5 : memref<64x128xf32, #tpu.memory_space<vmem>>) target_semaphore(%arg9 : memref<!tpu.dma_semaphore, #tpu.memory_space<semaphore_mem>>)
      %mul3A_551 = arith.constant 32 : i32
      %mul3A_552 = arith.muli %add3A_519, %mul3A_551 : i32
      %add3A_553 = arith.addi %mul3A_552, %add3A : i32
      %min3A_554 = arith.constant 7812 : i32
      %min3A_555 = arith.minsi %add3A_553, %min3A_554 : i32
      %mul3A_556 = arith.constant 128 : i32
      %mul3A_557 = arith.muli %min3A_555, %mul3A_556 : i32
      %dma_start3A_558 = arith.constant 0 : i32
      %dma_start3A_559 = tpu.memref_slice %arg3[%mul3A_557, %dma_start3A_558] : memref<1000064x128xf32, #tpu.memory_space<hbm>> -> memref<128x128xf32, #tpu.memory_space<hbm>>
      %dma_start3A_560 = arith.constant 0 : i32
      %dma_start3A_561 = tpu.memref_slice %arg3[%mul3A_557, %dma_start3A_560] : memref<1000064x128xf32, #tpu.memory_space<hbm>> -> memref<128x128xf32, #tpu.memory_space<hbm>>
      tpu.enqueue_dma source(%arg7 : memref<128x128xf32, #tpu.memory_space<vmem>>) target(%dma_start3A_561 : memref<128x128xf32, #tpu.memory_space<hbm>>) target_semaphore(%arg11 : memref<!tpu.dma_semaphore, #tpu.memory_space<semaphore_mem>>)
    }
    %scan3A_363 = arith.constant 121 : i32
    %dma_wait3A = arith.constant 0 : i32
    %dma_wait3A_364 = arith.constant 0 : i32
    %dma_wait3A_365 = tpu.memref_slice %arg2[%dma_wait3A, %dma_wait3A_364] : memref<64x1000000xf32, #tpu.memory_space<hbm>> -> memref<64x128xf32, #tpu.memory_space<hbm>>
    %dma_wait3A_366 = arith.constant 0 : i32
    %dma_wait3A_367 = arith.constant 0 : i32
    %dma_wait3A_368 = tpu.memref_slice %arg2[%dma_wait3A_366, %dma_wait3A_367] : memref<64x1000000xf32, #tpu.memory_space<hbm>> -> memref<64x128xf32, #tpu.memory_space<hbm>>
    tpu.wait_dma2 semaphore(%arg8 : memref<!tpu.dma_semaphore, #tpu.memory_space<semaphore_mem>>) src(%dma_wait3A_368 : memref<64x128xf32, #tpu.memory_space<hbm>>) dst(%arg4 : memref<64x128xf32, #tpu.memory_space<vmem>>)
    %dma_wait3A_369 = arith.constant 0 : i32
    %dma_wait3A_370 = arith.constant 0 : i32
    %dma_wait3A_371 = tpu.memref_slice %arg3[%dma_wait3A_369, %dma_wait3A_370] : memref<1000064x128xf32, #tpu.memory_space<hbm>> -> memref<128x128xf32, #tpu.memory_space<hbm>>
    %dma_wait3A_372 = arith.constant 0 : i32
    %dma_wait3A_373 = arith.constant 0 : i32
    %dma_wait3A_374 = tpu.memref_slice %arg3[%dma_wait3A_372, %dma_wait3A_373] : memref<1000064x128xf32, #tpu.memory_space<hbm>> -> memref<128x128xf32, #tpu.memory_space<hbm>>
    tpu.wait_dma2 semaphore(%arg10 : memref<!tpu.dma_semaphore, #tpu.memory_space<semaphore_mem>>) src(%arg6 : memref<128x128xf32, #tpu.memory_space<vmem>>) dst(%dma_wait3A_374 : memref<128x128xf32, #tpu.memory_space<hbm>>)
    %scan3A_375 = arith.constant 0 : i32
    %scan3A_376 = arith.constant 0 : i32
    %scan3A_377 = arith.constant 32 : i32
    %scan3A_378 = arith.addi %scan3A_376, %scan3A_377 : i32
    %scan3A_379 = arith.constant 1 : i32
    scf.for %scan3A_469 = %scan3A_376 to %scan3A_378 step %scan3A_379  : i32 {
      %jit3A = arith.constant 4 : i32
      %div3A = arith.divsi %scan3A_469, %jit3A : i32
      %sign3A = arith.constant 0 : i32
      %sign3A_470 = arith.cmpi sgt, %scan3A_469, %sign3A : i32
      %sign3A_471 = arith.extui %sign3A_470 : i1 to i32
      %sign3A_472 = arith.constant 0 : i32
      %sign3A_473 = arith.cmpi slt, %scan3A_469, %sign3A_472 : i32
      %sign3A_474 = arith.extui %sign3A_473 : i1 to i32
      %sign3A_475 = arith.subi %sign3A_471, %sign3A_474 : i32
      %sign3A_476 = arith.constant 0 : i32
      %sign3A_477 = arith.cmpi sgt, %jit3A, %sign3A_476 : i32
      %sign3A_478 = arith.extui %sign3A_477 : i1 to i32
      %sign3A_479 = arith.constant 0 : i32
      %sign3A_480 = arith.cmpi slt, %jit3A, %sign3A_479 : i32
      %sign3A_481 = arith.extui %sign3A_480 : i1 to i32
      %sign3A_482 = arith.subi %sign3A_478, %sign3A_481 : i32
      %ne3A = arith.cmpi ne, %sign3A_475, %sign3A_482 : i32
      %rem3A = arith.remsi %scan3A_469, %jit3A : i32
      %ne3A_483 = arith.constant 0 : i32
      %ne3A_484 = arith.cmpi ne, %rem3A, %ne3A_483 : i32
      %and3A_485 = arith.andi %ne3A, %ne3A_484 : i1
      %sub3A = arith.constant 1 : i32
      %sub3A_486 = arith.subi %div3A, %sub3A : i32
      %select_n3A = arith.select %and3A_485, %sub3A_486, %div3A : i32
      %mul3A_487 = arith.constant 4 : i32
      %mul3A_488 = arith.muli %select_n3A, %mul3A_487 : i32
      %sub3A_489 = arith.subi %scan3A_469, %mul3A_488 : i32
      %mul3A_490 = arith.constant 2048 : i32
      %mul3A_491 = arith.muli %sub3A_489, %mul3A_490 : i32
      %mul3A_492 = arith.constant 16 : i32
      %mul3A_493 = arith.muli %select_n3A, %mul3A_492 : i32
      %add3A_494 = arith.addi %mul3A_491, %mul3A_493 : i32
      %add3A_495 = vector.broadcast %add3A_494 : i32 to vector<16xi32>
      %add3A_496 = arith.addi %broadcast_in_dim3A_1, %add3A_495 : vector<16xi32>
      %mul3A_497 = arith.constant 2048 : i32
      %mul3A_498 = arith.muli %select_n3A, %mul3A_497 : i32
      %mul3A_499 = arith.constant 16 : i32
      %mul3A_500 = arith.muli %sub3A_489, %mul3A_499 : i32
      %add3A_501 = arith.addi %mul3A_498, %mul3A_500 : i32
      %add3A_502 = vector.broadcast %add3A_501 : i32 to vector<16xi32>
      %add3A_503 = arith.addi %broadcast_in_dim3A_1, %add3A_502 : vector<16xi32>
      %add3A_504 = arith.addi %add3A_170, %add3A_496 : vector<16xi32>
      %gather3A = tpu.vector_load_idx %arg4[%broadcast_in_dim3A_1, %add3A_504] : memref<64x128xf32, #tpu.memory_space<vmem>>[vector<16xi32>, vector<16xi32>], vector<16xf32>,
      %add3A_505 = arith.addi %add3A_180, %add3A_496 : vector<16xi32>
      %gather3A_506 = tpu.vector_load_idx %arg4[%broadcast_in_dim3A_1, %add3A_505] : memref<64x128xf32, #tpu.memory_space<vmem>>[vector<16xi32>, vector<16xi32>], vector<16xf32>,
      %add3A_507 = arith.addi %add3A_190, %add3A_496 : vector<16xi32>
      %gather3A_508 = tpu.vector_load_idx %arg4[%broadcast_in_dim3A_1, %add3A_507] : memref<64x128xf32, #tpu.memory_space<vmem>>[vector<16xi32>, vector<16xi32>], vector<16xf32>,
      %add3A_509 = arith.addi %add3A_200, %add3A_496 : vector<16xi32>
      %gather3A_510 = tpu.vector_load_idx %arg4[%broadcast_in_dim3A_1, %add3A_509] : memref<64x128xf32, #tpu.memory_space<vmem>>[vector<16xi32>, vector<16xi32>], vector<16xf32>,
      %add3A_511 = arith.addi %add3A_210, %add3A_496 : vector<16xi32>
      %gather3A_512 = tpu.vector_load_idx %arg4[%broadcast_in_dim3A_1, %add3A_511] : memref<64x128xf32, #tpu.memory_space<vmem>>[vector<16xi32>, vector<16xi32>], vector<16xf32>,
      %add3A_513 = arith.addi %add3A_220, %add3A_496 : vector<16xi32>
      %gather3A_514 = tpu.vector_load_idx %arg4[%broadcast_in_dim3A_1, %add3A_513] : memref<64x128xf32, #tpu.memory_space<vmem>>[vector<16xi32>, vector<16xi32>], vector<16xf32>,
      %add3A_515 = arith.addi %add3A_230, %add3A_496 : vector<16xi32>
      %gather3A_516 = tpu.vector_load_idx %arg4[%broadcast_in_dim3A_1, %add3A_515] : memref<64x128xf32, #tpu.memory_space<vmem>>[vector<16xi32>, vector<16xi32>], vector<16xf32>,
      %add3A_517 = arith.addi %add3A_240, %add3A_496 : vector<16xi32>
      %gather3A_518 = tpu.vector_load_idx %arg4[%broadcast_in_dim3A_1, %add3A_517] : memref<64x128xf32, #tpu.memory_space<vmem>>[vector<16xi32>, vector<16xi32>], vector<16xf32>,
      %add3A_519 = arith.addi %add3A_250, %add3A_496 : vector<16xi32>
      %gather3A_520 = tpu.vector_load_idx %arg4[%broadcast_in_dim3A_1, %add3A_519] : memref<64x128xf32, #tpu.memory_space<vmem>>[vector<16xi32>, vector<16xi32>], vector<16xf32>,
      %add3A_521 = arith.addi %add3A_260, %add3A_496 : vector<16xi32>
      %gather3A_522 = tpu.vector_load_idx %arg4[%broadcast_in_dim3A_1, %add3A_521] : memref<64x128xf32, #tpu.memory_space<vmem>>[vector<16xi32>, vector<16xi32>], vector<16xf32>,
      %add3A_523 = arith.addi %add3A_270, %add3A_496 : vector<16xi32>
      %gather3A_524 = tpu.vector_load_idx %arg4[%broadcast_in_dim3A_1, %add3A_523] : memref<64x128xf32, #tpu.memory_space<vmem>>[vector<16xi32>, vector<16xi32>], vector<16xf32>,
      %add3A_525 = arith.addi %add3A_280, %add3A_496 : vector<16xi32>
      %gather3A_526 = tpu.vector_load_idx %arg4[%broadcast_in_dim3A_1, %add3A_525] : memref<64x128xf32, #tpu.memory_space<vmem>>[vector<16xi32>, vector<16xi32>], vector<16xf32>,
      %add3A_527 = arith.addi %add3A_290, %add3A_496 : vector<16xi32>
      %gather3A_528 = tpu.vector_load_idx %arg4[%broadcast_in_dim3A_1, %add3A_527] : memref<64x128xf32, #tpu.memory_space<vmem>>[vector<16xi32>, vector<16xi32>], vector<16xf32>,
      %add3A_529 = arith.addi %add3A_300, %add3A_496 : vector<16xi32>
      %gather3A_530 = tpu.vector_load_idx %arg4[%broadcast_in_dim3A_1, %add3A_529] : memref<64x128xf32, #tpu.memory_space<vmem>>[vector<16xi32>, vector<16xi32>], vector<16xf32>,
      %add3A_531 = arith.addi %add3A_310, %add3A_496 : vector<16xi32>
      %gather3A_532 = tpu.vector_load_idx %arg4[%broadcast_in_dim3A_1, %add3A_531] : memref<64x128xf32, #tpu.memory_space<vmem>>[vector<16xi32>, vector<16xi32>], vector<16xf32>,
      %add3A_533 = arith.addi %add3A_320, %add3A_496 : vector<16xi32>
      %gather3A_534 = tpu.vector_load_idx %arg4[%broadcast_in_dim3A_1, %add3A_533] : memref<64x128xf32, #tpu.memory_space<vmem>>[vector<16xi32>, vector<16xi32>], vector<16xf32>,
      %add3A_535 = arith.addi %add3A_10, %add3A_503 : vector<16xi32>
      tpu.vector_store_idx %arg6[%broadcast_in_dim3A_1, %add3A_535], %gather3A : memref<128x128xf32, #tpu.memory_space<vmem>>[vector<16xi32>, vector<16xi32>], vector<16xf32>,
      %add3A_536 = arith.addi %add3A_20, %add3A_503 : vector<16xi32>
      tpu.vector_store_idx %arg6[%broadcast_in_dim3A_1, %add3A_536], %gather3A_506 : memref<128x128xf32, #tpu.memory_space<vmem>>[vector<16xi32>, vector<16xi32>], vector<16xf32>,
      %add3A_537 = arith.addi %add3A_30, %add3A_503 : vector<16xi32>
      tpu.vector_store_idx %arg6[%broadcast_in_dim3A_1, %add3A_537], %gather3A_508 : memref<128x128xf32, #tpu.memory_space<vmem>>[vector<16xi32>, vector<16xi32>], vector<16xf32>,
      %add3A_538 = arith.addi %add3A_40, %add3A_503 : vector<16xi32>
      tpu.vector_store_idx %arg6[%broadcast_in_dim3A_1, %add3A_538], %gather3A_510 : memref<128x128xf32, #tpu.memory_space<vmem>>[vector<16xi32>, vector<16xi32>], vector<16xf32>,
      %add3A_539 = arith.addi %add3A_50, %add3A_503 : vector<16xi32>
      tpu.vector_store_idx %arg6[%broadcast_in_dim3A_1, %add3A_539], %gather3A_512 : memref<128x128xf32, #tpu.memory_space<vmem>>[vector<16xi32>, vector<16xi32>], vector<16xf32>,
      %add3A_540 = arith.addi %add3A_60, %add3A_503 : vector<16xi32>
      tpu.vector_store_idx %arg6[%broadcast_in_dim3A_1, %add3A_540], %gather3A_514 : memref<128x128xf32, #tpu.memory_space<vmem>>[vector<16xi32>, vector<16xi32>], vector<16xf32>,
      %add3A_541 = arith.addi %add3A_70, %add3A_503 : vector<16xi32>
      tpu.vector_store_idx %arg6[%broadcast_in_dim3A_1, %add3A_541], %gather3A_516 : memref<128x128xf32, #tpu.memory_space<vmem>>[vector<16xi32>, vector<16xi32>], vector<16xf32>,
      %add3A_542 = arith.addi %add3A_80, %add3A_503 : vector<16xi32>
      tpu.vector_store_idx %arg6[%broadcast_in_dim3A_1, %add3A_542], %gather3A_518 : memref<128x128xf32, #tpu.memory_space<vmem>>[vector<16xi32>, vector<16xi32>], vector<16xf32>,
      %add3A_543 = arith.addi %add3A_90, %add3A_503 : vector<16xi32>
      tpu.vector_store_idx %arg6[%broadcast_in_dim3A_1, %add3A_543], %gather3A_520 : memref<128x128xf32, #tpu.memory_space<vmem>>[vector<16xi32>, vector<16xi32>], vector<16xf32>,
      %add3A_544 = arith.addi %add3A_100, %add3A_503 : vector<16xi32>
      tpu.vector_store_idx %arg6[%broadcast_in_dim3A_1, %add3A_544], %gather3A_522 : memref<128x128xf32, #tpu.memory_space<vmem>>[vector<16xi32>, vector<16xi32>], vector<16xf32>,
      %add3A_545 = arith.addi %add3A_110, %add3A_503 : vector<16xi32>
      tpu.vector_store_idx %arg6[%broadcast_in_dim3A_1, %add3A_545], %gather3A_524 : memref<128x128xf32, #tpu.memory_space<vmem>>[vector<16xi32>, vector<16xi32>], vector<16xf32>,
      %add3A_546 = arith.addi %add3A_120, %add3A_503 : vector<16xi32>
      tpu.vector_store_idx %arg6[%broadcast_in_dim3A_1, %add3A_546], %gather3A_526 : memref<128x128xf32, #tpu.memory_space<vmem>>[vector<16xi32>, vector<16xi32>], vector<16xf32>,
      %add3A_547 = arith.addi %add3A_130, %add3A_503 : vector<16xi32>
      tpu.vector_store_idx %arg6[%broadcast_in_dim3A_1, %add3A_547], %gather3A_528 : memref<128x128xf32, #tpu.memory_space<vmem>>[vector<16xi32>, vector<16xi32>], vector<16xf32>,
      %add3A_548 = arith.addi %add3A_140, %add3A_503 : vector<16xi32>
      tpu.vector_store_idx %arg6[%broadcast_in_dim3A_1, %add3A_548], %gather3A_530 : memref<128x128xf32, #tpu.memory_space<vmem>>[vector<16xi32>, vector<16xi32>], vector<16xf32>,
      %add3A_549 = arith.addi %add3A_150, %add3A_503 : vector<16xi32>
      tpu.vector_store_idx %arg6[%broadcast_in_dim3A_1, %add3A_549], %gather3A_532 : memref<128x128xf32, #tpu.memory_space<vmem>>[vector<16xi32>, vector<16xi32>], vector<16xf32>,
      %add3A_550 = arith.addi %add3A_160, %add3A_503 : vector<16xi32>
      tpu.vector_store_idx %arg6[%broadcast_in_dim3A_1, %add3A_550], %gather3A_534 : memref<128x128xf32, #tpu.memory_space<vmem>>[vector<16xi32>, vector<16xi32>], vector<16xf32>,
    }
    %scan3A_380 = arith.constant 32 : i32
    %add3A_381 = arith.constant 7808 : i32
    %add3A_382 = arith.addi %add3A_381, %add3A : i32
    %min3A_383 = arith.constant 7812 : i32
    %min3A_384 = arith.minsi %add3A_382, %min3A_383 : i32
    %mul3A_385 = arith.constant 128 : i32
    %mul3A_386 = arith.muli %min3A_384, %mul3A_385 : i32
    %dma_start3A_387 = arith.constant 0 : i32
    %dma_start3A_388 = tpu.memref_slice %arg2[%dma_start3A_387, %mul3A_386] : memref<64x1000000xf32, #tpu.memory_space<hbm>> -> memref<64x128xf32, #tpu.memory_space<hbm>>
    %dma_start3A_389 = arith.constant 0 : i32
    %dma_start3A_390 = tpu.memref_slice %arg2[%dma_start3A_389, %mul3A_386] : memref<64x1000000xf32, #tpu.memory_space<hbm>> -> memref<64x128xf32, #tpu.memory_space<hbm>>
    tpu.enqueue_dma source(%dma_start3A_390 : memref<64x128xf32, #tpu.memory_space<hbm>>) target(%arg4 : memref<64x128xf32, #tpu.memory_space<vmem>>) target_semaphore(%arg8 : memref<!tpu.dma_semaphore, #tpu.memory_space<semaphore_mem>>)
    %add3A_391 = arith.constant 7744 : i32
    %add3A_392 = arith.addi %add3A_391, %add3A : i32
    %min3A_393 = arith.constant 7812 : i32
    %min3A_394 = arith.minsi %add3A_392, %min3A_393 : i32
    %mul3A_395 = arith.constant 128 : i32
    %mul3A_396 = arith.muli %min3A_394, %mul3A_395 : i32
    %dma_start3A_397 = arith.constant 0 : i32
    %dma_start3A_398 = tpu.memref_slice %arg3[%mul3A_396, %dma_start3A_397] : memref<1000064x128xf32, #tpu.memory_space<hbm>> -> memref<128x128xf32, #tpu.memory_space<hbm>>
    %dma_start3A_399 = arith.constant 0 : i32
    %dma_start3A_400 = tpu.memref_slice %arg3[%mul3A_396, %dma_start3A_399] : memref<1000064x128xf32, #tpu.memory_space<hbm>> -> memref<128x128xf32, #tpu.memory_space<hbm>>
    tpu.enqueue_dma source(%arg6 : memref<128x128xf32, #tpu.memory_space<vmem>>) target(%dma_start3A_400 : memref<128x128xf32, #tpu.memory_space<hbm>>) target_semaphore(%arg10 : memref<!tpu.dma_semaphore, #tpu.memory_space<semaphore_mem>>)
    %dma_wait3A_401 = arith.constant 0 : i32
    %dma_wait3A_402 = arith.constant 0 : i32
    %dma_wait3A_403 = tpu.memref_slice %arg2[%dma_wait3A_401, %dma_wait3A_402] : memref<64x1000000xf32, #tpu.memory_space<hbm>> -> memref<64x128xf32, #tpu.memory_space<hbm>>
    %dma_wait3A_404 = arith.constant 0 : i32
    %dma_wait3A_405 = arith.constant 0 : i32
    %dma_wait3A_406 = tpu.memref_slice %arg2[%dma_wait3A_404, %dma_wait3A_405] : memref<64x1000000xf32, #tpu.memory_space<hbm>> -> memref<64x128xf32, #tpu.memory_space<hbm>>
    tpu.wait_dma2 semaphore(%arg9 : memref<!tpu.dma_semaphore, #tpu.memory_space<semaphore_mem>>) src(%dma_wait3A_406 : memref<64x128xf32, #tpu.memory_space<hbm>>) dst(%arg5 : memref<64x128xf32, #tpu.memory_space<vmem>>)
    %dma_wait3A_407 = arith.constant 0 : i32
    %dma_wait3A_408 = arith.constant 0 : i32
    %dma_wait3A_409 = tpu.memref_slice %arg3[%dma_wait3A_407, %dma_wait3A_408] : memref<1000064x128xf32, #tpu.memory_space<hbm>> -> memref<128x128xf32, #tpu.memory_space<hbm>>
    %dma_wait3A_410 = arith.constant 0 : i32
    %dma_wait3A_411 = arith.constant 0 : i32
    %dma_wait3A_412 = tpu.memref_slice %arg3[%dma_wait3A_410, %dma_wait3A_411] : memref<1000064x128xf32, #tpu.memory_space<hbm>> -> memref<128x128xf32, #tpu.memory_space<hbm>>
    tpu.wait_dma2 semaphore(%arg11 : memref<!tpu.dma_semaphore, #tpu.memory_space<semaphore_mem>>) src(%arg7 : memref<128x128xf32, #tpu.memory_space<vmem>>) dst(%dma_wait3A_412 : memref<128x128xf32, #tpu.memory_space<hbm>>)
    %scan3A_413 = arith.constant 0 : i32
    %scan3A_414 = arith.constant 0 : i32
    %scan3A_415 = arith.constant 32 : i32
    %scan3A_416 = arith.addi %scan3A_414, %scan3A_415 : i32
    %scan3A_417 = arith.constant 1 : i32
    scf.for %scan3A_469 = %scan3A_414 to %scan3A_416 step %scan3A_417  : i32 {
      %jit3A = arith.constant 4 : i32
      %div3A = arith.divsi %scan3A_469, %jit3A : i32
      %sign3A = arith.constant 0 : i32
      %sign3A_470 = arith.cmpi sgt, %scan3A_469, %sign3A : i32
      %sign3A_471 = arith.extui %sign3A_470 : i1 to i32
      %sign3A_472 = arith.constant 0 : i32
      %sign3A_473 = arith.cmpi slt, %scan3A_469, %sign3A_472 : i32
      %sign3A_474 = arith.extui %sign3A_473 : i1 to i32
      %sign3A_475 = arith.subi %sign3A_471, %sign3A_474 : i32
      %sign3A_476 = arith.constant 0 : i32
      %sign3A_477 = arith.cmpi sgt, %jit3A, %sign3A_476 : i32
      %sign3A_478 = arith.extui %sign3A_477 : i1 to i32
      %sign3A_479 = arith.constant 0 : i32
      %sign3A_480 = arith.cmpi slt, %jit3A, %sign3A_479 : i32
      %sign3A_481 = arith.extui %sign3A_480 : i1 to i32
      %sign3A_482 = arith.subi %sign3A_478, %sign3A_481 : i32
      %ne3A = arith.cmpi ne, %sign3A_475, %sign3A_482 : i32
      %rem3A = arith.remsi %scan3A_469, %jit3A : i32
      %ne3A_483 = arith.constant 0 : i32
      %ne3A_484 = arith.cmpi ne, %rem3A, %ne3A_483 : i32
      %and3A_485 = arith.andi %ne3A, %ne3A_484 : i1
      %sub3A = arith.constant 1 : i32
      %sub3A_486 = arith.subi %div3A, %sub3A : i32
      %select_n3A = arith.select %and3A_485, %sub3A_486, %div3A : i32
      %mul3A_487 = arith.constant 4 : i32
      %mul3A_488 = arith.muli %select_n3A, %mul3A_487 : i32
      %sub3A_489 = arith.subi %scan3A_469, %mul3A_488 : i32
      %mul3A_490 = arith.constant 2048 : i32
      %mul3A_491 = arith.muli %sub3A_489, %mul3A_490 : i32
      %mul3A_492 = arith.constant 16 : i32
      %mul3A_493 = arith.muli %select_n3A, %mul3A_492 : i32
      %add3A_494 = arith.addi %mul3A_491, %mul3A_493 : i32
      %add3A_495 = vector.broadcast %add3A_494 : i32 to vector<16xi32>
      %add3A_496 = arith.addi %broadcast_in_dim3A_1, %add3A_495 : vector<16xi32>
      %mul3A_497 = arith.constant 2048 : i32
      %mul3A_498 = arith.muli %select_n3A, %mul3A_497 : i32
      %mul3A_499 = arith.constant 16 : i32
      %mul3A_500 = arith.muli %sub3A_489, %mul3A_499 : i32
      %add3A_501 = arith.addi %mul3A_498, %mul3A_500 : i32
      %add3A_502 = vector.broadcast %add3A_501 : i32 to vector<16xi32>
      %add3A_503 = arith.addi %broadcast_in_dim3A_1, %add3A_502 : vector<16xi32>
      %add3A_504 = arith.addi %add3A_170, %add3A_496 : vector<16xi32>
      %gather3A = tpu.vector_load_idx %arg5[%broadcast_in_dim3A_1, %add3A_504] : memref<64x128xf32, #tpu.memory_space<vmem>>[vector<16xi32>, vector<16xi32>], vector<16xf32>,
      %add3A_505 = arith.addi %add3A_180, %add3A_496 : vector<16xi32>
      %gather3A_506 = tpu.vector_load_idx %arg5[%broadcast_in_dim3A_1, %add3A_505] : memref<64x128xf32, #tpu.memory_space<vmem>>[vector<16xi32>, vector<16xi32>], vector<16xf32>,
      %add3A_507 = arith.addi %add3A_190, %add3A_496 : vector<16xi32>
      %gather3A_508 = tpu.vector_load_idx %arg5[%broadcast_in_dim3A_1, %add3A_507] : memref<64x128xf32, #tpu.memory_space<vmem>>[vector<16xi32>, vector<16xi32>], vector<16xf32>,
      %add3A_509 = arith.addi %add3A_200, %add3A_496 : vector<16xi32>
      %gather3A_510 = tpu.vector_load_idx %arg5[%broadcast_in_dim3A_1, %add3A_509] : memref<64x128xf32, #tpu.memory_space<vmem>>[vector<16xi32>, vector<16xi32>], vector<16xf32>,
      %add3A_511 = arith.addi %add3A_210, %add3A_496 : vector<16xi32>
      %gather3A_512 = tpu.vector_load_idx %arg5[%broadcast_in_dim3A_1, %add3A_511] : memref<64x128xf32, #tpu.memory_space<vmem>>[vector<16xi32>, vector<16xi32>], vector<16xf32>,
      %add3A_513 = arith.addi %add3A_220, %add3A_496 : vector<16xi32>
      %gather3A_514 = tpu.vector_load_idx %arg5[%broadcast_in_dim3A_1, %add3A_513] : memref<64x128xf32, #tpu.memory_space<vmem>>[vector<16xi32>, vector<16xi32>], vector<16xf32>,
      %add3A_515 = arith.addi %add3A_230, %add3A_496 : vector<16xi32>
      %gather3A_516 = tpu.vector_load_idx %arg5[%broadcast_in_dim3A_1, %add3A_515] : memref<64x128xf32, #tpu.memory_space<vmem>>[vector<16xi32>, vector<16xi32>], vector<16xf32>,
      %add3A_517 = arith.addi %add3A_240, %add3A_496 : vector<16xi32>
      %gather3A_518 = tpu.vector_load_idx %arg5[%broadcast_in_dim3A_1, %add3A_517] : memref<64x128xf32, #tpu.memory_space<vmem>>[vector<16xi32>, vector<16xi32>], vector<16xf32>,
      %add3A_519 = arith.addi %add3A_250, %add3A_496 : vector<16xi32>
      %gather3A_520 = tpu.vector_load_idx %arg5[%broadcast_in_dim3A_1, %add3A_519] : memref<64x128xf32, #tpu.memory_space<vmem>>[vector<16xi32>, vector<16xi32>], vector<16xf32>,
      %add3A_521 = arith.addi %add3A_260, %add3A_496 : vector<16xi32>
      %gather3A_522 = tpu.vector_load_idx %arg5[%broadcast_in_dim3A_1, %add3A_521] : memref<64x128xf32, #tpu.memory_space<vmem>>[vector<16xi32>, vector<16xi32>], vector<16xf32>,
      %add3A_523 = arith.addi %add3A_270, %add3A_496 : vector<16xi32>
      %gather3A_524 = tpu.vector_load_idx %arg5[%broadcast_in_dim3A_1, %add3A_523] : memref<64x128xf32, #tpu.memory_space<vmem>>[vector<16xi32>, vector<16xi32>], vector<16xf32>,
      %add3A_525 = arith.addi %add3A_280, %add3A_496 : vector<16xi32>
      %gather3A_526 = tpu.vector_load_idx %arg5[%broadcast_in_dim3A_1, %add3A_525] : memref<64x128xf32, #tpu.memory_space<vmem>>[vector<16xi32>, vector<16xi32>], vector<16xf32>,
      %add3A_527 = arith.addi %add3A_290, %add3A_496 : vector<16xi32>
      %gather3A_528 = tpu.vector_load_idx %arg5[%broadcast_in_dim3A_1, %add3A_527] : memref<64x128xf32, #tpu.memory_space<vmem>>[vector<16xi32>, vector<16xi32>], vector<16xf32>,
      %add3A_529 = arith.addi %add3A_300, %add3A_496 : vector<16xi32>
      %gather3A_530 = tpu.vector_load_idx %arg5[%broadcast_in_dim3A_1, %add3A_529] : memref<64x128xf32, #tpu.memory_space<vmem>>[vector<16xi32>, vector<16xi32>], vector<16xf32>,
      %add3A_531 = arith.addi %add3A_310, %add3A_496 : vector<16xi32>
      %gather3A_532 = tpu.vector_load_idx %arg5[%broadcast_in_dim3A_1, %add3A_531] : memref<64x128xf32, #tpu.memory_space<vmem>>[vector<16xi32>, vector<16xi32>], vector<16xf32>,
      %add3A_533 = arith.addi %add3A_320, %add3A_496 : vector<16xi32>
      %gather3A_534 = tpu.vector_load_idx %arg5[%broadcast_in_dim3A_1, %add3A_533] : memref<64x128xf32, #tpu.memory_space<vmem>>[vector<16xi32>, vector<16xi32>], vector<16xf32>,
      %add3A_535 = arith.addi %add3A_10, %add3A_503 : vector<16xi32>
      tpu.vector_store_idx %arg7[%broadcast_in_dim3A_1, %add3A_535], %gather3A : memref<128x128xf32, #tpu.memory_space<vmem>>[vector<16xi32>, vector<16xi32>], vector<16xf32>,
      %add3A_536 = arith.addi %add3A_20, %add3A_503 : vector<16xi32>
      tpu.vector_store_idx %arg7[%broadcast_in_dim3A_1, %add3A_536], %gather3A_506 : memref<128x128xf32, #tpu.memory_space<vmem>>[vector<16xi32>, vector<16xi32>], vector<16xf32>,
      %add3A_537 = arith.addi %add3A_30, %add3A_503 : vector<16xi32>
      tpu.vector_store_idx %arg7[%broadcast_in_dim3A_1, %add3A_537], %gather3A_508 : memref<128x128xf32, #tpu.memory_space<vmem>>[vector<16xi32>, vector<16xi32>], vector<16xf32>,
      %add3A_538 = arith.addi %add3A_40, %add3A_503 : vector<16xi32>
      tpu.vector_store_idx %arg7[%broadcast_in_dim3A_1, %add3A_538], %gather3A_510 : memref<128x128xf32, #tpu.memory_space<vmem>>[vector<16xi32>, vector<16xi32>], vector<16xf32>,
      %add3A_539 = arith.addi %add3A_50, %add3A_503 : vector<16xi32>
      tpu.vector_store_idx %arg7[%broadcast_in_dim3A_1, %add3A_539], %gather3A_512 : memref<128x128xf32, #tpu.memory_space<vmem>>[vector<16xi32>, vector<16xi32>], vector<16xf32>,
      %add3A_540 = arith.addi %add3A_60, %add3A_503 : vector<16xi32>
      tpu.vector_store_idx %arg7[%broadcast_in_dim3A_1, %add3A_540], %gather3A_514 : memref<128x128xf32, #tpu.memory_space<vmem>>[vector<16xi32>, vector<16xi32>], vector<16xf32>,
      %add3A_541 = arith.addi %add3A_70, %add3A_503 : vector<16xi32>
      tpu.vector_store_idx %arg7[%broadcast_in_dim3A_1, %add3A_541], %gather3A_516 : memref<128x128xf32, #tpu.memory_space<vmem>>[vector<16xi32>, vector<16xi32>], vector<16xf32>,
      %add3A_542 = arith.addi %add3A_80, %add3A_503 : vector<16xi32>
      tpu.vector_store_idx %arg7[%broadcast_in_dim3A_1, %add3A_542], %gather3A_518 : memref<128x128xf32, #tpu.memory_space<vmem>>[vector<16xi32>, vector<16xi32>], vector<16xf32>,
      %add3A_543 = arith.addi %add3A_90, %add3A_503 : vector<16xi32>
      tpu.vector_store_idx %arg7[%broadcast_in_dim3A_1, %add3A_543], %gather3A_520 : memref<128x128xf32, #tpu.memory_space<vmem>>[vector<16xi32>, vector<16xi32>], vector<16xf32>,
      %add3A_544 = arith.addi %add3A_100, %add3A_503 : vector<16xi32>
      tpu.vector_store_idx %arg7[%broadcast_in_dim3A_1, %add3A_544], %gather3A_522 : memref<128x128xf32, #tpu.memory_space<vmem>>[vector<16xi32>, vector<16xi32>], vector<16xf32>,
      %add3A_545 = arith.addi %add3A_110, %add3A_503 : vector<16xi32>
      tpu.vector_store_idx %arg7[%broadcast_in_dim3A_1, %add3A_545], %gather3A_524 : memref<128x128xf32, #tpu.memory_space<vmem>>[vector<16xi32>, vector<16xi32>], vector<16xf32>,
      %add3A_546 = arith.addi %add3A_120, %add3A_503 : vector<16xi32>
      tpu.vector_store_idx %arg7[%broadcast_in_dim3A_1, %add3A_546], %gather3A_526 : memref<128x128xf32, #tpu.memory_space<vmem>>[vector<16xi32>, vector<16xi32>], vector<16xf32>,
      %add3A_547 = arith.addi %add3A_130, %add3A_503 : vector<16xi32>
      tpu.vector_store_idx %arg7[%broadcast_in_dim3A_1, %add3A_547], %gather3A_528 : memref<128x128xf32, #tpu.memory_space<vmem>>[vector<16xi32>, vector<16xi32>], vector<16xf32>,
      %add3A_548 = arith.addi %add3A_140, %add3A_503 : vector<16xi32>
      tpu.vector_store_idx %arg7[%broadcast_in_dim3A_1, %add3A_548], %gather3A_530 : memref<128x128xf32, #tpu.memory_space<vmem>>[vector<16xi32>, vector<16xi32>], vector<16xf32>,
      %add3A_549 = arith.addi %add3A_150, %add3A_503 : vector<16xi32>
      tpu.vector_store_idx %arg7[%broadcast_in_dim3A_1, %add3A_549], %gather3A_532 : memref<128x128xf32, #tpu.memory_space<vmem>>[vector<16xi32>, vector<16xi32>], vector<16xf32>,
      %add3A_550 = arith.addi %add3A_160, %add3A_503 : vector<16xi32>
      tpu.vector_store_idx %arg7[%broadcast_in_dim3A_1, %add3A_550], %gather3A_534 : memref<128x128xf32, #tpu.memory_space<vmem>>[vector<16xi32>, vector<16xi32>], vector<16xf32>,
    }
    %scan3A_418 = arith.constant 32 : i32
    %add3A_419 = arith.constant 7776 : i32
    %add3A_420 = arith.addi %add3A_419, %add3A : i32
    %min3A_421 = arith.constant 7812 : i32
    %min3A_422 = arith.minsi %add3A_420, %min3A_421 : i32
    %mul3A_423 = arith.constant 128 : i32
    %mul3A_424 = arith.muli %min3A_422, %mul3A_423 : i32
    %dma_start3A_425 = arith.constant 0 : i32
    %dma_start3A_426 = tpu.memref_slice %arg3[%mul3A_424, %dma_start3A_425] : memref<1000064x128xf32, #tpu.memory_space<hbm>> -> memref<128x128xf32, #tpu.memory_space<hbm>>
    %dma_start3A_427 = arith.constant 0 : i32
    %dma_start3A_428 = tpu.memref_slice %arg3[%mul3A_424, %dma_start3A_427] : memref<1000064x128xf32, #tpu.memory_space<hbm>> -> memref<128x128xf32, #tpu.memory_space<hbm>>
    tpu.enqueue_dma source(%arg7 : memref<128x128xf32, #tpu.memory_space<vmem>>) target(%dma_start3A_428 : memref<128x128xf32, #tpu.memory_space<hbm>>) target_semaphore(%arg11 : memref<!tpu.dma_semaphore, #tpu.memory_space<semaphore_mem>>)
    %dma_wait3A_429 = arith.constant 0 : i32
    %dma_wait3A_430 = arith.constant 0 : i32
    %dma_wait3A_431 = tpu.memref_slice %arg2[%dma_wait3A_429, %dma_wait3A_430] : memref<64x1000000xf32, #tpu.memory_space<hbm>> -> memref<64x128xf32, #tpu.memory_space<hbm>>
    %dma_wait3A_432 = arith.constant 0 : i32
    %dma_wait3A_433 = arith.constant 0 : i32
    %dma_wait3A_434 = tpu.memref_slice %arg2[%dma_wait3A_432, %dma_wait3A_433] : memref<64x1000000xf32, #tpu.memory_space<hbm>> -> memref<64x128xf32, #tpu.memory_space<hbm>>
    tpu.wait_dma2 semaphore(%arg8 : memref<!tpu.dma_semaphore, #tpu.memory_space<semaphore_mem>>) src(%dma_wait3A_434 : memref<64x128xf32, #tpu.memory_space<hbm>>) dst(%arg4 : memref<64x128xf32, #tpu.memory_space<vmem>>)
    %dma_wait3A_435 = arith.constant 0 : i32
    %dma_wait3A_436 = arith.constant 0 : i32
    %dma_wait3A_437 = tpu.memref_slice %arg3[%dma_wait3A_435, %dma_wait3A_436] : memref<1000064x128xf32, #tpu.memory_space<hbm>> -> memref<128x128xf32, #tpu.memory_space<hbm>>
    %dma_wait3A_438 = arith.constant 0 : i32
    %dma_wait3A_439 = arith.constant 0 : i32
    %dma_wait3A_440 = tpu.memref_slice %arg3[%dma_wait3A_438, %dma_wait3A_439] : memref<1000064x128xf32, #tpu.memory_space<hbm>> -> memref<128x128xf32, #tpu.memory_space<hbm>>
    tpu.wait_dma2 semaphore(%arg10 : memref<!tpu.dma_semaphore, #tpu.memory_space<semaphore_mem>>) src(%arg6 : memref<128x128xf32, #tpu.memory_space<vmem>>) dst(%dma_wait3A_440 : memref<128x128xf32, #tpu.memory_space<hbm>>)
    %scan3A_441 = arith.constant 0 : i32
    %scan3A_442 = arith.constant 0 : i32
    %scan3A_443 = arith.constant 32 : i32
    %scan3A_444 = arith.addi %scan3A_442, %scan3A_443 : i32
    %scan3A_445 = arith.constant 1 : i32
    scf.for %scan3A_469 = %scan3A_442 to %scan3A_444 step %scan3A_445  : i32 {
      %jit3A = arith.constant 4 : i32
      %div3A = arith.divsi %scan3A_469, %jit3A : i32
      %sign3A = arith.constant 0 : i32
      %sign3A_470 = arith.cmpi sgt, %scan3A_469, %sign3A : i32
      %sign3A_471 = arith.extui %sign3A_470 : i1 to i32
      %sign3A_472 = arith.constant 0 : i32
      %sign3A_473 = arith.cmpi slt, %scan3A_469, %sign3A_472 : i32
      %sign3A_474 = arith.extui %sign3A_473 : i1 to i32
      %sign3A_475 = arith.subi %sign3A_471, %sign3A_474 : i32
      %sign3A_476 = arith.constant 0 : i32
      %sign3A_477 = arith.cmpi sgt, %jit3A, %sign3A_476 : i32
      %sign3A_478 = arith.extui %sign3A_477 : i1 to i32
      %sign3A_479 = arith.constant 0 : i32
      %sign3A_480 = arith.cmpi slt, %jit3A, %sign3A_479 : i32
      %sign3A_481 = arith.extui %sign3A_480 : i1 to i32
      %sign3A_482 = arith.subi %sign3A_478, %sign3A_481 : i32
      %ne3A = arith.cmpi ne, %sign3A_475, %sign3A_482 : i32
      %rem3A = arith.remsi %scan3A_469, %jit3A : i32
      %ne3A_483 = arith.constant 0 : i32
      %ne3A_484 = arith.cmpi ne, %rem3A, %ne3A_483 : i32
      %and3A_485 = arith.andi %ne3A, %ne3A_484 : i1
      %sub3A = arith.constant 1 : i32
      %sub3A_486 = arith.subi %div3A, %sub3A : i32
      %select_n3A = arith.select %and3A_485, %sub3A_486, %div3A : i32
      %mul3A_487 = arith.constant 4 : i32
      %mul3A_488 = arith.muli %select_n3A, %mul3A_487 : i32
      %sub3A_489 = arith.subi %scan3A_469, %mul3A_488 : i32
      %mul3A_490 = arith.constant 2048 : i32
      %mul3A_491 = arith.muli %sub3A_489, %mul3A_490 : i32
      %mul3A_492 = arith.constant 16 : i32
      %mul3A_493 = arith.muli %select_n3A, %mul3A_492 : i32
      %add3A_494 = arith.addi %mul3A_491, %mul3A_493 : i32
      %add3A_495 = vector.broadcast %add3A_494 : i32 to vector<16xi32>
      %add3A_496 = arith.addi %broadcast_in_dim3A_1, %add3A_495 : vector<16xi32>
      %mul3A_497 = arith.constant 2048 : i32
      %mul3A_498 = arith.muli %select_n3A, %mul3A_497 : i32
      %mul3A_499 = arith.constant 16 : i32
      %mul3A_500 = arith.muli %sub3A_489, %mul3A_499 : i32
      %add3A_501 = arith.addi %mul3A_498, %mul3A_500 : i32
      %add3A_502 = vector.broadcast %add3A_501 : i32 to vector<16xi32>
      %add3A_503 = arith.addi %broadcast_in_dim3A_1, %add3A_502 : vector<16xi32>
      %add3A_504 = arith.addi %add3A_170, %add3A_496 : vector<16xi32>
      %gather3A = tpu.vector_load_idx %arg4[%broadcast_in_dim3A_1, %add3A_504] : memref<64x128xf32, #tpu.memory_space<vmem>>[vector<16xi32>, vector<16xi32>], vector<16xf32>,
      %add3A_505 = arith.addi %add3A_180, %add3A_496 : vector<16xi32>
      %gather3A_506 = tpu.vector_load_idx %arg4[%broadcast_in_dim3A_1, %add3A_505] : memref<64x128xf32, #tpu.memory_space<vmem>>[vector<16xi32>, vector<16xi32>], vector<16xf32>,
      %add3A_507 = arith.addi %add3A_190, %add3A_496 : vector<16xi32>
      %gather3A_508 = tpu.vector_load_idx %arg4[%broadcast_in_dim3A_1, %add3A_507] : memref<64x128xf32, #tpu.memory_space<vmem>>[vector<16xi32>, vector<16xi32>], vector<16xf32>,
      %add3A_509 = arith.addi %add3A_200, %add3A_496 : vector<16xi32>
      %gather3A_510 = tpu.vector_load_idx %arg4[%broadcast_in_dim3A_1, %add3A_509] : memref<64x128xf32, #tpu.memory_space<vmem>>[vector<16xi32>, vector<16xi32>], vector<16xf32>,
      %add3A_511 = arith.addi %add3A_210, %add3A_496 : vector<16xi32>
      %gather3A_512 = tpu.vector_load_idx %arg4[%broadcast_in_dim3A_1, %add3A_511] : memref<64x128xf32, #tpu.memory_space<vmem>>[vector<16xi32>, vector<16xi32>], vector<16xf32>,
      %add3A_513 = arith.addi %add3A_220, %add3A_496 : vector<16xi32>
      %gather3A_514 = tpu.vector_load_idx %arg4[%broadcast_in_dim3A_1, %add3A_513] : memref<64x128xf32, #tpu.memory_space<vmem>>[vector<16xi32>, vector<16xi32>], vector<16xf32>,
      %add3A_515 = arith.addi %add3A_230, %add3A_496 : vector<16xi32>
      %gather3A_516 = tpu.vector_load_idx %arg4[%broadcast_in_dim3A_1, %add3A_515] : memref<64x128xf32, #tpu.memory_space<vmem>>[vector<16xi32>, vector<16xi32>], vector<16xf32>,
      %add3A_517 = arith.addi %add3A_240, %add3A_496 : vector<16xi32>
      %gather3A_518 = tpu.vector_load_idx %arg4[%broadcast_in_dim3A_1, %add3A_517] : memref<64x128xf32, #tpu.memory_space<vmem>>[vector<16xi32>, vector<16xi32>], vector<16xf32>,
      %add3A_519 = arith.addi %add3A_250, %add3A_496 : vector<16xi32>
      %gather3A_520 = tpu.vector_load_idx %arg4[%broadcast_in_dim3A_1, %add3A_519] : memref<64x128xf32, #tpu.memory_space<vmem>>[vector<16xi32>, vector<16xi32>], vector<16xf32>,
      %add3A_521 = arith.addi %add3A_260, %add3A_496 : vector<16xi32>
      %gather3A_522 = tpu.vector_load_idx %arg4[%broadcast_in_dim3A_1, %add3A_521] : memref<64x128xf32, #tpu.memory_space<vmem>>[vector<16xi32>, vector<16xi32>], vector<16xf32>,
      %add3A_523 = arith.addi %add3A_270, %add3A_496 : vector<16xi32>
      %gather3A_524 = tpu.vector_load_idx %arg4[%broadcast_in_dim3A_1, %add3A_523] : memref<64x128xf32, #tpu.memory_space<vmem>>[vector<16xi32>, vector<16xi32>], vector<16xf32>,
      %add3A_525 = arith.addi %add3A_280, %add3A_496 : vector<16xi32>
      %gather3A_526 = tpu.vector_load_idx %arg4[%broadcast_in_dim3A_1, %add3A_525] : memref<64x128xf32, #tpu.memory_space<vmem>>[vector<16xi32>, vector<16xi32>], vector<16xf32>,
      %add3A_527 = arith.addi %add3A_290, %add3A_496 : vector<16xi32>
      %gather3A_528 = tpu.vector_load_idx %arg4[%broadcast_in_dim3A_1, %add3A_527] : memref<64x128xf32, #tpu.memory_space<vmem>>[vector<16xi32>, vector<16xi32>], vector<16xf32>,
      %add3A_529 = arith.addi %add3A_300, %add3A_496 : vector<16xi32>
      %gather3A_530 = tpu.vector_load_idx %arg4[%broadcast_in_dim3A_1, %add3A_529] : memref<64x128xf32, #tpu.memory_space<vmem>>[vector<16xi32>, vector<16xi32>], vector<16xf32>,
      %add3A_531 = arith.addi %add3A_310, %add3A_496 : vector<16xi32>
      %gather3A_532 = tpu.vector_load_idx %arg4[%broadcast_in_dim3A_1, %add3A_531] : memref<64x128xf32, #tpu.memory_space<vmem>>[vector<16xi32>, vector<16xi32>], vector<16xf32>,
      %add3A_533 = arith.addi %add3A_320, %add3A_496 : vector<16xi32>
      %gather3A_534 = tpu.vector_load_idx %arg4[%broadcast_in_dim3A_1, %add3A_533] : memref<64x128xf32, #tpu.memory_space<vmem>>[vector<16xi32>, vector<16xi32>], vector<16xf32>,
      %add3A_535 = arith.addi %add3A_10, %add3A_503 : vector<16xi32>
      tpu.vector_store_idx %arg6[%broadcast_in_dim3A_1, %add3A_535], %gather3A : memref<128x128xf32, #tpu.memory_space<vmem>>[vector<16xi32>, vector<16xi32>], vector<16xf32>,
      %add3A_536 = arith.addi %add3A_20, %add3A_503 : vector<16xi32>
      tpu.vector_store_idx %arg6[%broadcast_in_dim3A_1, %add3A_536], %gather3A_506 : memref<128x128xf32, #tpu.memory_space<vmem>>[vector<16xi32>, vector<16xi32>], vector<16xf32>,
      %add3A_537 = arith.addi %add3A_30, %add3A_503 : vector<16xi32>
      tpu.vector_store_idx %arg6[%broadcast_in_dim3A_1, %add3A_537], %gather3A_508 : memref<128x128xf32, #tpu.memory_space<vmem>>[vector<16xi32>, vector<16xi32>], vector<16xf32>,
      %add3A_538 = arith.addi %add3A_40, %add3A_503 : vector<16xi32>
      tpu.vector_store_idx %arg6[%broadcast_in_dim3A_1, %add3A_538], %gather3A_510 : memref<128x128xf32, #tpu.memory_space<vmem>>[vector<16xi32>, vector<16xi32>], vector<16xf32>,
      %add3A_539 = arith.addi %add3A_50, %add3A_503 : vector<16xi32>
      tpu.vector_store_idx %arg6[%broadcast_in_dim3A_1, %add3A_539], %gather3A_512 : memref<128x128xf32, #tpu.memory_space<vmem>>[vector<16xi32>, vector<16xi32>], vector<16xf32>,
      %add3A_540 = arith.addi %add3A_60, %add3A_503 : vector<16xi32>
      tpu.vector_store_idx %arg6[%broadcast_in_dim3A_1, %add3A_540], %gather3A_514 : memref<128x128xf32, #tpu.memory_space<vmem>>[vector<16xi32>, vector<16xi32>], vector<16xf32>,
      %add3A_541 = arith.addi %add3A_70, %add3A_503 : vector<16xi32>
      tpu.vector_store_idx %arg6[%broadcast_in_dim3A_1, %add3A_541], %gather3A_516 : memref<128x128xf32, #tpu.memory_space<vmem>>[vector<16xi32>, vector<16xi32>], vector<16xf32>,
      %add3A_542 = arith.addi %add3A_80, %add3A_503 : vector<16xi32>
      tpu.vector_store_idx %arg6[%broadcast_in_dim3A_1, %add3A_542], %gather3A_518 : memref<128x128xf32, #tpu.memory_space<vmem>>[vector<16xi32>, vector<16xi32>], vector<16xf32>,
      %add3A_543 = arith.addi %add3A_90, %add3A_503 : vector<16xi32>
      tpu.vector_store_idx %arg6[%broadcast_in_dim3A_1, %add3A_543], %gather3A_520 : memref<128x128xf32, #tpu.memory_space<vmem>>[vector<16xi32>, vector<16xi32>], vector<16xf32>,
      %add3A_544 = arith.addi %add3A_100, %add3A_503 : vector<16xi32>
      tpu.vector_store_idx %arg6[%broadcast_in_dim3A_1, %add3A_544], %gather3A_522 : memref<128x128xf32, #tpu.memory_space<vmem>>[vector<16xi32>, vector<16xi32>], vector<16xf32>,
      %add3A_545 = arith.addi %add3A_110, %add3A_503 : vector<16xi32>
      tpu.vector_store_idx %arg6[%broadcast_in_dim3A_1, %add3A_545], %gather3A_524 : memref<128x128xf32, #tpu.memory_space<vmem>>[vector<16xi32>, vector<16xi32>], vector<16xf32>,
      %add3A_546 = arith.addi %add3A_120, %add3A_503 : vector<16xi32>
      tpu.vector_store_idx %arg6[%broadcast_in_dim3A_1, %add3A_546], %gather3A_526 : memref<128x128xf32, #tpu.memory_space<vmem>>[vector<16xi32>, vector<16xi32>], vector<16xf32>,
      %add3A_547 = arith.addi %add3A_130, %add3A_503 : vector<16xi32>
      tpu.vector_store_idx %arg6[%broadcast_in_dim3A_1, %add3A_547], %gather3A_528 : memref<128x128xf32, #tpu.memory_space<vmem>>[vector<16xi32>, vector<16xi32>], vector<16xf32>,
      %add3A_548 = arith.addi %add3A_140, %add3A_503 : vector<16xi32>
      tpu.vector_store_idx %arg6[%broadcast_in_dim3A_1, %add3A_548], %gather3A_530 : memref<128x128xf32, #tpu.memory_space<vmem>>[vector<16xi32>, vector<16xi32>], vector<16xf32>,
      %add3A_549 = arith.addi %add3A_150, %add3A_503 : vector<16xi32>
      tpu.vector_store_idx %arg6[%broadcast_in_dim3A_1, %add3A_549], %gather3A_532 : memref<128x128xf32, #tpu.memory_space<vmem>>[vector<16xi32>, vector<16xi32>], vector<16xf32>,
      %add3A_550 = arith.addi %add3A_160, %add3A_503 : vector<16xi32>
      tpu.vector_store_idx %arg6[%broadcast_in_dim3A_1, %add3A_550], %gather3A_534 : memref<128x128xf32, #tpu.memory_space<vmem>>[vector<16xi32>, vector<16xi32>], vector<16xf32>,
    }
    %scan3A_446 = arith.constant 32 : i32
    %add3A_447 = arith.constant 7808 : i32
    %add3A_448 = arith.addi %add3A_447, %add3A : i32
    %min3A_449 = arith.constant 7812 : i32
    %min3A_450 = arith.minsi %add3A_448, %min3A_449 : i32
    %mul3A_451 = arith.constant 128 : i32
    %mul3A_452 = arith.muli %min3A_450, %mul3A_451 : i32
    %dma_start3A_453 = arith.constant 0 : i32
    %dma_start3A_454 = tpu.memref_slice %arg3[%mul3A_452, %dma_start3A_453] : memref<1000064x128xf32, #tpu.memory_space<hbm>> -> memref<128x128xf32, #tpu.memory_space<hbm>>
    %dma_start3A_455 = arith.constant 0 : i32
    %dma_start3A_456 = tpu.memref_slice %arg3[%mul3A_452, %dma_start3A_455] : memref<1000064x128xf32, #tpu.memory_space<hbm>> -> memref<128x128xf32, #tpu.memory_space<hbm>>
    tpu.enqueue_dma source(%arg6 : memref<128x128xf32, #tpu.memory_space<vmem>>) target(%dma_start3A_456 : memref<128x128xf32, #tpu.memory_space<hbm>>) target_semaphore(%arg10 : memref<!tpu.dma_semaphore, #tpu.memory_space<semaphore_mem>>)
    %dma_wait3A_457 = arith.constant 0 : i32
    %dma_wait3A_458 = arith.constant 0 : i32
    %dma_wait3A_459 = tpu.memref_slice %arg3[%dma_wait3A_457, %dma_wait3A_458] : memref<1000064x128xf32, #tpu.memory_space<hbm>> -> memref<128x128xf32, #tpu.memory_space<hbm>>
    %dma_wait3A_460 = arith.constant 0 : i32
    %dma_wait3A_461 = arith.constant 0 : i32
    %dma_wait3A_462 = tpu.memref_slice %arg3[%dma_wait3A_460, %dma_wait3A_461] : memref<1000064x128xf32, #tpu.memory_space<hbm>> -> memref<128x128xf32, #tpu.memory_space<hbm>>
    tpu.wait_dma2 semaphore(%arg10 : memref<!tpu.dma_semaphore, #tpu.memory_space<semaphore_mem>>) src(%arg6 : memref<128x128xf32, #tpu.memory_space<vmem>>) dst(%dma_wait3A_462 : memref<128x128xf32, #tpu.memory_space<hbm>>)
    %dma_wait3A_463 = arith.constant 0 : i32
    %dma_wait3A_464 = arith.constant 0 : i32
    %dma_wait3A_465 = tpu.memref_slice %arg3[%dma_wait3A_463, %dma_wait3A_464] : memref<1000064x128xf32, #tpu.memory_space<hbm>> -> memref<128x128xf32, #tpu.memory_space<hbm>>
    %dma_wait3A_466 = arith.constant 0 : i32
    %dma_wait3A_467 = arith.constant 0 : i32
    %dma_wait3A_468 = tpu.memref_slice %arg3[%dma_wait3A_466, %dma_wait3A_467] : memref<1000064x128xf32, #tpu.memory_space<hbm>> -> memref<128x128xf32, #tpu.memory_space<hbm>>
    tpu.wait_dma2 semaphore(%arg11 : memref<!tpu.dma_semaphore, #tpu.memory_space<semaphore_mem>>) src(%arg7 : memref<128x128xf32, #tpu.memory_space<vmem>>) dst(%dma_wait3A_468 : memref<128x128xf32, #tpu.memory_space<hbm>>)
    return
  }
}

#map = affine_map<(d0, d1) -> (0, 0)>
#map1 = affine_map<(d0, d1) -> (0, 0, 0)>
module attributes {stable_mosaic.version = 14 : i64} {
  func.func @_embed_body(%arg0: i32, %arg1: i32, %arg2: memref<200x4096xi32, #tpu.memory_space<hbm>>, %arg3: memref<1000064x128xf32, #tpu.memory_space<hbm>>, %arg4: memref<200x64x4096xf32, #tpu.memory_space<hbm>>, %arg5: memref<200x128xi32, #tpu.memory_space<vmem>>, %arg6: memref<128x128xf32, #tpu.memory_space<vmem>>, %arg7: memref<128x128xf32, #tpu.memory_space<vmem>>, %arg8: memref<64x128xf32, #tpu.memory_space<vmem>>, %arg9: memref<64x128xf32, #tpu.memory_space<vmem>>, %arg10: memref<!tpu.dma_semaphore, #tpu.memory_space<semaphore_mem>>, %arg11: memref<!tpu.dma_semaphore, #tpu.memory_space<semaphore_mem>>, %arg12: memref<!tpu.dma_semaphore, #tpu.memory_space<semaphore_mem>>, %arg13: memref<!tpu.dma_semaphore, #tpu.memory_space<semaphore_mem>>) attributes {dimension_semantics = [#tpu.dimension_semantics<core_parallel>, #tpu.dimension_semantics<subcore_parallel>], iteration_bounds = array<i64: 2, 16>, scalar_prefetch = 0 : i64, scratch_operands = 9 : i64, tpu.core_type = #tpu.core_type<sc_vector_subcore>, window_params = [{transform_indices = #map}, {transform_indices = #map}, {transform_indices = #map1}]} {
    %mul3A = arith.constant 2 : i32
    %mul3A_0 = arith.muli %arg1, %mul3A : i32
    %add3A = arith.addi %mul3A_0, %arg0 : i32
    %mul3A_1 = arith.constant 128 : i32
    %mul3A_2 = arith.muli %add3A, %mul3A_1 : i32
    "tpu.region"() ({
      %run_scoped3A = tpu.sem_alloc : memref<!tpu.dma_semaphore, #tpu.memory_space<semaphore_mem>>
      %dma_start3A_422 = arith.constant 0 : i32
      %dma_start3A_423 = tpu.memref_slice %arg2[%dma_start3A_422, %mul3A_2] : memref<200x4096xi32, #tpu.memory_space<hbm>> -> memref<200x128xi32, #tpu.memory_space<hbm>>
      %dma_start3A_424 = arith.constant 0 : i32
      %dma_start3A_425 = tpu.memref_slice %arg2[%dma_start3A_424, %mul3A_2] : memref<200x4096xi32, #tpu.memory_space<hbm>> -> memref<200x128xi32, #tpu.memory_space<hbm>>
      tpu.enqueue_dma source(%dma_start3A_425 : memref<200x128xi32, #tpu.memory_space<hbm>>) target(%arg5 : memref<200x128xi32, #tpu.memory_space<vmem>>) target_semaphore(%run_scoped3A : memref<!tpu.dma_semaphore, #tpu.memory_space<semaphore_mem>>)
      %dma_wait3A_426 = arith.constant 0 : i32
      %dma_wait3A_427 = tpu.memref_slice %arg2[%dma_wait3A_426, %mul3A_2] : memref<200x4096xi32, #tpu.memory_space<hbm>> -> memref<200x128xi32, #tpu.memory_space<hbm>>
      %dma_wait3A_428 = arith.constant 0 : i32
      %dma_wait3A_429 = tpu.memref_slice %arg2[%dma_wait3A_428, %mul3A_2] : memref<200x4096xi32, #tpu.memory_space<hbm>> -> memref<200x128xi32, #tpu.memory_space<hbm>>
      tpu.wait_dma2 semaphore(%run_scoped3A : memref<!tpu.dma_semaphore, #tpu.memory_space<semaphore_mem>>) src(%dma_wait3A_429 : memref<200x128xi32, #tpu.memory_space<hbm>>) dst(%arg5 : memref<200x128xi32, #tpu.memory_space<vmem>>)
      tpu.yield
    }) : () -> ()
    %iota3A = tpu.iota {dimensions = array<i32: 0>} : vector<16xi32>
    %broadcast_in_dim3A = arith.constant 0 : i32
    %broadcast_in_dim3A_3 = vector.broadcast %broadcast_in_dim3A : i32 to vector<16xi32>
    %mul3A_4 = arith.constant 128 : i32
    %mul3A_5 = vector.broadcast %mul3A_4 : i32 to vector<16xi32>
    %mul3A_6 = arith.muli %iota3A, %mul3A_5 : vector<16xi32>
    %add3A_7 = arith.constant 0 : i32
    %add3A_8 = vector.broadcast %add3A_7 : i32 to vector<16xi32>
    %add3A_9 = arith.addi %iota3A, %add3A_8 : vector<16xi32>
    %and3A = arith.constant 15 : i32
    %and3A_10 = vector.broadcast %and3A : i32 to vector<16xi32>
    %and3A_11 = arith.andi %add3A_9, %and3A_10 : vector<16xi32>
    %add3A_12 = arith.addi %mul3A_6, %and3A_11 : vector<16xi32>
    %mul3A_13 = arith.constant 128 : i32
    %mul3A_14 = vector.broadcast %mul3A_13 : i32 to vector<16xi32>
    %mul3A_15 = arith.muli %iota3A, %mul3A_14 : vector<16xi32>
    %add3A_16 = arith.constant 1 : i32
    %add3A_17 = vector.broadcast %add3A_16 : i32 to vector<16xi32>
    %add3A_18 = arith.addi %iota3A, %add3A_17 : vector<16xi32>
    %and3A_19 = arith.constant 15 : i32
    %and3A_20 = vector.broadcast %and3A_19 : i32 to vector<16xi32>
    %and3A_21 = arith.andi %add3A_18, %and3A_20 : vector<16xi32>
    %add3A_22 = arith.addi %mul3A_15, %and3A_21 : vector<16xi32>
    %mul3A_23 = arith.constant 128 : i32
    %mul3A_24 = vector.broadcast %mul3A_23 : i32 to vector<16xi32>
    %mul3A_25 = arith.muli %iota3A, %mul3A_24 : vector<16xi32>
    %add3A_26 = arith.constant 2 : i32
    %add3A_27 = vector.broadcast %add3A_26 : i32 to vector<16xi32>
    %add3A_28 = arith.addi %iota3A, %add3A_27 : vector<16xi32>
    %and3A_29 = arith.constant 15 : i32
    %and3A_30 = vector.broadcast %and3A_29 : i32 to vector<16xi32>
    %and3A_31 = arith.andi %add3A_28, %and3A_30 : vector<16xi32>
    %add3A_32 = arith.addi %mul3A_25, %and3A_31 : vector<16xi32>
    %mul3A_33 = arith.constant 128 : i32
    %mul3A_34 = vector.broadcast %mul3A_33 : i32 to vector<16xi32>
    %mul3A_35 = arith.muli %iota3A, %mul3A_34 : vector<16xi32>
    %add3A_36 = arith.constant 3 : i32
    %add3A_37 = vector.broadcast %add3A_36 : i32 to vector<16xi32>
    %add3A_38 = arith.addi %iota3A, %add3A_37 : vector<16xi32>
    %and3A_39 = arith.constant 15 : i32
    %and3A_40 = vector.broadcast %and3A_39 : i32 to vector<16xi32>
    %and3A_41 = arith.andi %add3A_38, %and3A_40 : vector<16xi32>
    %add3A_42 = arith.addi %mul3A_35, %and3A_41 : vector<16xi32>
    %mul3A_43 = arith.constant 128 : i32
    %mul3A_44 = vector.broadcast %mul3A_43 : i32 to vector<16xi32>
    %mul3A_45 = arith.muli %iota3A, %mul3A_44 : vector<16xi32>
    %add3A_46 = arith.constant 4 : i32
    %add3A_47 = vector.broadcast %add3A_46 : i32 to vector<16xi32>
    %add3A_48 = arith.addi %iota3A, %add3A_47 : vector<16xi32>
    %and3A_49 = arith.constant 15 : i32
    %and3A_50 = vector.broadcast %and3A_49 : i32 to vector<16xi32>
    %and3A_51 = arith.andi %add3A_48, %and3A_50 : vector<16xi32>
    %add3A_52 = arith.addi %mul3A_45, %and3A_51 : vector<16xi32>
    %mul3A_53 = arith.constant 128 : i32
    %mul3A_54 = vector.broadcast %mul3A_53 : i32 to vector<16xi32>
    %mul3A_55 = arith.muli %iota3A, %mul3A_54 : vector<16xi32>
    %add3A_56 = arith.constant 5 : i32
    %add3A_57 = vector.broadcast %add3A_56 : i32 to vector<16xi32>
    %add3A_58 = arith.addi %iota3A, %add3A_57 : vector<16xi32>
    %and3A_59 = arith.constant 15 : i32
    %and3A_60 = vector.broadcast %and3A_59 : i32 to vector<16xi32>
    %and3A_61 = arith.andi %add3A_58, %and3A_60 : vector<16xi32>
    %add3A_62 = arith.addi %mul3A_55, %and3A_61 : vector<16xi32>
    %mul3A_63 = arith.constant 128 : i32
    %mul3A_64 = vector.broadcast %mul3A_63 : i32 to vector<16xi32>
    %mul3A_65 = arith.muli %iota3A, %mul3A_64 : vector<16xi32>
    %add3A_66 = arith.constant 6 : i32
    %add3A_67 = vector.broadcast %add3A_66 : i32 to vector<16xi32>
    %add3A_68 = arith.addi %iota3A, %add3A_67 : vector<16xi32>
    %and3A_69 = arith.constant 15 : i32
    %and3A_70 = vector.broadcast %and3A_69 : i32 to vector<16xi32>
    %and3A_71 = arith.andi %add3A_68, %and3A_70 : vector<16xi32>
    %add3A_72 = arith.addi %mul3A_65, %and3A_71 : vector<16xi32>
    %mul3A_73 = arith.constant 128 : i32
    %mul3A_74 = vector.broadcast %mul3A_73 : i32 to vector<16xi32>
    %mul3A_75 = arith.muli %iota3A, %mul3A_74 : vector<16xi32>
    %add3A_76 = arith.constant 7 : i32
    %add3A_77 = vector.broadcast %add3A_76 : i32 to vector<16xi32>
    %add3A_78 = arith.addi %iota3A, %add3A_77 : vector<16xi32>
    %and3A_79 = arith.constant 15 : i32
    %and3A_80 = vector.broadcast %and3A_79 : i32 to vector<16xi32>
    %and3A_81 = arith.andi %add3A_78, %and3A_80 : vector<16xi32>
    %add3A_82 = arith.addi %mul3A_75, %and3A_81 : vector<16xi32>
    %mul3A_83 = arith.constant 128 : i32
    %mul3A_84 = vector.broadcast %mul3A_83 : i32 to vector<16xi32>
    %mul3A_85 = arith.muli %iota3A, %mul3A_84 : vector<16xi32>
    %add3A_86 = arith.constant 8 : i32
    %add3A_87 = vector.broadcast %add3A_86 : i32 to vector<16xi32>
    %add3A_88 = arith.addi %iota3A, %add3A_87 : vector<16xi32>
    %and3A_89 = arith.constant 15 : i32
    %and3A_90 = vector.broadcast %and3A_89 : i32 to vector<16xi32>
    %and3A_91 = arith.andi %add3A_88, %and3A_90 : vector<16xi32>
    %add3A_92 = arith.addi %mul3A_85, %and3A_91 : vector<16xi32>
    %mul3A_93 = arith.constant 128 : i32
    %mul3A_94 = vector.broadcast %mul3A_93 : i32 to vector<16xi32>
    %mul3A_95 = arith.muli %iota3A, %mul3A_94 : vector<16xi32>
    %add3A_96 = arith.constant 9 : i32
    %add3A_97 = vector.broadcast %add3A_96 : i32 to vector<16xi32>
    %add3A_98 = arith.addi %iota3A, %add3A_97 : vector<16xi32>
    %and3A_99 = arith.constant 15 : i32
    %and3A_100 = vector.broadcast %and3A_99 : i32 to vector<16xi32>
    %and3A_101 = arith.andi %add3A_98, %and3A_100 : vector<16xi32>
    %add3A_102 = arith.addi %mul3A_95, %and3A_101 : vector<16xi32>
    %mul3A_103 = arith.constant 128 : i32
    %mul3A_104 = vector.broadcast %mul3A_103 : i32 to vector<16xi32>
    %mul3A_105 = arith.muli %iota3A, %mul3A_104 : vector<16xi32>
    %add3A_106 = arith.constant 10 : i32
    %add3A_107 = vector.broadcast %add3A_106 : i32 to vector<16xi32>
    %add3A_108 = arith.addi %iota3A, %add3A_107 : vector<16xi32>
    %and3A_109 = arith.constant 15 : i32
    %and3A_110 = vector.broadcast %and3A_109 : i32 to vector<16xi32>
    %and3A_111 = arith.andi %add3A_108, %and3A_110 : vector<16xi32>
    %add3A_112 = arith.addi %mul3A_105, %and3A_111 : vector<16xi32>
    %mul3A_113 = arith.constant 128 : i32
    %mul3A_114 = vector.broadcast %mul3A_113 : i32 to vector<16xi32>
    %mul3A_115 = arith.muli %iota3A, %mul3A_114 : vector<16xi32>
    %add3A_116 = arith.constant 11 : i32
    %add3A_117 = vector.broadcast %add3A_116 : i32 to vector<16xi32>
    %add3A_118 = arith.addi %iota3A, %add3A_117 : vector<16xi32>
    %and3A_119 = arith.constant 15 : i32
    %and3A_120 = vector.broadcast %and3A_119 : i32 to vector<16xi32>
    %and3A_121 = arith.andi %add3A_118, %and3A_120 : vector<16xi32>
    %add3A_122 = arith.addi %mul3A_115, %and3A_121 : vector<16xi32>
    %mul3A_123 = arith.constant 128 : i32
    %mul3A_124 = vector.broadcast %mul3A_123 : i32 to vector<16xi32>
    %mul3A_125 = arith.muli %iota3A, %mul3A_124 : vector<16xi32>
    %add3A_126 = arith.constant 12 : i32
    %add3A_127 = vector.broadcast %add3A_126 : i32 to vector<16xi32>
    %add3A_128 = arith.addi %iota3A, %add3A_127 : vector<16xi32>
    %and3A_129 = arith.constant 15 : i32
    %and3A_130 = vector.broadcast %and3A_129 : i32 to vector<16xi32>
    %and3A_131 = arith.andi %add3A_128, %and3A_130 : vector<16xi32>
    %add3A_132 = arith.addi %mul3A_125, %and3A_131 : vector<16xi32>
    %mul3A_133 = arith.constant 128 : i32
    %mul3A_134 = vector.broadcast %mul3A_133 : i32 to vector<16xi32>
    %mul3A_135 = arith.muli %iota3A, %mul3A_134 : vector<16xi32>
    %add3A_136 = arith.constant 13 : i32
    %add3A_137 = vector.broadcast %add3A_136 : i32 to vector<16xi32>
    %add3A_138 = arith.addi %iota3A, %add3A_137 : vector<16xi32>
    %and3A_139 = arith.constant 15 : i32
    %and3A_140 = vector.broadcast %and3A_139 : i32 to vector<16xi32>
    %and3A_141 = arith.andi %add3A_138, %and3A_140 : vector<16xi32>
    %add3A_142 = arith.addi %mul3A_135, %and3A_141 : vector<16xi32>
    %mul3A_143 = arith.constant 128 : i32
    %mul3A_144 = vector.broadcast %mul3A_143 : i32 to vector<16xi32>
    %mul3A_145 = arith.muli %iota3A, %mul3A_144 : vector<16xi32>
    %add3A_146 = arith.constant 14 : i32
    %add3A_147 = vector.broadcast %add3A_146 : i32 to vector<16xi32>
    %add3A_148 = arith.addi %iota3A, %add3A_147 : vector<16xi32>
    %and3A_149 = arith.constant 15 : i32
    %and3A_150 = vector.broadcast %and3A_149 : i32 to vector<16xi32>
    %and3A_151 = arith.andi %add3A_148, %and3A_150 : vector<16xi32>
    %add3A_152 = arith.addi %mul3A_145, %and3A_151 : vector<16xi32>
    %mul3A_153 = arith.constant 128 : i32
    %mul3A_154 = vector.broadcast %mul3A_153 : i32 to vector<16xi32>
    %mul3A_155 = arith.muli %iota3A, %mul3A_154 : vector<16xi32>
    %add3A_156 = arith.constant 15 : i32
    %add3A_157 = vector.broadcast %add3A_156 : i32 to vector<16xi32>
    %add3A_158 = arith.addi %iota3A, %add3A_157 : vector<16xi32>
    %and3A_159 = arith.constant 15 : i32
    %and3A_160 = vector.broadcast %and3A_159 : i32 to vector<16xi32>
    %and3A_161 = arith.andi %add3A_158, %and3A_160 : vector<16xi32>
    %add3A_162 = arith.addi %mul3A_155, %and3A_161 : vector<16xi32>
    %add3A_163 = arith.constant 0 : i32
    %add3A_164 = vector.broadcast %add3A_163 : i32 to vector<16xi32>
    %add3A_165 = arith.addi %iota3A, %add3A_164 : vector<16xi32>
    %and3A_166 = arith.constant 15 : i32
    %and3A_167 = vector.broadcast %and3A_166 : i32 to vector<16xi32>
    %and3A_168 = arith.andi %add3A_165, %and3A_167 : vector<16xi32>
    %mul3A_169 = arith.constant 128 : i32
    %mul3A_170 = vector.broadcast %mul3A_169 : i32 to vector<16xi32>
    %mul3A_171 = arith.muli %and3A_168, %mul3A_170 : vector<16xi32>
    %add3A_172 = arith.addi %mul3A_171, %iota3A : vector<16xi32>
    %add3A_173 = arith.constant 1 : i32
    %add3A_174 = vector.broadcast %add3A_173 : i32 to vector<16xi32>
    %add3A_175 = arith.addi %iota3A, %add3A_174 : vector<16xi32>
    %and3A_176 = arith.constant 15 : i32
    %and3A_177 = vector.broadcast %and3A_176 : i32 to vector<16xi32>
    %and3A_178 = arith.andi %add3A_175, %and3A_177 : vector<16xi32>
    %mul3A_179 = arith.constant 128 : i32
    %mul3A_180 = vector.broadcast %mul3A_179 : i32 to vector<16xi32>
    %mul3A_181 = arith.muli %and3A_178, %mul3A_180 : vector<16xi32>
    %add3A_182 = arith.addi %mul3A_181, %iota3A : vector<16xi32>
    %add3A_183 = arith.constant 2 : i32
    %add3A_184 = vector.broadcast %add3A_183 : i32 to vector<16xi32>
    %add3A_185 = arith.addi %iota3A, %add3A_184 : vector<16xi32>
    %and3A_186 = arith.constant 15 : i32
    %and3A_187 = vector.broadcast %and3A_186 : i32 to vector<16xi32>
    %and3A_188 = arith.andi %add3A_185, %and3A_187 : vector<16xi32>
    %mul3A_189 = arith.constant 128 : i32
    %mul3A_190 = vector.broadcast %mul3A_189 : i32 to vector<16xi32>
    %mul3A_191 = arith.muli %and3A_188, %mul3A_190 : vector<16xi32>
    %add3A_192 = arith.addi %mul3A_191, %iota3A : vector<16xi32>
    %add3A_193 = arith.constant 3 : i32
    %add3A_194 = vector.broadcast %add3A_193 : i32 to vector<16xi32>
    %add3A_195 = arith.addi %iota3A, %add3A_194 : vector<16xi32>
    %and3A_196 = arith.constant 15 : i32
    %and3A_197 = vector.broadcast %and3A_196 : i32 to vector<16xi32>
    %and3A_198 = arith.andi %add3A_195, %and3A_197 : vector<16xi32>
    %mul3A_199 = arith.constant 128 : i32
    %mul3A_200 = vector.broadcast %mul3A_199 : i32 to vector<16xi32>
    %mul3A_201 = arith.muli %and3A_198, %mul3A_200 : vector<16xi32>
    %add3A_202 = arith.addi %mul3A_201, %iota3A : vector<16xi32>
    %add3A_203 = arith.constant 4 : i32
    %add3A_204 = vector.broadcast %add3A_203 : i32 to vector<16xi32>
    %add3A_205 = arith.addi %iota3A, %add3A_204 : vector<16xi32>
    %and3A_206 = arith.constant 15 : i32
    %and3A_207 = vector.broadcast %and3A_206 : i32 to vector<16xi32>
    %and3A_208 = arith.andi %add3A_205, %and3A_207 : vector<16xi32>
    %mul3A_209 = arith.constant 128 : i32
    %mul3A_210 = vector.broadcast %mul3A_209 : i32 to vector<16xi32>
    %mul3A_211 = arith.muli %and3A_208, %mul3A_210 : vector<16xi32>
    %add3A_212 = arith.addi %mul3A_211, %iota3A : vector<16xi32>
    %add3A_213 = arith.constant 5 : i32
    %add3A_214 = vector.broadcast %add3A_213 : i32 to vector<16xi32>
    %add3A_215 = arith.addi %iota3A, %add3A_214 : vector<16xi32>
    %and3A_216 = arith.constant 15 : i32
    %and3A_217 = vector.broadcast %and3A_216 : i32 to vector<16xi32>
    %and3A_218 = arith.andi %add3A_215, %and3A_217 : vector<16xi32>
    %mul3A_219 = arith.constant 128 : i32
    %mul3A_220 = vector.broadcast %mul3A_219 : i32 to vector<16xi32>
    %mul3A_221 = arith.muli %and3A_218, %mul3A_220 : vector<16xi32>
    %add3A_222 = arith.addi %mul3A_221, %iota3A : vector<16xi32>
    %add3A_223 = arith.constant 6 : i32
    %add3A_224 = vector.broadcast %add3A_223 : i32 to vector<16xi32>
    %add3A_225 = arith.addi %iota3A, %add3A_224 : vector<16xi32>
    %and3A_226 = arith.constant 15 : i32
    %and3A_227 = vector.broadcast %and3A_226 : i32 to vector<16xi32>
    %and3A_228 = arith.andi %add3A_225, %and3A_227 : vector<16xi32>
    %mul3A_229 = arith.constant 128 : i32
    %mul3A_230 = vector.broadcast %mul3A_229 : i32 to vector<16xi32>
    %mul3A_231 = arith.muli %and3A_228, %mul3A_230 : vector<16xi32>
    %add3A_232 = arith.addi %mul3A_231, %iota3A : vector<16xi32>
    %add3A_233 = arith.constant 7 : i32
    %add3A_234 = vector.broadcast %add3A_233 : i32 to vector<16xi32>
    %add3A_235 = arith.addi %iota3A, %add3A_234 : vector<16xi32>
    %and3A_236 = arith.constant 15 : i32
    %and3A_237 = vector.broadcast %and3A_236 : i32 to vector<16xi32>
    %and3A_238 = arith.andi %add3A_235, %and3A_237 : vector<16xi32>
    %mul3A_239 = arith.constant 128 : i32
    %mul3A_240 = vector.broadcast %mul3A_239 : i32 to vector<16xi32>
    %mul3A_241 = arith.muli %and3A_238, %mul3A_240 : vector<16xi32>
    %add3A_242 = arith.addi %mul3A_241, %iota3A : vector<16xi32>
    %add3A_243 = arith.constant 8 : i32
    %add3A_244 = vector.broadcast %add3A_243 : i32 to vector<16xi32>
    %add3A_245 = arith.addi %iota3A, %add3A_244 : vector<16xi32>
    %and3A_246 = arith.constant 15 : i32
    %and3A_247 = vector.broadcast %and3A_246 : i32 to vector<16xi32>
    %and3A_248 = arith.andi %add3A_245, %and3A_247 : vector<16xi32>
    %mul3A_249 = arith.constant 128 : i32
    %mul3A_250 = vector.broadcast %mul3A_249 : i32 to vector<16xi32>
    %mul3A_251 = arith.muli %and3A_248, %mul3A_250 : vector<16xi32>
    %add3A_252 = arith.addi %mul3A_251, %iota3A : vector<16xi32>
    %add3A_253 = arith.constant 9 : i32
    %add3A_254 = vector.broadcast %add3A_253 : i32 to vector<16xi32>
    %add3A_255 = arith.addi %iota3A, %add3A_254 : vector<16xi32>
    %and3A_256 = arith.constant 15 : i32
    %and3A_257 = vector.broadcast %and3A_256 : i32 to vector<16xi32>
    %and3A_258 = arith.andi %add3A_255, %and3A_257 : vector<16xi32>
    %mul3A_259 = arith.constant 128 : i32
    %mul3A_260 = vector.broadcast %mul3A_259 : i32 to vector<16xi32>
    %mul3A_261 = arith.muli %and3A_258, %mul3A_260 : vector<16xi32>
    %add3A_262 = arith.addi %mul3A_261, %iota3A : vector<16xi32>
    %add3A_263 = arith.constant 10 : i32
    %add3A_264 = vector.broadcast %add3A_263 : i32 to vector<16xi32>
    %add3A_265 = arith.addi %iota3A, %add3A_264 : vector<16xi32>
    %and3A_266 = arith.constant 15 : i32
    %and3A_267 = vector.broadcast %and3A_266 : i32 to vector<16xi32>
    %and3A_268 = arith.andi %add3A_265, %and3A_267 : vector<16xi32>
    %mul3A_269 = arith.constant 128 : i32
    %mul3A_270 = vector.broadcast %mul3A_269 : i32 to vector<16xi32>
    %mul3A_271 = arith.muli %and3A_268, %mul3A_270 : vector<16xi32>
    %add3A_272 = arith.addi %mul3A_271, %iota3A : vector<16xi32>
    %add3A_273 = arith.constant 11 : i32
    %add3A_274 = vector.broadcast %add3A_273 : i32 to vector<16xi32>
    %add3A_275 = arith.addi %iota3A, %add3A_274 : vector<16xi32>
    %and3A_276 = arith.constant 15 : i32
    %and3A_277 = vector.broadcast %and3A_276 : i32 to vector<16xi32>
    %and3A_278 = arith.andi %add3A_275, %and3A_277 : vector<16xi32>
    %mul3A_279 = arith.constant 128 : i32
    %mul3A_280 = vector.broadcast %mul3A_279 : i32 to vector<16xi32>
    %mul3A_281 = arith.muli %and3A_278, %mul3A_280 : vector<16xi32>
    %add3A_282 = arith.addi %mul3A_281, %iota3A : vector<16xi32>
    %add3A_283 = arith.constant 12 : i32
    %add3A_284 = vector.broadcast %add3A_283 : i32 to vector<16xi32>
    %add3A_285 = arith.addi %iota3A, %add3A_284 : vector<16xi32>
    %and3A_286 = arith.constant 15 : i32
    %and3A_287 = vector.broadcast %and3A_286 : i32 to vector<16xi32>
    %and3A_288 = arith.andi %add3A_285, %and3A_287 : vector<16xi32>
    %mul3A_289 = arith.constant 128 : i32
    %mul3A_290 = vector.broadcast %mul3A_289 : i32 to vector<16xi32>
    %mul3A_291 = arith.muli %and3A_288, %mul3A_290 : vector<16xi32>
    %add3A_292 = arith.addi %mul3A_291, %iota3A : vector<16xi32>
    %add3A_293 = arith.constant 13 : i32
    %add3A_294 = vector.broadcast %add3A_293 : i32 to vector<16xi32>
    %add3A_295 = arith.addi %iota3A, %add3A_294 : vector<16xi32>
    %and3A_296 = arith.constant 15 : i32
    %and3A_297 = vector.broadcast %and3A_296 : i32 to vector<16xi32>
    %and3A_298 = arith.andi %add3A_295, %and3A_297 : vector<16xi32>
    %mul3A_299 = arith.constant 128 : i32
    %mul3A_300 = vector.broadcast %mul3A_299 : i32 to vector<16xi32>
    %mul3A_301 = arith.muli %and3A_298, %mul3A_300 : vector<16xi32>
    %add3A_302 = arith.addi %mul3A_301, %iota3A : vector<16xi32>
    %add3A_303 = arith.constant 14 : i32
    %add3A_304 = vector.broadcast %add3A_303 : i32 to vector<16xi32>
    %add3A_305 = arith.addi %iota3A, %add3A_304 : vector<16xi32>
    %and3A_306 = arith.constant 15 : i32
    %and3A_307 = vector.broadcast %and3A_306 : i32 to vector<16xi32>
    %and3A_308 = arith.andi %add3A_305, %and3A_307 : vector<16xi32>
    %mul3A_309 = arith.constant 128 : i32
    %mul3A_310 = vector.broadcast %mul3A_309 : i32 to vector<16xi32>
    %mul3A_311 = arith.muli %and3A_308, %mul3A_310 : vector<16xi32>
    %add3A_312 = arith.addi %mul3A_311, %iota3A : vector<16xi32>
    %add3A_313 = arith.constant 15 : i32
    %add3A_314 = vector.broadcast %add3A_313 : i32 to vector<16xi32>
    %add3A_315 = arith.addi %iota3A, %add3A_314 : vector<16xi32>
    %and3A_316 = arith.constant 15 : i32
    %and3A_317 = vector.broadcast %and3A_316 : i32 to vector<16xi32>
    %and3A_318 = arith.andi %add3A_315, %and3A_317 : vector<16xi32>
    %mul3A_319 = arith.constant 128 : i32
    %mul3A_320 = vector.broadcast %mul3A_319 : i32 to vector<16xi32>
    %mul3A_321 = arith.muli %and3A_318, %mul3A_320 : vector<16xi32>
    %add3A_322 = arith.addi %mul3A_321, %iota3A : vector<16xi32>
    %dma_start3A = arith.constant 0 : i32
    %dma_start3A_323 = arith.constant 0 : i32
    %dma_start3A_324 = tpu.memref_slice %arg5[%dma_start3A, %dma_start3A_323] : memref<200x128xi32, #tpu.memory_space<vmem>> -> memref<1x128xi32, #tpu.memory_space<vmem>>
    %dma_start3A_325 = tpu.memref_squeeze %dma_start3A_324 : memref<1x128xi32, #tpu.memory_space<vmem>> -> memref<128xi32, #tpu.memory_space<vmem>>
    %dma_start3A_326 = arith.constant 0 : i32
    %dma_start3A_327 = arith.constant 0 : i32
    %dma_start3A_328 = tpu.memref_slice %arg3[%dma_start3A_326, %dma_start3A_327] : memref<1000064x128xf32, #tpu.memory_space<hbm>> -> memref<1000064x128xf32, #tpu.memory_space<hbm>>
    tpu.enqueue_indirect_dma source(%dma_start3A_328 : memref<1000064x128xf32, #tpu.memory_space<hbm>>) target(%arg6 : memref<128x128xf32, #tpu.memory_space<vmem>>) offsets(%dma_start3A_325 : memref<128xi32, #tpu.memory_space<vmem>>) semaphore(%arg10 : memref<!tpu.dma_semaphore, #tpu.memory_space<semaphore_mem>>)
    %dma_start3A_329 = arith.constant 1 : i32
    %dma_start3A_330 = arith.constant 0 : i32
    %dma_start3A_331 = tpu.memref_slice %arg5[%dma_start3A_329, %dma_start3A_330] : memref<200x128xi32, #tpu.memory_space<vmem>> -> memref<1x128xi32, #tpu.memory_space<vmem>>
    %dma_start3A_332 = tpu.memref_squeeze %dma_start3A_331 : memref<1x128xi32, #tpu.memory_space<vmem>> -> memref<128xi32, #tpu.memory_space<vmem>>
    %dma_start3A_333 = arith.constant 0 : i32
    %dma_start3A_334 = arith.constant 0 : i32
    %dma_start3A_335 = tpu.memref_slice %arg3[%dma_start3A_333, %dma_start3A_334] : memref<1000064x128xf32, #tpu.memory_space<hbm>> -> memref<1000064x128xf32, #tpu.memory_space<hbm>>
    tpu.enqueue_indirect_dma source(%dma_start3A_335 : memref<1000064x128xf32, #tpu.memory_space<hbm>>) target(%arg7 : memref<128x128xf32, #tpu.memory_space<vmem>>) offsets(%dma_start3A_332 : memref<128xi32, #tpu.memory_space<vmem>>) semaphore(%arg11 : memref<!tpu.dma_semaphore, #tpu.memory_space<semaphore_mem>>)
    %dma_start3A_336 = arith.constant 0 : i32
    %dma_start3A_337 = arith.constant 0 : i32
    %dma_start3A_338 = tpu.memref_slice %arg4[%dma_start3A_336, %dma_start3A_337, %mul3A_2] : memref<200x64x4096xf32, #tpu.memory_space<hbm>> -> memref<1x64x128xf32, #tpu.memory_space<hbm>>
    %dma_start3A_339 = tpu.memref_squeeze %dma_start3A_338 : memref<1x64x128xf32, #tpu.memory_space<hbm>> -> memref<64x128xf32, #tpu.memory_space<hbm>>
    %dma_start3A_340 = arith.constant 0 : i32
    %dma_start3A_341 = tpu.memref_slice %arg4[%dma_start3A_336, %dma_start3A_340, %mul3A_2] : memref<200x64x4096xf32, #tpu.memory_space<hbm>> -> memref<1x64x128xf32, #tpu.memory_space<hbm>>
    %dma_start3A_342 = tpu.memref_squeeze %dma_start3A_341 : memref<1x64x128xf32, #tpu.memory_space<hbm>> -> memref<64x128xf32, #tpu.memory_space<hbm>>
    tpu.enqueue_dma source(%arg8 : memref<64x128xf32, #tpu.memory_space<vmem>>) target(%dma_start3A_342 : memref<64x128xf32, #tpu.memory_space<hbm>>) target_semaphore(%arg12 : memref<!tpu.dma_semaphore, #tpu.memory_space<semaphore_mem>>)
    %dma_start3A_343 = arith.constant 1 : i32
    %dma_start3A_344 = arith.constant 0 : i32
    %dma_start3A_345 = tpu.memref_slice %arg4[%dma_start3A_343, %dma_start3A_344, %mul3A_2] : memref<200x64x4096xf32, #tpu.memory_space<hbm>> -> memref<1x64x128xf32, #tpu.memory_space<hbm>>
    %dma_start3A_346 = tpu.memref_squeeze %dma_start3A_345 : memref<1x64x128xf32, #tpu.memory_space<hbm>> -> memref<64x128xf32, #tpu.memory_space<hbm>>
    %dma_start3A_347 = arith.constant 0 : i32
    %dma_start3A_348 = tpu.memref_slice %arg4[%dma_start3A_343, %dma_start3A_347, %mul3A_2] : memref<200x64x4096xf32, #tpu.memory_space<hbm>> -> memref<1x64x128xf32, #tpu.memory_space<hbm>>
    %dma_start3A_349 = tpu.memref_squeeze %dma_start3A_348 : memref<1x64x128xf32, #tpu.memory_space<hbm>> -> memref<64x128xf32, #tpu.memory_space<hbm>>
    tpu.enqueue_dma source(%arg9 : memref<64x128xf32, #tpu.memory_space<vmem>>) target(%dma_start3A_349 : memref<64x128xf32, #tpu.memory_space<hbm>>) target_semaphore(%arg13 : memref<!tpu.dma_semaphore, #tpu.memory_space<semaphore_mem>>)
    %scan3A = arith.constant 0 : i32
    %scan3A_350 = arith.constant 0 : i32
    %scan3A_351 = arith.constant 99 : i32
    %scan3A_352 = arith.addi %scan3A_350, %scan3A_351 : i32
    %scan3A_353 = arith.constant 1 : i32
    scf.for %scan3A_422 = %scan3A_350 to %scan3A_352 step %scan3A_353  : i32 {
      %mul3A_423 = arith.constant 2 : i32
      %mul3A_424 = arith.muli %mul3A_423, %scan3A_422 : i32
      %add3A_425 = arith.constant 0 : i32
      %add3A_426 = arith.addi %mul3A_424, %add3A_425 : i32
      %dma_wait3A_427 = arith.constant 0 : i32
      %dma_wait3A_428 = arith.constant 0 : i32
      %dma_wait3A_429 = tpu.memref_slice %arg5[%dma_wait3A_427, %dma_wait3A_428] : memref<200x128xi32, #tpu.memory_space<vmem>> -> memref<1x128xi32, #tpu.memory_space<vmem>>
      %dma_wait3A_430 = tpu.memref_squeeze %dma_wait3A_429 : memref<1x128xi32, #tpu.memory_space<vmem>> -> memref<128xi32, #tpu.memory_space<vmem>>
      %dma_wait3A_431 = arith.constant 0 : i32
      %dma_wait3A_432 = arith.constant 0 : i32
      %dma_wait3A_433 = tpu.memref_slice %arg3[%dma_wait3A_431, %dma_wait3A_432] : memref<1000064x128xf32, #tpu.memory_space<hbm>> -> memref<1000064x128xf32, #tpu.memory_space<hbm>>
      tpu.wait_indirect_dma semaphore(%arg10 : memref<!tpu.dma_semaphore, #tpu.memory_space<semaphore_mem>>) src(%dma_wait3A_433 : memref<1000064x128xf32, #tpu.memory_space<hbm>>) dst(%arg6 : memref<128x128xf32, #tpu.memory_space<vmem>>)
      %dma_wait3A_434 = arith.constant 0 : i32
      %dma_wait3A_435 = arith.constant 0 : i32
      %dma_wait3A_436 = tpu.memref_slice %arg4[%dma_wait3A_434, %dma_wait3A_435, %mul3A_2] : memref<200x64x4096xf32, #tpu.memory_space<hbm>> -> memref<1x64x128xf32, #tpu.memory_space<hbm>>
      %dma_wait3A_437 = tpu.memref_squeeze %dma_wait3A_436 : memref<1x64x128xf32, #tpu.memory_space<hbm>> -> memref<64x128xf32, #tpu.memory_space<hbm>>
      %dma_wait3A_438 = arith.constant 0 : i32
      %dma_wait3A_439 = tpu.memref_slice %arg4[%dma_wait3A_434, %dma_wait3A_438, %mul3A_2] : memref<200x64x4096xf32, #tpu.memory_space<hbm>> -> memref<1x64x128xf32, #tpu.memory_space<hbm>>
      %dma_wait3A_440 = tpu.memref_squeeze %dma_wait3A_439 : memref<1x64x128xf32, #tpu.memory_space<hbm>> -> memref<64x128xf32, #tpu.memory_space<hbm>>
      tpu.wait_dma2 semaphore(%arg12 : memref<!tpu.dma_semaphore, #tpu.memory_space<semaphore_mem>>) src(%arg8 : memref<64x128xf32, #tpu.memory_space<vmem>>) dst(%dma_wait3A_440 : memref<64x128xf32, #tpu.memory_space<hbm>>)
      %scan3A_441 = arith.constant 0 : i32
      %scan3A_442 = arith.constant 0 : i32
      %scan3A_443 = arith.constant 32 : i32
      %scan3A_444 = arith.addi %scan3A_442, %scan3A_443 : i32
      %scan3A_445 = arith.constant 1 : i32
      scf.for %scan3A_499 = %scan3A_442 to %scan3A_444 step %scan3A_445  : i32 {
        %jit3A = arith.constant 4 : i32
        %div3A = arith.divsi %scan3A_499, %jit3A : i32
        %sign3A = arith.constant 0 : i32
        %sign3A_500 = arith.cmpi sgt, %scan3A_499, %sign3A : i32
        %sign3A_501 = arith.extui %sign3A_500 : i1 to i32
        %sign3A_502 = arith.constant 0 : i32
        %sign3A_503 = arith.cmpi slt, %scan3A_499, %sign3A_502 : i32
        %sign3A_504 = arith.extui %sign3A_503 : i1 to i32
        %sign3A_505 = arith.subi %sign3A_501, %sign3A_504 : i32
        %sign3A_506 = arith.constant 0 : i32
        %sign3A_507 = arith.cmpi sgt, %jit3A, %sign3A_506 : i32
        %sign3A_508 = arith.extui %sign3A_507 : i1 to i32
        %sign3A_509 = arith.constant 0 : i32
        %sign3A_510 = arith.cmpi slt, %jit3A, %sign3A_509 : i32
        %sign3A_511 = arith.extui %sign3A_510 : i1 to i32
        %sign3A_512 = arith.subi %sign3A_508, %sign3A_511 : i32
        %ne3A = arith.cmpi ne, %sign3A_505, %sign3A_512 : i32
        %rem3A = arith.remsi %scan3A_499, %jit3A : i32
        %ne3A_513 = arith.constant 0 : i32
        %ne3A_514 = arith.cmpi ne, %rem3A, %ne3A_513 : i32
        %and3A_515 = arith.andi %ne3A, %ne3A_514 : i1
        %sub3A = arith.constant 1 : i32
        %sub3A_516 = arith.subi %div3A, %sub3A : i32
        %select_n3A = arith.select %and3A_515, %sub3A_516, %div3A : i32
        %mul3A_517 = arith.constant 4 : i32
        %mul3A_518 = arith.muli %select_n3A, %mul3A_517 : i32
        %sub3A_519 = arith.subi %scan3A_499, %mul3A_518 : i32
        %mul3A_520 = arith.constant 2048 : i32
        %mul3A_521 = arith.muli %select_n3A, %mul3A_520 : i32
        %mul3A_522 = arith.constant 16 : i32
        %mul3A_523 = arith.muli %sub3A_519, %mul3A_522 : i32
        %add3A_524 = arith.addi %mul3A_521, %mul3A_523 : i32
        %add3A_525 = vector.broadcast %add3A_524 : i32 to vector<16xi32>
        %add3A_526 = arith.addi %broadcast_in_dim3A_3, %add3A_525 : vector<16xi32>
        %mul3A_527 = arith.constant 2048 : i32
        %mul3A_528 = arith.muli %sub3A_519, %mul3A_527 : i32
        %mul3A_529 = arith.constant 16 : i32
        %mul3A_530 = arith.muli %select_n3A, %mul3A_529 : i32
        %add3A_531 = arith.addi %mul3A_528, %mul3A_530 : i32
        %add3A_532 = vector.broadcast %add3A_531 : i32 to vector<16xi32>
        %add3A_533 = arith.addi %broadcast_in_dim3A_3, %add3A_532 : vector<16xi32>
        %add3A_534 = arith.addi %add3A_12, %add3A_526 : vector<16xi32>
        %gather3A = tpu.vector_load_idx %arg6[%broadcast_in_dim3A_3, %add3A_534] : memref<128x128xf32, #tpu.memory_space<vmem>>[vector<16xi32>, vector<16xi32>], vector<16xf32>,
        %add3A_535 = arith.addi %add3A_22, %add3A_526 : vector<16xi32>
        %gather3A_536 = tpu.vector_load_idx %arg6[%broadcast_in_dim3A_3, %add3A_535] : memref<128x128xf32, #tpu.memory_space<vmem>>[vector<16xi32>, vector<16xi32>], vector<16xf32>,
        %add3A_537 = arith.addi %add3A_32, %add3A_526 : vector<16xi32>
        %gather3A_538 = tpu.vector_load_idx %arg6[%broadcast_in_dim3A_3, %add3A_537] : memref<128x128xf32, #tpu.memory_space<vmem>>[vector<16xi32>, vector<16xi32>], vector<16xf32>,
        %add3A_539 = arith.addi %add3A_42, %add3A_526 : vector<16xi32>
        %gather3A_540 = tpu.vector_load_idx %arg6[%broadcast_in_dim3A_3, %add3A_539] : memref<128x128xf32, #tpu.memory_space<vmem>>[vector<16xi32>, vector<16xi32>], vector<16xf32>,
        %add3A_541 = arith.addi %add3A_52, %add3A_526 : vector<16xi32>
        %gather3A_542 = tpu.vector_load_idx %arg6[%broadcast_in_dim3A_3, %add3A_541] : memref<128x128xf32, #tpu.memory_space<vmem>>[vector<16xi32>, vector<16xi32>], vector<16xf32>,
        %add3A_543 = arith.addi %add3A_62, %add3A_526 : vector<16xi32>
        %gather3A_544 = tpu.vector_load_idx %arg6[%broadcast_in_dim3A_3, %add3A_543] : memref<128x128xf32, #tpu.memory_space<vmem>>[vector<16xi32>, vector<16xi32>], vector<16xf32>,
        %add3A_545 = arith.addi %add3A_72, %add3A_526 : vector<16xi32>
        %gather3A_546 = tpu.vector_load_idx %arg6[%broadcast_in_dim3A_3, %add3A_545] : memref<128x128xf32, #tpu.memory_space<vmem>>[vector<16xi32>, vector<16xi32>], vector<16xf32>,
        %add3A_547 = arith.addi %add3A_82, %add3A_526 : vector<16xi32>
        %gather3A_548 = tpu.vector_load_idx %arg6[%broadcast_in_dim3A_3, %add3A_547] : memref<128x128xf32, #tpu.memory_space<vmem>>[vector<16xi32>, vector<16xi32>], vector<16xf32>,
        %add3A_549 = arith.addi %add3A_92, %add3A_526 : vector<16xi32>
        %gather3A_550 = tpu.vector_load_idx %arg6[%broadcast_in_dim3A_3, %add3A_549] : memref<128x128xf32, #tpu.memory_space<vmem>>[vector<16xi32>, vector<16xi32>], vector<16xf32>,
        %add3A_551 = arith.addi %add3A_102, %add3A_526 : vector<16xi32>
        %gather3A_552 = tpu.vector_load_idx %arg6[%broadcast_in_dim3A_3, %add3A_551] : memref<128x128xf32, #tpu.memory_space<vmem>>[vector<16xi32>, vector<16xi32>], vector<16xf32>,
        %add3A_553 = arith.addi %add3A_112, %add3A_526 : vector<16xi32>
        %gather3A_554 = tpu.vector_load_idx %arg6[%broadcast_in_dim3A_3, %add3A_553] : memref<128x128xf32, #tpu.memory_space<vmem>>[vector<16xi32>, vector<16xi32>], vector<16xf32>,
        %add3A_555 = arith.addi %add3A_122, %add3A_526 : vector<16xi32>
        %gather3A_556 = tpu.vector_load_idx %arg6[%broadcast_in_dim3A_3, %add3A_555] : memref<128x128xf32, #tpu.memory_space<vmem>>[vector<16xi32>, vector<16xi32>], vector<16xf32>,
        %add3A_557 = arith.addi %add3A_132, %add3A_526 : vector<16xi32>
        %gather3A_558 = tpu.vector_load_idx %arg6[%broadcast_in_dim3A_3, %add3A_557] : memref<128x128xf32, #tpu.memory_space<vmem>>[vector<16xi32>, vector<16xi32>], vector<16xf32>,
        %add3A_559 = arith.addi %add3A_142, %add3A_526 : vector<16xi32>
        %gather3A_560 = tpu.vector_load_idx %arg6[%broadcast_in_dim3A_3, %add3A_559] : memref<128x128xf32, #tpu.memory_space<vmem>>[vector<16xi32>, vector<16xi32>], vector<16xf32>,
        %add3A_561 = arith.addi %add3A_152, %add3A_526 : vector<16xi32>
        %gather3A_562 = tpu.vector_load_idx %arg6[%broadcast_in_dim3A_3, %add3A_561] : memref<128x128xf32, #tpu.memory_space<vmem>>[vector<16xi32>, vector<16xi32>], vector<16xf32>,
        %add3A_563 = arith.addi %add3A_162, %add3A_526 : vector<16xi32>
        %gather3A_564 = tpu.vector_load_idx %arg6[%broadcast_in_dim3A_3, %add3A_563] : memref<128x128xf32, #tpu.memory_space<vmem>>[vector<16xi32>, vector<16xi32>], vector<16xf32>,
        %add3A_565 = arith.addi %add3A_172, %add3A_533 : vector<16xi32>
        tpu.vector_store_idx %arg8[%broadcast_in_dim3A_3, %add3A_565], %gather3A : memref<64x128xf32, #tpu.memory_space<vmem>>[vector<16xi32>, vector<16xi32>], vector<16xf32>,
        %add3A_566 = arith.addi %add3A_182, %add3A_533 : vector<16xi32>
        tpu.vector_store_idx %arg8[%broadcast_in_dim3A_3, %add3A_566], %gather3A_536 : memref<64x128xf32, #tpu.memory_space<vmem>>[vector<16xi32>, vector<16xi32>], vector<16xf32>,
        %add3A_567 = arith.addi %add3A_192, %add3A_533 : vector<16xi32>
        tpu.vector_store_idx %arg8[%broadcast_in_dim3A_3, %add3A_567], %gather3A_538 : memref<64x128xf32, #tpu.memory_space<vmem>>[vector<16xi32>, vector<16xi32>], vector<16xf32>,
        %add3A_568 = arith.addi %add3A_202, %add3A_533 : vector<16xi32>
        tpu.vector_store_idx %arg8[%broadcast_in_dim3A_3, %add3A_568], %gather3A_540 : memref<64x128xf32, #tpu.memory_space<vmem>>[vector<16xi32>, vector<16xi32>], vector<16xf32>,
        %add3A_569 = arith.addi %add3A_212, %add3A_533 : vector<16xi32>
        tpu.vector_store_idx %arg8[%broadcast_in_dim3A_3, %add3A_569], %gather3A_542 : memref<64x128xf32, #tpu.memory_space<vmem>>[vector<16xi32>, vector<16xi32>], vector<16xf32>,
        %add3A_570 = arith.addi %add3A_222, %add3A_533 : vector<16xi32>
        tpu.vector_store_idx %arg8[%broadcast_in_dim3A_3, %add3A_570], %gather3A_544 : memref<64x128xf32, #tpu.memory_space<vmem>>[vector<16xi32>, vector<16xi32>], vector<16xf32>,
        %add3A_571 = arith.addi %add3A_232, %add3A_533 : vector<16xi32>
        tpu.vector_store_idx %arg8[%broadcast_in_dim3A_3, %add3A_571], %gather3A_546 : memref<64x128xf32, #tpu.memory_space<vmem>>[vector<16xi32>, vector<16xi32>], vector<16xf32>,
        %add3A_572 = arith.addi %add3A_242, %add3A_533 : vector<16xi32>
        tpu.vector_store_idx %arg8[%broadcast_in_dim3A_3, %add3A_572], %gather3A_548 : memref<64x128xf32, #tpu.memory_space<vmem>>[vector<16xi32>, vector<16xi32>], vector<16xf32>,
        %add3A_573 = arith.addi %add3A_252, %add3A_533 : vector<16xi32>
        tpu.vector_store_idx %arg8[%broadcast_in_dim3A_3, %add3A_573], %gather3A_550 : memref<64x128xf32, #tpu.memory_space<vmem>>[vector<16xi32>, vector<16xi32>], vector<16xf32>,
        %add3A_574 = arith.addi %add3A_262, %add3A_533 : vector<16xi32>
        tpu.vector_store_idx %arg8[%broadcast_in_dim3A_3, %add3A_574], %gather3A_552 : memref<64x128xf32, #tpu.memory_space<vmem>>[vector<16xi32>, vector<16xi32>], vector<16xf32>,
        %add3A_575 = arith.addi %add3A_272, %add3A_533 : vector<16xi32>
        tpu.vector_store_idx %arg8[%broadcast_in_dim3A_3, %add3A_575], %gather3A_554 : memref<64x128xf32, #tpu.memory_space<vmem>>[vector<16xi32>, vector<16xi32>], vector<16xf32>,
        %add3A_576 = arith.addi %add3A_282, %add3A_533 : vector<16xi32>
        tpu.vector_store_idx %arg8[%broadcast_in_dim3A_3, %add3A_576], %gather3A_556 : memref<64x128xf32, #tpu.memory_space<vmem>>[vector<16xi32>, vector<16xi32>], vector<16xf32>,
        %add3A_577 = arith.addi %add3A_292, %add3A_533 : vector<16xi32>
        tpu.vector_store_idx %arg8[%broadcast_in_dim3A_3, %add3A_577], %gather3A_558 : memref<64x128xf32, #tpu.memory_space<vmem>>[vector<16xi32>, vector<16xi32>], vector<16xf32>,
        %add3A_578 = arith.addi %add3A_302, %add3A_533 : vector<16xi32>
        tpu.vector_store_idx %arg8[%broadcast_in_dim3A_3, %add3A_578], %gather3A_560 : memref<64x128xf32, #tpu.memory_space<vmem>>[vector<16xi32>, vector<16xi32>], vector<16xf32>,
        %add3A_579 = arith.addi %add3A_312, %add3A_533 : vector<16xi32>
        tpu.vector_store_idx %arg8[%broadcast_in_dim3A_3, %add3A_579], %gather3A_562 : memref<64x128xf32, #tpu.memory_space<vmem>>[vector<16xi32>, vector<16xi32>], vector<16xf32>,
        %add3A_580 = arith.addi %add3A_322, %add3A_533 : vector<16xi32>
        tpu.vector_store_idx %arg8[%broadcast_in_dim3A_3, %add3A_580], %gather3A_564 : memref<64x128xf32, #tpu.memory_space<vmem>>[vector<16xi32>, vector<16xi32>], vector<16xf32>,
      }
      %scan3A_446 = arith.constant 32 : i32
      %add3A_447 = arith.constant 2 : i32
      %add3A_448 = arith.addi %add3A_426, %add3A_447 : i32
      %dma_start3A_449 = arith.constant 0 : i32
      %dma_start3A_450 = tpu.memref_slice %arg5[%add3A_448, %dma_start3A_449] : memref<200x128xi32, #tpu.memory_space<vmem>> -> memref<1x128xi32, #tpu.memory_space<vmem>>
      %dma_start3A_451 = tpu.memref_squeeze %dma_start3A_450 : memref<1x128xi32, #tpu.memory_space<vmem>> -> memref<128xi32, #tpu.memory_space<vmem>>
      %dma_start3A_452 = arith.constant 0 : i32
      %dma_start3A_453 = arith.constant 0 : i32
      %dma_start3A_454 = tpu.memref_slice %arg3[%dma_start3A_452, %dma_start3A_453] : memref<1000064x128xf32, #tpu.memory_space<hbm>> -> memref<1000064x128xf32, #tpu.memory_space<hbm>>
      tpu.enqueue_indirect_dma source(%dma_start3A_454 : memref<1000064x128xf32, #tpu.memory_space<hbm>>) target(%arg6 : memref<128x128xf32, #tpu.memory_space<vmem>>) offsets(%dma_start3A_451 : memref<128xi32, #tpu.memory_space<vmem>>) semaphore(%arg10 : memref<!tpu.dma_semaphore, #tpu.memory_space<semaphore_mem>>)
      %dma_start3A_455 = arith.constant 0 : i32
      %dma_start3A_456 = tpu.memref_slice %arg4[%add3A_426, %dma_start3A_455, %mul3A_2] : memref<200x64x4096xf32, #tpu.memory_space<hbm>> -> memref<1x64x128xf32, #tpu.memory_space<hbm>>
      %dma_start3A_457 = tpu.memref_squeeze %dma_start3A_456 : memref<1x64x128xf32, #tpu.memory_space<hbm>> -> memref<64x128xf32, #tpu.memory_space<hbm>>
      %dma_start3A_458 = arith.constant 0 : i32
      %dma_start3A_459 = tpu.memref_slice %arg4[%add3A_426, %dma_start3A_458, %mul3A_2] : memref<200x64x4096xf32, #tpu.memory_space<hbm>> -> memref<1x64x128xf32, #tpu.memory_space<hbm>>
      %dma_start3A_460 = tpu.memref_squeeze %dma_start3A_459 : memref<1x64x128xf32, #tpu.memory_space<hbm>> -> memref<64x128xf32, #tpu.memory_space<hbm>>
      tpu.enqueue_dma source(%arg8 : memref<64x128xf32, #tpu.memory_space<vmem>>) target(%dma_start3A_460 : memref<64x128xf32, #tpu.memory_space<hbm>>) target_semaphore(%arg12 : memref<!tpu.dma_semaphore, #tpu.memory_space<semaphore_mem>>)
      %mul3A_461 = arith.constant 2 : i32
      %mul3A_462 = arith.muli %mul3A_461, %scan3A_422 : i32
      %add3A_463 = arith.constant 1 : i32
      %add3A_464 = arith.addi %mul3A_462, %add3A_463 : i32
      %dma_wait3A_465 = arith.constant 0 : i32
      %dma_wait3A_466 = arith.constant 0 : i32
      %dma_wait3A_467 = tpu.memref_slice %arg5[%dma_wait3A_465, %dma_wait3A_466] : memref<200x128xi32, #tpu.memory_space<vmem>> -> memref<1x128xi32, #tpu.memory_space<vmem>>
      %dma_wait3A_468 = tpu.memref_squeeze %dma_wait3A_467 : memref<1x128xi32, #tpu.memory_space<vmem>> -> memref<128xi32, #tpu.memory_space<vmem>>
      %dma_wait3A_469 = arith.constant 0 : i32
      %dma_wait3A_470 = arith.constant 0 : i32
      %dma_wait3A_471 = tpu.memref_slice %arg3[%dma_wait3A_469, %dma_wait3A_470] : memref<1000064x128xf32, #tpu.memory_space<hbm>> -> memref<1000064x128xf32, #tpu.memory_space<hbm>>
      tpu.wait_indirect_dma semaphore(%arg11 : memref<!tpu.dma_semaphore, #tpu.memory_space<semaphore_mem>>) src(%dma_wait3A_471 : memref<1000064x128xf32, #tpu.memory_space<hbm>>) dst(%arg7 : memref<128x128xf32, #tpu.memory_space<vmem>>)
      %dma_wait3A_472 = arith.constant 0 : i32
      %dma_wait3A_473 = arith.constant 0 : i32
      %dma_wait3A_474 = tpu.memref_slice %arg4[%dma_wait3A_472, %dma_wait3A_473, %mul3A_2] : memref<200x64x4096xf32, #tpu.memory_space<hbm>> -> memref<1x64x128xf32, #tpu.memory_space<hbm>>
      %dma_wait3A_475 = tpu.memref_squeeze %dma_wait3A_474 : memref<1x64x128xf32, #tpu.memory_space<hbm>> -> memref<64x128xf32, #tpu.memory_space<hbm>>
      %dma_wait3A_476 = arith.constant 0 : i32
      %dma_wait3A_477 = tpu.memref_slice %arg4[%dma_wait3A_472, %dma_wait3A_476, %mul3A_2] : memref<200x64x4096xf32, #tpu.memory_space<hbm>> -> memref<1x64x128xf32, #tpu.memory_space<hbm>>
      %dma_wait3A_478 = tpu.memref_squeeze %dma_wait3A_477 : memref<1x64x128xf32, #tpu.memory_space<hbm>> -> memref<64x128xf32, #tpu.memory_space<hbm>>
      tpu.wait_dma2 semaphore(%arg13 : memref<!tpu.dma_semaphore, #tpu.memory_space<semaphore_mem>>) src(%arg9 : memref<64x128xf32, #tpu.memory_space<vmem>>) dst(%dma_wait3A_478 : memref<64x128xf32, #tpu.memory_space<hbm>>)
      %scan3A_479 = arith.constant 0 : i32
      %scan3A_480 = arith.constant 0 : i32
      %scan3A_481 = arith.constant 32 : i32
      %scan3A_482 = arith.addi %scan3A_480, %scan3A_481 : i32
      %scan3A_483 = arith.constant 1 : i32
      scf.for %scan3A_499 = %scan3A_480 to %scan3A_482 step %scan3A_483  : i32 {
        %jit3A = arith.constant 4 : i32
        %div3A = arith.divsi %scan3A_499, %jit3A : i32
        %sign3A = arith.constant 0 : i32
        %sign3A_500 = arith.cmpi sgt, %scan3A_499, %sign3A : i32
        %sign3A_501 = arith.extui %sign3A_500 : i1 to i32
        %sign3A_502 = arith.constant 0 : i32
        %sign3A_503 = arith.cmpi slt, %scan3A_499, %sign3A_502 : i32
        %sign3A_504 = arith.extui %sign3A_503 : i1 to i32
        %sign3A_505 = arith.subi %sign3A_501, %sign3A_504 : i32
        %sign3A_506 = arith.constant 0 : i32
        %sign3A_507 = arith.cmpi sgt, %jit3A, %sign3A_506 : i32
        %sign3A_508 = arith.extui %sign3A_507 : i1 to i32
        %sign3A_509 = arith.constant 0 : i32
        %sign3A_510 = arith.cmpi slt, %jit3A, %sign3A_509 : i32
        %sign3A_511 = arith.extui %sign3A_510 : i1 to i32
        %sign3A_512 = arith.subi %sign3A_508, %sign3A_511 : i32
        %ne3A = arith.cmpi ne, %sign3A_505, %sign3A_512 : i32
        %rem3A = arith.remsi %scan3A_499, %jit3A : i32
        %ne3A_513 = arith.constant 0 : i32
        %ne3A_514 = arith.cmpi ne, %rem3A, %ne3A_513 : i32
        %and3A_515 = arith.andi %ne3A, %ne3A_514 : i1
        %sub3A = arith.constant 1 : i32
        %sub3A_516 = arith.subi %div3A, %sub3A : i32
        %select_n3A = arith.select %and3A_515, %sub3A_516, %div3A : i32
        %mul3A_517 = arith.constant 4 : i32
        %mul3A_518 = arith.muli %select_n3A, %mul3A_517 : i32
        %sub3A_519 = arith.subi %scan3A_499, %mul3A_518 : i32
        %mul3A_520 = arith.constant 2048 : i32
        %mul3A_521 = arith.muli %select_n3A, %mul3A_520 : i32
        %mul3A_522 = arith.constant 16 : i32
        %mul3A_523 = arith.muli %sub3A_519, %mul3A_522 : i32
        %add3A_524 = arith.addi %mul3A_521, %mul3A_523 : i32
        %add3A_525 = vector.broadcast %add3A_524 : i32 to vector<16xi32>
        %add3A_526 = arith.addi %broadcast_in_dim3A_3, %add3A_525 : vector<16xi32>
        %mul3A_527 = arith.constant 2048 : i32
        %mul3A_528 = arith.muli %sub3A_519, %mul3A_527 : i32
        %mul3A_529 = arith.constant 16 : i32
        %mul3A_530 = arith.muli %select_n3A, %mul3A_529 : i32
        %add3A_531 = arith.addi %mul3A_528, %mul3A_530 : i32
        %add3A_532 = vector.broadcast %add3A_531 : i32 to vector<16xi32>
        %add3A_533 = arith.addi %broadcast_in_dim3A_3, %add3A_532 : vector<16xi32>
        %add3A_534 = arith.addi %add3A_12, %add3A_526 : vector<16xi32>
        %gather3A = tpu.vector_load_idx %arg7[%broadcast_in_dim3A_3, %add3A_534] : memref<128x128xf32, #tpu.memory_space<vmem>>[vector<16xi32>, vector<16xi32>], vector<16xf32>,
        %add3A_535 = arith.addi %add3A_22, %add3A_526 : vector<16xi32>
        %gather3A_536 = tpu.vector_load_idx %arg7[%broadcast_in_dim3A_3, %add3A_535] : memref<128x128xf32, #tpu.memory_space<vmem>>[vector<16xi32>, vector<16xi32>], vector<16xf32>,
        %add3A_537 = arith.addi %add3A_32, %add3A_526 : vector<16xi32>
        %gather3A_538 = tpu.vector_load_idx %arg7[%broadcast_in_dim3A_3, %add3A_537] : memref<128x128xf32, #tpu.memory_space<vmem>>[vector<16xi32>, vector<16xi32>], vector<16xf32>,
        %add3A_539 = arith.addi %add3A_42, %add3A_526 : vector<16xi32>
        %gather3A_540 = tpu.vector_load_idx %arg7[%broadcast_in_dim3A_3, %add3A_539] : memref<128x128xf32, #tpu.memory_space<vmem>>[vector<16xi32>, vector<16xi32>], vector<16xf32>,
        %add3A_541 = arith.addi %add3A_52, %add3A_526 : vector<16xi32>
        %gather3A_542 = tpu.vector_load_idx %arg7[%broadcast_in_dim3A_3, %add3A_541] : memref<128x128xf32, #tpu.memory_space<vmem>>[vector<16xi32>, vector<16xi32>], vector<16xf32>,
        %add3A_543 = arith.addi %add3A_62, %add3A_526 : vector<16xi32>
        %gather3A_544 = tpu.vector_load_idx %arg7[%broadcast_in_dim3A_3, %add3A_543] : memref<128x128xf32, #tpu.memory_space<vmem>>[vector<16xi32>, vector<16xi32>], vector<16xf32>,
        %add3A_545 = arith.addi %add3A_72, %add3A_526 : vector<16xi32>
        %gather3A_546 = tpu.vector_load_idx %arg7[%broadcast_in_dim3A_3, %add3A_545] : memref<128x128xf32, #tpu.memory_space<vmem>>[vector<16xi32>, vector<16xi32>], vector<16xf32>,
        %add3A_547 = arith.addi %add3A_82, %add3A_526 : vector<16xi32>
        %gather3A_548 = tpu.vector_load_idx %arg7[%broadcast_in_dim3A_3, %add3A_547] : memref<128x128xf32, #tpu.memory_space<vmem>>[vector<16xi32>, vector<16xi32>], vector<16xf32>,
        %add3A_549 = arith.addi %add3A_92, %add3A_526 : vector<16xi32>
        %gather3A_550 = tpu.vector_load_idx %arg7[%broadcast_in_dim3A_3, %add3A_549] : memref<128x128xf32, #tpu.memory_space<vmem>>[vector<16xi32>, vector<16xi32>], vector<16xf32>,
        %add3A_551 = arith.addi %add3A_102, %add3A_526 : vector<16xi32>
        %gather3A_552 = tpu.vector_load_idx %arg7[%broadcast_in_dim3A_3, %add3A_551] : memref<128x128xf32, #tpu.memory_space<vmem>>[vector<16xi32>, vector<16xi32>], vector<16xf32>,
        %add3A_553 = arith.addi %add3A_112, %add3A_526 : vector<16xi32>
        %gather3A_554 = tpu.vector_load_idx %arg7[%broadcast_in_dim3A_3, %add3A_553] : memref<128x128xf32, #tpu.memory_space<vmem>>[vector<16xi32>, vector<16xi32>], vector<16xf32>,
        %add3A_555 = arith.addi %add3A_122, %add3A_526 : vector<16xi32>
        %gather3A_556 = tpu.vector_load_idx %arg7[%broadcast_in_dim3A_3, %add3A_555] : memref<128x128xf32, #tpu.memory_space<vmem>>[vector<16xi32>, vector<16xi32>], vector<16xf32>,
        %add3A_557 = arith.addi %add3A_132, %add3A_526 : vector<16xi32>
        %gather3A_558 = tpu.vector_load_idx %arg7[%broadcast_in_dim3A_3, %add3A_557] : memref<128x128xf32, #tpu.memory_space<vmem>>[vector<16xi32>, vector<16xi32>], vector<16xf32>,
        %add3A_559 = arith.addi %add3A_142, %add3A_526 : vector<16xi32>
        %gather3A_560 = tpu.vector_load_idx %arg7[%broadcast_in_dim3A_3, %add3A_559] : memref<128x128xf32, #tpu.memory_space<vmem>>[vector<16xi32>, vector<16xi32>], vector<16xf32>,
        %add3A_561 = arith.addi %add3A_152, %add3A_526 : vector<16xi32>
        %gather3A_562 = tpu.vector_load_idx %arg7[%broadcast_in_dim3A_3, %add3A_561] : memref<128x128xf32, #tpu.memory_space<vmem>>[vector<16xi32>, vector<16xi32>], vector<16xf32>,
        %add3A_563 = arith.addi %add3A_162, %add3A_526 : vector<16xi32>
        %gather3A_564 = tpu.vector_load_idx %arg7[%broadcast_in_dim3A_3, %add3A_563] : memref<128x128xf32, #tpu.memory_space<vmem>>[vector<16xi32>, vector<16xi32>], vector<16xf32>,
        %add3A_565 = arith.addi %add3A_172, %add3A_533 : vector<16xi32>
        tpu.vector_store_idx %arg9[%broadcast_in_dim3A_3, %add3A_565], %gather3A : memref<64x128xf32, #tpu.memory_space<vmem>>[vector<16xi32>, vector<16xi32>], vector<16xf32>,
        %add3A_566 = arith.addi %add3A_182, %add3A_533 : vector<16xi32>
        tpu.vector_store_idx %arg9[%broadcast_in_dim3A_3, %add3A_566], %gather3A_536 : memref<64x128xf32, #tpu.memory_space<vmem>>[vector<16xi32>, vector<16xi32>], vector<16xf32>,
        %add3A_567 = arith.addi %add3A_192, %add3A_533 : vector<16xi32>
        tpu.vector_store_idx %arg9[%broadcast_in_dim3A_3, %add3A_567], %gather3A_538 : memref<64x128xf32, #tpu.memory_space<vmem>>[vector<16xi32>, vector<16xi32>], vector<16xf32>,
        %add3A_568 = arith.addi %add3A_202, %add3A_533 : vector<16xi32>
        tpu.vector_store_idx %arg9[%broadcast_in_dim3A_3, %add3A_568], %gather3A_540 : memref<64x128xf32, #tpu.memory_space<vmem>>[vector<16xi32>, vector<16xi32>], vector<16xf32>,
        %add3A_569 = arith.addi %add3A_212, %add3A_533 : vector<16xi32>
        tpu.vector_store_idx %arg9[%broadcast_in_dim3A_3, %add3A_569], %gather3A_542 : memref<64x128xf32, #tpu.memory_space<vmem>>[vector<16xi32>, vector<16xi32>], vector<16xf32>,
        %add3A_570 = arith.addi %add3A_222, %add3A_533 : vector<16xi32>
        tpu.vector_store_idx %arg9[%broadcast_in_dim3A_3, %add3A_570], %gather3A_544 : memref<64x128xf32, #tpu.memory_space<vmem>>[vector<16xi32>, vector<16xi32>], vector<16xf32>,
        %add3A_571 = arith.addi %add3A_232, %add3A_533 : vector<16xi32>
        tpu.vector_store_idx %arg9[%broadcast_in_dim3A_3, %add3A_571], %gather3A_546 : memref<64x128xf32, #tpu.memory_space<vmem>>[vector<16xi32>, vector<16xi32>], vector<16xf32>,
        %add3A_572 = arith.addi %add3A_242, %add3A_533 : vector<16xi32>
        tpu.vector_store_idx %arg9[%broadcast_in_dim3A_3, %add3A_572], %gather3A_548 : memref<64x128xf32, #tpu.memory_space<vmem>>[vector<16xi32>, vector<16xi32>], vector<16xf32>,
        %add3A_573 = arith.addi %add3A_252, %add3A_533 : vector<16xi32>
        tpu.vector_store_idx %arg9[%broadcast_in_dim3A_3, %add3A_573], %gather3A_550 : memref<64x128xf32, #tpu.memory_space<vmem>>[vector<16xi32>, vector<16xi32>], vector<16xf32>,
        %add3A_574 = arith.addi %add3A_262, %add3A_533 : vector<16xi32>
        tpu.vector_store_idx %arg9[%broadcast_in_dim3A_3, %add3A_574], %gather3A_552 : memref<64x128xf32, #tpu.memory_space<vmem>>[vector<16xi32>, vector<16xi32>], vector<16xf32>,
        %add3A_575 = arith.addi %add3A_272, %add3A_533 : vector<16xi32>
        tpu.vector_store_idx %arg9[%broadcast_in_dim3A_3, %add3A_575], %gather3A_554 : memref<64x128xf32, #tpu.memory_space<vmem>>[vector<16xi32>, vector<16xi32>], vector<16xf32>,
        %add3A_576 = arith.addi %add3A_282, %add3A_533 : vector<16xi32>
        tpu.vector_store_idx %arg9[%broadcast_in_dim3A_3, %add3A_576], %gather3A_556 : memref<64x128xf32, #tpu.memory_space<vmem>>[vector<16xi32>, vector<16xi32>], vector<16xf32>,
        %add3A_577 = arith.addi %add3A_292, %add3A_533 : vector<16xi32>
        tpu.vector_store_idx %arg9[%broadcast_in_dim3A_3, %add3A_577], %gather3A_558 : memref<64x128xf32, #tpu.memory_space<vmem>>[vector<16xi32>, vector<16xi32>], vector<16xf32>,
        %add3A_578 = arith.addi %add3A_302, %add3A_533 : vector<16xi32>
        tpu.vector_store_idx %arg9[%broadcast_in_dim3A_3, %add3A_578], %gather3A_560 : memref<64x128xf32, #tpu.memory_space<vmem>>[vector<16xi32>, vector<16xi32>], vector<16xf32>,
        %add3A_579 = arith.addi %add3A_312, %add3A_533 : vector<16xi32>
        tpu.vector_store_idx %arg9[%broadcast_in_dim3A_3, %add3A_579], %gather3A_562 : memref<64x128xf32, #tpu.memory_space<vmem>>[vector<16xi32>, vector<16xi32>], vector<16xf32>,
        %add3A_580 = arith.addi %add3A_322, %add3A_533 : vector<16xi32>
        tpu.vector_store_idx %arg9[%broadcast_in_dim3A_3, %add3A_580], %gather3A_564 : memref<64x128xf32, #tpu.memory_space<vmem>>[vector<16xi32>, vector<16xi32>], vector<16xf32>,
      }
      %scan3A_484 = arith.constant 32 : i32
      %add3A_485 = arith.constant 2 : i32
      %add3A_486 = arith.addi %add3A_464, %add3A_485 : i32
      %dma_start3A_487 = arith.constant 0 : i32
      %dma_start3A_488 = tpu.memref_slice %arg5[%add3A_486, %dma_start3A_487] : memref<200x128xi32, #tpu.memory_space<vmem>> -> memref<1x128xi32, #tpu.memory_space<vmem>>
      %dma_start3A_489 = tpu.memref_squeeze %dma_start3A_488 : memref<1x128xi32, #tpu.memory_space<vmem>> -> memref<128xi32, #tpu.memory_space<vmem>>
      %dma_start3A_490 = arith.constant 0 : i32
      %dma_start3A_491 = arith.constant 0 : i32
      %dma_start3A_492 = tpu.memref_slice %arg3[%dma_start3A_490, %dma_start3A_491] : memref<1000064x128xf32, #tpu.memory_space<hbm>> -> memref<1000064x128xf32, #tpu.memory_space<hbm>>
      tpu.enqueue_indirect_dma source(%dma_start3A_492 : memref<1000064x128xf32, #tpu.memory_space<hbm>>) target(%arg7 : memref<128x128xf32, #tpu.memory_space<vmem>>) offsets(%dma_start3A_489 : memref<128xi32, #tpu.memory_space<vmem>>) semaphore(%arg11 : memref<!tpu.dma_semaphore, #tpu.memory_space<semaphore_mem>>)
      %dma_start3A_493 = arith.constant 0 : i32
      %dma_start3A_494 = tpu.memref_slice %arg4[%add3A_464, %dma_start3A_493, %mul3A_2] : memref<200x64x4096xf32, #tpu.memory_space<hbm>> -> memref<1x64x128xf32, #tpu.memory_space<hbm>>
      %dma_start3A_495 = tpu.memref_squeeze %dma_start3A_494 : memref<1x64x128xf32, #tpu.memory_space<hbm>> -> memref<64x128xf32, #tpu.memory_space<hbm>>
      %dma_start3A_496 = arith.constant 0 : i32
      %dma_start3A_497 = tpu.memref_slice %arg4[%add3A_464, %dma_start3A_496, %mul3A_2] : memref<200x64x4096xf32, #tpu.memory_space<hbm>> -> memref<1x64x128xf32, #tpu.memory_space<hbm>>
      %dma_start3A_498 = tpu.memref_squeeze %dma_start3A_497 : memref<1x64x128xf32, #tpu.memory_space<hbm>> -> memref<64x128xf32, #tpu.memory_space<hbm>>
      tpu.enqueue_dma source(%arg9 : memref<64x128xf32, #tpu.memory_space<vmem>>) target(%dma_start3A_498 : memref<64x128xf32, #tpu.memory_space<hbm>>) target_semaphore(%arg13 : memref<!tpu.dma_semaphore, #tpu.memory_space<semaphore_mem>>)
    }
    %scan3A_354 = arith.constant 99 : i32
    %dma_wait3A = arith.constant 0 : i32
    %dma_wait3A_355 = arith.constant 0 : i32
    %dma_wait3A_356 = tpu.memref_slice %arg5[%dma_wait3A, %dma_wait3A_355] : memref<200x128xi32, #tpu.memory_space<vmem>> -> memref<1x128xi32, #tpu.memory_space<vmem>>
    %dma_wait3A_357 = tpu.memref_squeeze %dma_wait3A_356 : memref<1x128xi32, #tpu.memory_space<vmem>> -> memref<128xi32, #tpu.memory_space<vmem>>
    %dma_wait3A_358 = arith.constant 0 : i32
    %dma_wait3A_359 = arith.constant 0 : i32
    %dma_wait3A_360 = tpu.memref_slice %arg3[%dma_wait3A_358, %dma_wait3A_359] : memref<1000064x128xf32, #tpu.memory_space<hbm>> -> memref<1000064x128xf32, #tpu.memory_space<hbm>>
    tpu.wait_indirect_dma semaphore(%arg10 : memref<!tpu.dma_semaphore, #tpu.memory_space<semaphore_mem>>) src(%dma_wait3A_360 : memref<1000064x128xf32, #tpu.memory_space<hbm>>) dst(%arg6 : memref<128x128xf32, #tpu.memory_space<vmem>>)
    %dma_wait3A_361 = arith.constant 0 : i32
    %dma_wait3A_362 = arith.constant 0 : i32
    %dma_wait3A_363 = tpu.memref_slice %arg4[%dma_wait3A_361, %dma_wait3A_362, %mul3A_2] : memref<200x64x4096xf32, #tpu.memory_space<hbm>> -> memref<1x64x128xf32, #tpu.memory_space<hbm>>
    %dma_wait3A_364 = tpu.memref_squeeze %dma_wait3A_363 : memref<1x64x128xf32, #tpu.memory_space<hbm>> -> memref<64x128xf32, #tpu.memory_space<hbm>>
    %dma_wait3A_365 = arith.constant 0 : i32
    %dma_wait3A_366 = tpu.memref_slice %arg4[%dma_wait3A_361, %dma_wait3A_365, %mul3A_2] : memref<200x64x4096xf32, #tpu.memory_space<hbm>> -> memref<1x64x128xf32, #tpu.memory_space<hbm>>
    %dma_wait3A_367 = tpu.memref_squeeze %dma_wait3A_366 : memref<1x64x128xf32, #tpu.memory_space<hbm>> -> memref<64x128xf32, #tpu.memory_space<hbm>>
    tpu.wait_dma2 semaphore(%arg12 : memref<!tpu.dma_semaphore, #tpu.memory_space<semaphore_mem>>) src(%arg8 : memref<64x128xf32, #tpu.memory_space<vmem>>) dst(%dma_wait3A_367 : memref<64x128xf32, #tpu.memory_space<hbm>>)
    %scan3A_368 = arith.constant 0 : i32
    %scan3A_369 = arith.constant 0 : i32
    %scan3A_370 = arith.constant 32 : i32
    %scan3A_371 = arith.addi %scan3A_369, %scan3A_370 : i32
    %scan3A_372 = arith.constant 1 : i32
    scf.for %scan3A_422 = %scan3A_369 to %scan3A_371 step %scan3A_372  : i32 {
      %jit3A = arith.constant 4 : i32
      %div3A = arith.divsi %scan3A_422, %jit3A : i32
      %sign3A = arith.constant 0 : i32
      %sign3A_423 = arith.cmpi sgt, %scan3A_422, %sign3A : i32
      %sign3A_424 = arith.extui %sign3A_423 : i1 to i32
      %sign3A_425 = arith.constant 0 : i32
      %sign3A_426 = arith.cmpi slt, %scan3A_422, %sign3A_425 : i32
      %sign3A_427 = arith.extui %sign3A_426 : i1 to i32
      %sign3A_428 = arith.subi %sign3A_424, %sign3A_427 : i32
      %sign3A_429 = arith.constant 0 : i32
      %sign3A_430 = arith.cmpi sgt, %jit3A, %sign3A_429 : i32
      %sign3A_431 = arith.extui %sign3A_430 : i1 to i32
      %sign3A_432 = arith.constant 0 : i32
      %sign3A_433 = arith.cmpi slt, %jit3A, %sign3A_432 : i32
      %sign3A_434 = arith.extui %sign3A_433 : i1 to i32
      %sign3A_435 = arith.subi %sign3A_431, %sign3A_434 : i32
      %ne3A = arith.cmpi ne, %sign3A_428, %sign3A_435 : i32
      %rem3A = arith.remsi %scan3A_422, %jit3A : i32
      %ne3A_436 = arith.constant 0 : i32
      %ne3A_437 = arith.cmpi ne, %rem3A, %ne3A_436 : i32
      %and3A_438 = arith.andi %ne3A, %ne3A_437 : i1
      %sub3A = arith.constant 1 : i32
      %sub3A_439 = arith.subi %div3A, %sub3A : i32
      %select_n3A = arith.select %and3A_438, %sub3A_439, %div3A : i32
      %mul3A_440 = arith.constant 4 : i32
      %mul3A_441 = arith.muli %select_n3A, %mul3A_440 : i32
      %sub3A_442 = arith.subi %scan3A_422, %mul3A_441 : i32
      %mul3A_443 = arith.constant 2048 : i32
      %mul3A_444 = arith.muli %select_n3A, %mul3A_443 : i32
      %mul3A_445 = arith.constant 16 : i32
      %mul3A_446 = arith.muli %sub3A_442, %mul3A_445 : i32
      %add3A_447 = arith.addi %mul3A_444, %mul3A_446 : i32
      %add3A_448 = vector.broadcast %add3A_447 : i32 to vector<16xi32>
      %add3A_449 = arith.addi %broadcast_in_dim3A_3, %add3A_448 : vector<16xi32>
      %mul3A_450 = arith.constant 2048 : i32
      %mul3A_451 = arith.muli %sub3A_442, %mul3A_450 : i32
      %mul3A_452 = arith.constant 16 : i32
      %mul3A_453 = arith.muli %select_n3A, %mul3A_452 : i32
      %add3A_454 = arith.addi %mul3A_451, %mul3A_453 : i32
      %add3A_455 = vector.broadcast %add3A_454 : i32 to vector<16xi32>
      %add3A_456 = arith.addi %broadcast_in_dim3A_3, %add3A_455 : vector<16xi32>
      %add3A_457 = arith.addi %add3A_12, %add3A_449 : vector<16xi32>
      %gather3A = tpu.vector_load_idx %arg6[%broadcast_in_dim3A_3, %add3A_457] : memref<128x128xf32, #tpu.memory_space<vmem>>[vector<16xi32>, vector<16xi32>], vector<16xf32>,
      %add3A_458 = arith.addi %add3A_22, %add3A_449 : vector<16xi32>
      %gather3A_459 = tpu.vector_load_idx %arg6[%broadcast_in_dim3A_3, %add3A_458] : memref<128x128xf32, #tpu.memory_space<vmem>>[vector<16xi32>, vector<16xi32>], vector<16xf32>,
      %add3A_460 = arith.addi %add3A_32, %add3A_449 : vector<16xi32>
      %gather3A_461 = tpu.vector_load_idx %arg6[%broadcast_in_dim3A_3, %add3A_460] : memref<128x128xf32, #tpu.memory_space<vmem>>[vector<16xi32>, vector<16xi32>], vector<16xf32>,
      %add3A_462 = arith.addi %add3A_42, %add3A_449 : vector<16xi32>
      %gather3A_463 = tpu.vector_load_idx %arg6[%broadcast_in_dim3A_3, %add3A_462] : memref<128x128xf32, #tpu.memory_space<vmem>>[vector<16xi32>, vector<16xi32>], vector<16xf32>,
      %add3A_464 = arith.addi %add3A_52, %add3A_449 : vector<16xi32>
      %gather3A_465 = tpu.vector_load_idx %arg6[%broadcast_in_dim3A_3, %add3A_464] : memref<128x128xf32, #tpu.memory_space<vmem>>[vector<16xi32>, vector<16xi32>], vector<16xf32>,
      %add3A_466 = arith.addi %add3A_62, %add3A_449 : vector<16xi32>
      %gather3A_467 = tpu.vector_load_idx %arg6[%broadcast_in_dim3A_3, %add3A_466] : memref<128x128xf32, #tpu.memory_space<vmem>>[vector<16xi32>, vector<16xi32>], vector<16xf32>,
      %add3A_468 = arith.addi %add3A_72, %add3A_449 : vector<16xi32>
      %gather3A_469 = tpu.vector_load_idx %arg6[%broadcast_in_dim3A_3, %add3A_468] : memref<128x128xf32, #tpu.memory_space<vmem>>[vector<16xi32>, vector<16xi32>], vector<16xf32>,
      %add3A_470 = arith.addi %add3A_82, %add3A_449 : vector<16xi32>
      %gather3A_471 = tpu.vector_load_idx %arg6[%broadcast_in_dim3A_3, %add3A_470] : memref<128x128xf32, #tpu.memory_space<vmem>>[vector<16xi32>, vector<16xi32>], vector<16xf32>,
      %add3A_472 = arith.addi %add3A_92, %add3A_449 : vector<16xi32>
      %gather3A_473 = tpu.vector_load_idx %arg6[%broadcast_in_dim3A_3, %add3A_472] : memref<128x128xf32, #tpu.memory_space<vmem>>[vector<16xi32>, vector<16xi32>], vector<16xf32>,
      %add3A_474 = arith.addi %add3A_102, %add3A_449 : vector<16xi32>
      %gather3A_475 = tpu.vector_load_idx %arg6[%broadcast_in_dim3A_3, %add3A_474] : memref<128x128xf32, #tpu.memory_space<vmem>>[vector<16xi32>, vector<16xi32>], vector<16xf32>,
      %add3A_476 = arith.addi %add3A_112, %add3A_449 : vector<16xi32>
      %gather3A_477 = tpu.vector_load_idx %arg6[%broadcast_in_dim3A_3, %add3A_476] : memref<128x128xf32, #tpu.memory_space<vmem>>[vector<16xi32>, vector<16xi32>], vector<16xf32>,
      %add3A_478 = arith.addi %add3A_122, %add3A_449 : vector<16xi32>
      %gather3A_479 = tpu.vector_load_idx %arg6[%broadcast_in_dim3A_3, %add3A_478] : memref<128x128xf32, #tpu.memory_space<vmem>>[vector<16xi32>, vector<16xi32>], vector<16xf32>,
      %add3A_480 = arith.addi %add3A_132, %add3A_449 : vector<16xi32>
      %gather3A_481 = tpu.vector_load_idx %arg6[%broadcast_in_dim3A_3, %add3A_480] : memref<128x128xf32, #tpu.memory_space<vmem>>[vector<16xi32>, vector<16xi32>], vector<16xf32>,
      %add3A_482 = arith.addi %add3A_142, %add3A_449 : vector<16xi32>
      %gather3A_483 = tpu.vector_load_idx %arg6[%broadcast_in_dim3A_3, %add3A_482] : memref<128x128xf32, #tpu.memory_space<vmem>>[vector<16xi32>, vector<16xi32>], vector<16xf32>,
      %add3A_484 = arith.addi %add3A_152, %add3A_449 : vector<16xi32>
      %gather3A_485 = tpu.vector_load_idx %arg6[%broadcast_in_dim3A_3, %add3A_484] : memref<128x128xf32, #tpu.memory_space<vmem>>[vector<16xi32>, vector<16xi32>], vector<16xf32>,
      %add3A_486 = arith.addi %add3A_162, %add3A_449 : vector<16xi32>
      %gather3A_487 = tpu.vector_load_idx %arg6[%broadcast_in_dim3A_3, %add3A_486] : memref<128x128xf32, #tpu.memory_space<vmem>>[vector<16xi32>, vector<16xi32>], vector<16xf32>,
      %add3A_488 = arith.addi %add3A_172, %add3A_456 : vector<16xi32>
      tpu.vector_store_idx %arg8[%broadcast_in_dim3A_3, %add3A_488], %gather3A : memref<64x128xf32, #tpu.memory_space<vmem>>[vector<16xi32>, vector<16xi32>], vector<16xf32>,
      %add3A_489 = arith.addi %add3A_182, %add3A_456 : vector<16xi32>
      tpu.vector_store_idx %arg8[%broadcast_in_dim3A_3, %add3A_489], %gather3A_459 : memref<64x128xf32, #tpu.memory_space<vmem>>[vector<16xi32>, vector<16xi32>], vector<16xf32>,
      %add3A_490 = arith.addi %add3A_192, %add3A_456 : vector<16xi32>
      tpu.vector_store_idx %arg8[%broadcast_in_dim3A_3, %add3A_490], %gather3A_461 : memref<64x128xf32, #tpu.memory_space<vmem>>[vector<16xi32>, vector<16xi32>], vector<16xf32>,
      %add3A_491 = arith.addi %add3A_202, %add3A_456 : vector<16xi32>
      tpu.vector_store_idx %arg8[%broadcast_in_dim3A_3, %add3A_491], %gather3A_463 : memref<64x128xf32, #tpu.memory_space<vmem>>[vector<16xi32>, vector<16xi32>], vector<16xf32>,
      %add3A_492 = arith.addi %add3A_212, %add3A_456 : vector<16xi32>
      tpu.vector_store_idx %arg8[%broadcast_in_dim3A_3, %add3A_492], %gather3A_465 : memref<64x128xf32, #tpu.memory_space<vmem>>[vector<16xi32>, vector<16xi32>], vector<16xf32>,
      %add3A_493 = arith.addi %add3A_222, %add3A_456 : vector<16xi32>
      tpu.vector_store_idx %arg8[%broadcast_in_dim3A_3, %add3A_493], %gather3A_467 : memref<64x128xf32, #tpu.memory_space<vmem>>[vector<16xi32>, vector<16xi32>], vector<16xf32>,
      %add3A_494 = arith.addi %add3A_232, %add3A_456 : vector<16xi32>
      tpu.vector_store_idx %arg8[%broadcast_in_dim3A_3, %add3A_494], %gather3A_469 : memref<64x128xf32, #tpu.memory_space<vmem>>[vector<16xi32>, vector<16xi32>], vector<16xf32>,
      %add3A_495 = arith.addi %add3A_242, %add3A_456 : vector<16xi32>
      tpu.vector_store_idx %arg8[%broadcast_in_dim3A_3, %add3A_495], %gather3A_471 : memref<64x128xf32, #tpu.memory_space<vmem>>[vector<16xi32>, vector<16xi32>], vector<16xf32>,
      %add3A_496 = arith.addi %add3A_252, %add3A_456 : vector<16xi32>
      tpu.vector_store_idx %arg8[%broadcast_in_dim3A_3, %add3A_496], %gather3A_473 : memref<64x128xf32, #tpu.memory_space<vmem>>[vector<16xi32>, vector<16xi32>], vector<16xf32>,
      %add3A_497 = arith.addi %add3A_262, %add3A_456 : vector<16xi32>
      tpu.vector_store_idx %arg8[%broadcast_in_dim3A_3, %add3A_497], %gather3A_475 : memref<64x128xf32, #tpu.memory_space<vmem>>[vector<16xi32>, vector<16xi32>], vector<16xf32>,
      %add3A_498 = arith.addi %add3A_272, %add3A_456 : vector<16xi32>
      tpu.vector_store_idx %arg8[%broadcast_in_dim3A_3, %add3A_498], %gather3A_477 : memref<64x128xf32, #tpu.memory_space<vmem>>[vector<16xi32>, vector<16xi32>], vector<16xf32>,
      %add3A_499 = arith.addi %add3A_282, %add3A_456 : vector<16xi32>
      tpu.vector_store_idx %arg8[%broadcast_in_dim3A_3, %add3A_499], %gather3A_479 : memref<64x128xf32, #tpu.memory_space<vmem>>[vector<16xi32>, vector<16xi32>], vector<16xf32>,
      %add3A_500 = arith.addi %add3A_292, %add3A_456 : vector<16xi32>
      tpu.vector_store_idx %arg8[%broadcast_in_dim3A_3, %add3A_500], %gather3A_481 : memref<64x128xf32, #tpu.memory_space<vmem>>[vector<16xi32>, vector<16xi32>], vector<16xf32>,
      %add3A_501 = arith.addi %add3A_302, %add3A_456 : vector<16xi32>
      tpu.vector_store_idx %arg8[%broadcast_in_dim3A_3, %add3A_501], %gather3A_483 : memref<64x128xf32, #tpu.memory_space<vmem>>[vector<16xi32>, vector<16xi32>], vector<16xf32>,
      %add3A_502 = arith.addi %add3A_312, %add3A_456 : vector<16xi32>
      tpu.vector_store_idx %arg8[%broadcast_in_dim3A_3, %add3A_502], %gather3A_485 : memref<64x128xf32, #tpu.memory_space<vmem>>[vector<16xi32>, vector<16xi32>], vector<16xf32>,
      %add3A_503 = arith.addi %add3A_322, %add3A_456 : vector<16xi32>
      tpu.vector_store_idx %arg8[%broadcast_in_dim3A_3, %add3A_503], %gather3A_487 : memref<64x128xf32, #tpu.memory_space<vmem>>[vector<16xi32>, vector<16xi32>], vector<16xf32>,
    }
    %scan3A_373 = arith.constant 32 : i32
    %dma_start3A_374 = arith.constant 198 : i32
    %dma_start3A_375 = arith.constant 0 : i32
    %dma_start3A_376 = tpu.memref_slice %arg4[%dma_start3A_374, %dma_start3A_375, %mul3A_2] : memref<200x64x4096xf32, #tpu.memory_space<hbm>> -> memref<1x64x128xf32, #tpu.memory_space<hbm>>
    %dma_start3A_377 = tpu.memref_squeeze %dma_start3A_376 : memref<1x64x128xf32, #tpu.memory_space<hbm>> -> memref<64x128xf32, #tpu.memory_space<hbm>>
    %dma_start3A_378 = arith.constant 0 : i32
    %dma_start3A_379 = tpu.memref_slice %arg4[%dma_start3A_374, %dma_start3A_378, %mul3A_2] : memref<200x64x4096xf32, #tpu.memory_space<hbm>> -> memref<1x64x128xf32, #tpu.memory_space<hbm>>
    %dma_start3A_380 = tpu.memref_squeeze %dma_start3A_379 : memref<1x64x128xf32, #tpu.memory_space<hbm>> -> memref<64x128xf32, #tpu.memory_space<hbm>>
    tpu.enqueue_dma source(%arg8 : memref<64x128xf32, #tpu.memory_space<vmem>>) target(%dma_start3A_380 : memref<64x128xf32, #tpu.memory_space<hbm>>) target_semaphore(%arg12 : memref<!tpu.dma_semaphore, #tpu.memory_space<semaphore_mem>>)
    %dma_wait3A_381 = arith.constant 0 : i32
    %dma_wait3A_382 = arith.constant 0 : i32
    %dma_wait3A_383 = tpu.memref_slice %arg5[%dma_wait3A_381, %dma_wait3A_382] : memref<200x128xi32, #tpu.memory_space<vmem>> -> memref<1x128xi32, #tpu.memory_space<vmem>>
    %dma_wait3A_384 = tpu.memref_squeeze %dma_wait3A_383 : memref<1x128xi32, #tpu.memory_space<vmem>> -> memref<128xi32, #tpu.memory_space<vmem>>
    %dma_wait3A_385 = arith.constant 0 : i32
    %dma_wait3A_386 = arith.constant 0 : i32
    %dma_wait3A_387 = tpu.memref_slice %arg3[%dma_wait3A_385, %dma_wait3A_386] : memref<1000064x128xf32, #tpu.memory_space<hbm>> -> memref<1000064x128xf32, #tpu.memory_space<hbm>>
    tpu.wait_indirect_dma semaphore(%arg11 : memref<!tpu.dma_semaphore, #tpu.memory_space<semaphore_mem>>) src(%dma_wait3A_387 : memref<1000064x128xf32, #tpu.memory_space<hbm>>) dst(%arg7 : memref<128x128xf32, #tpu.memory_space<vmem>>)
    %dma_wait3A_388 = arith.constant 0 : i32
    %dma_wait3A_389 = arith.constant 0 : i32
    %dma_wait3A_390 = tpu.memref_slice %arg4[%dma_wait3A_388, %dma_wait3A_389, %mul3A_2] : memref<200x64x4096xf32, #tpu.memory_space<hbm>> -> memref<1x64x128xf32, #tpu.memory_space<hbm>>
    %dma_wait3A_391 = tpu.memref_squeeze %dma_wait3A_390 : memref<1x64x128xf32, #tpu.memory_space<hbm>> -> memref<64x128xf32, #tpu.memory_space<hbm>>
    %dma_wait3A_392 = arith.constant 0 : i32
    %dma_wait3A_393 = tpu.memref_slice %arg4[%dma_wait3A_388, %dma_wait3A_392, %mul3A_2] : memref<200x64x4096xf32, #tpu.memory_space<hbm>> -> memref<1x64x128xf32, #tpu.memory_space<hbm>>
    %dma_wait3A_394 = tpu.memref_squeeze %dma_wait3A_393 : memref<1x64x128xf32, #tpu.memory_space<hbm>> -> memref<64x128xf32, #tpu.memory_space<hbm>>
    tpu.wait_dma2 semaphore(%arg13 : memref<!tpu.dma_semaphore, #tpu.memory_space<semaphore_mem>>) src(%arg9 : memref<64x128xf32, #tpu.memory_space<vmem>>) dst(%dma_wait3A_394 : memref<64x128xf32, #tpu.memory_space<hbm>>)
    %scan3A_395 = arith.constant 0 : i32
    %scan3A_396 = arith.constant 0 : i32
    %scan3A_397 = arith.constant 32 : i32
    %scan3A_398 = arith.addi %scan3A_396, %scan3A_397 : i32
    %scan3A_399 = arith.constant 1 : i32
    scf.for %scan3A_422 = %scan3A_396 to %scan3A_398 step %scan3A_399  : i32 {
      %jit3A = arith.constant 4 : i32
      %div3A = arith.divsi %scan3A_422, %jit3A : i32
      %sign3A = arith.constant 0 : i32
      %sign3A_423 = arith.cmpi sgt, %scan3A_422, %sign3A : i32
      %sign3A_424 = arith.extui %sign3A_423 : i1 to i32
      %sign3A_425 = arith.constant 0 : i32
      %sign3A_426 = arith.cmpi slt, %scan3A_422, %sign3A_425 : i32
      %sign3A_427 = arith.extui %sign3A_426 : i1 to i32
      %sign3A_428 = arith.subi %sign3A_424, %sign3A_427 : i32
      %sign3A_429 = arith.constant 0 : i32
      %sign3A_430 = arith.cmpi sgt, %jit3A, %sign3A_429 : i32
      %sign3A_431 = arith.extui %sign3A_430 : i1 to i32
      %sign3A_432 = arith.constant 0 : i32
      %sign3A_433 = arith.cmpi slt, %jit3A, %sign3A_432 : i32
      %sign3A_434 = arith.extui %sign3A_433 : i1 to i32
      %sign3A_435 = arith.subi %sign3A_431, %sign3A_434 : i32
      %ne3A = arith.cmpi ne, %sign3A_428, %sign3A_435 : i32
      %rem3A = arith.remsi %scan3A_422, %jit3A : i32
      %ne3A_436 = arith.constant 0 : i32
      %ne3A_437 = arith.cmpi ne, %rem3A, %ne3A_436 : i32
      %and3A_438 = arith.andi %ne3A, %ne3A_437 : i1
      %sub3A = arith.constant 1 : i32
      %sub3A_439 = arith.subi %div3A, %sub3A : i32
      %select_n3A = arith.select %and3A_438, %sub3A_439, %div3A : i32
      %mul3A_440 = arith.constant 4 : i32
      %mul3A_441 = arith.muli %select_n3A, %mul3A_440 : i32
      %sub3A_442 = arith.subi %scan3A_422, %mul3A_441 : i32
      %mul3A_443 = arith.constant 2048 : i32
      %mul3A_444 = arith.muli %select_n3A, %mul3A_443 : i32
      %mul3A_445 = arith.constant 16 : i32
      %mul3A_446 = arith.muli %sub3A_442, %mul3A_445 : i32
      %add3A_447 = arith.addi %mul3A_444, %mul3A_446 : i32
      %add3A_448 = vector.broadcast %add3A_447 : i32 to vector<16xi32>
      %add3A_449 = arith.addi %broadcast_in_dim3A_3, %add3A_448 : vector<16xi32>
      %mul3A_450 = arith.constant 2048 : i32
      %mul3A_451 = arith.muli %sub3A_442, %mul3A_450 : i32
      %mul3A_452 = arith.constant 16 : i32
      %mul3A_453 = arith.muli %select_n3A, %mul3A_452 : i32
      %add3A_454 = arith.addi %mul3A_451, %mul3A_453 : i32
      %add3A_455 = vector.broadcast %add3A_454 : i32 to vector<16xi32>
      %add3A_456 = arith.addi %broadcast_in_dim3A_3, %add3A_455 : vector<16xi32>
      %add3A_457 = arith.addi %add3A_12, %add3A_449 : vector<16xi32>
      %gather3A = tpu.vector_load_idx %arg7[%broadcast_in_dim3A_3, %add3A_457] : memref<128x128xf32, #tpu.memory_space<vmem>>[vector<16xi32>, vector<16xi32>], vector<16xf32>,
      %add3A_458 = arith.addi %add3A_22, %add3A_449 : vector<16xi32>
      %gather3A_459 = tpu.vector_load_idx %arg7[%broadcast_in_dim3A_3, %add3A_458] : memref<128x128xf32, #tpu.memory_space<vmem>>[vector<16xi32>, vector<16xi32>], vector<16xf32>,
      %add3A_460 = arith.addi %add3A_32, %add3A_449 : vector<16xi32>
      %gather3A_461 = tpu.vector_load_idx %arg7[%broadcast_in_dim3A_3, %add3A_460] : memref<128x128xf32, #tpu.memory_space<vmem>>[vector<16xi32>, vector<16xi32>], vector<16xf32>,
      %add3A_462 = arith.addi %add3A_42, %add3A_449 : vector<16xi32>
      %gather3A_463 = tpu.vector_load_idx %arg7[%broadcast_in_dim3A_3, %add3A_462] : memref<128x128xf32, #tpu.memory_space<vmem>>[vector<16xi32>, vector<16xi32>], vector<16xf32>,
      %add3A_464 = arith.addi %add3A_52, %add3A_449 : vector<16xi32>
      %gather3A_465 = tpu.vector_load_idx %arg7[%broadcast_in_dim3A_3, %add3A_464] : memref<128x128xf32, #tpu.memory_space<vmem>>[vector<16xi32>, vector<16xi32>], vector<16xf32>,
      %add3A_466 = arith.addi %add3A_62, %add3A_449 : vector<16xi32>
      %gather3A_467 = tpu.vector_load_idx %arg7[%broadcast_in_dim3A_3, %add3A_466] : memref<128x128xf32, #tpu.memory_space<vmem>>[vector<16xi32>, vector<16xi32>], vector<16xf32>,
      %add3A_468 = arith.addi %add3A_72, %add3A_449 : vector<16xi32>
      %gather3A_469 = tpu.vector_load_idx %arg7[%broadcast_in_dim3A_3, %add3A_468] : memref<128x128xf32, #tpu.memory_space<vmem>>[vector<16xi32>, vector<16xi32>], vector<16xf32>,
      %add3A_470 = arith.addi %add3A_82, %add3A_449 : vector<16xi32>
      %gather3A_471 = tpu.vector_load_idx %arg7[%broadcast_in_dim3A_3, %add3A_470] : memref<128x128xf32, #tpu.memory_space<vmem>>[vector<16xi32>, vector<16xi32>], vector<16xf32>,
      %add3A_472 = arith.addi %add3A_92, %add3A_449 : vector<16xi32>
      %gather3A_473 = tpu.vector_load_idx %arg7[%broadcast_in_dim3A_3, %add3A_472] : memref<128x128xf32, #tpu.memory_space<vmem>>[vector<16xi32>, vector<16xi32>], vector<16xf32>,
      %add3A_474 = arith.addi %add3A_102, %add3A_449 : vector<16xi32>
      %gather3A_475 = tpu.vector_load_idx %arg7[%broadcast_in_dim3A_3, %add3A_474] : memref<128x128xf32, #tpu.memory_space<vmem>>[vector<16xi32>, vector<16xi32>], vector<16xf32>,
      %add3A_476 = arith.addi %add3A_112, %add3A_449 : vector<16xi32>
      %gather3A_477 = tpu.vector_load_idx %arg7[%broadcast_in_dim3A_3, %add3A_476] : memref<128x128xf32, #tpu.memory_space<vmem>>[vector<16xi32>, vector<16xi32>], vector<16xf32>,
      %add3A_478 = arith.addi %add3A_122, %add3A_449 : vector<16xi32>
      %gather3A_479 = tpu.vector_load_idx %arg7[%broadcast_in_dim3A_3, %add3A_478] : memref<128x128xf32, #tpu.memory_space<vmem>>[vector<16xi32>, vector<16xi32>], vector<16xf32>,
      %add3A_480 = arith.addi %add3A_132, %add3A_449 : vector<16xi32>
      %gather3A_481 = tpu.vector_load_idx %arg7[%broadcast_in_dim3A_3, %add3A_480] : memref<128x128xf32, #tpu.memory_space<vmem>>[vector<16xi32>, vector<16xi32>], vector<16xf32>,
      %add3A_482 = arith.addi %add3A_142, %add3A_449 : vector<16xi32>
      %gather3A_483 = tpu.vector_load_idx %arg7[%broadcast_in_dim3A_3, %add3A_482] : memref<128x128xf32, #tpu.memory_space<vmem>>[vector<16xi32>, vector<16xi32>], vector<16xf32>,
      %add3A_484 = arith.addi %add3A_152, %add3A_449 : vector<16xi32>
      %gather3A_485 = tpu.vector_load_idx %arg7[%broadcast_in_dim3A_3, %add3A_484] : memref<128x128xf32, #tpu.memory_space<vmem>>[vector<16xi32>, vector<16xi32>], vector<16xf32>,
      %add3A_486 = arith.addi %add3A_162, %add3A_449 : vector<16xi32>
      %gather3A_487 = tpu.vector_load_idx %arg7[%broadcast_in_dim3A_3, %add3A_486] : memref<128x128xf32, #tpu.memory_space<vmem>>[vector<16xi32>, vector<16xi32>], vector<16xf32>,
      %add3A_488 = arith.addi %add3A_172, %add3A_456 : vector<16xi32>
      tpu.vector_store_idx %arg9[%broadcast_in_dim3A_3, %add3A_488], %gather3A : memref<64x128xf32, #tpu.memory_space<vmem>>[vector<16xi32>, vector<16xi32>], vector<16xf32>,
      %add3A_489 = arith.addi %add3A_182, %add3A_456 : vector<16xi32>
      tpu.vector_store_idx %arg9[%broadcast_in_dim3A_3, %add3A_489], %gather3A_459 : memref<64x128xf32, #tpu.memory_space<vmem>>[vector<16xi32>, vector<16xi32>], vector<16xf32>,
      %add3A_490 = arith.addi %add3A_192, %add3A_456 : vector<16xi32>
      tpu.vector_store_idx %arg9[%broadcast_in_dim3A_3, %add3A_490], %gather3A_461 : memref<64x128xf32, #tpu.memory_space<vmem>>[vector<16xi32>, vector<16xi32>], vector<16xf32>,
      %add3A_491 = arith.addi %add3A_202, %add3A_456 : vector<16xi32>
      tpu.vector_store_idx %arg9[%broadcast_in_dim3A_3, %add3A_491], %gather3A_463 : memref<64x128xf32, #tpu.memory_space<vmem>>[vector<16xi32>, vector<16xi32>], vector<16xf32>,
      %add3A_492 = arith.addi %add3A_212, %add3A_456 : vector<16xi32>
      tpu.vector_store_idx %arg9[%broadcast_in_dim3A_3, %add3A_492], %gather3A_465 : memref<64x128xf32, #tpu.memory_space<vmem>>[vector<16xi32>, vector<16xi32>], vector<16xf32>,
      %add3A_493 = arith.addi %add3A_222, %add3A_456 : vector<16xi32>
      tpu.vector_store_idx %arg9[%broadcast_in_dim3A_3, %add3A_493], %gather3A_467 : memref<64x128xf32, #tpu.memory_space<vmem>>[vector<16xi32>, vector<16xi32>], vector<16xf32>,
      %add3A_494 = arith.addi %add3A_232, %add3A_456 : vector<16xi32>
      tpu.vector_store_idx %arg9[%broadcast_in_dim3A_3, %add3A_494], %gather3A_469 : memref<64x128xf32, #tpu.memory_space<vmem>>[vector<16xi32>, vector<16xi32>], vector<16xf32>,
      %add3A_495 = arith.addi %add3A_242, %add3A_456 : vector<16xi32>
      tpu.vector_store_idx %arg9[%broadcast_in_dim3A_3, %add3A_495], %gather3A_471 : memref<64x128xf32, #tpu.memory_space<vmem>>[vector<16xi32>, vector<16xi32>], vector<16xf32>,
      %add3A_496 = arith.addi %add3A_252, %add3A_456 : vector<16xi32>
      tpu.vector_store_idx %arg9[%broadcast_in_dim3A_3, %add3A_496], %gather3A_473 : memref<64x128xf32, #tpu.memory_space<vmem>>[vector<16xi32>, vector<16xi32>], vector<16xf32>,
      %add3A_497 = arith.addi %add3A_262, %add3A_456 : vector<16xi32>
      tpu.vector_store_idx %arg9[%broadcast_in_dim3A_3, %add3A_497], %gather3A_475 : memref<64x128xf32, #tpu.memory_space<vmem>>[vector<16xi32>, vector<16xi32>], vector<16xf32>,
      %add3A_498 = arith.addi %add3A_272, %add3A_456 : vector<16xi32>
      tpu.vector_store_idx %arg9[%broadcast_in_dim3A_3, %add3A_498], %gather3A_477 : memref<64x128xf32, #tpu.memory_space<vmem>>[vector<16xi32>, vector<16xi32>], vector<16xf32>,
      %add3A_499 = arith.addi %add3A_282, %add3A_456 : vector<16xi32>
      tpu.vector_store_idx %arg9[%broadcast_in_dim3A_3, %add3A_499], %gather3A_479 : memref<64x128xf32, #tpu.memory_space<vmem>>[vector<16xi32>, vector<16xi32>], vector<16xf32>,
      %add3A_500 = arith.addi %add3A_292, %add3A_456 : vector<16xi32>
      tpu.vector_store_idx %arg9[%broadcast_in_dim3A_3, %add3A_500], %gather3A_481 : memref<64x128xf32, #tpu.memory_space<vmem>>[vector<16xi32>, vector<16xi32>], vector<16xf32>,
      %add3A_501 = arith.addi %add3A_302, %add3A_456 : vector<16xi32>
      tpu.vector_store_idx %arg9[%broadcast_in_dim3A_3, %add3A_501], %gather3A_483 : memref<64x128xf32, #tpu.memory_space<vmem>>[vector<16xi32>, vector<16xi32>], vector<16xf32>,
      %add3A_502 = arith.addi %add3A_312, %add3A_456 : vector<16xi32>
      tpu.vector_store_idx %arg9[%broadcast_in_dim3A_3, %add3A_502], %gather3A_485 : memref<64x128xf32, #tpu.memory_space<vmem>>[vector<16xi32>, vector<16xi32>], vector<16xf32>,
      %add3A_503 = arith.addi %add3A_322, %add3A_456 : vector<16xi32>
      tpu.vector_store_idx %arg9[%broadcast_in_dim3A_3, %add3A_503], %gather3A_487 : memref<64x128xf32, #tpu.memory_space<vmem>>[vector<16xi32>, vector<16xi32>], vector<16xf32>,
    }
    %scan3A_400 = arith.constant 32 : i32
    %dma_start3A_401 = arith.constant 199 : i32
    %dma_start3A_402 = arith.constant 0 : i32
    %dma_start3A_403 = tpu.memref_slice %arg4[%dma_start3A_401, %dma_start3A_402, %mul3A_2] : memref<200x64x4096xf32, #tpu.memory_space<hbm>> -> memref<1x64x128xf32, #tpu.memory_space<hbm>>
    %dma_start3A_404 = tpu.memref_squeeze %dma_start3A_403 : memref<1x64x128xf32, #tpu.memory_space<hbm>> -> memref<64x128xf32, #tpu.memory_space<hbm>>
    %dma_start3A_405 = arith.constant 0 : i32
    %dma_start3A_406 = tpu.memref_slice %arg4[%dma_start3A_401, %dma_start3A_405, %mul3A_2] : memref<200x64x4096xf32, #tpu.memory_space<hbm>> -> memref<1x64x128xf32, #tpu.memory_space<hbm>>
    %dma_start3A_407 = tpu.memref_squeeze %dma_start3A_406 : memref<1x64x128xf32, #tpu.memory_space<hbm>> -> memref<64x128xf32, #tpu.memory_space<hbm>>
    tpu.enqueue_dma source(%arg9 : memref<64x128xf32, #tpu.memory_space<vmem>>) target(%dma_start3A_407 : memref<64x128xf32, #tpu.memory_space<hbm>>) target_semaphore(%arg13 : memref<!tpu.dma_semaphore, #tpu.memory_space<semaphore_mem>>)
    %dma_wait3A_408 = arith.constant 0 : i32
    %dma_wait3A_409 = arith.constant 0 : i32
    %dma_wait3A_410 = tpu.memref_slice %arg4[%dma_wait3A_408, %dma_wait3A_409, %mul3A_2] : memref<200x64x4096xf32, #tpu.memory_space<hbm>> -> memref<1x64x128xf32, #tpu.memory_space<hbm>>
    %dma_wait3A_411 = tpu.memref_squeeze %dma_wait3A_410 : memref<1x64x128xf32, #tpu.memory_space<hbm>> -> memref<64x128xf32, #tpu.memory_space<hbm>>
    %dma_wait3A_412 = arith.constant 0 : i32
    %dma_wait3A_413 = tpu.memref_slice %arg4[%dma_wait3A_408, %dma_wait3A_412, %mul3A_2] : memref<200x64x4096xf32, #tpu.memory_space<hbm>> -> memref<1x64x128xf32, #tpu.memory_space<hbm>>
    %dma_wait3A_414 = tpu.memref_squeeze %dma_wait3A_413 : memref<1x64x128xf32, #tpu.memory_space<hbm>> -> memref<64x128xf32, #tpu.memory_space<hbm>>
    tpu.wait_dma2 semaphore(%arg12 : memref<!tpu.dma_semaphore, #tpu.memory_space<semaphore_mem>>) src(%arg8 : memref<64x128xf32, #tpu.memory_space<vmem>>) dst(%dma_wait3A_414 : memref<64x128xf32, #tpu.memory_space<hbm>>)
    %dma_wait3A_415 = arith.constant 0 : i32
    %dma_wait3A_416 = arith.constant 0 : i32
    %dma_wait3A_417 = tpu.memref_slice %arg4[%dma_wait3A_415, %dma_wait3A_416, %mul3A_2] : memref<200x64x4096xf32, #tpu.memory_space<hbm>> -> memref<1x64x128xf32, #tpu.memory_space<hbm>>
    %dma_wait3A_418 = tpu.memref_squeeze %dma_wait3A_417 : memref<1x64x128xf32, #tpu.memory_space<hbm>> -> memref<64x128xf32, #tpu.memory_space<hbm>>
    %dma_wait3A_419 = arith.constant 0 : i32
    %dma_wait3A_420 = tpu.memref_slice %arg4[%dma_wait3A_415, %dma_wait3A_419, %mul3A_2] : memref<200x64x4096xf32, #tpu.memory_space<hbm>> -> memref<1x64x128xf32, #tpu.memory_space<hbm>>
    %dma_wait3A_421 = tpu.memref_squeeze %dma_wait3A_420 : memref<1x64x128xf32, #tpu.memory_space<hbm>> -> memref<64x128xf32, #tpu.memory_space<hbm>>
    tpu.wait_dma2 semaphore(%arg13 : memref<!tpu.dma_semaphore, #tpu.memory_space<semaphore_mem>>) src(%arg9 : memref<64x128xf32, #tpu.memory_space<vmem>>) dst(%dma_wait3A_421 : memref<64x128xf32, #tpu.memory_space<hbm>>)
    return
  }
}

</mosaic_0001>

<sc_bundles>
// kernel: kernel.4.cloned.1.call-start
scs
__scs_entry_jumppad:
0x0: {  	(pc) =	sbr.rel $0x88, $3  }
0x1: {  	(tag) =	ssettag $0x0;
	lr =	simm.s32 $0x1  }
0x2: {  	[smem:$0x3F9F] =	sst lr;
	_ =	strace $0xD0000000  }
0x3: {  	_ = 	snop  }
0x4: {  	_ = 	snop  }
0x5: {  	_ = 	snop  }
0x6: {  	_ = 	snop  }
0x7: {  	_ = 	snop  }
__scs_overlays_trampoline_lowered:
0x8: {  	[smem:$0x3FAE] =	sst s0  }
0x9: {  	[smem:$0x3FAF] =	sst s1  }
0xa: {  	[smem:$0x3FB0] =	sst s2  }
0xb: {  	[smem:$0x3FB1] =	sst s3  }
0xc: {  	[smem:$0x3FB2] =	sst s4  }
0xd: {  	[smem:$0x3FB3] =	sst s5  }
0xe: {  	[smem:$0x3FB4] =	sst s6  }
0xf: {  	[smem:$0x3FB5] =	sst s7  }
0x10: {  	[smem:$0x3FB6] =	sst s8  }
0x11: {  	[smem:$0x3FB7] =	sst s9;
	s0 =	simm.s32 @!p0 $0x0  }
0x12: {  	s1 =	sld [smem:$0x3F9D];
	s0 =	simm.s32 @p0 $0x1  }
0x13: {  	[smem:$0x3FB8] =	sst s0;
	s0 =	simm.s32 @!p1 $0x0  }
0x14: {  	s2 =	sld [smem:$0x3F9C];
	s0 =	simm.s32 @p1 $0x1  }
0x15: {  	[smem:$0x3FB9] =	sst s0;
	s0 =	simm.s32 @!p2 $0x0  }
0x16: {  	s3 =	sld [smem:$0x3FDB];
	s0 =	simm.s32 @p2 $0x1  }
0x17: {  	s4 =	simm.s32 $0x1BF5;
	[smem:$0x3FBB] =	sst s0  }
0x18: {  	s0 =	sld [smem:$0x3F9E];
	_ =	swait.ge [sflag:s4], $0x0  }
0x19: {  	s7 =	sld [smem:$0x3F9F]  }
0x1a: {  	s8 =	sadd.s32 $0xFFFFE003, lr  }
0x1b: {  	s9 =	sadd.s32 $0xFFFFFEF7, lr;
	s5 =	simm.s32 $0xFFFFFFFF;
	p2 =	slt.u32 s8, $0xFFFFF086  }
0x1c: {  	p1 =	slt.u32 s9, $0xF7A;
	s5 =	simm.s32 @!p2 $0x0  }
0x1d: {  	s5 =	simm.s32 @p1 $0x1;
	p0 =	seq.s32 s7, s2  }
0x1e: {  	s7 =	smul.u32 @!p0 $0xF7A, s2;
	p2 =	seq.s32 @!p0 s5, $0x0  }
0x1f: {  	s9 =	smul.u32 $0xF7A, s1;
	s8 =	simm.s32 @!p0 $0x1BF5;
	p2 =	por !p2, p0  }
0x20: {  	[sflag:s8] =	ssyncset.s32 @!p0 $0xFFFFF086;
	s6 =	sadd.s32 @!p0 s3, s7;
	s7 =	simm.s32 @!p0 $0x108  }
0x21: {  	s3 =	sadd.s32 s3, s9;
	s6 =	sadd.s32 @!p0 $0x88, s6;
	s7 =	simm.s32 @p2 $0x1082  }
0x22: {  	[simem:s7], [sflag:s8] =	dma.local @!p0 [hbm:s6], $0xF7A  }
0x23: {  	s9 =	sor.u32 $0xD0000000, s2;
	s6 =	simm.s32 $0x108;
	_ =	swait.ge @!p0 [sflag:s8], $0x0  }
0x24: {  	s3 =	sadd.s32 $0x88, s3;
	s6 =	simm.s32 @!p1 $0x1082;
	[sflag:s4] =	ssyncset.s32 $0xFFFFF086  }
0x25: {  	[simem:s6], [sflag:s4] =	dma.local [hbm:s3], $0xF7A  }
0x26: {  	[smem:$0x3F9F] =	sst s1;
	(tag) =	ssettag s2;
	_ =	strace s9  }
0x27: {  	s1 =	sld [smem:$0x3FAF]  }
0x28: {  	s2 =	sld [smem:$0x3FB0]  }
0x29: {  	s4 =	sld [smem:$0x3FB2]  }
0x2a: {  	p0 =	seq.s32 s5, $0x0;
	s5 =	sld [smem:$0x3FB3]  }
0x2b: {  	s6 =	sld [smem:$0x3FB4]  }
0x2c: {  	s7 =	sld [smem:$0x3FB5]  }
0x2d: {  	s3 =	simm.s32 $0x108;
	s8 =	sld [smem:$0x3FB6]  }
0x2e: {  	s3 =	simm.s32 @!p0 $0x1082;
	s9 =	sld [smem:$0x3FB7]  }
0x2f: {  	lr =	sadd.s32 s0, s3;
	s0 =	sld [smem:$0x3FAE]  }
0x30: {  	s3 =	sld [smem:$0x3FB1]  }
0x31: {  	[smem:$0x3FBA] =	sst s10  }
0x32: {  	s10 =	sld [smem:$0x3FB8];
	_ =	sdelay $0x3  }
0x33: {  	p0 =	seq.s32 s10, $0x1;
	s10 =	sld [smem:$0x3FBA];
	_ =	sdelay $0x3  }
0x34: {  	[smem:$0x3FBA] =	sst s10  }
0x35: {  	s10 =	sld [smem:$0x3FB9];
	_ =	sdelay $0x3  }
0x36: {  	p1 =	seq.s32 s10, $0x1;
	s10 =	sld [smem:$0x3FBA];
	_ =	sdelay $0x3  }
0x37: {  	[smem:$0x3FBA] =	sst s10  }
0x38: {  	s10 =	sld [smem:$0x3FBB]  }
0x39: {  	_ = 	snop;
	(pc) =	sbr.ind lr, $3  }
0x3a: {  	_ = 	snop  }
0x3b: {  	_ = 	snop  }
0x3c: {  	p2 =	seq.s32 s10, $0x1;
	s10 =	sld [smem:$0x3FBA]  }
0x3d: {  	_ =	shalt  }
0x3e: {  	_ =	shalt  }
0x3f: {  	_ =	shalt  }
0x40: {  	_ =	shalt  }
0x41: {  	_ =	shalt  }
0x42: {  	_ =	shalt  }
0x43: {  	_ =	shalt  }
0x44: {  	_ =	shalt  }
0x45: {  	_ =	shalt  }
0x46: {  	_ =	shalt  }
0x47: {  	_ =	shalt  }
0x48: {  	_ =	shalt  }
0x49: {  	_ =	shalt  }
0x4a: {  	_ =	shalt  }
0x4b: {  	_ =	shalt  }
0x4c: {  	_ =	shalt  }
0x4d: {  	_ =	shalt  }
0x4e: {  	_ =	shalt  }
0x4f: {  	_ =	shalt  }
0x50: {  	_ =	shalt  }
0x51: {  	_ =	shalt  }
0x52: {  	_ =	shalt  }
0x53: {  	_ =	shalt  }
0x54: {  	_ =	shalt  }
0x55: {  	_ =	shalt  }
0x56: {  	_ =	shalt  }
0x57: {  	_ =	shalt  }
0x58: {  	_ =	shalt  }
0x59: {  	_ =	shalt  }
0x5a: {  	_ =	shalt  }
0x5b: {  	_ =	shalt  }
0x5c: {  	_ =	shalt  }
0x5d: {  	_ =	shalt  }
0x5e: {  	_ =	shalt  }
0x5f: {  	_ =	shalt  }
0x60: {  	_ =	shalt  }
0x61: {  	_ =	shalt  }
0x62: {  	_ =	shalt  }
0x63: {  	_ =	shalt  }
0x64: {  	_ =	shalt  }
0x65: {  	_ =	shalt  }
0x66: {  	_ =	shalt  }
0x67: {  	_ =	shalt  }
0x68: {  	_ =	shalt  }
0x69: {  	_ =	shalt  }
0x6a: {  	_ =	shalt  }
0x6b: {  	_ =	shalt  }
0x6c: {  	_ =	shalt  }
0x6d: {  	_ =	shalt  }
0x6e: {  	_ =	shalt  }
0x6f: {  	_ =	shalt  }
0x70: {  	_ =	shalt  }
0x71: {  	_ =	shalt  }
0x72: {  	_ =	shalt  }
0x73: {  	_ =	shalt  }
0x74: {  	_ =	shalt  }
0x75: {  	_ =	shalt  }
0x76: {  	_ =	shalt  }
0x77: {  	_ =	shalt  }
0x78: {  	_ =	shalt  }
0x79: {  	_ =	shalt  }
0x7a: {  	_ =	shalt  }
0x7b: {  	_ =	shalt  }
0x7c: {  	_ =	shalt  }
0x7d: {  	_ =	shalt  }
0x7e: {  	_ =	shalt  }
0x7f: {  	_ =	shalt  }
0x80: {  	_ =	shalt  }
0x81: {  	_ =	shalt  }
0x82: {  	_ =	shalt  }
0x83: {  	_ =	shalt  }
0x84: {  	_ =	shalt  }
0x85: {  	_ =	shalt  }
0x86: {  	_ =	shalt  }
0x87: {  	_ =	shalt  }
.Lfunc_end0:
.L_simem_size_0:
called_computation_lowered:
.L_overlay_start_0:
0x88: {  	s2 =	sld [smem:$0x3FD9]  }
0x89: {  	s3 =	sld [smem:$0x3FFE];
	_ =	sdelay $0x1  }
0x8a: {  	s1 =	srdreg.scid  }
0x8b: {  	s0 =	sand.u32 $0x1, s1  }
0x8c: {  	s17 =	sshll.u32 s0, $0xA;
	s2 =	sadd.s32 s3, s2  }
0x8d: {  	s2 =	sadd.s32 s2, s17  }
0x8e: {  	[smem:$0x3FC6] =	sst s2  }
0x8f: {  	_ = 	snop  }
0x90: {  	s2 =	sld [smem:$0x3FC8];
	(tm) =	ssettm $0x1  }
0x91: {  	s18 =	sld [smem:$0x3FFB];
	_ =	sdelay $0x3  }
0x92: {  	_ =	strace s18  }
0x93: {  	s3 =	sld [smem:$0x3FFC];
	_ =	sdelay $0x3  }
0x94: {  	_ =	strace s3  }
0x95: {  	s3 =	sld [smem:$0x3FFD];
	_ =	sdelay $0x3  }
0x96: {  	_ =	strace s3  }
0x97: {  	_ =	strace $0x8FFFFFFF  }
0x98: {  	s19 =	sld [smem:$0x3FDB];
	_ =	sdelay $0x1  }
0x99: {  	s4 =	simm.s32 $_scs_section_size  }
0x9a: {  	s5 =	simm.s32 $_size__tile_overlayer_lowered;
	s6 =	simm.s32 $_tile_overlayer_lowered  }
0x9b: {  	s22 =	simm.s32 $0x1BFF;
	s21 =	sshll.u32 s6, $0x1;
	s3 =	sadd.s32 s4, s19  }
0x9c: {  	s7 =	simm.s32 $0x0;
	s20 =	sshll.u32 s5, $0x1;
	s5 =	sadd.s32 s21, s3  }
0x9d: {  	[timem:s7], [sflag:s22] =	dma.local [hbm:s5], s20  }
0x9e: {  	_ =	swait.ge [sflag:s22], s20  }
0x9f: {  	s4 =	ssub.s32 $0x0, s20;
	[sflag:s22] =	ssyncset.done $0x0  }
0xa0: {  	[sflag:s22] =	ssyncadd.s32 s4;
	_ =	sdelay $0x1  }
0xa1: {  	s23 =	simm.s32 $0x1B8B  }
0xa2: {  	_ =	swait.ge [sflag:s23], $0x1  }
0xa3: {  	[sflag:s23] =	ssyncset.done $0x0  }
0xa4: {  	s25 =	simm.s32 $0x1B8E;
	s24 =	sld [smem:$0x3FFE];
	[sflag:s23] =	ssyncadd.s32 $0xFFFFFFFF  }
0xa5: {  	s26 =	simm.s32 $execute0_lowered;
	[smem:$0x3FD2] =	sst s25  }
0xa6: {  	s5 =	sshll.u32 s26, $0x1;
	_ =	strace $0x80000046;
	[dreg:$0x1] =	wrdreg $0xFFFFFFFF  }
0xa7: {  	s28 =	simm.s32 $_size_execute0_lowered;
	s3 =	sadd.s32 s3, s5;
	[dreg:$0x0] =	wrdreg $0x0  }
0xa8: {  	s5 =	sshll.u32 s28, $0x1;
	[dreg:$0x2] =	wrdreg s3  }
0xa9: {  	[dreg:$0x3] =	wrdreg s5  }
0xaa: {  	[dreg:$0x4] =	wrdreg $0xC0  }
0xab: {  	_ =	task [dreg:s7], $0x5FFFF  }
0xac: {  	[dreg:$0x1] =	wrdreg $0xFFFFFFFF  }
0xad: {  	[dreg:$0x0] =	wrdreg $0x60  }
0xae: {  	[dreg:$0x2] =	wrdreg s2  }
0xaf: {  	[dreg:$0x3] =	wrdreg s24  }
0xb0: {  	[dreg:$0x4] =	wrdreg $0x9  }
0xb1: {  	_ =	task.clear_ibuf [dreg:s7], $0x5FFFF;
	_ =	strace $0x90000046  }
0xb2: {  	s29 =	simm.s32 $0x9;
	_ =	strace $0x80000048  }
0xb3: {  	_ =	swait.ge [sflag:s29], $0x1  }
0xb4: {  	[sflag:s29] =	ssyncadd.s32 $0xFFFFFFFF  }
0xb5: {  	_ =	strace $0x90000048  }
0xb6: {  	_ =	sfence  }
0xb7: {  	s30 =	sld [smem:$0x0];
	_ =	sdelay $0x2  }
0xb8: {  	s31 =	sshll.u32 s1, $0xD;
	s1 =	sshrl.u32 s1, $0x2  }
0xb9: {  	s3 =	sand.u32 $0x4000, s31;
	s1 =	sadd.s32 s1, s30  }
0xba: {  	s0 =	sor.u32 s3, s0;
	s1 =	sshll.u32 s1, $0x11  }
0xbb: {  	s0 =	sor.u32 s1, s0  }
0xbc: {  	s0 =	sadd.s32 $0x8F2B, s0  }
0xbd: {  	[sflag:s0] =	ssyncadd.remote.s32 $0x1  }
0xbe: {  	_ =	sfence.sel $0xFFFF  }
0xbf: {  	[dreg:$0x0] =	wrdreg $0xFFFFFFFF;
	(pc) =	sbr.abs _section_cstart, $3  }
0xc0: {  	[dreg:$0x1] =	wrdreg $0xFFFFFFFF  }
0xc1: {  	_ =	task.clear_ibuf [dreg:s7], $0x2FFFF;
	_ =	strace $0x9FFFFFFF  }
0xc2: {  	(tm) =	ssettm $0x7FFFFFFF  }
0xc3: {  	_ =	shalt  }
tec
execute0_lowered:
.L_overlay_start_1:
0x0: {  	(tag) =	ssettag $0x1  }
0x1: {  	vm14 =	vcmask $0x300;
	v0 =	vimm.s32 $0xF  }
0x2: {  	vm13 =	vcmask $0x704;
	vm12 =	vcmask $0xB08;
	vm11 =	vcmask $0xF0C  }
0x3: {  	vm10 =	vcmask $0x1310;
	vm9 =	vcmask $0x1714;
	v1 =	vlaneseq.u32  }
0x4: {  	vm7 =	vcmask $0x1B18;
	vm0 =	vcmask $0x1F1C;
	v3 =	vimm.s32 $0x10F  }
0x5: {  	vm1 =	vcmask $0x2320;
	vm2 =	vcmask $0x2724;
	vm3 =	vcmask $0x2B28  }
0x6: {  	vm4 =	vcmask $0x2F2C;
	vm5 =	vcmask $0x3330;
	vm6 =	vcmask $0x3734  }
0x7: {  	vm8 =	vcmask $0x3B38;
	v4 =	vimm.s32 $0x18F;
	v5 =	vimm.s32 $0x20F  }
0x8: {  	v6 =	vimm.s32 $0x28F;
	v7 =	vimm.s32 $0x30F;
	v8 =	vimm.s32 $0x38F  }
0x9: {  	v9 =	vimm.s32 $0x40F;
	v10 =	vimm.s32 $0x48F;
	v11 =	vimm.s32 $0x50F  }
0xa: {  	v12 =	vimm.s32 $0x58F;
	v13 =	vimm.s32 $0x60F;
	v14 =	vimm.s32 $0x68F  }
0xb: {  	v15 =	vimm.s32 $0x70F;
	v16 =	vimm.s32 $0x780;
	v17 =	vimm.s32 $0x781  }
0xc: {  	v18 =	vimm.s32 $0x782;
	v19 =	vimm.s32 $0x783;
	v20 =	vimm.s32 $0x784  }
0xd: {  	v21 =	vimm.s32 $0x785;
	v22 =	vimm.s32 $0x786;
	v23 =	vimm.s32 $0x787  }
0xe: {  	v24 =	vimm.s32 $0x788;
	v25 =	vimm.s32 $0x789;
	v26 =	vimm.s32 $0x78A  }
0xf: {  	v27 =	vimm.s32 $0x78B;
	v28 =	vimm.s32 $0x78C;
	v29 =	vimm.s32 $0x78D  }
0x10: {  	v30 =	vimm.s32 $0x78E;
	v0 =	vsel vm14, $0x80, v0;
	v3 =	vsel vm14, $0x180, v3  }
0x11: {  	v4 =	vsel vm14, $0x200, v4;
	v5 =	vsel vm14, $0x280, v5;
	v6 =	vsel vm14, $0x300, v6  }
0x12: {  	v7 =	vsel vm14, $0x380, v7;
	v8 =	vsel vm14, $0x400, v8;
	v9 =	vsel vm14, $0x480, v9  }
0x13: {  	v10 =	vsel vm14, $0x500, v10;
	v11 =	vsel vm14, $0x580, v11;
	v12 =	vsel vm14, $0x600, v12  }
0x14: {  	v13 =	vsel vm14, $0x680, v13;
	v14 =	vsel vm14, $0x700, v14;
	v15 =	vsel vm14, $0x780, v15  }
0x15: {  	v16 =	vsel vm14, $0x1, v16;
	v17 =	vsel vm14, $0x2, v17;
	v18 =	vsel vm14, $0x3, v18  }
0x16: {  	v19 =	vsel vm14, $0x4, v19;
	v20 =	vsel vm14, $0x5, v20;
	v21 =	vsel vm14, $0x6, v21  }
0x17: {  	v22 =	vsel vm14, $0x7, v22;
	v23 =	vsel vm14, $0x8, v23;
	v24 =	vsel vm14, $0x9, v24  }
0x18: {  	v25 =	vsel vm14, $0xA, v25;
	v26 =	vsel vm14, $0xB, v26;
	v27 =	vsel vm14, $0xC, v27  }
0x19: {  	v28 =	vsel vm14, $0xD, v28;
	v29 =	vsel vm14, $0xE, v29;
	v30 =	vsel vm14, $0xF, v30  }
0x1a: {  	v0 =	vsel vm13, $0x101, v0;
	v3 =	vsel vm13, $0x201, v3;
	v4 =	vsel vm13, $0x281, v4  }
0x1b: {  	v5 =	vsel vm13, $0x301, v5;
	v6 =	vsel vm13, $0x381, v6;
	v7 =	vsel vm13, $0x401, v7  }
0x1c: {  	v8 =	vsel vm13, $0x481, v8;
	v9 =	vsel vm13, $0x501, v9;
	v10 =	vsel vm13, $0x581, v10  }
0x1d: {  	v11 =	vsel vm13, $0x601, v11;
	v12 =	vsel vm13, $0x681, v12;
	v13 =	vsel vm13, $0x701, v13  }
0x1e: {  	v14 =	vsel vm13, $0x781, v14;
	v15 =	vsel vm13, $0x1, v15;
	v16 =	vsel vm13, $0x82, v16  }
0x1f: {  	v17 =	vsel vm13, $0x83, v17;
	v18 =	vsel vm13, $0x84, v18;
	v19 =	vsel vm13, $0x85, v19  }
0x20: {  	v20 =	vsel vm13, $0x86, v20;
	v21 =	vsel vm13, $0x87, v21;
	v22 =	vsel vm13, $0x88, v22  }
0x21: {  	v23 =	vsel vm13, $0x89, v23;
	v24 =	vsel vm13, $0x8A, v24;
	v25 =	vsel vm13, $0x8B, v25  }
0x22: {  	v26 =	vsel vm13, $0x8C, v26;
	v27 =	vsel vm13, $0x8D, v27;
	v28 =	vsel vm13, $0x8E, v28  }
0x23: {  	v29 =	vsel vm13, $0x8F, v29;
	v30 =	vsel vm13, $0x80, v30;
	v0 =	vsel vm12, $0x182, v0  }
0x24: {  	v3 =	vsel vm12, $0x282, v3;
	v4 =	vsel vm12, $0x302, v4;
	v5 =	vsel vm12, $0x382, v5  }
0x25: {  	v6 =	vsel vm12, $0x402, v6;
	v7 =	vsel vm12, $0x482, v7;
	v8 =	vsel vm12, $0x502, v8  }
0x26: {  	v9 =	vsel vm12, $0x582, v9;
	v10 =	vsel vm12, $0x602, v10;
	v11 =	vsel vm12, $0x682, v11  }
0x27: {  	v12 =	vsel vm12, $0x702, v12;
	v13 =	vsel vm12, $0x782, v13;
	v14 =	vsel vm12, $0x2, v14  }
0x28: {  	v15 =	vsel vm12, $0x82, v15;
	v16 =	vsel vm12, $0x103, v16;
	v17 =	vsel vm12, $0x104, v17  }
0x29: {  	v18 =	vsel vm12, $0x105, v18;
	v19 =	vsel vm12, $0x106, v19;
	v20 =	vsel vm12, $0x107, v20  }
0x2a: {  	v21 =	vsel vm12, $0x108, v21;
	v22 =	vsel vm12, $0x109, v22;
	v23 =	vsel vm12, $0x10A, v23  }
0x2b: {  	v24 =	vsel vm12, $0x10B, v24;
	v25 =	vsel vm12, $0x10C, v25;
	v26 =	vsel vm12, $0x10D, v26  }
0x2c: {  	v27 =	vsel vm12, $0x10E, v27;
	v28 =	vsel vm12, $0x10F, v28;
	v29 =	vsel vm12, $0x100, v29  }
0x2d: {  	v30 =	vsel vm12, $0x101, v30;
	v0 =	vsel vm11, $0x203, v0;
	v3 =	vsel vm11, $0x303, v3  }
0x2e: {  	v4 =	vsel vm11, $0x383, v4;
	v5 =	vsel vm11, $0x403, v5;
	v6 =	vsel vm11, $0x483, v6  }
0x2f: {  	v7 =	vsel vm11, $0x503, v7;
	v8 =	vsel vm11, $0x583, v8;
	v9 =	vsel vm11, $0x603, v9  }
0x30: {  	v10 =	vsel vm11, $0x683, v10;
	v11 =	vsel vm11, $0x703, v11;
	v12 =	vsel vm11, $0x783, v12  }
0x31: {  	v13 =	vsel vm11, $0x3, v13;
	v14 =	vsel vm11, $0x83, v14;
	v15 =	vsel vm11, $0x103, v15  }
0x32: {  	v16 =	vsel vm11, $0x184, v16;
	v17 =	vsel vm11, $0x185, v17;
	v18 =	vsel vm11, $0x186, v18  }
0x33: {  	v19 =	vsel vm11, $0x187, v19;
	v20 =	vsel vm11, $0x188, v20;
	v21 =	vsel vm11, $0x189, v21  }
0x34: {  	v22 =	vsel vm11, $0x18A, v22;
	v23 =	vsel vm11, $0x18B, v23;
	v24 =	vsel vm11, $0x18C, v24  }
0x35: {  	v25 =	vsel vm11, $0x18D, v25;
	v26 =	vsel vm11, $0x18E, v26;
	v27 =	vsel vm11, $0x18F, v27  }
0x36: {  	v28 =	vsel vm11, $0x180, v28;
	v29 =	vsel vm11, $0x181, v29;
	v30 =	vsel vm11, $0x182, v30  }
0x37: {  	v0 =	vsel vm10, $0x284, v0;
	v3 =	vsel vm10, $0x384, v3;
	v4 =	vsel vm10, $0x404, v4  }
0x38: {  	v5 =	vsel vm10, $0x484, v5;
	v6 =	vsel vm10, $0x504, v6;
	v7 =	vsel vm10, $0x584, v7  }
0x39: {  	v8 =	vsel vm10, $0x604, v8;
	v9 =	vsel vm10, $0x684, v9;
	v10 =	vsel vm10, $0x704, v10  }
0x3a: {  	v11 =	vsel vm10, $0x784, v11;
	v12 =	vsel vm10, $0x4, v12;
	v13 =	vsel vm10, $0x84, v13  }
0x3b: {  	v14 =	vsel vm10, $0x104, v14;
	v15 =	vsel vm10, $0x184, v15;
	v16 =	vsel vm10, $0x205, v16  }
0x3c: {  	v17 =	vsel vm10, $0x206, v17;
	v18 =	vsel vm10, $0x207, v18;
	v19 =	vsel vm10, $0x208, v19  }
0x3d: {  	v20 =	vsel vm10, $0x209, v20;
	v21 =	vsel vm10, $0x20A, v21;
	v22 =	vsel vm10, $0x20B, v22  }
0x3e: {  	v23 =	vsel vm10, $0x20C, v23;
	v24 =	vsel vm10, $0x20D, v24;
	v25 =	vsel vm10, $0x20E, v25  }
0x3f: {  	v26 =	vsel vm10, $0x20F, v26;
	v27 =	vsel vm10, $0x200, v27;
	v28 =	vsel vm10, $0x201, v28  }
0x40: {  	v29 =	vsel vm10, $0x202, v29;
	v30 =	vsel vm10, $0x203, v30;
	v2 =	vsel vm9, $0x305, v0  }
0x41: {  	v0 =	vmul.u32 $0x81, v1;
	v3 =	vsel vm9, $0x405, v3;
	v4 =	vsel vm9, $0x485, v4  }
0x42: {  	v5 =	vsel vm9, $0x505, v5;
	v6 =	vsel vm9, $0x585, v6;
	v7 =	vsel vm9, $0x605, v7  }
0x43: {  	v8 =	vsel vm9, $0x685, v8;
	v9 =	vsel vm9, $0x705, v9;
	v10 =	vsel vm9, $0x785, v10  }
0x44: {  	v11 =	vsel vm9, $0x5, v11;
	v12 =	vsel vm9, $0x85, v12;
	v13 =	vsel vm9, $0x105, v13  }
0x45: {  	v14 =	vsel vm9, $0x185, v14;
	v15 =	vsel vm9, $0x205, v15;
	v16 =	vsel vm9, $0x286, v16  }
0x46: {  	v17 =	vsel vm9, $0x287, v17;
	v18 =	vsel vm9, $0x288, v18;
	v19 =	vsel vm9, $0x289, v19  }
0x47: {  	v20 =	vsel vm9, $0x28A, v20;
	v21 =	vsel vm9, $0x28B, v21;
	v22 =	vsel vm9, $0x28C, v22  }
0x48: {  	v23 =	vsel vm9, $0x28D, v23;
	v24 =	vsel vm9, $0x28E, v24;
	v25 =	vsel vm9, $0x28F, v25  }
0x49: {  	v26 =	vsel vm9, $0x280, v26;
	v27 =	vsel vm9, $0x281, v27;
	v28 =	vsel vm9, $0x282, v28  }
0x4a: {  	v29 =	vsel vm9, $0x283, v29;
	v30 =	vsel vm9, $0x284, v30;
	v1 =	vsel vm7, $0x386, v2  }
0x4b: {  	v2 =	vimm.s32 $0x8F;
	v3 =	vsel vm7, $0x486, v3;
	v4 =	vsel vm7, $0x506, v4  }
0x4c: {  	v5 =	vsel vm7, $0x586, v5;
	v6 =	vsel vm7, $0x606, v6;
	v7 =	vsel vm7, $0x686, v7  }
0x4d: {  	v8 =	vsel vm7, $0x706, v8;
	v9 =	vsel vm7, $0x786, v9;
	v10 =	vsel vm7, $0x6, v10  }
0x4e: {  	v11 =	vsel vm7, $0x86, v11;
	v12 =	vsel vm7, $0x106, v12;
	v13 =	vsel vm7, $0x186, v13  }
0x4f: {  	v14 =	vsel vm7, $0x206, v14;
	v15 =	vsel vm7, $0x286, v15;
	v16 =	vsel vm7, $0x307, v16  }
0x50: {  	v17 =	vsel vm7, $0x308, v17;
	v18 =	vsel vm7, $0x309, v18;
	v19 =	vsel vm7, $0x30A, v19  }
0x51: {  	v20 =	vsel vm7, $0x30B, v20;
	v21 =	vsel vm7, $0x30C, v21;
	v22 =	vsel vm7, $0x30D, v22  }
0x52: {  	v23 =	vsel vm7, $0x30E, v23;
	v24 =	vsel vm7, $0x30F, v24;
	v25 =	vsel vm7, $0x300, v25  }
0x53: {  	v26 =	vsel vm7, $0x301, v26;
	v27 =	vsel vm7, $0x302, v27;
	v28 =	vsel vm7, $0x303, v28  }
0x54: {  	v29 =	vsel vm7, $0x304, v29;
	v30 =	vsel vm7, $0x305, v30;
	v1 =	vsel vm0, $0x407, v1  }
0x55: {  	v2 =	vsel vm14, $0x100, v2;
	v3 =	vsel vm0, $0x507, v3;
	v4 =	vsel vm0, $0x587, v4  }
0x56: {  	v5 =	vsel vm0, $0x607, v5;
	v6 =	vsel vm0, $0x687, v6;
	v7 =	vsel vm0, $0x707, v7  }
0x57: {  	v8 =	vsel vm0, $0x787, v8;
	v9 =	vsel vm0, $0x7, v9;
	v10 =	vsel vm0, $0x87, v10  }
0x58: {  	v11 =	vsel vm0, $0x107, v11;
	v12 =	vsel vm0, $0x187, v12;
	v13 =	vsel vm0, $0x207, v13  }
0x59: {  	v14 =	vsel vm0, $0x287, v14;
	v15 =	vsel vm0, $0x307, v15;
	v16 =	vsel vm0, $0x388, v16  }
0x5a: {  	v17 =	vsel vm0, $0x389, v17;
	v18 =	vsel vm0, $0x38A, v18;
	v19 =	vsel vm0, $0x38B, v19  }
0x5b: {  	v20 =	vsel vm0, $0x38C, v20;
	v21 =	vsel vm0, $0x38D, v21;
	v22 =	vsel vm0, $0x38E, v22  }
0x5c: {  	v23 =	vsel vm0, $0x38F, v23;
	v24 =	vsel vm0, $0x380, v24;
	v25 =	vsel vm0, $0x381, v25  }
0x5d: {  	v26 =	vsel vm0, $0x382, v26;
	v27 =	vsel vm0, $0x383, v27;
	v28 =	vsel vm0, $0x384, v28  }
0x5e: {  	v29 =	vsel vm0, $0x385, v29;
	v30 =	vsel vm0, $0x386, v30;
	v2 =	vsel vm13, $0x181, v2  }
0x5f: {  	v1 =	vsel vm1, $0x488, v1;
	v3 =	vsel vm1, $0x588, v3;
	v4 =	vsel vm1, $0x608, v4  }
0x60: {  	v5 =	vsel vm1, $0x688, v5;
	v6 =	vsel vm1, $0x708, v6;
	v7 =	vsel vm1, $0x788, v7  }
0x61: {  	v8 =	vsel vm1, $0x8, v8;
	v9 =	vsel vm1, $0x88, v9;
	v10 =	vsel vm1, $0x108, v10  }
0x62: {  	v11 =	vsel vm1, $0x188, v11;
	v12 =	vsel vm1, $0x208, v12;
	v13 =	vsel vm1, $0x288, v13  }
0x63: {  	v14 =	vsel vm1, $0x308, v14;
	v15 =	vsel vm1, $0x388, v15;
	v16 =	vsel vm1, $0x409, v16  }
0x64: {  	v17 =	vsel vm1, $0x40A, v17;
	v18 =	vsel vm1, $0x40B, v18;
	v19 =	vsel vm1, $0x40C, v19  }
0x65: {  	v20 =	vsel vm1, $0x40D, v20;
	v21 =	vsel vm1, $0x40E, v21;
	v22 =	vsel vm1, $0x40F, v22  }
0x66: {  	v23 =	vsel vm1, $0x400, v23;
	v24 =	vsel vm1, $0x401, v24;
	v25 =	vsel vm1, $0x402, v25  }
0x67: {  	v26 =	vsel vm1, $0x403, v26;
	v27 =	vsel vm1, $0x404, v27;
	v28 =	vsel vm1, $0x405, v28  }
0x68: {  	v29 =	vsel vm1, $0x406, v29;
	v30 =	vsel vm1, $0x407, v30;
	v2 =	vsel vm12, $0x202, v2  }
0x69: {  	v1 =	vsel vm2, $0x509, v1;
	v3 =	vsel vm2, $0x609, v3;
	v4 =	vsel vm2, $0x689, v4  }
0x6a: {  	v5 =	vsel vm2, $0x709, v5;
	v6 =	vsel vm2, $0x789, v6;
	v7 =	vsel vm2, $0x9, v7  }
0x6b: {  	v8 =	vsel vm2, $0x89, v8;
	v9 =	vsel vm2, $0x109, v9;
	v10 =	vsel vm2, $0x189, v10  }
0x6c: {  	v11 =	vsel vm2, $0x209, v11;
	v12 =	vsel vm2, $0x289, v12;
	v13 =	vsel vm2, $0x309, v13  }
0x6d: {  	v14 =	vsel vm2, $0x389, v14;
	v15 =	vsel vm2, $0x409, v15;
	v16 =	vsel vm2, $0x48A, v16  }
0x6e: {  	v17 =	vsel vm2, $0x48B, v17;
	v18 =	vsel vm2, $0x48C, v18;
	v19 =	vsel vm2, $0x48D, v19  }
0x6f: {  	v20 =	vsel vm2, $0x48E, v20;
	v21 =	vsel vm2, $0x48F, v21;
	v22 =	vsel vm2, $0x480, v22  }
0x70: {  	v23 =	vsel vm2, $0x481, v23;
	v24 =	vsel vm2, $0x482, v24;
	v25 =	vsel vm2, $0x483, v25  }
0x71: {  	v26 =	vsel vm2, $0x484, v26;
	v27 =	vsel vm2, $0x485, v27;
	v28 =	vsel vm2, $0x486, v28  }
0x72: {  	v29 =	vsel vm2, $0x487, v29;
	v30 =	vsel vm2, $0x488, v30;
	v2 =	vsel vm11, $0x283, v2  }
0x73: {  	v1 =	vsel vm3, $0x58A, v1;
	v3 =	vsel vm3, $0x68A, v3;
	v4 =	vsel vm3, $0x70A, v4  }
0x74: {  	v5 =	vsel vm3, $0x78A, v5;
	v6 =	vsel vm3, $0xA, v6;
	v7 =	vsel vm3, $0x8A, v7  }
0x75: {  	v8 =	vsel vm3, $0x10A, v8;
	v9 =	vsel vm3, $0x18A, v9;
	v10 =	vsel vm3, $0x20A, v10  }
0x76: {  	v11 =	vsel vm3, $0x28A, v11;
	v12 =	vsel vm3, $0x30A, v12;
	v13 =	vsel vm3, $0x38A, v13  }
0x77: {  	v14 =	vsel vm3, $0x40A, v14;
	v15 =	vsel vm3, $0x48A, v15;
	v16 =	vsel vm3, $0x50B, v16  }
0x78: {  	v17 =	vsel vm3, $0x50C, v17;
	v18 =	vsel vm3, $0x50D, v18;
	v19 =	vsel vm3, $0x50E, v19  }
0x79: {  	v20 =	vsel vm3, $0x50F, v20;
	v21 =	vsel vm3, $0x500, v21;
	v22 =	vsel vm3, $0x501, v22  }
0x7a: {  	v23 =	vsel vm3, $0x502, v23;
	v24 =	vsel vm3, $0x503, v24;
	v25 =	vsel vm3, $0x504, v25  }
0x7b: {  	v26 =	vsel vm3, $0x505, v26;
	v27 =	vsel vm3, $0x506, v27;
	v28 =	vsel vm3, $0x507, v28  }
0x7c: {  	v29 =	vsel vm3, $0x508, v29;
	v30 =	vsel vm3, $0x509, v30;
	v2 =	vsel vm10, $0x304, v2  }
0x7d: {  	v1 =	vsel vm4, $0x60B, v1;
	v3 =	vsel vm4, $0x70B, v3;
	v4 =	vsel vm4, $0x78B, v4  }
0x7e: {  	v5 =	vsel vm4, $0xB, v5;
	v6 =	vsel vm4, $0x8B, v6;
	v7 =	vsel vm4, $0x10B, v7  }
0x7f: {  	v8 =	vsel vm4, $0x18B, v8;
	v9 =	vsel vm4, $0x20B, v9;
	v10 =	vsel vm4, $0x28B, v10  }
0x80: {  	v11 =	vsel vm4, $0x30B, v11;
	v12 =	vsel vm4, $0x38B, v12;
	v13 =	vsel vm4, $0x40B, v13  }
0x81: {  	v14 =	vsel vm4, $0x48B, v14;
	v15 =	vsel vm4, $0x50B, v15;
	v16 =	vsel vm4, $0x58C, v16  }
0x82: {  	v17 =	vsel vm4, $0x58D, v17;
	v18 =	vsel vm4, $0x58E, v18;
	v19 =	vsel vm4, $0x58F, v19  }
0x83: {  	v20 =	vsel vm4, $0x580, v20;
	v21 =	vsel vm4, $0x581, v21;
	v22 =	vsel vm4, $0x582, v22  }
0x84: {  	v23 =	vsel vm4, $0x583, v23;
	v24 =	vsel vm4, $0x584, v24;
	v25 =	vsel vm4, $0x585, v25  }
0x85: {  	v26 =	vsel vm4, $0x586, v26;
	v27 =	vsel vm4, $0x587, v27;
	v28 =	vsel vm4, $0x588, v28  }
0x86: {  	v29 =	vsel vm4, $0x589, v29;
	v30 =	vsel vm4, $0x58A, v30;
	v2 =	vsel vm9, $0x385, v2  }
0x87: {  	v1 =	vsel vm5, $0x68C, v1;
	v3 =	vsel vm5, $0x78C, v3;
	v4 =	vsel vm5, $0xC, v4  }
0x88: {  	v5 =	vsel vm5, $0x8C, v5;
	v6 =	vsel vm5, $0x10C, v6;
	v7 =	vsel vm5, $0x18C, v7  }
0x89: {  	v8 =	vsel vm5, $0x20C, v8;
	v9 =	vsel vm5, $0x28C, v9;
	v10 =	vsel vm5, $0x30C, v10  }
0x8a: {  	v11 =	vsel vm5, $0x38C, v11;
	v12 =	vsel vm5, $0x40C, v12;
	v13 =	vsel vm5, $0x48C, v13  }
0x8b: {  	v14 =	vsel vm5, $0x50C, v14;
	v15 =	vsel vm5, $0x58C, v15;
	v16 =	vsel vm5, $0x60D, v16  }
0x8c: {  	v17 =	vsel vm5, $0x60E, v17;
	v18 =	vsel vm5, $0x60F, v18;
	v19 =	vsel vm5, $0x600, v19  }
0x8d: {  	v20 =	vsel vm5, $0x601, v20;
	v21 =	vsel vm5, $0x602, v21;
	v22 =	vsel vm5, $0x603, v22  }
0x8e: {  	v23 =	vsel vm5, $0x604, v23;
	v24 =	vsel vm5, $0x605, v24;
	v25 =	vsel vm5, $0x606, v25  }
0x8f: {  	v26 =	vsel vm5, $0x607, v26;
	v27 =	vsel vm5, $0x608, v27;
	v28 =	vsel vm5, $0x609, v28  }
0x90: {  	v29 =	vsel vm5, $0x60A, v29;
	v30 =	vsel vm5, $0x60B, v30;
	v2 =	vsel vm7, $0x406, v2  }
0x91: {  	v1 =	vsel vm6, $0x70D, v1;
	v3 =	vsel vm6, $0xD, v3;
	v4 =	vsel vm6, $0x8D, v4  }
0x92: {  	v5 =	vsel vm6, $0x10D, v5;
	v6 =	vsel vm6, $0x18D, v6;
	v7 =	vsel vm6, $0x20D, v7  }
0x93: {  	v8 =	vsel vm6, $0x28D, v8;
	v9 =	vsel vm6, $0x30D, v9;
	v10 =	vsel vm6, $0x38D, v10  }
0x94: {  	v11 =	vsel vm6, $0x40D, v11;
	v12 =	vsel vm6, $0x48D, v12;
	v13 =	vsel vm6, $0x50D, v13  }
0x95: {  	v14 =	vsel vm6, $0x58D, v14;
	v15 =	vsel vm6, $0x60D, v15;
	v16 =	vsel vm6, $0x68E, v16  }
0x96: {  	s0 =	rddreg [dreg:$0x0];
	v17 =	vsel vm6, $0x68F, v17;
	v18 =	vsel vm6, $0x680, v18;
	v19 =	vsel vm6, $0x681, v19  }
0x97: {  	s1 =	rddreg [dreg:$0x1];
	v20 =	vsel vm6, $0x682, v20;
	v21 =	vsel vm6, $0x683, v21;
	v22 =	vsel vm6, $0x684, v22  }
0x98: {  	s3 =	simm.s32 $0x0;
	s4 =	srdreg.scid;
	s17 =	simm.s32 $0x7A1400;
	v23 =	vsel vm6, $0x685, v23;
	v24 =	vsel vm6, $0x686, v24;
	v25 =	vsel vm6, $0x687, v25  }
0x99: {  	s2 =	stileid.u32;
	s18 =	simm.s32 $0x400;
	s19 =	simm.s32 $0x2000;
	v26 =	vsel vm6, $0x688, v26;
	v27 =	vsel vm6, $0x689, v27;
	v28 =	vsel vm6, $0x68A, v28  }
0x9a: {  	s20 =	simm.s32 $0x4000;
	s21 =	simm.s32 $0x8000;
	s22 =	simm.s32 $0x1;
	v29 =	vsel vm6, $0x68B, v29;
	v30 =	vsel vm6, $0x68C, v30;
	v2 =	vsel vm0, $0x487, v2  }
0x9b: {  	s23 =	simm.s32 $0x3;
	s24 =	simm.s32 $0x2;
	s25 =	simm.s32 $0x4;
	v1 =	vsel vm8, $0x78E, v1;
	v3 =	vsel vm8, $0x8E, v3;
	v4 =	vsel vm8, $0x10E, v4  }
0x9c: {  	[smem:$0x7FF] =	sst s3;
	s4 =	sand.u32 $0x1, s4;
	s5 =	sshll.u32 s2, $0x1;
	v5 =	vsel vm8, $0x18E, v5;
	v6 =	vsel vm8, $0x20E, v6;
	v7 =	vsel vm8, $0x28E, v7  }
0x9d: {  	_ =	strace $0x80000047;
	s6 =	ssub.s32 $0x2, s4;
	s4 =	sor.u32 s4, s5;
	v8 =	vsel vm8, $0x30E, v8;
	v9 =	vsel vm8, $0x38E, v9;
	v10 =	vsel vm8, $0x40E, v10  }
0x9e: {  	s5 =	sadd.s32 $0x800, s1;
	s26 =	sshrl.u32 s6, $0x1;
	s8 =	sor.u32 $0x20, s4;
	v11 =	vsel vm8, $0x48E, v11;
	v12 =	vsel vm8, $0x50E, v12;
	v13 =	vsel vm8, $0x58E, v13  }
0x9f: {  	s28 =	sshll.u32 s4, $0x7;
	s9 =	smin.u32 s4, $0x4;
	s10 =	sshll.u32 s4, $0xB;
	v14 =	vsel vm8, $0x60E, v14;
	v15 =	vsel vm8, $0x68E, v15;
	v16 =	vsel vm8, $0x70F, v16  }
0xa0: {  	s1 =	ssub.s32 s6, s26;
	s7 =	sshll.u32 s8, $0x7;
	s29 =	sadd.s32 s0, s28;
	v17 =	vsel vm8, $0x700, v17;
	v18 =	vsel vm8, $0x701, v18;
	v2 =	vsel vm1, $0x508, v2  }
0xa1: {  	s11 =	sshll.u32 s8, $0xB;
	s15 =	sor.u32 $0x1E80, s9;
	s8 =	sadd.s32 s5, s10;
	v19 =	vsel vm8, $0x702, v19;
	v20 =	vsel vm8, $0x703, v20;
	v2 =	vsel vm2, $0x589, v2  }
0xa2: {  	s10 =	sor.u32 $0x40, s4;
	s26 =	simm.s32 $0x0;
	[dreg:$0x3] =	wrdreg s29;
	v21 =	vsel vm8, $0x704, v21;
	v22 =	vsel vm8, $0x705, v22;
	v2 =	vsel vm3, $0x60A, v2  }
0xa3: {  	s30 =	sadd.s32 s0, s7;
	s31 =	sadd.s32 s5, s11;
	s12 =	sshll.u32 s15, $0x7;
	v23 =	vsel vm8, $0x706, v23;
	v24 =	vsel vm8, $0x707, v24;
	v2 =	vsel vm4, $0x68B, v2  }
0xa4: {  	s11 =	sor.u32 $0x60, s4;
	s13 =	sadd.s32 $0xF20000, s8;
	s14 =	sadd.s32 $0xF30000, s8;
	v25 =	vsel vm8, $0x708, v25;
	v26 =	vsel vm8, $0x709, v26;
	v2 =	vsel vm5, $0x70C, v2  }
0xa5: {  	s15 =	sshll.u32 s15, $0xB;
	s16 =	smax.u32 s1, $0x1;
	[dreg:$0x4] =	wrdreg s30;
	v27 =	vsel vm8, $0x70A, v27;
	v28 =	vsel vm8, $0x70B, v28;
	v2 =	vsel vm6, $0x78D, v2  }
0xa6: {  	[dreg:$0x5] =	wrdreg s31;
	s12 =	sadd.s32 s0, s12;
	s15 =	sadd.s32 s5, s15;
	v29 =	vsel vm8, $0x70C, v29;
	v30 =	vsel vm8, $0x70D, v30;
	v2 =	vsel vm8, $0xE, v2  }
.LBB2_1:
0xa7: {  	s1 =	rddreg [dreg:$0x3]  }
0xa8: {  	[tilespmem:s3], [sflag:$0x1] =	stream.strided.gather [hbm4b:s1+s18], $0x2000, s17, s18, $0x38;
	[tilespmem:$0xC000] =	vst v63  }
0xa9: {  	s30 =	rddreg [dreg:$0x4]  }
0xaa: {  	[tilespmem:s19], [sflag:$0x2] =	stream.strided.gather [hbm4b:s30+s18], $0x2000, s17, s18, $0x38;
	[tilespmem:$0xC000] =	vst v63  }
0xab: {  	_ = 	snop  }
0xac: {  	[hbm4b:s8+s3] =	stream.linear.scatter [tilespmem:s20], [sflag:$0x3], $0x4000, $0x38;
	[tilespmem:$0xC000] =	vst v63  }
0xad: {  	s31 =	rddreg [dreg:$0x5];
	s28 =	simm.s32 $0x0  }
0xae: {  	[hbm4b:s31+s3] =	stream.linear.scatter [tilespmem:s21], [sflag:$0x4], $0x4000, $0x38;
	[tilespmem:$0xC000] =	vst v63  }
.LBB2_2:
0xaf: {  	s1 =	simm.s32 $0x0  }
0xb0: {  	s1 =	sand.u32 $0x3, s1  }
0xb1: {  	s29 =	sshll.u32 s1, $0xB  }
0xb2: {  	_ =	swait.ge [sflag:s22], $0x2000;
	s30 =	sadd.s32 $0x0, s29  }
0xb3: {  	[sflag:s22] =	ssyncset.done $0x0;
	v31 =	vor.u32 s30, v5  }
0xb4: {  	[sflag:s22] =	ssyncadd.s32 $0xFFFFE000;
	v32 =	vor.u32 s30, v4  }
0xb5: {  	_ =	swait.ge [sflag:s23], $0x4000;
	v33 =	vor.u32 s30, v9  }
0xb6: {  	[sflag:s23] =	ssyncset.done $0x0;
	v35 =	vor.u32 s30, v8  }
0xb7: {  	v36 =	vor.u32 s30, v14;
	[sflag:s23] =	ssyncadd.s32 $0xFFFFC000  }
0xb8: {  	v37 =	vor.u32 s30, v15;
	v38 =	vld.idx.msk [tilespmem:v31+s3+$0x0], $0xffff  }
0xb9: {  	v39 =	vor.u32 s30, v13;
	v40 =	vld.idx.msk [tilespmem:v32+s3+$0x0], $0xffff  }
0xba: {  	v41 =	vor.u32 s30, v7;
	v34 =	vld.idx.msk [tilespmem:v33+s3+$0x0], $0xffff  }
0xbb: {  	v42 =	vor.u32 s30, v0;
	v35 =	vld.idx.msk [tilespmem:v35+s3+$0x0], $0xffff  }
0xbc: {  	v43 =	vor.u32 s30, v11;
	v32 =	vld.idx.msk [tilespmem:v36+s3+$0x0], $0xffff  }
0xbd: {  	v44 =	vor.u32 s30, v2;
	v31 =	vld.idx.msk [tilespmem:v37+s3+$0x0], $0xffff  }
0xbe: {  	v62 =	vor.u32 s30, v1;
	v33 =	vld.idx.msk [tilespmem:v39+s3+$0x0], $0xffff  }
0xbf: {  	v45 =	vor.u32 s30, v10;
	v41 =	vld.idx.msk [tilespmem:v41+s3+$0x0], $0xffff  }
0xc0: {  	s1 =	sshll.u32 s1, $0x4;
	s29 =	simm.s32 $0x0;
	v47 =	vor.u32 s30, v3;
	v46 =	vld.idx.msk [tilespmem:v42+s3+$0x0], $0xffff  }
0xc1: {  	v61 =	vor.u32 s30, v12;
	s29 =	sor.u32 s1, s29;
	v37 =	vld.idx.msk [tilespmem:v43+s3+$0x0], $0xffff  }
0xc2: {  	v63 =	vor.u32 s30, v6;
	v48 =	vor.u32 s29, v0;
	v44 =	vld.idx.msk [tilespmem:v44+s3+$0x0], $0xffff  }
0xc3: {  	v52 =	vor.u32 s29, v16;
	v51 =	vld.idx.msk [tilespmem:v62+s3+$0x0], $0xffff  }
0xc4: {  	v53 =	vor.u32 s29, v17;
	v42 =	vld.idx.msk [tilespmem:v45+s3+$0x0], $0xffff  }
0xc5: {  	v50 =	vor.u32 s29, v18;
	v45 =	vld.idx.msk [tilespmem:v47+s3+$0x0], $0xffff  }
0xc6: {  	v49 =	vor.u32 s29, v19;
	v36 =	vld.idx.msk [tilespmem:v61+s3+$0x0], $0xffff  }
0xc7: {  	v43 =	vld.idx.msk [tilespmem:v63+s3+$0x0], $0xffff;
	v47 =	vor.u32 s29, v20;
	[tilespmem:v48+s20+$0x0] =	vst.idx.msk $0xffff, v46  }
0xc8: {  	v48 =	vor.u32 s29, v21;
	[tilespmem:v52+s20+$0x0] =	vst.idx.msk $0xffff, v51  }
0xc9: {  	s30 =	simm.s32 $0x1;
	v39 =	vor.u32 s29, v24;
	v46 =	vor.u32 s29, v22;
	[tilespmem:v53+s20+$0x0] =	vst.idx.msk $0xffff, v44;
	v44 =	vor.u32 s29, v23  }
.LBB2_3:
0xca: {  	p0 =	sne.s32 s30, $0x1F;
	[tilespmem:v50+s20+$0x0] =	vst.idx.msk $0xffff, v45;
	s1 =	smov.u32 s30;
	s30 =	sadd.s32 $0x1, s30  }
0xcb: {  	[tilespmem:v49+s20+$0x0] =	vst.idx.msk $0xffff, v40;
	v40 =	vor.u32 s29, v25  }
0xcc: {  	[tilespmem:v47+s20+$0x0] =	vst.idx.msk $0xffff, v38;
	v38 =	vor.u32 s29, v26  }
0xcd: {  	[tilespmem:v48+s20+$0x0] =	vst.idx.msk $0xffff, v43;
	v43 =	vor.u32 s29, v27  }
0xce: {  	s31 =	sshrl.u32 s1, $0x2;
	s1 =	sand.u32 $0x3, s1;
	[tilespmem:v46+s20+$0x0] =	vst.idx.msk $0xffff, v41;
	v41 =	vor.u32 s29, v28  }
0xcf: {  	s2 =	sshll.u32 s1, $0xB;
	s6 =	sshll.u32 s31, $0x4;
	s31 =	sshll.u32 s31, $0xB;
	[tilespmem:v44+s20+$0x0] =	vst.idx.msk $0xffff, v35;
	v35 =	vor.u32 s29, v29  }
0xd0: {  	s1 =	sshll.u32 s1, $0x4;
	s2 =	sadd.s32 s6, s2;
	[tilespmem:v39+s20+$0x0] =	vst.idx.msk $0xffff, v34;
	v34 =	vor.u32 s29, v30  }
0xd1: {  	v45 =	vor.u32 s2, v2;
	v46 =	vor.u32 s2, v3;
	v44 =	vor.u32 s2, v0;
	s29 =	sor.u32 s1, s31;
	[tilespmem:v40+s20+$0x0] =	vst.idx.msk $0xffff, v42  }
0xd2: {  	v47 =	vor.u32 s2, v5;
	v42 =	vor.u32 s2, v1;
	v40 =	vor.u32 s2, v4;
	[tilespmem:v38+s20+$0x0] =	vst.idx.msk $0xffff, v37  }
0xd3: {  	v48 =	vor.u32 s2, v6;
	v49 =	vor.u32 s2, v8;
	v37 =	vor.u32 s2, v7;
	[tilespmem:v43+s20+$0x0] =	vst.idx.msk $0xffff, v36  }
0xd4: {  	v50 =	vor.u32 s2, v11;
	v36 =	vor.u32 s2, v9;
	v43 =	vor.u32 s2, v10;
	[tilespmem:v41+s20+$0x0] =	vst.idx.msk $0xffff, v33  }
0xd5: {  	v51 =	vor.u32 s2, v12;
	v33 =	vor.u32 s2, v13;
	v41 =	vor.u32 s2, v14;
	[tilespmem:v35+s20+$0x0] =	vst.idx.msk $0xffff, v32  }
0xd6: {  	v52 =	vor.u32 s2, v15;
	v39 =	vor.u32 s29, v24;
	[tilespmem:v34+s20+$0x0] =	vst.idx.msk $0xffff, v31  }
0xd7: {  	v38 =	vld.idx.msk [tilespmem:v47+s3+$0x0], $0xffff  }
0xd8: {  	v40 =	vld.idx.msk [tilespmem:v40+s3+$0x0], $0xffff  }
0xd9: {  	v34 =	vld.idx.msk [tilespmem:v36+s3+$0x0], $0xffff  }
0xda: {  	v35 =	vld.idx.msk [tilespmem:v49+s3+$0x0], $0xffff  }
0xdb: {  	v32 =	vld.idx.msk [tilespmem:v41+s3+$0x0], $0xffff  }
0xdc: {  	v31 =	vld.idx.msk [tilespmem:v52+s3+$0x0], $0xffff  }
0xdd: {  	v33 =	vld.idx.msk [tilespmem:v33+s3+$0x0], $0xffff  }
0xde: {  	v41 =	vld.idx.msk [tilespmem:v37+s3+$0x0], $0xffff  }
0xdf: {  	v44 =	vld.idx.msk [tilespmem:v44+s3+$0x0], $0xffff  }
0xe0: {  	v37 =	vld.idx.msk [tilespmem:v50+s3+$0x0], $0xffff  }
0xe1: {  	v36 =	vld.idx.msk [tilespmem:v51+s3+$0x0], $0xffff  }
0xe2: {  	v47 =	vor.u32 s29, v0;
	v51 =	vld.idx.msk [tilespmem:v45+s3+$0x0], $0xffff  }
0xe3: {  	v53 =	vor.u32 s29, v16;
	v52 =	vld.idx.msk [tilespmem:v42+s3+$0x0], $0xffff  }
0xe4: {  	v54 =	vor.u32 s29, v17;
	v42 =	vld.idx.msk [tilespmem:v43+s3+$0x0], $0xffff  }
0xe5: {  	v50 =	vor.u32 s29, v18;
	v45 =	vld.idx.msk [tilespmem:v46+s3+$0x0], $0xffff  }
.Ltmp0:
0xe6: {  	v49 =	vor.u32 s29, v19;
	v43 =	vld.idx.msk [tilespmem:v48+s3+$0x0], $0xffff;
	(pc) =	sbr.rel @p0 .LBB2_3-.Ltmp0, $4  }
0xe7: {  	[tilespmem:v47+s20+$0x0] =	vst.idx.msk $0xffff, v44;
	v47 =	vor.u32 s29, v20  }
0xe8: {  	v48 =	vor.u32 s29, v21  }
0xe9: {  	v46 =	vor.u32 s29, v22;
	[tilespmem:v53+s20+$0x0] =	vst.idx.msk $0xffff, v52  }
0xea: {  	v44 =	vor.u32 s29, v23;
	[tilespmem:v54+s20+$0x0] =	vst.idx.msk $0xffff, v51  }
0xeb: {  	_ =	sdelay $0x3  }
0xec: {  	[tilespmem:v50+s20+$0x0] =	vst.idx.msk $0xffff, v45  }
0xed: {  	[tilespmem:v49+s20+$0x0] =	vst.idx.msk $0xffff, v40  }
0xee: {  	v60 =	vor.u32 s29, v25;
	[tilespmem:v47+s20+$0x0] =	vst.idx.msk $0xffff, v38  }
0xef: {  	v61 =	vor.u32 s29, v26;
	[tilespmem:v48+s20+$0x0] =	vst.idx.msk $0xffff, v43  }
0xf0: {  	v62 =	vor.u32 s29, v27;
	[tilespmem:v46+s20+$0x0] =	vst.idx.msk $0xffff, v41  }
0xf1: {  	v63 =	vor.u32 s29, v28;
	[tilespmem:v44+s20+$0x0] =	vst.idx.msk $0xffff, v35  }
0xf2: {  	v45 =	vor.u32 s29, v29;
	[tilespmem:v39+s20+$0x0] =	vst.idx.msk $0xffff, v34  }
0xf3: {  	v46 =	vor.u32 s29, v30;
	[tilespmem:v60+s20+$0x0] =	vst.idx.msk $0xffff, v42  }
0xf4: {  	[tilespmem:v61+s20+$0x0] =	vst.idx.msk $0xffff, v37  }
0xf5: {  	s29 =	sshll.u32 s28, $0x6;
	[tilespmem:v62+s20+$0x0] =	vst.idx.msk $0xffff, v36  }
0xf6: {  	s1 =	sadd.s32 s10, s29;
	[tilespmem:v63+s20+$0x0] =	vst.idx.msk $0xffff, v33  }
0xf7: {  	s7 =	sor.u32 s4, s29;
	s1 =	sshll.u32 s1, $0x7;
	[tilespmem:v45+s20+$0x0] =	vst.idx.msk $0xffff, v32  }
0xf8: {  	s2 =	simm.s32 $0x0;
	s30 =	sshll.u32 s7, $0xB;
	s1 =	sadd.s32 s0, s1;
	[tilespmem:v46+s20+$0x0] =	vst.idx.msk $0xffff, v31  }
0xf9: {  	[tilespmem:s2], [sflag:$0x1] =	stream.strided.gather [hbm4b:s1+s18], $0x2000, s17, s18, $0x38;
	[tilespmem:$0xC000] =	vst v63  }
0xfa: {  	s9 =	sand.u32 $0x3, s2;
	s1 =	sadd.s32 s5, s30  }
0xfb: {  	[hbm4b:s1+s2] =	stream.linear.scatter [tilespmem:s20], [sflag:$0x3], $0x4000, $0x38;
	[tilespmem:$0xC000] =	vst v63  }
0xfc: {  	s2 =	sshll.u32 s9, $0xB  }
0xfd: {  	_ =	swait.ge [sflag:s24], $0x2000;
	s2 =	sadd.s32 $0x0, s2  }
0xfe: {  	[sflag:s24] =	ssyncset.done $0x0;
	v31 =	vor.u32 s2, v5  }
0xff: {  	v47 =	vor.u32 s2, v4;
	[sflag:s24] =	ssyncadd.s32 $0xFFFFE000  }
0x100: {  	v48 =	vor.u32 s2, v9;
	_ =	swait.ge [sflag:s25], $0x4000  }
0x101: {  	v49 =	vor.u32 s2, v8;
	[sflag:s25] =	ssyncset.done $0x0  }
0x102: {  	v50 =	vor.u32 s2, v14;
	[sflag:s25] =	ssyncadd.s32 $0xFFFFC000  }
0x103: {  	v51 =	vor.u32 s2, v15;
	v38 =	vld.idx.msk [tilespmem:v31+s19+$0x0], $0xffff  }
0x104: {  	v52 =	vor.u32 s2, v13;
	v40 =	vld.idx.msk [tilespmem:v47+s19+$0x0], $0xffff  }
0x105: {  	v53 =	vor.u32 s2, v7;
	v34 =	vld.idx.msk [tilespmem:v48+s19+$0x0], $0xffff  }
0x106: {  	v54 =	vor.u32 s2, v0;
	v35 =	vld.idx.msk [tilespmem:v49+s19+$0x0], $0xffff  }
0x107: {  	v55 =	vor.u32 s2, v11;
	v32 =	vld.idx.msk [tilespmem:v50+s19+$0x0], $0xffff  }
0x108: {  	v56 =	vor.u32 s2, v12;
	v31 =	vld.idx.msk [tilespmem:v51+s19+$0x0], $0xffff  }
0x109: {  	v58 =	vor.u32 s2, v1;
	v33 =	vld.idx.msk [tilespmem:v52+s19+$0x0], $0xffff  }
0x10a: {  	v57 =	vor.u32 s2, v2;
	v41 =	vld.idx.msk [tilespmem:v53+s19+$0x0], $0xffff  }
0x10b: {  	s6 =	simm.s32 $0x0;
	s1 =	sshll.u32 s9, $0x4;
	v61 =	vor.u32 s2, v3;
	v60 =	vld.idx.msk [tilespmem:v54+s19+$0x0], $0xffff  }
0x10c: {  	s31 =	sor.u32 s1, s6;
	v59 =	vor.u32 s2, v10;
	v37 =	vld.idx.msk [tilespmem:v55+s19+$0x0], $0xffff  }
0x10d: {  	v62 =	vor.u32 s2, v6;
	v63 =	vor.u32 s31, v0;
	v36 =	vld.idx.msk [tilespmem:v56+s19+$0x0], $0xffff  }
0x10e: {  	v51 =	vld.idx.msk [tilespmem:v58+s19+$0x0], $0xffff;
	v52 =	vor.u32 s31, v16  }
0x10f: {  	v44 =	vld.idx.msk [tilespmem:v57+s19+$0x0], $0xffff;
	v53 =	vor.u32 s31, v17  }
0x110: {  	v45 =	vld.idx.msk [tilespmem:v61+s19+$0x0], $0xffff;
	v50 =	vor.u32 s31, v18  }
0x111: {  	v42 =	vld.idx.msk [tilespmem:v59+s19+$0x0], $0xffff;
	v49 =	vor.u32 s31, v19  }
0x112: {  	v43 =	vld.idx.msk [tilespmem:v62+s19+$0x0], $0xffff;
	v47 =	vor.u32 s31, v20;
	[tilespmem:v63+s21+$0x0] =	vst.idx.msk $0xffff, v60  }
0x113: {  	v48 =	vor.u32 s31, v21;
	[tilespmem:v52+s21+$0x0] =	vst.idx.msk $0xffff, v51  }
0x114: {  	s1 =	simm.s32 $0x1;
	v39 =	vor.u32 s31, v24;
	v46 =	vor.u32 s31, v22;
	[tilespmem:v53+s21+$0x0] =	vst.idx.msk $0xffff, v44;
	v44 =	vor.u32 s31, v23  }
.LBB2_5:
0x115: {  	p0 =	sne.s32 s1, $0x1F;
	[tilespmem:v50+s21+$0x0] =	vst.idx.msk $0xffff, v45;
	s2 =	smov.u32 s1;
	s1 =	sadd.s32 $0x1, s1  }
0x116: {  	[tilespmem:v49+s21+$0x0] =	vst.idx.msk $0xffff, v40;
	v40 =	vor.u32 s31, v25  }
0x117: {  	[tilespmem:v47+s21+$0x0] =	vst.idx.msk $0xffff, v38;
	v38 =	vor.u32 s31, v26  }
0x118: {  	[tilespmem:v48+s21+$0x0] =	vst.idx.msk $0xffff, v43;
	v43 =	vor.u32 s31, v27  }
0x119: {  	s6 =	sshrl.u32 s2, $0x2;
	s2 =	sand.u32 $0x3, s2;
	[tilespmem:v46+s21+$0x0] =	vst.idx.msk $0xffff, v41;
	v41 =	vor.u32 s31, v28  }
0x11a: {  	s7 =	sshll.u32 s2, $0xB;
	s9 =	sshll.u32 s6, $0x4;
	s6 =	sshll.u32 s6, $0xB;
	[tilespmem:v44+s21+$0x0] =	vst.idx.msk $0xffff, v35;
	v35 =	vor.u32 s31, v29  }
0x11b: {  	s2 =	sshll.u32 s2, $0x4;
	s7 =	sadd.s32 s9, s7;
	[tilespmem:v39+s21+$0x0] =	vst.idx.msk $0xffff, v34;
	v34 =	vor.u32 s31, v30  }
0x11c: {  	v45 =	vor.u32 s7, v2;
	v46 =	vor.u32 s7, v3;
	v44 =	vor.u32 s7, v0;
	s31 =	sor.u32 s2, s6;
	[tilespmem:v40+s21+$0x0] =	vst.idx.msk $0xffff, v42  }
0x11d: {  	v47 =	vor.u32 s7, v5;
	v42 =	vor.u32 s7, v1;
	v40 =	vor.u32 s7, v4;
	[tilespmem:v38+s21+$0x0] =	vst.idx.msk $0xffff, v37  }
0x11e: {  	v48 =	vor.u32 s7, v6;
	v49 =	vor.u32 s7, v8;
	v37 =	vor.u32 s7, v7;
	[tilespmem:v43+s21+$0x0] =	vst.idx.msk $0xffff, v36  }
0x11f: {  	v50 =	vor.u32 s7, v11;
	v36 =	vor.u32 s7, v9;
	v43 =	vor.u32 s7, v10;
	[tilespmem:v41+s21+$0x0] =	vst.idx.msk $0xffff, v33  }
0x120: {  	v51 =	vor.u32 s7, v12;
	v33 =	vor.u32 s7, v13;
	v41 =	vor.u32 s7, v14;
	[tilespmem:v35+s21+$0x0] =	vst.idx.msk $0xffff, v32  }
0x121: {  	v52 =	vor.u32 s7, v15;
	v39 =	vor.u32 s31, v24;
	[tilespmem:v34+s21+$0x0] =	vst.idx.msk $0xffff, v31  }
0x122: {  	v38 =	vld.idx.msk [tilespmem:v47+s19+$0x0], $0xffff  }
0x123: {  	v40 =	vld.idx.msk [tilespmem:v40+s19+$0x0], $0xffff  }
0x124: {  	v34 =	vld.idx.msk [tilespmem:v36+s19+$0x0], $0xffff  }
0x125: {  	v35 =	vld.idx.msk [tilespmem:v49+s19+$0x0], $0xffff  }
0x126: {  	v32 =	vld.idx.msk [tilespmem:v41+s19+$0x0], $0xffff  }
0x127: {  	v31 =	vld.idx.msk [tilespmem:v52+s19+$0x0], $0xffff  }
0x128: {  	v33 =	vld.idx.msk [tilespmem:v33+s19+$0x0], $0xffff  }
0x129: {  	v41 =	vld.idx.msk [tilespmem:v37+s19+$0x0], $0xffff  }
0x12a: {  	v44 =	vld.idx.msk [tilespmem:v44+s19+$0x0], $0xffff  }
0x12b: {  	v37 =	vld.idx.msk [tilespmem:v50+s19+$0x0], $0xffff  }
0x12c: {  	v36 =	vld.idx.msk [tilespmem:v51+s19+$0x0], $0xffff  }
0x12d: {  	v47 =	vor.u32 s31, v0;
	v51 =	vld.idx.msk [tilespmem:v45+s19+$0x0], $0xffff  }
0x12e: {  	v53 =	vor.u32 s31, v16;
	v52 =	vld.idx.msk [tilespmem:v42+s19+$0x0], $0xffff  }
0x12f: {  	v54 =	vor.u32 s31, v17;
	v42 =	vld.idx.msk [tilespmem:v43+s19+$0x0], $0xffff  }
0x130: {  	v50 =	vor.u32 s31, v18;
	v45 =	vld.idx.msk [tilespmem:v46+s19+$0x0], $0xffff  }
.Ltmp1:
0x131: {  	v49 =	vor.u32 s31, v19;
	v43 =	vld.idx.msk [tilespmem:v48+s19+$0x0], $0xffff;
	(pc) =	sbr.rel @p0 .LBB2_5-.Ltmp1, $4  }
0x132: {  	[tilespmem:v47+s21+$0x0] =	vst.idx.msk $0xffff, v44;
	v47 =	vor.u32 s31, v20  }
0x133: {  	v48 =	vor.u32 s31, v21  }
0x134: {  	v46 =	vor.u32 s31, v22;
	[tilespmem:v53+s21+$0x0] =	vst.idx.msk $0xffff, v52  }
0x135: {  	v44 =	vor.u32 s31, v23;
	[tilespmem:v54+s21+$0x0] =	vst.idx.msk $0xffff, v51  }
0x136: {  	_ =	sdelay $0x3  }
0x137: {  	[tilespmem:v50+s21+$0x0] =	vst.idx.msk $0xffff, v45  }
0x138: {  	[tilespmem:v49+s21+$0x0] =	vst.idx.msk $0xffff, v40  }
0x139: {  	v58 =	vor.u32 s31, v25;
	[tilespmem:v47+s21+$0x0] =	vst.idx.msk $0xffff, v38  }
0x13a: {  	v59 =	vor.u32 s31, v26;
	[tilespmem:v48+s21+$0x0] =	vst.idx.msk $0xffff, v43  }
0x13b: {  	v60 =	vor.u32 s31, v27;
	[tilespmem:v46+s21+$0x0] =	vst.idx.msk $0xffff, v41  }
0x13c: {  	v61 =	vor.u32 s31, v28;
	[tilespmem:v44+s21+$0x0] =	vst.idx.msk $0xffff, v35  }
0x13d: {  	v62 =	vor.u32 s31, v29;
	[tilespmem:v39+s21+$0x0] =	vst.idx.msk $0xffff, v34  }
0x13e: {  	v63 =	vor.u32 s31, v30;
	[tilespmem:v58+s21+$0x0] =	vst.idx.msk $0xffff, v42  }
0x13f: {  	[tilespmem:v59+s21+$0x0] =	vst.idx.msk $0xffff, v37  }
0x140: {  	[tilespmem:v60+s21+$0x0] =	vst.idx.msk $0xffff, v36  }
0x141: {  	s1 =	sadd.s32 s11, s29;
	s28 =	sadd.s32 $0x1, s28;
	[tilespmem:v61+s21+$0x0] =	vst.idx.msk $0xffff, v33  }
0x142: {  	s1 =	sshll.u32 s1, $0x7;
	p0 =	sne.s32 s28, $0x79;
	[tilespmem:v62+s21+$0x0] =	vst.idx.msk $0xffff, v32  }
.Ltmp2:
0x143: {  	s31 =	sand.u32 $0x1FFEF800, s30;
	s1 =	sadd.s32 s0, s1;
	[tilespmem:v63+s21+$0x0] =	vst.idx.msk $0xffff, v31;
	(pc) =	sbr.rel @p0 .LBB2_2-.Ltmp2, $4  }
0x144: {  	[tilespmem:s19], [sflag:$0x2] =	stream.strided.gather [hbm4b:s1+s18], $0x2000, s17, s18, $0x38;
	[tilespmem:$0xC000] =	vst v63  }
0x145: {  	s1 =	sadd.s32 s31, s5  }
0x146: {  	s1 =	sadd.s32 $0x10000, s1  }
0x147: {  	[hbm4b:s1+s3] =	stream.linear.scatter [tilespmem:s21], [sflag:$0x4], $0x4000, $0x38;
	[tilespmem:$0xC000] =	vst v63  }
0x148: {  	s1 =	simm.s32 $0x0  }
0x149: {  	s1 =	sand.u32 $0x3, s1  }
0x14a: {  	s2 =	sshll.u32 s1, $0xB  }
0x14b: {  	_ =	swait.ge [sflag:s22], $0x2000;
	s2 =	sadd.s32 $0x0, s2  }
0x14c: {  	[sflag:s22] =	ssyncset.done $0x0;
	v31 =	vor.u32 s2, v5  }
0x14d: {  	[sflag:s22] =	ssyncadd.s32 $0xFFFFE000;
	v32 =	vor.u32 s2, v4  }
0x14e: {  	_ =	swait.ge [sflag:s23], $0x4000;
	v33 =	vor.u32 s2, v9  }
0x14f: {  	[sflag:s23] =	ssyncset.done $0x0;
	v35 =	vor.u32 s2, v8  }
0x150: {  	v36 =	vor.u32 s2, v14;
	[sflag:s23] =	ssyncadd.s32 $0xFFFFC000  }
0x151: {  	v37 =	vor.u32 s2, v15;
	v38 =	vld.idx.msk [tilespmem:v31+s3+$0x0], $0xffff  }
0x152: {  	v39 =	vor.u32 s2, v13;
	v40 =	vld.idx.msk [tilespmem:v32+s3+$0x0], $0xffff  }
0x153: {  	v41 =	vor.u32 s2, v7;
	v34 =	vld.idx.msk [tilespmem:v33+s3+$0x0], $0xffff  }
0x154: {  	v42 =	vor.u32 s2, v0;
	v35 =	vld.idx.msk [tilespmem:v35+s3+$0x0], $0xffff  }
0x155: {  	v43 =	vor.u32 s2, v11;
	v32 =	vld.idx.msk [tilespmem:v36+s3+$0x0], $0xffff  }
0x156: {  	v44 =	vor.u32 s2, v2;
	v31 =	vld.idx.msk [tilespmem:v37+s3+$0x0], $0xffff  }
0x157: {  	v62 =	vor.u32 s2, v1;
	v33 =	vld.idx.msk [tilespmem:v39+s3+$0x0], $0xffff  }
0x158: {  	v45 =	vor.u32 s2, v10;
	v41 =	vld.idx.msk [tilespmem:v41+s3+$0x0], $0xffff  }
0x159: {  	s6 =	simm.s32 $0x0;
	s1 =	sshll.u32 s1, $0x4;
	v47 =	vor.u32 s2, v3;
	v46 =	vld.idx.msk [tilespmem:v42+s3+$0x0], $0xffff  }
0x15a: {  	s28 =	sor.u32 s1, s6;
	v61 =	vor.u32 s2, v12;
	v37 =	vld.idx.msk [tilespmem:v43+s3+$0x0], $0xffff  }
0x15b: {  	v63 =	vor.u32 s2, v6;
	v48 =	vor.u32 s28, v0;
	v44 =	vld.idx.msk [tilespmem:v44+s3+$0x0], $0xffff  }
0x15c: {  	v52 =	vor.u32 s28, v16;
	v51 =	vld.idx.msk [tilespmem:v62+s3+$0x0], $0xffff  }
0x15d: {  	v53 =	vor.u32 s28, v17;
	v42 =	vld.idx.msk [tilespmem:v45+s3+$0x0], $0xffff  }
0x15e: {  	v50 =	vor.u32 s28, v18;
	v45 =	vld.idx.msk [tilespmem:v47+s3+$0x0], $0xffff  }
0x15f: {  	v49 =	vor.u32 s28, v19;
	v36 =	vld.idx.msk [tilespmem:v61+s3+$0x0], $0xffff  }
0x160: {  	v43 =	vld.idx.msk [tilespmem:v63+s3+$0x0], $0xffff;
	v47 =	vor.u32 s28, v20;
	[tilespmem:v48+s20+$0x0] =	vst.idx.msk $0xffff, v46  }
0x161: {  	v48 =	vor.u32 s28, v21;
	[tilespmem:v52+s20+$0x0] =	vst.idx.msk $0xffff, v51  }
0x162: {  	s1 =	simm.s32 $0x1;
	v39 =	vor.u32 s28, v24;
	v46 =	vor.u32 s28, v22;
	[tilespmem:v53+s20+$0x0] =	vst.idx.msk $0xffff, v44;
	v44 =	vor.u32 s28, v23  }
.LBB2_8:
0x163: {  	p0 =	sne.s32 s1, $0x1F;
	[tilespmem:v50+s20+$0x0] =	vst.idx.msk $0xffff, v45;
	s2 =	smov.u32 s1;
	s1 =	sadd.s32 $0x1, s1  }
0x164: {  	[tilespmem:v49+s20+$0x0] =	vst.idx.msk $0xffff, v40;
	v40 =	vor.u32 s28, v25  }
0x165: {  	[tilespmem:v47+s20+$0x0] =	vst.idx.msk $0xffff, v38;
	v38 =	vor.u32 s28, v26  }
0x166: {  	[tilespmem:v48+s20+$0x0] =	vst.idx.msk $0xffff, v43;
	v43 =	vor.u32 s28, v27  }
0x167: {  	s6 =	sshrl.u32 s2, $0x2;
	s2 =	sand.u32 $0x3, s2;
	[tilespmem:v46+s20+$0x0] =	vst.idx.msk $0xffff, v41;
	v41 =	vor.u32 s28, v28  }
0x168: {  	s7 =	sshll.u32 s2, $0xB;
	s9 =	sshll.u32 s6, $0x4;
	s6 =	sshll.u32 s6, $0xB;
	[tilespmem:v44+s20+$0x0] =	vst.idx.msk $0xffff, v35;
	v35 =	vor.u32 s28, v29  }
0x169: {  	s2 =	sshll.u32 s2, $0x4;
	s7 =	sadd.s32 s9, s7;
	[tilespmem:v39+s20+$0x0] =	vst.idx.msk $0xffff, v34;
	v34 =	vor.u32 s28, v30  }
0x16a: {  	v45 =	vor.u32 s7, v2;
	v46 =	vor.u32 s7, v3;
	v44 =	vor.u32 s7, v0;
	s28 =	sor.u32 s2, s6;
	[tilespmem:v40+s20+$0x0] =	vst.idx.msk $0xffff, v42  }
0x16b: {  	v47 =	vor.u32 s7, v5;
	v42 =	vor.u32 s7, v1;
	v40 =	vor.u32 s7, v4;
	[tilespmem:v38+s20+$0x0] =	vst.idx.msk $0xffff, v37  }
0x16c: {  	v48 =	vor.u32 s7, v6;
	v49 =	vor.u32 s7, v8;
	v37 =	vor.u32 s7, v7;
	[tilespmem:v43+s20+$0x0] =	vst.idx.msk $0xffff, v36  }
0x16d: {  	v50 =	vor.u32 s7, v11;
	v36 =	vor.u32 s7, v9;
	v43 =	vor.u32 s7, v10;
	[tilespmem:v41+s20+$0x0] =	vst.idx.msk $0xffff, v33  }
0x16e: {  	v51 =	vor.u32 s7, v12;
	v33 =	vor.u32 s7, v13;
	v41 =	vor.u32 s7, v14;
	[tilespmem:v35+s20+$0x0] =	vst.idx.msk $0xffff, v32  }
0x16f: {  	v52 =	vor.u32 s7, v15;
	v39 =	vor.u32 s28, v24;
	[tilespmem:v34+s20+$0x0] =	vst.idx.msk $0xffff, v31  }
0x170: {  	v38 =	vld.idx.msk [tilespmem:v47+s3+$0x0], $0xffff  }
0x171: {  	v40 =	vld.idx.msk [tilespmem:v40+s3+$0x0], $0xffff  }
0x172: {  	v34 =	vld.idx.msk [tilespmem:v36+s3+$0x0], $0xffff  }
0x173: {  	v35 =	vld.idx.msk [tilespmem:v49+s3+$0x0], $0xffff  }
0x174: {  	v32 =	vld.idx.msk [tilespmem:v41+s3+$0x0], $0xffff  }
0x175: {  	v31 =	vld.idx.msk [tilespmem:v52+s3+$0x0], $0xffff  }
0x176: {  	v33 =	vld.idx.msk [tilespmem:v33+s3+$0x0], $0xffff  }
0x177: {  	v41 =	vld.idx.msk [tilespmem:v37+s3+$0x0], $0xffff  }
0x178: {  	v44 =	vld.idx.msk [tilespmem:v44+s3+$0x0], $0xffff  }
0x179: {  	v37 =	vld.idx.msk [tilespmem:v50+s3+$0x0], $0xffff  }
0x17a: {  	v36 =	vld.idx.msk [tilespmem:v51+s3+$0x0], $0xffff  }
0x17b: {  	v47 =	vor.u32 s28, v0;
	v51 =	vld.idx.msk [tilespmem:v45+s3+$0x0], $0xffff  }
0x17c: {  	v53 =	vor.u32 s28, v16;
	v52 =	vld.idx.msk [tilespmem:v42+s3+$0x0], $0xffff  }
0x17d: {  	v54 =	vor.u32 s28, v17;
	v42 =	vld.idx.msk [tilespmem:v43+s3+$0x0], $0xffff  }
0x17e: {  	v50 =	vor.u32 s28, v18;
	v45 =	vld.idx.msk [tilespmem:v46+s3+$0x0], $0xffff  }
.Ltmp3:
0x17f: {  	v49 =	vor.u32 s28, v19;
	v43 =	vld.idx.msk [tilespmem:v48+s3+$0x0], $0xffff;
	(pc) =	sbr.rel @p0 .LBB2_8-.Ltmp3, $4  }
0x180: {  	[tilespmem:v47+s20+$0x0] =	vst.idx.msk $0xffff, v44;
	v47 =	vor.u32 s28, v20  }
0x181: {  	v48 =	vor.u32 s28, v21  }
0x182: {  	v46 =	vor.u32 s28, v22;
	[tilespmem:v53+s20+$0x0] =	vst.idx.msk $0xffff, v52  }
0x183: {  	v44 =	vor.u32 s28, v23;
	[tilespmem:v54+s20+$0x0] =	vst.idx.msk $0xffff, v51  }
0x184: {  	_ =	sdelay $0x3  }
0x185: {  	[tilespmem:v50+s20+$0x0] =	vst.idx.msk $0xffff, v45  }
0x186: {  	[tilespmem:v49+s20+$0x0] =	vst.idx.msk $0xffff, v40  }
0x187: {  	v60 =	vor.u32 s28, v25;
	[tilespmem:v47+s20+$0x0] =	vst.idx.msk $0xffff, v38  }
0x188: {  	v61 =	vor.u32 s28, v26;
	[tilespmem:v48+s20+$0x0] =	vst.idx.msk $0xffff, v43  }
0x189: {  	v62 =	vor.u32 s28, v27;
	[tilespmem:v46+s20+$0x0] =	vst.idx.msk $0xffff, v41  }
0x18a: {  	v63 =	vor.u32 s28, v28;
	[tilespmem:v44+s20+$0x0] =	vst.idx.msk $0xffff, v35  }
0x18b: {  	v45 =	vor.u32 s28, v29;
	[tilespmem:v39+s20+$0x0] =	vst.idx.msk $0xffff, v34  }
0x18c: {  	v46 =	vor.u32 s28, v30;
	[tilespmem:v60+s20+$0x0] =	vst.idx.msk $0xffff, v42  }
0x18d: {  	[tilespmem:v61+s20+$0x0] =	vst.idx.msk $0xffff, v37  }
0x18e: {  	[tilespmem:v62+s20+$0x0] =	vst.idx.msk $0xffff, v36  }
0x18f: {  	[tilespmem:v63+s20+$0x0] =	vst.idx.msk $0xffff, v33  }
0x190: {  	[tilespmem:v45+s20+$0x0] =	vst.idx.msk $0xffff, v32  }
0x191: {  	s1 =	simm.s32 $0x0;
	[tilespmem:v46+s20+$0x0] =	vst.idx.msk $0xffff, v31  }
0x192: {  	[tilespmem:s1], [sflag:$0x1] =	stream.strided.gather [hbm4b:s12+s18], $0x2000, s17, s18, $0x38;
	[tilespmem:$0xC000] =	vst v63  }
0x193: {  	_ = 	snop  }
0x194: {  	[hbm4b:s13+s1] =	stream.linear.scatter [tilespmem:s20], [sflag:$0x3], $0x4000, $0x38;
	[tilespmem:$0xC000] =	vst v63  }
0x195: {  	s1 =	sand.u32 $0x3, s1  }
0x196: {  	s2 =	sshll.u32 s1, $0xB  }
0x197: {  	_ =	swait.ge [sflag:s24], $0x2000;
	s2 =	sadd.s32 $0x0, s2  }
0x198: {  	[sflag:s24] =	ssyncset.done $0x0;
	v31 =	vor.u32 s2, v5  }
0x199: {  	[sflag:s24] =	ssyncadd.s32 $0xFFFFE000;
	v47 =	vor.u32 s2, v4  }
0x19a: {  	v48 =	vor.u32 s2, v9;
	_ =	swait.ge [sflag:s25], $0x4000  }
0x19b: {  	v49 =	vor.u32 s2, v8;
	[sflag:s25] =	ssyncset.done $0x0  }
0x19c: {  	v50 =	vor.u32 s2, v14;
	[sflag:s25] =	ssyncadd.s32 $0xFFFFC000  }
0x19d: {  	v51 =	vor.u32 s2, v15;
	v38 =	vld.idx.msk [tilespmem:v31+s19+$0x0], $0xffff  }
0x19e: {  	v52 =	vor.u32 s2, v13;
	v40 =	vld.idx.msk [tilespmem:v47+s19+$0x0], $0xffff  }
0x19f: {  	v53 =	vor.u32 s2, v7;
	v34 =	vld.idx.msk [tilespmem:v48+s19+$0x0], $0xffff  }
0x1a0: {  	v54 =	vor.u32 s2, v0;
	v35 =	vld.idx.msk [tilespmem:v49+s19+$0x0], $0xffff  }
0x1a1: {  	v55 =	vor.u32 s2, v11;
	v32 =	vld.idx.msk [tilespmem:v50+s19+$0x0], $0xffff  }
0x1a2: {  	v56 =	vor.u32 s2, v12;
	v31 =	vld.idx.msk [tilespmem:v51+s19+$0x0], $0xffff  }
0x1a3: {  	v58 =	vor.u32 s2, v1;
	v33 =	vld.idx.msk [tilespmem:v52+s19+$0x0], $0xffff  }
0x1a4: {  	v57 =	vor.u32 s2, v2;
	v41 =	vld.idx.msk [tilespmem:v53+s19+$0x0], $0xffff  }
0x1a5: {  	s6 =	simm.s32 $0x0;
	s1 =	sshll.u32 s1, $0x4;
	v61 =	vor.u32 s2, v3;
	v60 =	vld.idx.msk [tilespmem:v54+s19+$0x0], $0xffff  }
0x1a6: {  	s28 =	sor.u32 s1, s6;
	v59 =	vor.u32 s2, v10;
	v37 =	vld.idx.msk [tilespmem:v55+s19+$0x0], $0xffff  }
0x1a7: {  	v62 =	vor.u32 s2, v6;
	v63 =	vor.u32 s28, v0;
	v36 =	vld.idx.msk [tilespmem:v56+s19+$0x0], $0xffff  }
0x1a8: {  	v51 =	vld.idx.msk [tilespmem:v58+s19+$0x0], $0xffff;
	v52 =	vor.u32 s28, v16  }
0x1a9: {  	v44 =	vld.idx.msk [tilespmem:v57+s19+$0x0], $0xffff;
	v53 =	vor.u32 s28, v17  }
0x1aa: {  	v45 =	vld.idx.msk [tilespmem:v61+s19+$0x0], $0xffff;
	v50 =	vor.u32 s28, v18  }
0x1ab: {  	v42 =	vld.idx.msk [tilespmem:v59+s19+$0x0], $0xffff;
	v49 =	vor.u32 s28, v19  }
0x1ac: {  	v43 =	vld.idx.msk [tilespmem:v62+s19+$0x0], $0xffff;
	v47 =	vor.u32 s28, v20;
	[tilespmem:v63+s21+$0x0] =	vst.idx.msk $0xffff, v60  }
0x1ad: {  	v48 =	vor.u32 s28, v21;
	[tilespmem:v52+s21+$0x0] =	vst.idx.msk $0xffff, v51  }
0x1ae: {  	s1 =	simm.s32 $0x1;
	v39 =	vor.u32 s28, v24;
	v46 =	vor.u32 s28, v22;
	[tilespmem:v53+s21+$0x0] =	vst.idx.msk $0xffff, v44;
	v44 =	vor.u32 s28, v23  }
.LBB2_10:
0x1af: {  	p0 =	sne.s32 s1, $0x1F;
	[tilespmem:v50+s21+$0x0] =	vst.idx.msk $0xffff, v45;
	s2 =	smov.u32 s1;
	s1 =	sadd.s32 $0x1, s1  }
0x1b0: {  	[tilespmem:v49+s21+$0x0] =	vst.idx.msk $0xffff, v40;
	v40 =	vor.u32 s28, v25  }
0x1b1: {  	[tilespmem:v47+s21+$0x0] =	vst.idx.msk $0xffff, v38;
	v38 =	vor.u32 s28, v26  }
0x1b2: {  	[tilespmem:v48+s21+$0x0] =	vst.idx.msk $0xffff, v43;
	v43 =	vor.u32 s28, v27  }
0x1b3: {  	s6 =	sshrl.u32 s2, $0x2;
	s2 =	sand.u32 $0x3, s2;
	[tilespmem:v46+s21+$0x0] =	vst.idx.msk $0xffff, v41;
	v41 =	vor.u32 s28, v28  }
0x1b4: {  	s7 =	sshll.u32 s2, $0xB;
	s9 =	sshll.u32 s6, $0x4;
	s6 =	sshll.u32 s6, $0xB;
	[tilespmem:v44+s21+$0x0] =	vst.idx.msk $0xffff, v35;
	v35 =	vor.u32 s28, v29  }
0x1b5: {  	s2 =	sshll.u32 s2, $0x4;
	s7 =	sadd.s32 s9, s7;
	[tilespmem:v39+s21+$0x0] =	vst.idx.msk $0xffff, v34;
	v34 =	vor.u32 s28, v30  }
0x1b6: {  	v45 =	vor.u32 s7, v2;
	v46 =	vor.u32 s7, v3;
	v44 =	vor.u32 s7, v0;
	s28 =	sor.u32 s2, s6;
	[tilespmem:v40+s21+$0x0] =	vst.idx.msk $0xffff, v42  }
0x1b7: {  	v47 =	vor.u32 s7, v5;
	v42 =	vor.u32 s7, v1;
	v40 =	vor.u32 s7, v4;
	[tilespmem:v38+s21+$0x0] =	vst.idx.msk $0xffff, v37  }
0x1b8: {  	v48 =	vor.u32 s7, v6;
	v49 =	vor.u32 s7, v8;
	v37 =	vor.u32 s7, v7;
	[tilespmem:v43+s21+$0x0] =	vst.idx.msk $0xffff, v36  }
0x1b9: {  	v50 =	vor.u32 s7, v11;
	v36 =	vor.u32 s7, v9;
	v43 =	vor.u32 s7, v10;
	[tilespmem:v41+s21+$0x0] =	vst.idx.msk $0xffff, v33  }
0x1ba: {  	v51 =	vor.u32 s7, v12;
	v33 =	vor.u32 s7, v13;
	v41 =	vor.u32 s7, v14;
	[tilespmem:v35+s21+$0x0] =	vst.idx.msk $0xffff, v32  }
0x1bb: {  	v52 =	vor.u32 s7, v15;
	v39 =	vor.u32 s28, v24;
	[tilespmem:v34+s21+$0x0] =	vst.idx.msk $0xffff, v31  }
0x1bc: {  	v38 =	vld.idx.msk [tilespmem:v47+s19+$0x0], $0xffff  }
0x1bd: {  	v40 =	vld.idx.msk [tilespmem:v40+s19+$0x0], $0xffff  }
0x1be: {  	v34 =	vld.idx.msk [tilespmem:v36+s19+$0x0], $0xffff  }
0x1bf: {  	v35 =	vld.idx.msk [tilespmem:v49+s19+$0x0], $0xffff  }
0x1c0: {  	v32 =	vld.idx.msk [tilespmem:v41+s19+$0x0], $0xffff  }
0x1c1: {  	v31 =	vld.idx.msk [tilespmem:v52+s19+$0x0], $0xffff  }
0x1c2: {  	v33 =	vld.idx.msk [tilespmem:v33+s19+$0x0], $0xffff  }
0x1c3: {  	v41 =	vld.idx.msk [tilespmem:v37+s19+$0x0], $0xffff  }
0x1c4: {  	v44 =	vld.idx.msk [tilespmem:v44+s19+$0x0], $0xffff  }
0x1c5: {  	v37 =	vld.idx.msk [tilespmem:v50+s19+$0x0], $0xffff  }
0x1c6: {  	v36 =	vld.idx.msk [tilespmem:v51+s19+$0x0], $0xffff  }
0x1c7: {  	v47 =	vor.u32 s28, v0;
	v51 =	vld.idx.msk [tilespmem:v45+s19+$0x0], $0xffff  }
0x1c8: {  	v53 =	vor.u32 s28, v16;
	v52 =	vld.idx.msk [tilespmem:v42+s19+$0x0], $0xffff  }
0x1c9: {  	v54 =	vor.u32 s28, v17;
	v42 =	vld.idx.msk [tilespmem:v43+s19+$0x0], $0xffff  }
0x1ca: {  	v50 =	vor.u32 s28, v18;
	v45 =	vld.idx.msk [tilespmem:v46+s19+$0x0], $0xffff  }
.Ltmp4:
0x1cb: {  	v49 =	vor.u32 s28, v19;
	v43 =	vld.idx.msk [tilespmem:v48+s19+$0x0], $0xffff;
	(pc) =	sbr.rel @p0 .LBB2_10-.Ltmp4, $4  }
0x1cc: {  	[tilespmem:v47+s21+$0x0] =	vst.idx.msk $0xffff, v44;
	v47 =	vor.u32 s28, v20  }
0x1cd: {  	v48 =	vor.u32 s28, v21  }
0x1ce: {  	v46 =	vor.u32 s28, v22;
	[tilespmem:v53+s21+$0x0] =	vst.idx.msk $0xffff, v52  }
0x1cf: {  	v44 =	vor.u32 s28, v23;
	[tilespmem:v54+s21+$0x0] =	vst.idx.msk $0xffff, v51  }
0x1d0: {  	_ =	sdelay $0x3  }
0x1d1: {  	[tilespmem:v50+s21+$0x0] =	vst.idx.msk $0xffff, v45  }
0x1d2: {  	[tilespmem:v49+s21+$0x0] =	vst.idx.msk $0xffff, v40  }
0x1d3: {  	v60 =	vor.u32 s28, v25;
	[tilespmem:v47+s21+$0x0] =	vst.idx.msk $0xffff, v38  }
0x1d4: {  	v61 =	vor.u32 s28, v26;
	[tilespmem:v48+s21+$0x0] =	vst.idx.msk $0xffff, v43  }
0x1d5: {  	v62 =	vor.u32 s28, v27;
	[tilespmem:v46+s21+$0x0] =	vst.idx.msk $0xffff, v41  }
0x1d6: {  	v63 =	vor.u32 s28, v28;
	[tilespmem:v44+s21+$0x0] =	vst.idx.msk $0xffff, v35  }
0x1d7: {  	v45 =	vor.u32 s28, v29;
	[tilespmem:v39+s21+$0x0] =	vst.idx.msk $0xffff, v34  }
0x1d8: {  	v46 =	vor.u32 s28, v30;
	[tilespmem:v60+s21+$0x0] =	vst.idx.msk $0xffff, v42  }
0x1d9: {  	[tilespmem:v61+s21+$0x0] =	vst.idx.msk $0xffff, v37  }
0x1da: {  	[tilespmem:v62+s21+$0x0] =	vst.idx.msk $0xffff, v36  }
0x1db: {  	[tilespmem:v63+s21+$0x0] =	vst.idx.msk $0xffff, v33  }
0x1dc: {  	[tilespmem:v45+s21+$0x0] =	vst.idx.msk $0xffff, v32  }
0x1dd: {  	s1 =	simm.s32 $0x0;
	[tilespmem:v46+s21+$0x0] =	vst.idx.msk $0xffff, v31  }
0x1de: {  	[hbm4b:s14+s1] =	stream.linear.scatter [tilespmem:s21], [sflag:$0x4], $0x4000, $0x38;
	[tilespmem:$0xC000] =	vst v63  }
0x1df: {  	s1 =	sand.u32 $0x3, s1  }
0x1e0: {  	s2 =	sshll.u32 s1, $0xB  }
0x1e1: {  	_ =	swait.ge [sflag:s22], $0x2000;
	s2 =	sadd.s32 $0x0, s2  }
0x1e2: {  	[sflag:s22] =	ssyncset.done $0x0;
	v31 =	vor.u32 s2, v5  }
0x1e3: {  	[sflag:s22] =	ssyncadd.s32 $0xFFFFE000;
	v47 =	vor.u32 s2, v4  }
0x1e4: {  	v48 =	vor.u32 s2, v9;
	_ =	swait.ge [sflag:s23], $0x4000  }
0x1e5: {  	v49 =	vor.u32 s2, v8;
	[sflag:s23] =	ssyncset.done $0x0  }
0x1e6: {  	v50 =	vor.u32 s2, v14;
	[sflag:s23] =	ssyncadd.s32 $0xFFFFC000  }
0x1e7: {  	v51 =	vor.u32 s2, v15;
	v38 =	vld.idx.msk [tilespmem:v31+s3+$0x0], $0xffff  }
0x1e8: {  	v52 =	vor.u32 s2, v13;
	v40 =	vld.idx.msk [tilespmem:v47+s3+$0x0], $0xffff  }
0x1e9: {  	v53 =	vor.u32 s2, v7;
	v34 =	vld.idx.msk [tilespmem:v48+s3+$0x0], $0xffff  }
0x1ea: {  	v54 =	vor.u32 s2, v0;
	v35 =	vld.idx.msk [tilespmem:v49+s3+$0x0], $0xffff  }
0x1eb: {  	v55 =	vor.u32 s2, v11;
	v32 =	vld.idx.msk [tilespmem:v50+s3+$0x0], $0xffff  }
0x1ec: {  	v56 =	vor.u32 s2, v12;
	v31 =	vld.idx.msk [tilespmem:v51+s3+$0x0], $0xffff  }
0x1ed: {  	v58 =	vor.u32 s2, v1;
	v33 =	vld.idx.msk [tilespmem:v52+s3+$0x0], $0xffff  }
0x1ee: {  	v57 =	vor.u32 s2, v2;
	v41 =	vld.idx.msk [tilespmem:v53+s3+$0x0], $0xffff  }
0x1ef: {  	s6 =	simm.s32 $0x0;
	s1 =	sshll.u32 s1, $0x4;
	v61 =	vor.u32 s2, v3;
	v60 =	vld.idx.msk [tilespmem:v54+s3+$0x0], $0xffff  }
0x1f0: {  	s28 =	sor.u32 s1, s6;
	v59 =	vor.u32 s2, v10;
	v37 =	vld.idx.msk [tilespmem:v55+s3+$0x0], $0xffff  }
0x1f1: {  	v62 =	vor.u32 s2, v6;
	v63 =	vor.u32 s28, v0;
	v36 =	vld.idx.msk [tilespmem:v56+s3+$0x0], $0xffff  }
0x1f2: {  	v51 =	vld.idx.msk [tilespmem:v58+s3+$0x0], $0xffff;
	v52 =	vor.u32 s28, v16  }
0x1f3: {  	v44 =	vld.idx.msk [tilespmem:v57+s3+$0x0], $0xffff;
	v53 =	vor.u32 s28, v17  }
0x1f4: {  	v45 =	vld.idx.msk [tilespmem:v61+s3+$0x0], $0xffff;
	v50 =	vor.u32 s28, v18  }
0x1f5: {  	v42 =	vld.idx.msk [tilespmem:v59+s3+$0x0], $0xffff;
	v49 =	vor.u32 s28, v19  }
0x1f6: {  	v43 =	vld.idx.msk [tilespmem:v62+s3+$0x0], $0xffff;
	v47 =	vor.u32 s28, v20;
	[tilespmem:v63+s20+$0x0] =	vst.idx.msk $0xffff, v60  }
0x1f7: {  	v48 =	vor.u32 s28, v21;
	[tilespmem:v52+s20+$0x0] =	vst.idx.msk $0xffff, v51  }
0x1f8: {  	s1 =	simm.s32 $0x1;
	v39 =	vor.u32 s28, v24;
	v46 =	vor.u32 s28, v22;
	[tilespmem:v53+s20+$0x0] =	vst.idx.msk $0xffff, v44;
	v44 =	vor.u32 s28, v23  }
.LBB2_12:
0x1f9: {  	p0 =	sne.s32 s1, $0x1F;
	[tilespmem:v50+s20+$0x0] =	vst.idx.msk $0xffff, v45;
	s2 =	smov.u32 s1;
	s1 =	sadd.s32 $0x1, s1  }
0x1fa: {  	[tilespmem:v49+s20+$0x0] =	vst.idx.msk $0xffff, v40;
	v40 =	vor.u32 s28, v25  }
0x1fb: {  	[tilespmem:v47+s20+$0x0] =	vst.idx.msk $0xffff, v38;
	v38 =	vor.u32 s28, v26  }
0x1fc: {  	[tilespmem:v48+s20+$0x0] =	vst.idx.msk $0xffff, v43;
	v43 =	vor.u32 s28, v27  }
0x1fd: {  	s6 =	sshrl.u32 s2, $0x2;
	s2 =	sand.u32 $0x3, s2;
	[tilespmem:v46+s20+$0x0] =	vst.idx.msk $0xffff, v41;
	v41 =	vor.u32 s28, v28  }
0x1fe: {  	s7 =	sshll.u32 s2, $0xB;
	s9 =	sshll.u32 s6, $0x4;
	s6 =	sshll.u32 s6, $0xB;
	[tilespmem:v44+s20+$0x0] =	vst.idx.msk $0xffff, v35;
	v35 =	vor.u32 s28, v29  }
0x1ff: {  	s2 =	sshll.u32 s2, $0x4;
	s7 =	sadd.s32 s9, s7;
	[tilespmem:v39+s20+$0x0] =	vst.idx.msk $0xffff, v34;
	v34 =	vor.u32 s28, v30  }
0x200: {  	v45 =	vor.u32 s7, v2;
	v46 =	vor.u32 s7, v3;
	v44 =	vor.u32 s7, v0;
	s28 =	sor.u32 s2, s6;
	[tilespmem:v40+s20+$0x0] =	vst.idx.msk $0xffff, v42  }
0x201: {  	v47 =	vor.u32 s7, v5;
	v42 =	vor.u32 s7, v1;
	v40 =	vor.u32 s7, v4;
	[tilespmem:v38+s20+$0x0] =	vst.idx.msk $0xffff, v37  }
0x202: {  	v48 =	vor.u32 s7, v6;
	v49 =	vor.u32 s7, v8;
	v37 =	vor.u32 s7, v7;
	[tilespmem:v43+s20+$0x0] =	vst.idx.msk $0xffff, v36  }
0x203: {  	v50 =	vor.u32 s7, v11;
	v36 =	vor.u32 s7, v9;
	v43 =	vor.u32 s7, v10;
	[tilespmem:v41+s20+$0x0] =	vst.idx.msk $0xffff, v33  }
0x204: {  	v51 =	vor.u32 s7, v12;
	v33 =	vor.u32 s7, v13;
	v41 =	vor.u32 s7, v14;
	[tilespmem:v35+s20+$0x0] =	vst.idx.msk $0xffff, v32  }
0x205: {  	v52 =	vor.u32 s7, v15;
	v39 =	vor.u32 s28, v24;
	[tilespmem:v34+s20+$0x0] =	vst.idx.msk $0xffff, v31  }
0x206: {  	v38 =	vld.idx.msk [tilespmem:v47+s3+$0x0], $0xffff  }
0x207: {  	v40 =	vld.idx.msk [tilespmem:v40+s3+$0x0], $0xffff  }
0x208: {  	v34 =	vld.idx.msk [tilespmem:v36+s3+$0x0], $0xffff  }
0x209: {  	v35 =	vld.idx.msk [tilespmem:v49+s3+$0x0], $0xffff  }
0x20a: {  	v32 =	vld.idx.msk [tilespmem:v41+s3+$0x0], $0xffff  }
0x20b: {  	v31 =	vld.idx.msk [tilespmem:v52+s3+$0x0], $0xffff  }
0x20c: {  	v33 =	vld.idx.msk [tilespmem:v33+s3+$0x0], $0xffff  }
0x20d: {  	v41 =	vld.idx.msk [tilespmem:v37+s3+$0x0], $0xffff  }
0x20e: {  	v44 =	vld.idx.msk [tilespmem:v44+s3+$0x0], $0xffff  }
0x20f: {  	v37 =	vld.idx.msk [tilespmem:v50+s3+$0x0], $0xffff  }
0x210: {  	v36 =	vld.idx.msk [tilespmem:v51+s3+$0x0], $0xffff  }
0x211: {  	v47 =	vor.u32 s28, v0;
	v51 =	vld.idx.msk [tilespmem:v45+s3+$0x0], $0xffff  }
0x212: {  	v53 =	vor.u32 s28, v16;
	v52 =	vld.idx.msk [tilespmem:v42+s3+$0x0], $0xffff  }
0x213: {  	v54 =	vor.u32 s28, v17;
	v42 =	vld.idx.msk [tilespmem:v43+s3+$0x0], $0xffff  }
0x214: {  	v50 =	vor.u32 s28, v18;
	v45 =	vld.idx.msk [tilespmem:v46+s3+$0x0], $0xffff  }
.Ltmp5:
0x215: {  	v49 =	vor.u32 s28, v19;
	v43 =	vld.idx.msk [tilespmem:v48+s3+$0x0], $0xffff;
	(pc) =	sbr.rel @p0 .LBB2_12-.Ltmp5, $4  }
0x216: {  	[tilespmem:v47+s20+$0x0] =	vst.idx.msk $0xffff, v44;
	v47 =	vor.u32 s28, v20  }
0x217: {  	v48 =	vor.u32 s28, v21  }
0x218: {  	v46 =	vor.u32 s28, v22;
	[tilespmem:v53+s20+$0x0] =	vst.idx.msk $0xffff, v52  }
0x219: {  	v44 =	vor.u32 s28, v23;
	[tilespmem:v54+s20+$0x0] =	vst.idx.msk $0xffff, v51  }
0x21a: {  	_ =	sdelay $0x3  }
0x21b: {  	[tilespmem:v50+s20+$0x0] =	vst.idx.msk $0xffff, v45  }
0x21c: {  	[tilespmem:v49+s20+$0x0] =	vst.idx.msk $0xffff, v40  }
0x21d: {  	v58 =	vor.u32 s28, v25;
	[tilespmem:v47+s20+$0x0] =	vst.idx.msk $0xffff, v38  }
0x21e: {  	v59 =	vor.u32 s28, v26;
	[tilespmem:v48+s20+$0x0] =	vst.idx.msk $0xffff, v43  }
0x21f: {  	v60 =	vor.u32 s28, v27;
	[tilespmem:v46+s20+$0x0] =	vst.idx.msk $0xffff, v41  }
0x220: {  	v61 =	vor.u32 s28, v28;
	[tilespmem:v44+s20+$0x0] =	vst.idx.msk $0xffff, v35  }
0x221: {  	v62 =	vor.u32 s28, v29;
	[tilespmem:v39+s20+$0x0] =	vst.idx.msk $0xffff, v34  }
0x222: {  	v63 =	vor.u32 s28, v30;
	[tilespmem:v58+s20+$0x0] =	vst.idx.msk $0xffff, v42  }
0x223: {  	[tilespmem:v59+s20+$0x0] =	vst.idx.msk $0xffff, v37  }
0x224: {  	[tilespmem:v60+s20+$0x0] =	vst.idx.msk $0xffff, v36  }
0x225: {  	[tilespmem:v61+s20+$0x0] =	vst.idx.msk $0xffff, v33  }
0x226: {  	[tilespmem:v62+s20+$0x0] =	vst.idx.msk $0xffff, v32  }
0x227: {  	s26 =	sadd.s32 $0x1, s26;
	[tilespmem:v63+s20+$0x0] =	vst.idx.msk $0xffff, v31  }
0x228: {  	[hbm4b:s15+s3] =	stream.linear.scatter [tilespmem:s20], [sflag:$0x3], $0x4000, $0x38;
	[tilespmem:$0xC000] =	vst v63  }
0x229: {  	p0 =	sne.s32 s26, s16;
	_ =	swait.ge [sflag:s23], $0x4000  }
.Ltmp6:
0x22a: {  	[sflag:s23] =	ssyncset.done $0x0;
	(pc) =	sbr.rel @p0 .LBB2_1-.Ltmp6, $4  }
0x22b: {  	[sflag:s23] =	ssyncadd.s32 $0xFFFFC000  }
0x22c: {  	_ =	swait.ge [sflag:s25], $0x4000  }
0x22d: {  	[sflag:s25] =	ssyncset.done $0x0  }
0x22e: {  	[sflag:s25] =	ssyncadd.s32 $0xFFFFC000  }
0x22f: {  	_ =	sfence.sel $0x180000  }
0x230: {  	[bflag:$0x0] =	sbarrier.arrive $0xFFFF  }
0x231: {  	_ =	strace $0x90000047  }
0x232: {  	s0 =	stileid.u32;
	[bflag:$0x2] =	sbarrier.arrive $0xFFFF  }
0x233: {  	p0 =	sne.s32 s0, $0x0;
	s0 =	rddreg [dreg:$0x2]  }
0x234: {  	s0 =	sadd.s32 @!p0 $0x100000, s0  }
0x235: {  	[sflag:s0] =	ssyncadd.tile.s32 @!p0 $0x1;
	_ =	shalt  }
.Lfunc_end2:
_tile_overlayer_lowered:
.L_overlay_start_2:
0x236: {  	(tag) =	ssettag $0x2  }
0x237: {  	s0 =	rddreg [dreg:$0x0];
	s2 =	stileid.u32  }
0x238: {  	s1 =	rddreg [dreg:$0x1];
	p0 =	sne.s32 s2, $0x0  }
0x239: {  	s3 =	rddreg [dreg:$0x2];
	[bflag:$0x3] =	sbarrier.arrive $0xFFFF;
	s2 =	simm.s32 @!p0 $0x1C05  }
0x23a: {  	[timem:s3], [sflag:s2] =	dma.local @!p0 [hbm:s0], s1  }
0x23b: {  	s0 =	simm.s32 @!p0 $0x5  }
0x23c: {  	_ =	swait.ge @!p0 [sflag:s0], s1  }
0x23d: {  	s1 =	ssub.s32 @!p0 $0x0, s1;
	[sflag:s0] =	ssyncset.done @!p0 $0x0  }
0x23e: {  	[sflag:s0] =	ssyncadd.s32 @!p0 s1  }
0x23f: {  	[bflag:$0x3] =	sbarrier.arrive $0xFFFF  }
0x240: {  	_ =	shalt  }

// kernel: kernel.7.cloned.1.call-start
scs
__scs_entry_jumppad:
0x0: {  	(pc) =	sbr.rel $0x88, $3  }
0x1: {  	(tag) =	ssettag $0x0;
	lr =	simm.s32 $0x1  }
0x2: {  	[smem:$0x3F9F] =	sst lr;
	_ =	strace $0xD0000000  }
0x3: {  	_ = 	snop  }
0x4: {  	_ = 	snop  }
0x5: {  	_ = 	snop  }
0x6: {  	_ = 	snop  }
0x7: {  	_ = 	snop  }
__scs_overlays_trampoline_lowered:
0x8: {  	[smem:$0x3FAE] =	sst s0  }
0x9: {  	[smem:$0x3FAF] =	sst s1  }
0xa: {  	[smem:$0x3FB0] =	sst s2  }
0xb: {  	[smem:$0x3FB1] =	sst s3  }
0xc: {  	[smem:$0x3FB2] =	sst s4  }
0xd: {  	[smem:$0x3FB3] =	sst s5  }
0xe: {  	[smem:$0x3FB4] =	sst s6  }
0xf: {  	[smem:$0x3FB5] =	sst s7  }
0x10: {  	[smem:$0x3FB6] =	sst s8  }
0x11: {  	[smem:$0x3FB7] =	sst s9;
	s0 =	simm.s32 @!p0 $0x0  }
0x12: {  	s1 =	sld [smem:$0x3F9D];
	s0 =	simm.s32 @p0 $0x1  }
0x13: {  	[smem:$0x3FB8] =	sst s0;
	s0 =	simm.s32 @!p1 $0x0  }
0x14: {  	s2 =	sld [smem:$0x3F9C];
	s0 =	simm.s32 @p1 $0x1  }
0x15: {  	[smem:$0x3FB9] =	sst s0;
	s0 =	simm.s32 @!p2 $0x0  }
0x16: {  	s3 =	sld [smem:$0x3FDB];
	s0 =	simm.s32 @p2 $0x1  }
0x17: {  	s4 =	simm.s32 $0x1BF5;
	[smem:$0x3FBB] =	sst s0  }
0x18: {  	s0 =	sld [smem:$0x3F9E];
	_ =	swait.ge [sflag:s4], $0x0  }
0x19: {  	s7 =	sld [smem:$0x3F9F]  }
0x1a: {  	s8 =	sadd.s32 $0xFFFFE003, lr  }
0x1b: {  	s9 =	sadd.s32 $0xFFFFFEF7, lr;
	s5 =	simm.s32 $0xFFFFFFFF;
	p2 =	slt.u32 s8, $0xFFFFF086  }
0x1c: {  	p1 =	slt.u32 s9, $0xF7A;
	s5 =	simm.s32 @!p2 $0x0  }
0x1d: {  	s5 =	simm.s32 @p1 $0x1;
	p0 =	seq.s32 s7, s2  }
0x1e: {  	s7 =	smul.u32 @!p0 $0xF7A, s2;
	p2 =	seq.s32 @!p0 s5, $0x0  }
0x1f: {  	s9 =	smul.u32 $0xF7A, s1;
	s8 =	simm.s32 @!p0 $0x1BF5;
	p2 =	por !p2, p0  }
0x20: {  	[sflag:s8] =	ssyncset.s32 @!p0 $0xFFFFF086;
	s6 =	sadd.s32 @!p0 s3, s7;
	s7 =	simm.s32 @!p0 $0x108  }
0x21: {  	s3 =	sadd.s32 s3, s9;
	s6 =	sadd.s32 @!p0 $0x88, s6;
	s7 =	simm.s32 @p2 $0x1082  }
0x22: {  	[simem:s7], [sflag:s8] =	dma.local @!p0 [hbm:s6], $0xF7A  }
0x23: {  	s9 =	sor.u32 $0xD0000000, s2;
	s6 =	simm.s32 $0x108;
	_ =	swait.ge @!p0 [sflag:s8], $0x0  }
0x24: {  	s3 =	sadd.s32 $0x88, s3;
	s6 =	simm.s32 @!p1 $0x1082;
	[sflag:s4] =	ssyncset.s32 $0xFFFFF086  }
0x25: {  	[simem:s6], [sflag:s4] =	dma.local [hbm:s3], $0xF7A  }
0x26: {  	[smem:$0x3F9F] =	sst s1;
	(tag) =	ssettag s2;
	_ =	strace s9  }
0x27: {  	s1 =	sld [smem:$0x3FAF]  }
0x28: {  	s2 =	sld [smem:$0x3FB0]  }
0x29: {  	s4 =	sld [smem:$0x3FB2]  }
0x2a: {  	p0 =	seq.s32 s5, $0x0;
	s5 =	sld [smem:$0x3FB3]  }
0x2b: {  	s6 =	sld [smem:$0x3FB4]  }
0x2c: {  	s7 =	sld [smem:$0x3FB5]  }
0x2d: {  	s3 =	simm.s32 $0x108;
	s8 =	sld [smem:$0x3FB6]  }
0x2e: {  	s3 =	simm.s32 @!p0 $0x1082;
	s9 =	sld [smem:$0x3FB7]  }
0x2f: {  	lr =	sadd.s32 s0, s3;
	s0 =	sld [smem:$0x3FAE]  }
0x30: {  	s3 =	sld [smem:$0x3FB1]  }
0x31: {  	[smem:$0x3FBA] =	sst s10  }
0x32: {  	s10 =	sld [smem:$0x3FB8];
	_ =	sdelay $0x3  }
0x33: {  	p0 =	seq.s32 s10, $0x1;
	s10 =	sld [smem:$0x3FBA];
	_ =	sdelay $0x3  }
0x34: {  	[smem:$0x3FBA] =	sst s10  }
0x35: {  	s10 =	sld [smem:$0x3FB9];
	_ =	sdelay $0x3  }
0x36: {  	p1 =	seq.s32 s10, $0x1;
	s10 =	sld [smem:$0x3FBA];
	_ =	sdelay $0x3  }
0x37: {  	[smem:$0x3FBA] =	sst s10  }
0x38: {  	s10 =	sld [smem:$0x3FBB]  }
0x39: {  	_ = 	snop;
	(pc) =	sbr.ind lr, $3  }
0x3a: {  	_ = 	snop  }
0x3b: {  	_ = 	snop  }
0x3c: {  	p2 =	seq.s32 s10, $0x1;
	s10 =	sld [smem:$0x3FBA]  }
0x3d: {  	_ =	shalt  }
0x3e: {  	_ =	shalt  }
0x3f: {  	_ =	shalt  }
0x40: {  	_ =	shalt  }
0x41: {  	_ =	shalt  }
0x42: {  	_ =	shalt  }
0x43: {  	_ =	shalt  }
0x44: {  	_ =	shalt  }
0x45: {  	_ =	shalt  }
0x46: {  	_ =	shalt  }
0x47: {  	_ =	shalt  }
0x48: {  	_ =	shalt  }
0x49: {  	_ =	shalt  }
0x4a: {  	_ =	shalt  }
0x4b: {  	_ =	shalt  }
0x4c: {  	_ =	shalt  }
0x4d: {  	_ =	shalt  }
0x4e: {  	_ =	shalt  }
0x4f: {  	_ =	shalt  }
0x50: {  	_ =	shalt  }
0x51: {  	_ =	shalt  }
0x52: {  	_ =	shalt  }
0x53: {  	_ =	shalt  }
0x54: {  	_ =	shalt  }
0x55: {  	_ =	shalt  }
0x56: {  	_ =	shalt  }
0x57: {  	_ =	shalt  }
0x58: {  	_ =	shalt  }
0x59: {  	_ =	shalt  }
0x5a: {  	_ =	shalt  }
0x5b: {  	_ =	shalt  }
0x5c: {  	_ =	shalt  }
0x5d: {  	_ =	shalt  }
0x5e: {  	_ =	shalt  }
0x5f: {  	_ =	shalt  }
0x60: {  	_ =	shalt  }
0x61: {  	_ =	shalt  }
0x62: {  	_ =	shalt  }
0x63: {  	_ =	shalt  }
0x64: {  	_ =	shalt  }
0x65: {  	_ =	shalt  }
0x66: {  	_ =	shalt  }
0x67: {  	_ =	shalt  }
0x68: {  	_ =	shalt  }
0x69: {  	_ =	shalt  }
0x6a: {  	_ =	shalt  }
0x6b: {  	_ =	shalt  }
0x6c: {  	_ =	shalt  }
0x6d: {  	_ =	shalt  }
0x6e: {  	_ =	shalt  }
0x6f: {  	_ =	shalt  }
0x70: {  	_ =	shalt  }
0x71: {  	_ =	shalt  }
0x72: {  	_ =	shalt  }
0x73: {  	_ =	shalt  }
0x74: {  	_ =	shalt  }
0x75: {  	_ =	shalt  }
0x76: {  	_ =	shalt  }
0x77: {  	_ =	shalt  }
0x78: {  	_ =	shalt  }
0x79: {  	_ =	shalt  }
0x7a: {  	_ =	shalt  }
0x7b: {  	_ =	shalt  }
0x7c: {  	_ =	shalt  }
0x7d: {  	_ =	shalt  }
0x7e: {  	_ =	shalt  }
0x7f: {  	_ =	shalt  }
0x80: {  	_ =	shalt  }
0x81: {  	_ =	shalt  }
0x82: {  	_ =	shalt  }
0x83: {  	_ =	shalt  }
0x84: {  	_ =	shalt  }
0x85: {  	_ =	shalt  }
0x86: {  	_ =	shalt  }
0x87: {  	_ =	shalt  }
.Lfunc_end0:
.L_simem_size_0:
called_computation.1_lowered:
.L_overlay_start_0:
0x88: {  	s2 =	sld [smem:$0x3FD9]  }
0x89: {  	s3 =	sld [smem:$0x3FFE];
	_ =	sdelay $0x1  }
0x8a: {  	s1 =	srdreg.scid  }
0x8b: {  	s0 =	sand.u32 $0x1, s1  }
0x8c: {  	s17 =	sshll.u32 s0, $0xA;
	s2 =	sadd.s32 s3, s2  }
0x8d: {  	s2 =	sadd.s32 s2, s17  }
0x8e: {  	[smem:$0x3FC6] =	sst s2  }
0x8f: {  	_ = 	snop  }
0x90: {  	s2 =	sld [smem:$0x3FC9]  }
0x91: {  	s18 =	sld [smem:$0x3FD0];
	(tm) =	ssettm $0x1  }
0x92: {  	s4 =	sld [smem:$0x3FFB];
	_ =	sdelay $0x3  }
0x93: {  	_ =	strace s4  }
0x94: {  	s4 =	sld [smem:$0x3FFC];
	_ =	sdelay $0x3  }
0x95: {  	_ =	strace s4  }
0x96: {  	s4 =	sld [smem:$0x3FFD];
	_ =	sdelay $0x3  }
0x97: {  	_ =	strace s4  }
0x98: {  	_ =	strace $0x8FFFFFFF  }
0x99: {  	s19 =	sld [smem:$0x3FDB];
	_ =	sdelay $0x1  }
0x9a: {  	s5 =	simm.s32 $_scs_section_size  }
0x9b: {  	s6 =	simm.s32 $_size__tile_overlayer_lowered;
	s7 =	simm.s32 $_tile_overlayer_lowered  }
0x9c: {  	s22 =	simm.s32 $0x1BFF;
	s21 =	sshll.u32 s7, $0x1;
	s4 =	sadd.s32 s5, s19  }
0x9d: {  	s8 =	simm.s32 $0x0;
	s20 =	sshll.u32 s6, $0x1;
	s6 =	sadd.s32 s21, s4  }
0x9e: {  	[timem:s8], [sflag:s22] =	dma.local [hbm:s6], s20  }
0x9f: {  	_ =	swait.ge [sflag:s22], s20  }
0xa0: {  	s5 =	ssub.s32 $0x0, s20;
	[sflag:s22] =	ssyncset.done $0x0  }
0xa1: {  	[sflag:s22] =	ssyncadd.s32 s5;
	_ =	sdelay $0x1  }
0xa2: {  	s23 =	simm.s32 $0x1B8B  }
0xa3: {  	_ =	swait.ge [sflag:s23], $0x1  }
0xa4: {  	[sflag:s23] =	ssyncset.done $0x0  }
0xa5: {  	s25 =	simm.s32 $0x1B8E;
	s24 =	sld [smem:$0x3FFE];
	[sflag:s23] =	ssyncadd.s32 $0xFFFFFFFF  }
0xa6: {  	s26 =	simm.s32 $execute0_lowered;
	[smem:$0x3FD2] =	sst s25  }
0xa7: {  	s6 =	sshll.u32 s26, $0x1;
	_ =	strace $0x80000049;
	[dreg:$0x1] =	wrdreg $0xFFFFFFFF  }
0xa8: {  	s28 =	simm.s32 $_size_execute0_lowered;
	s4 =	sadd.s32 s4, s6;
	[dreg:$0x0] =	wrdreg $0x0  }
0xa9: {  	s6 =	sshll.u32 s28, $0x1;
	[dreg:$0x2] =	wrdreg s4  }
0xaa: {  	[dreg:$0x3] =	wrdreg s6  }
0xab: {  	[dreg:$0x4] =	wrdreg $0xC0  }
0xac: {  	_ =	task [dreg:s8], $0x5FFFF  }
0xad: {  	[dreg:$0x1] =	wrdreg $0xFFFFFFFF  }
0xae: {  	[dreg:$0x0] =	wrdreg $0x60  }
0xaf: {  	[dreg:$0x2] =	wrdreg s2  }
0xb0: {  	[dreg:$0x3] =	wrdreg s24  }
0xb1: {  	[dreg:$0x4] =	wrdreg s18  }
0xb2: {  	[dreg:$0x5] =	wrdreg $0x9  }
0xb3: {  	_ =	task.clear_ibuf [dreg:s8], $0x6FFFF;
	_ =	strace $0x90000049  }
0xb4: {  	s29 =	simm.s32 $0x9;
	_ =	strace $0x8000004B  }
0xb5: {  	_ =	swait.ge [sflag:s29], $0x1  }
0xb6: {  	[sflag:s29] =	ssyncadd.s32 $0xFFFFFFFF  }
0xb7: {  	_ =	strace $0x9000004B  }
0xb8: {  	_ =	sfence  }
0xb9: {  	s30 =	sld [smem:$0x0];
	_ =	sdelay $0x2  }
0xba: {  	s31 =	sshll.u32 s1, $0xD;
	s1 =	sshrl.u32 s1, $0x2  }
0xbb: {  	s3 =	sand.u32 $0x4000, s31;
	s1 =	sadd.s32 s1, s30  }
0xbc: {  	s0 =	sor.u32 s3, s0;
	s1 =	sshll.u32 s1, $0x11  }
0xbd: {  	s0 =	sor.u32 s1, s0  }
0xbe: {  	s0 =	sadd.s32 $0x8F2B, s0  }
0xbf: {  	[sflag:s0] =	ssyncadd.remote.s32 $0x1  }
0xc0: {  	_ =	sfence.sel $0xFFFF  }
0xc1: {  	[dreg:$0x0] =	wrdreg $0xFFFFFFFF;
	(pc) =	sbr.abs _section_cstart, $3  }
0xc2: {  	[dreg:$0x1] =	wrdreg $0xFFFFFFFF  }
0xc3: {  	_ =	task.clear_ibuf [dreg:s8], $0x2FFFF;
	_ =	strace $0x9FFFFFFF  }
0xc4: {  	(tm) =	ssettm $0x7FFFFFFF  }
0xc5: {  	_ =	shalt  }
tec
execute0_lowered:
.L_overlay_start_1:
0x0: {  	(tag) =	ssettag $0x1  }
0x1: {  	vm14 =	vcmask $0x300;
	v0 =	vimm.s32 $0x780  }
0x2: {  	vm13 =	vcmask $0x704;
	vm12 =	vcmask $0xB08;
	vm11 =	vcmask $0xF0C  }
0x3: {  	vm10 =	vcmask $0x1310;
	vm9 =	vcmask $0x1714;
	v1 =	vlaneseq.u32  }
0x4: {  	vm7 =	vcmask $0x1B18;
	vm0 =	vcmask $0x1F1C;
	v3 =	vimm.s32 $0x782  }
0x5: {  	vm1 =	vcmask $0x2320;
	vm2 =	vcmask $0x2724;
	vm3 =	vcmask $0x2B28  }
0x6: {  	vm4 =	vcmask $0x2F2C;
	vm5 =	vcmask $0x3330;
	vm6 =	vcmask $0x3734  }
0x7: {  	vm8 =	vcmask $0x3B38;
	v4 =	vimm.s32 $0x783;
	v5 =	vimm.s32 $0x784  }
0x8: {  	v6 =	vimm.s32 $0x785;
	v7 =	vimm.s32 $0x786;
	v8 =	vimm.s32 $0x787  }
0x9: {  	v9 =	vimm.s32 $0x788;
	v10 =	vimm.s32 $0x789;
	v11 =	vimm.s32 $0x78A  }
0xa: {  	v12 =	vimm.s32 $0x78B;
	v13 =	vimm.s32 $0x78C;
	v14 =	vimm.s32 $0x78D  }
0xb: {  	v15 =	vimm.s32 $0x78E;
	v16 =	vimm.s32 $0xF;
	v17 =	vimm.s32 $0x8F  }
0xc: {  	v18 =	vimm.s32 $0x10F;
	v19 =	vimm.s32 $0x18F;
	v20 =	vimm.s32 $0x20F  }
0xd: {  	v21 =	vimm.s32 $0x28F;
	v22 =	vimm.s32 $0x30F;
	v23 =	vimm.s32 $0x38F  }
0xe: {  	v24 =	vimm.s32 $0x40F;
	v25 =	vimm.s32 $0x48F;
	v26 =	vimm.s32 $0x50F  }
0xf: {  	v27 =	vimm.s32 $0x58F;
	v28 =	vimm.s32 $0x60F;
	v29 =	vimm.s32 $0x68F  }
0x10: {  	v30 =	vimm.s32 $0x70F;
	v0 =	vsel vm14, $0x1, v0;
	v3 =	vsel vm14, $0x3, v3  }
0x11: {  	v4 =	vsel vm14, $0x4, v4;
	v5 =	vsel vm14, $0x5, v5;
	v6 =	vsel vm14, $0x6, v6  }
0x12: {  	v7 =	vsel vm14, $0x7, v7;
	v8 =	vsel vm14, $0x8, v8;
	v9 =	vsel vm14, $0x9, v9  }
0x13: {  	v10 =	vsel vm14, $0xA, v10;
	v11 =	vsel vm14, $0xB, v11;
	v12 =	vsel vm14, $0xC, v12  }
0x14: {  	v13 =	vsel vm14, $0xD, v13;
	v14 =	vsel vm14, $0xE, v14;
	v15 =	vsel vm14, $0xF, v15  }
0x15: {  	v16 =	vsel vm14, $0x80, v16;
	v17 =	vsel vm14, $0x100, v17;
	v18 =	vsel vm14, $0x180, v18  }
0x16: {  	v19 =	vsel vm14, $0x200, v19;
	v20 =	vsel vm14, $0x280, v20;
	v21 =	vsel vm14, $0x300, v21  }
0x17: {  	v22 =	vsel vm14, $0x380, v22;
	v23 =	vsel vm14, $0x400, v23;
	v24 =	vsel vm14, $0x480, v24  }
0x18: {  	v25 =	vsel vm14, $0x500, v25;
	v26 =	vsel vm14, $0x580, v26;
	v27 =	vsel vm14, $0x600, v27  }
0x19: {  	v28 =	vsel vm14, $0x680, v28;
	v29 =	vsel vm14, $0x700, v29;
	v30 =	vsel vm14, $0x780, v30  }
0x1a: {  	v0 =	vsel vm13, $0x82, v0;
	v3 =	vsel vm13, $0x84, v3;
	v4 =	vsel vm13, $0x85, v4  }
0x1b: {  	v5 =	vsel vm13, $0x86, v5;
	v6 =	vsel vm13, $0x87, v6;
	v7 =	vsel vm13, $0x88, v7  }
0x1c: {  	v8 =	vsel vm13, $0x89, v8;
	v9 =	vsel vm13, $0x8A, v9;
	v10 =	vsel vm13, $0x8B, v10  }
0x1d: {  	v11 =	vsel vm13, $0x8C, v11;
	v12 =	vsel vm13, $0x8D, v12;
	v13 =	vsel vm13, $0x8E, v13  }
0x1e: {  	v14 =	vsel vm13, $0x8F, v14;
	v15 =	vsel vm13, $0x80, v15;
	v16 =	vsel vm13, $0x101, v16  }
0x1f: {  	v17 =	vsel vm13, $0x181, v17;
	v18 =	vsel vm13, $0x201, v18;
	v19 =	vsel vm13, $0x281, v19  }
0x20: {  	v20 =	vsel vm13, $0x301, v20;
	v21 =	vsel vm13, $0x381, v21;
	v22 =	vsel vm13, $0x401, v22  }
0x21: {  	v23 =	vsel vm13, $0x481, v23;
	v24 =	vsel vm13, $0x501, v24;
	v25 =	vsel vm13, $0x581, v25  }
0x22: {  	v26 =	vsel vm13, $0x601, v26;
	v27 =	vsel vm13, $0x681, v27;
	v28 =	vsel vm13, $0x701, v28  }
0x23: {  	v29 =	vsel vm13, $0x781, v29;
	v30 =	vsel vm13, $0x1, v30;
	v0 =	vsel vm12, $0x103, v0  }
0x24: {  	v3 =	vsel vm12, $0x105, v3;
	v4 =	vsel vm12, $0x106, v4;
	v5 =	vsel vm12, $0x107, v5  }
0x25: {  	v6 =	vsel vm12, $0x108, v6;
	v7 =	vsel vm12, $0x109, v7;
	v8 =	vsel vm12, $0x10A, v8  }
0x26: {  	v9 =	vsel vm12, $0x10B, v9;
	v10 =	vsel vm12, $0x10C, v10;
	v11 =	vsel vm12, $0x10D, v11  }
0x27: {  	v12 =	vsel vm12, $0x10E, v12;
	v13 =	vsel vm12, $0x10F, v13;
	v14 =	vsel vm12, $0x100, v14  }
0x28: {  	v15 =	vsel vm12, $0x101, v15;
	v16 =	vsel vm12, $0x182, v16;
	v17 =	vsel vm12, $0x202, v17  }
0x29: {  	v18 =	vsel vm12, $0x282, v18;
	v19 =	vsel vm12, $0x302, v19;
	v20 =	vsel vm12, $0x382, v20  }
0x2a: {  	v21 =	vsel vm12, $0x402, v21;
	v22 =	vsel vm12, $0x482, v22;
	v23 =	vsel vm12, $0x502, v23  }
0x2b: {  	v24 =	vsel vm12, $0x582, v24;
	v25 =	vsel vm12, $0x602, v25;
	v26 =	vsel vm12, $0x682, v26  }
0x2c: {  	v27 =	vsel vm12, $0x702, v27;
	v28 =	vsel vm12, $0x782, v28;
	v29 =	vsel vm12, $0x2, v29  }
0x2d: {  	v30 =	vsel vm12, $0x82, v30;
	v0 =	vsel vm11, $0x184, v0;
	v3 =	vsel vm11, $0x186, v3  }
0x2e: {  	v4 =	vsel vm11, $0x187, v4;
	v5 =	vsel vm11, $0x188, v5;
	v6 =	vsel vm11, $0x189, v6  }
0x2f: {  	v7 =	vsel vm11, $0x18A, v7;
	v8 =	vsel vm11, $0x18B, v8;
	v9 =	vsel vm11, $0x18C, v9  }
0x30: {  	v10 =	vsel vm11, $0x18D, v10;
	v11 =	vsel vm11, $0x18E, v11;
	v12 =	vsel vm11, $0x18F, v12  }
0x31: {  	v13 =	vsel vm11, $0x180, v13;
	v14 =	vsel vm11, $0x181, v14;
	v15 =	vsel vm11, $0x182, v15  }
0x32: {  	v16 =	vsel vm11, $0x203, v16;
	v17 =	vsel vm11, $0x283, v17;
	v18 =	vsel vm11, $0x303, v18  }
0x33: {  	v19 =	vsel vm11, $0x383, v19;
	v20 =	vsel vm11, $0x403, v20;
	v21 =	vsel vm11, $0x483, v21  }
0x34: {  	v22 =	vsel vm11, $0x503, v22;
	v23 =	vsel vm11, $0x583, v23;
	v24 =	vsel vm11, $0x603, v24  }
0x35: {  	v25 =	vsel vm11, $0x683, v25;
	v26 =	vsel vm11, $0x703, v26;
	v27 =	vsel vm11, $0x783, v27  }
0x36: {  	v28 =	vsel vm11, $0x3, v28;
	v29 =	vsel vm11, $0x83, v29;
	v30 =	vsel vm11, $0x103, v30  }
0x37: {  	v0 =	vsel vm10, $0x205, v0;
	v3 =	vsel vm10, $0x207, v3;
	v4 =	vsel vm10, $0x208, v4  }
0x38: {  	v5 =	vsel vm10, $0x209, v5;
	v6 =	vsel vm10, $0x20A, v6;
	v7 =	vsel vm10, $0x20B, v7  }
0x39: {  	v8 =	vsel vm10, $0x20C, v8;
	v9 =	vsel vm10, $0x20D, v9;
	v10 =	vsel vm10, $0x20E, v10  }
0x3a: {  	v11 =	vsel vm10, $0x20F, v11;
	v12 =	vsel vm10, $0x200, v12;
	v13 =	vsel vm10, $0x201, v13  }
0x3b: {  	v14 =	vsel vm10, $0x202, v14;
	v15 =	vsel vm10, $0x203, v15;
	v16 =	vsel vm10, $0x284, v16  }
0x3c: {  	v17 =	vsel vm10, $0x304, v17;
	v18 =	vsel vm10, $0x384, v18;
	v19 =	vsel vm10, $0x404, v19  }
0x3d: {  	v20 =	vsel vm10, $0x484, v20;
	v21 =	vsel vm10, $0x504, v21;
	v22 =	vsel vm10, $0x584, v22  }
0x3e: {  	v23 =	vsel vm10, $0x604, v23;
	v24 =	vsel vm10, $0x684, v24;
	v25 =	vsel vm10, $0x704, v25  }
0x3f: {  	v26 =	vsel vm10, $0x784, v26;
	v27 =	vsel vm10, $0x4, v27;
	v28 =	vsel vm10, $0x84, v28  }
0x40: {  	v29 =	vsel vm10, $0x104, v29;
	v30 =	vsel vm10, $0x184, v30;
	v2 =	vsel vm9, $0x286, v0  }
0x41: {  	v0 =	vmul.u32 $0x81, v1;
	v3 =	vsel vm9, $0x288, v3;
	v4 =	vsel vm9, $0x289, v4  }
0x42: {  	v5 =	vsel vm9, $0x28A, v5;
	v6 =	vsel vm9, $0x28B, v6;
	v7 =	vsel vm9, $0x28C, v7  }
0x43: {  	v8 =	vsel vm9, $0x28D, v8;
	v9 =	vsel vm9, $0x28E, v9;
	v10 =	vsel vm9, $0x28F, v10  }
0x44: {  	v11 =	vsel vm9, $0x280, v11;
	v12 =	vsel vm9, $0x281, v12;
	v13 =	vsel vm9, $0x282, v13  }
0x45: {  	v14 =	vsel vm9, $0x283, v14;
	v15 =	vsel vm9, $0x284, v15;
	v16 =	vsel vm9, $0x305, v16  }
0x46: {  	v17 =	vsel vm9, $0x385, v17;
	v18 =	vsel vm9, $0x405, v18;
	v19 =	vsel vm9, $0x485, v19  }
0x47: {  	v20 =	vsel vm9, $0x505, v20;
	v21 =	vsel vm9, $0x585, v21;
	v22 =	vsel vm9, $0x605, v22  }
0x48: {  	v23 =	vsel vm9, $0x685, v23;
	v24 =	vsel vm9, $0x705, v24;
	v25 =	vsel vm9, $0x785, v25  }
0x49: {  	v26 =	vsel vm9, $0x5, v26;
	v27 =	vsel vm9, $0x85, v27;
	v28 =	vsel vm9, $0x105, v28  }
0x4a: {  	v29 =	vsel vm9, $0x185, v29;
	v30 =	vsel vm9, $0x205, v30;
	v1 =	vsel vm7, $0x307, v2  }
0x4b: {  	v2 =	vimm.s32 $0x781;
	v3 =	vsel vm7, $0x309, v3;
	v4 =	vsel vm7, $0x30A, v4  }
0x4c: {  	v5 =	vsel vm7, $0x30B, v5;
	v6 =	vsel vm7, $0x30C, v6;
	v7 =	vsel vm7, $0x30D, v7  }
0x4d: {  	v8 =	vsel vm7, $0x30E, v8;
	v9 =	vsel vm7, $0x30F, v9;
	v10 =	vsel vm7, $0x300, v10  }
0x4e: {  	v11 =	vsel vm7, $0x301, v11;
	v12 =	vsel vm7, $0x302, v12;
	v13 =	vsel vm7, $0x303, v13  }
0x4f: {  	v14 =	vsel vm7, $0x304, v14;
	v15 =	vsel vm7, $0x305, v15;
	v16 =	vsel vm7, $0x386, v16  }
0x50: {  	v17 =	vsel vm7, $0x406, v17;
	v18 =	vsel vm7, $0x486, v18;
	v19 =	vsel vm7, $0x506, v19  }
0x51: {  	v20 =	vsel vm7, $0x586, v20;
	v21 =	vsel vm7, $0x606, v21;
	v22 =	vsel vm7, $0x686, v22  }
0x52: {  	v23 =	vsel vm7, $0x706, v23;
	v24 =	vsel vm7, $0x786, v24;
	v25 =	vsel vm7, $0x6, v25  }
0x53: {  	v26 =	vsel vm7, $0x86, v26;
	v27 =	vsel vm7, $0x106, v27;
	v28 =	vsel vm7, $0x186, v28  }
0x54: {  	v29 =	vsel vm7, $0x206, v29;
	v30 =	vsel vm7, $0x286, v30;
	v1 =	vsel vm0, $0x388, v1  }
0x55: {  	v2 =	vsel vm14, $0x2, v2;
	v3 =	vsel vm0, $0x38A, v3;
	v4 =	vsel vm0, $0x38B, v4  }
0x56: {  	v5 =	vsel vm0, $0x38C, v5;
	v6 =	vsel vm0, $0x38D, v6;
	v7 =	vsel vm0, $0x38E, v7  }
0x57: {  	v8 =	vsel vm0, $0x38F, v8;
	v9 =	vsel vm0, $0x380, v9;
	v10 =	vsel vm0, $0x381, v10  }
0x58: {  	v11 =	vsel vm0, $0x382, v11;
	v12 =	vsel vm0, $0x383, v12;
	v13 =	vsel vm0, $0x384, v13  }
0x59: {  	v14 =	vsel vm0, $0x385, v14;
	v15 =	vsel vm0, $0x386, v15;
	v16 =	vsel vm0, $0x407, v16  }
0x5a: {  	v17 =	vsel vm0, $0x487, v17;
	v18 =	vsel vm0, $0x507, v18;
	v19 =	vsel vm0, $0x587, v19  }
0x5b: {  	v20 =	vsel vm0, $0x607, v20;
	v21 =	vsel vm0, $0x687, v21;
	v22 =	vsel vm0, $0x707, v22  }
0x5c: {  	v23 =	vsel vm0, $0x787, v23;
	v24 =	vsel vm0, $0x7, v24;
	v25 =	vsel vm0, $0x87, v25  }
0x5d: {  	v26 =	vsel vm0, $0x107, v26;
	v27 =	vsel vm0, $0x187, v27;
	v28 =	vsel vm0, $0x207, v28  }
0x5e: {  	v29 =	vsel vm0, $0x287, v29;
	v30 =	vsel vm0, $0x307, v30;
	v2 =	vsel vm13, $0x83, v2  }
0x5f: {  	v1 =	vsel vm1, $0x409, v1;
	v3 =	vsel vm1, $0x40B, v3;
	v4 =	vsel vm1, $0x40C, v4  }
0x60: {  	v5 =	vsel vm1, $0x40D, v5;
	v6 =	vsel vm1, $0x40E, v6;
	v7 =	vsel vm1, $0x40F, v7  }
0x61: {  	v8 =	vsel vm1, $0x400, v8;
	v9 =	vsel vm1, $0x401, v9;
	v10 =	vsel vm1, $0x402, v10  }
0x62: {  	v11 =	vsel vm1, $0x403, v11;
	v12 =	vsel vm1, $0x404, v12;
	v13 =	vsel vm1, $0x405, v13  }
0x63: {  	v14 =	vsel vm1, $0x406, v14;
	v15 =	vsel vm1, $0x407, v15;
	v16 =	vsel vm1, $0x488, v16  }
0x64: {  	v17 =	vsel vm1, $0x508, v17;
	v18 =	vsel vm1, $0x588, v18;
	v19 =	vsel vm1, $0x608, v19  }
0x65: {  	v20 =	vsel vm1, $0x688, v20;
	v21 =	vsel vm1, $0x708, v21;
	v22 =	vsel vm1, $0x788, v22  }
0x66: {  	v23 =	vsel vm1, $0x8, v23;
	v24 =	vsel vm1, $0x88, v24;
	v25 =	vsel vm1, $0x108, v25  }
0x67: {  	v26 =	vsel vm1, $0x188, v26;
	v27 =	vsel vm1, $0x208, v27;
	v28 =	vsel vm1, $0x288, v28  }
0x68: {  	v29 =	vsel vm1, $0x308, v29;
	v30 =	vsel vm1, $0x388, v30;
	v2 =	vsel vm12, $0x104, v2  }
0x69: {  	v1 =	vsel vm2, $0x48A, v1;
	v3 =	vsel vm2, $0x48C, v3;
	v4 =	vsel vm2, $0x48D, v4  }
0x6a: {  	v5 =	vsel vm2, $0x48E, v5;
	v6 =	vsel vm2, $0x48F, v6;
	v7 =	vsel vm2, $0x480, v7  }
0x6b: {  	v8 =	vsel vm2, $0x481, v8;
	v9 =	vsel vm2, $0x482, v9;
	v10 =	vsel vm2, $0x483, v10  }
0x6c: {  	v11 =	vsel vm2, $0x484, v11;
	v12 =	vsel vm2, $0x485, v12;
	v13 =	vsel vm2, $0x486, v13  }
0x6d: {  	v14 =	vsel vm2, $0x487, v14;
	v15 =	vsel vm2, $0x488, v15;
	v16 =	vsel vm2, $0x509, v16  }
0x6e: {  	v17 =	vsel vm2, $0x589, v17;
	v18 =	vsel vm2, $0x609, v18;
	v19 =	vsel vm2, $0x689, v19  }
0x6f: {  	v20 =	vsel vm2, $0x709, v20;
	v21 =	vsel vm2, $0x789, v21;
	v22 =	vsel vm2, $0x9, v22  }
0x70: {  	v23 =	vsel vm2, $0x89, v23;
	v24 =	vsel vm2, $0x109, v24;
	v25 =	vsel vm2, $0x189, v25  }
0x71: {  	v26 =	vsel vm2, $0x209, v26;
	v27 =	vsel vm2, $0x289, v27;
	v28 =	vsel vm2, $0x309, v28  }
0x72: {  	v29 =	vsel vm2, $0x389, v29;
	v30 =	vsel vm2, $0x409, v30;
	v2 =	vsel vm11, $0x185, v2  }
0x73: {  	v1 =	vsel vm3, $0x50B, v1;
	v3 =	vsel vm3, $0x50D, v3;
	v4 =	vsel vm3, $0x50E, v4  }
0x74: {  	v5 =	vsel vm3, $0x50F, v5;
	v6 =	vsel vm3, $0x500, v6;
	v7 =	vsel vm3, $0x501, v7  }
0x75: {  	v8 =	vsel vm3, $0x502, v8;
	v9 =	vsel vm3, $0x503, v9;
	v10 =	vsel vm3, $0x504, v10  }
0x76: {  	v11 =	vsel vm3, $0x505, v11;
	v12 =	vsel vm3, $0x506, v12;
	v13 =	vsel vm3, $0x507, v13  }
0x77: {  	v14 =	vsel vm3, $0x508, v14;
	v15 =	vsel vm3, $0x509, v15;
	v16 =	vsel vm3, $0x58A, v16  }
0x78: {  	v17 =	vsel vm3, $0x60A, v17;
	v18 =	vsel vm3, $0x68A, v18;
	v19 =	vsel vm3, $0x70A, v19  }
0x79: {  	v20 =	vsel vm3, $0x78A, v20;
	v21 =	vsel vm3, $0xA, v21;
	v22 =	vsel vm3, $0x8A, v22  }
0x7a: {  	v23 =	vsel vm3, $0x10A, v23;
	v24 =	vsel vm3, $0x18A, v24;
	v25 =	vsel vm3, $0x20A, v25  }
0x7b: {  	v26 =	vsel vm3, $0x28A, v26;
	v27 =	vsel vm3, $0x30A, v27;
	v28 =	vsel vm3, $0x38A, v28  }
0x7c: {  	v29 =	vsel vm3, $0x40A, v29;
	v30 =	vsel vm3, $0x48A, v30;
	v2 =	vsel vm10, $0x206, v2  }
0x7d: {  	v1 =	vsel vm4, $0x58C, v1;
	v3 =	vsel vm4, $0x58E, v3;
	v4 =	vsel vm4, $0x58F, v4  }
0x7e: {  	v5 =	vsel vm4, $0x580, v5;
	v6 =	vsel vm4, $0x581, v6;
	v7 =	vsel vm4, $0x582, v7  }
0x7f: {  	v8 =	vsel vm4, $0x583, v8;
	v9 =	vsel vm4, $0x584, v9;
	v10 =	vsel vm4, $0x585, v10  }
0x80: {  	v11 =	vsel vm4, $0x586, v11;
	v12 =	vsel vm4, $0x587, v12;
	v13 =	vsel vm4, $0x588, v13  }
0x81: {  	v14 =	vsel vm4, $0x589, v14;
	v15 =	vsel vm4, $0x58A, v15;
	v16 =	vsel vm4, $0x60B, v16  }
0x82: {  	v17 =	vsel vm4, $0x68B, v17;
	v18 =	vsel vm4, $0x70B, v18;
	v19 =	vsel vm4, $0x78B, v19  }
0x83: {  	v20 =	vsel vm4, $0xB, v20;
	v21 =	vsel vm4, $0x8B, v21;
	v22 =	vsel vm4, $0x10B, v22  }
0x84: {  	v23 =	vsel vm4, $0x18B, v23;
	v24 =	vsel vm4, $0x20B, v24;
	v25 =	vsel vm4, $0x28B, v25  }
0x85: {  	v26 =	vsel vm4, $0x30B, v26;
	v27 =	vsel vm4, $0x38B, v27;
	v28 =	vsel vm4, $0x40B, v28  }
0x86: {  	v29 =	vsel vm4, $0x48B, v29;
	v30 =	vsel vm4, $0x50B, v30;
	v2 =	vsel vm9, $0x287, v2  }
0x87: {  	v1 =	vsel vm5, $0x60D, v1;
	v3 =	vsel vm5, $0x60F, v3;
	v4 =	vsel vm5, $0x600, v4  }
0x88: {  	v5 =	vsel vm5, $0x601, v5;
	v6 =	vsel vm5, $0x602, v6;
	v7 =	vsel vm5, $0x603, v7  }
0x89: {  	v8 =	vsel vm5, $0x604, v8;
	v9 =	vsel vm5, $0x605, v9;
	v10 =	vsel vm5, $0x606, v10  }
0x8a: {  	v11 =	vsel vm5, $0x607, v11;
	v12 =	vsel vm5, $0x608, v12;
	v13 =	vsel vm5, $0x609, v13  }
0x8b: {  	v14 =	vsel vm5, $0x60A, v14;
	v15 =	vsel vm5, $0x60B, v15;
	v16 =	vsel vm5, $0x68C, v16  }
0x8c: {  	v17 =	vsel vm5, $0x70C, v17;
	v18 =	vsel vm5, $0x78C, v18;
	v19 =	vsel vm5, $0xC, v19  }
0x8d: {  	v20 =	vsel vm5, $0x8C, v20;
	v21 =	vsel vm5, $0x10C, v21;
	v22 =	vsel vm5, $0x18C, v22  }
0x8e: {  	v23 =	vsel vm5, $0x20C, v23;
	v24 =	vsel vm5, $0x28C, v24;
	v25 =	vsel vm5, $0x30C, v25  }
0x8f: {  	v26 =	vsel vm5, $0x38C, v26;
	v27 =	vsel vm5, $0x40C, v27;
	v28 =	vsel vm5, $0x48C, v28  }
0x90: {  	v29 =	vsel vm5, $0x50C, v29;
	v30 =	vsel vm5, $0x58C, v30;
	v2 =	vsel vm7, $0x308, v2  }
0x91: {  	v1 =	vsel vm6, $0x68E, v1;
	v3 =	vsel vm6, $0x680, v3;
	v4 =	vsel vm6, $0x681, v4  }
0x92: {  	v5 =	vsel vm6, $0x682, v5;
	v6 =	vsel vm6, $0x683, v6;
	v7 =	vsel vm6, $0x684, v7  }
0x93: {  	v8 =	vsel vm6, $0x685, v8;
	v9 =	vsel vm6, $0x686, v9;
	v10 =	vsel vm6, $0x687, v10  }
0x94: {  	v11 =	vsel vm6, $0x688, v11;
	v12 =	vsel vm6, $0x689, v12;
	v13 =	vsel vm6, $0x68A, v13  }
0x95: {  	v14 =	vsel vm6, $0x68B, v14;
	v15 =	vsel vm6, $0x68C, v15;
	v16 =	vsel vm6, $0x70D, v16  }
0x96: {  	v17 =	vsel vm6, $0x78D, v17;
	v18 =	vsel vm6, $0xD, v18;
	v19 =	vsel vm6, $0x8D, v19  }
0x97: {  	v20 =	vsel vm6, $0x10D, v20;
	v21 =	vsel vm6, $0x18D, v21;
	v22 =	vsel vm6, $0x20D, v22  }
0x98: {  	v23 =	vsel vm6, $0x28D, v23;
	v24 =	vsel vm6, $0x30D, v24;
	v25 =	vsel vm6, $0x38D, v25  }
0x99: {  	s8 =	rddreg [dreg:$0x0];
	v26 =	vsel vm6, $0x40D, v26;
	v27 =	vsel vm6, $0x48D, v27;
	v28 =	vsel vm6, $0x50D, v28  }
0x9a: {  	s5 =	rddreg [dreg:$0x1];
	v29 =	vsel vm6, $0x58D, v29;
	v30 =	vsel vm6, $0x60D, v30;
	v2 =	vsel vm0, $0x389, v2  }
0x9b: {  	s1 =	rddreg [dreg:$0x2];
	s4 =	srdreg.scid;
	s2 =	simm.s32 $0x0;
	v1 =	vsel vm8, $0x70F, v1;
	v3 =	vsel vm8, $0x701, v3;
	v4 =	vsel vm8, $0x702, v4  }
0x9c: {  	s0 =	stileid.u32;
	s13 =	simm.s32 $0x400;
	s14 =	simm.s32 $0x8000;
	v5 =	vsel vm8, $0x703, v5;
	v6 =	vsel vm8, $0x704, v6;
	v7 =	vsel vm8, $0x705, v7  }
0x9d: {  	s15 =	simm.s32 $0x5;
	s16 =	simm.s32 $0x80;
	s17 =	simm.s32 $0x6400;
	v8 =	vsel vm8, $0x706, v8;
	v9 =	vsel vm8, $0x707, v9;
	v10 =	vsel vm8, $0x708, v10  }
0x9e: {  	s18 =	simm.s32 $0xA400;
	s19 =	simm.s32 $0xE400;
	s20 =	simm.s32 $0x10400;
	v11 =	vsel vm8, $0x709, v11;
	v12 =	vsel vm8, $0x70A, v12;
	v13 =	vsel vm8, $0x70B, v13  }
0x9f: {  	s21 =	simm.s32 $0x1;
	s22 =	simm.s32 $0x3;
	s23 =	simm.s32 $0x2;
	v14 =	vsel vm8, $0x70C, v14;
	v15 =	vsel vm8, $0x70D, v15;
	v16 =	vsel vm8, $0x78E, v16  }
0xa0: {  	s24 =	simm.s32 $0x4;
	s25 =	simm.s32 $0x0;
	s4 =	sand.u32 $0x1, s4;
	v17 =	vsel vm8, $0xE, v17;
	v18 =	vsel vm8, $0x8E, v18;
	v2 =	vsel vm1, $0x40A, v2  }
0xa1: {  	[smem:$0x7FF] =	sst s2;
	s6 =	sshll.u32 s0, $0xB;
	s7 =	sshll.u32 s4, $0xA;
	v19 =	vsel vm8, $0x10E, v19;
	v20 =	vsel vm8, $0x18E, v20;
	v2 =	vsel vm2, $0x48B, v2  }
0xa2: {  	s5 =	sadd.s32 $0x800, s5;
	s9 =	ssub.s32 $0x2, s4;
	s4 =	sor.u32 s7, s6;
	v21 =	vsel vm8, $0x20E, v21;
	v22 =	vsel vm8, $0x28E, v22;
	v2 =	vsel vm3, $0x50C, v2  }
0xa3: {  	_ =	strace $0x8000004A;
	s30 =	sshrl.u32 s9, $0x1;
	s10 =	sshrl.u32 s4, $0x3;
	v23 =	vsel vm8, $0x30E, v23;
	v24 =	vsel vm8, $0x38E, v24;
	v2 =	vsel vm4, $0x58D, v2  }
0xa4: {  	s7 =	sadd.s32 $0x8000, s1;
	s12 =	ssub.s32 s9, s30;
	s6 =	sadd.s32 s1, s10;
	v25 =	vsel vm8, $0x40E, v25;
	v26 =	vsel vm8, $0x48E, v26;
	v2 =	vsel vm5, $0x60E, v2  }
0xa5: {  	s31 =	sadd.s32 s8, s10;
	s9 =	sadd.s32 s10, s7;
	s12 =	smax.u32 s12, $0x1;
	v27 =	vsel vm8, $0x50E, v27;
	v28 =	vsel vm8, $0x58E, v28;
	v2 =	vsel vm6, $0x68F, v2  }
0xa6: {  	[dreg:$0x4] =	wrdreg s31;
	s10 =	sadd.s32 $0x630000, s6;
	s11 =	sadd.s32 $0x638000, s6;
	v29 =	vsel vm8, $0x60E, v29;
	v30 =	vsel vm8, $0x68E, v30;
	v2 =	vsel vm8, $0x700, v2  }
.LBB2_1:
0xa7: {  	s0 =	simm.s32 $0x0;
	s2 =	rddreg [dreg:$0x4]  }
0xa8: {  	[tilespmem:s0], [sflag:$0x5] =	stream.strided.gather [hbm4b:s2+s13], $0x6400, s14, s13, $0x38;
	[tilespmem:$0x12400] =	vst v63  }
0xa9: {  	_ =	swait.ge [sflag:s15], $0x6400  }
0xaa: {  	[sflag:s15] =	ssyncset.done $0x0  }
0xab: {  	[sflag:s15] =	ssyncadd.s32 $0xFFFF9C00  }
0xac: {  	[tilespmem:s17], [sflag:$0x1] =	stream.indirect.gather [hbm4b:s5+s16], $0x80, s0, s16, $0xb8;
	[tilespmem:$0x12400] =	vst v63  }
0xad: {  	_ = 	snop  }
0xae: {  	[tilespmem:s18], [sflag:$0x2] =	stream.indirect.gather [hbm4b:s5+s16], $0x80, s16, s16, $0xb8;
	[tilespmem:$0x12400] =	vst v63  }
0xaf: {  	_ = 	snop  }
0xb0: {  	[hbm4b:s6+s13] =	stream.strided.scatter [tilespmem:s19], [sflag:$0x3], $0x2000, s14, s13, $0x38;
	[tilespmem:$0x12400] =	vst v63  }
0xb1: {  	s26 =	simm.s32 $0x0  }
0xb2: {  	[hbm4b:s9+s13] =	stream.strided.scatter [tilespmem:s20], [sflag:$0x4], $0x2000, s14, s13, $0x38;
	[tilespmem:$0x12400] =	vst v63  }
.LBB2_2:
0xb3: {  	s28 =	simm.s32 $0x0  }
0xb4: {  	s28 =	sand.u32 $0x3, s28  }
0xb5: {  	s29 =	simm.s32 $0x0;
	s30 =	sshll.u32 s28, $0x4  }
0xb6: {  	_ =	swait.ge [sflag:s21], $0x4000;
	s29 =	sor.u32 s30, s29  }
0xb7: {  	[sflag:s21] =	ssyncset.done $0x0;
	v31 =	vor.u32 s29, v1  }
0xb8: {  	[sflag:s21] =	ssyncadd.s32 $0xFFFFC000;
	v32 =	vor.u32 s29, v5  }
0xb9: {  	_ =	swait.ge [sflag:s22], $0x2000;
	v33 =	vor.u32 s29, v7  }
0xba: {  	[sflag:s22] =	ssyncset.done $0x0;
	v34 =	vor.u32 s29, v4  }
0xbb: {  	v35 =	vor.u32 s29, v14;
	[sflag:s22] =	ssyncadd.s32 $0xFFFFE000  }
0xbc: {  	v39 =	vor.u32 s29, v12;
	v36 =	vld.idx.msk [tilespmem:v31+s17+$0x0], $0xffff  }
0xbd: {  	v40 =	vor.u32 s29, v10;
	v38 =	vld.idx.msk [tilespmem:v32+s17+$0x0], $0xffff  }
0xbe: {  	v41 =	vor.u32 s29, v11;
	v37 =	vld.idx.msk [tilespmem:v33+s17+$0x0], $0xffff  }
0xbf: {  	v42 =	vor.u32 s29, v3;
	v43 =	vld.idx.msk [tilespmem:v34+s17+$0x0], $0xffff  }
0xc0: {  	v44 =	vor.u32 s29, v0;
	v32 =	vld.idx.msk [tilespmem:v35+s17+$0x0], $0xffff  }
0xc1: {  	v45 =	vor.u32 s29, v8;
	v33 =	vld.idx.msk [tilespmem:v39+s17+$0x0], $0xffff  }
0xc2: {  	v60 =	vor.u32 s29, v2;
	v35 =	vld.idx.msk [tilespmem:v40+s17+$0x0], $0xffff  }
0xc3: {  	v46 =	vor.u32 s29, v13;
	v34 =	vld.idx.msk [tilespmem:v41+s17+$0x0], $0xffff  }
0xc4: {  	s28 =	sshll.u32 s28, $0xB;
	v61 =	vor.u32 s29, v9;
	v49 =	vld.idx.msk [tilespmem:v42+s17+$0x0], $0xffff  }
0xc5: {  	s28 =	sadd.s32 $0x0, s28;
	v62 =	vor.u32 s29, v6;
	v44 =	vld.idx.msk [tilespmem:v44+s17+$0x0], $0xffff  }
0xc6: {  	v47 =	vor.u32 s28, v0;
	v31 =	vor.u32 s29, v15;
	v40 =	vld.idx.msk [tilespmem:v45+s17+$0x0], $0xffff  }
0xc7: {  	v63 =	vor.u32 s28, v16;
	v48 =	vld.idx.msk [tilespmem:v60+s17+$0x0], $0xffff  }
0xc8: {  	v50 =	vor.u32 s28, v17;
	v39 =	vld.idx.msk [tilespmem:v46+s17+$0x0], $0xffff  }
0xc9: {  	v41 =	vld.idx.msk [tilespmem:v61+s17+$0x0], $0xffff  }
0xca: {  	v42 =	vld.idx.msk [tilespmem:v62+s17+$0x0], $0xffff  }
0xcb: {  	v51 =	vor.u32 s28, v18;
	v31 =	vld.idx.msk [tilespmem:v31+s17+$0x0], $0xffff;
	[tilespmem:v47+s19+$0x0] =	vst.idx.msk $0xffff, v44  }
0xcc: {  	v52 =	vor.u32 s28, v19;
	[tilespmem:v63+s19+$0x0] =	vst.idx.msk $0xffff, v36  }
0xcd: {  	[tilespmem:v50+s19+$0x0] =	vst.idx.msk $0xffff, v48;
	v48 =	vor.u32 s28, v20  }
0xce: {  	v47 =	vor.u32 s28, v21  }
0xcf: {  	v46 =	vor.u32 s28, v22  }
0xd0: {  	v45 =	vor.u32 s28, v23;
	[tilespmem:v51+s19+$0x0] =	vst.idx.msk $0xffff, v49  }
0xd1: {  	s29 =	simm.s32 $0x1;
	v44 =	vor.u32 s28, v24;
	v36 =	vor.u32 s28, v26;
	[tilespmem:v52+s19+$0x0] =	vst.idx.msk $0xffff, v43;
	v43 =	vor.u32 s28, v25  }
.LBB2_3:
0xd2: {  	p0 =	sne.s32 s29, $0x1F;
	[tilespmem:v48+s19+$0x0] =	vst.idx.msk $0xffff, v38;
	s30 =	smov.u32 s29;
	s29 =	sadd.s32 $0x1, s29  }
0xd3: {  	v38 =	vor.u32 s28, v27;
	[tilespmem:v47+s19+$0x0] =	vst.idx.msk $0xffff, v42  }
0xd4: {  	[tilespmem:v46+s19+$0x0] =	vst.idx.msk $0xffff, v37;
	v37 =	vor.u32 s28, v28  }
0xd5: {  	s31 =	sshrl.u32 s30, $0x2;
	s30 =	sand.u32 $0x3, s30;
	[tilespmem:v45+s19+$0x0] =	vst.idx.msk $0xffff, v40;
	v40 =	vor.u32 s28, v29  }
0xd6: {  	s0 =	sshll.u32 s31, $0xB;
	s2 =	sshll.u32 s30, $0x4;
	s30 =	sshll.u32 s30, $0xB;
	[tilespmem:v44+s19+$0x0] =	vst.idx.msk $0xffff, v41;
	v41 =	vor.u32 s28, v30  }
0xd7: {  	s0 =	sor.u32 s2, s0;
	s2 =	sshll.u32 s31, $0x4;
	[tilespmem:v43+s19+$0x0] =	vst.idx.msk $0xffff, v35  }
0xd8: {  	s28 =	sadd.s32 s2, s30;
	v42 =	vor.u32 s0, v0;
	v35 =	vor.u32 s0, v1;
	v43 =	vor.u32 s0, v2;
	[tilespmem:v36+s19+$0x0] =	vst.idx.msk $0xffff, v34  }
0xd9: {  	v44 =	vor.u32 s0, v3;
	v45 =	vor.u32 s0, v5;
	v34 =	vor.u32 s0, v4;
	[tilespmem:v38+s19+$0x0] =	vst.idx.msk $0xffff, v33  }
0xda: {  	v46 =	vor.u32 s0, v6;
	v47 =	vor.u32 s0, v8;
	v33 =	vor.u32 s0, v7;
	[tilespmem:v37+s19+$0x0] =	vst.idx.msk $0xffff, v39  }
0xdb: {  	v48 =	vor.u32 s0, v9;
	v49 =	vor.u32 s0, v11;
	v39 =	vor.u32 s0, v10;
	[tilespmem:v40+s19+$0x0] =	vst.idx.msk $0xffff, v32  }
0xdc: {  	v50 =	vor.u32 s0, v13;
	v40 =	vor.u32 s0, v12;
	v32 =	vor.u32 s0, v14;
	[tilespmem:v41+s19+$0x0] =	vst.idx.msk $0xffff, v31  }
0xdd: {  	v36 =	vor.u32 s28, v26;
	v31 =	vor.u32 s0, v15;
	v51 =	vld.idx.msk [tilespmem:v35+s17+$0x0], $0xffff  }
0xde: {  	v38 =	vld.idx.msk [tilespmem:v45+s17+$0x0], $0xffff  }
0xdf: {  	v37 =	vld.idx.msk [tilespmem:v33+s17+$0x0], $0xffff  }
0xe0: {  	v52 =	vld.idx.msk [tilespmem:v34+s17+$0x0], $0xffff  }
0xe1: {  	v32 =	vld.idx.msk [tilespmem:v32+s17+$0x0], $0xffff  }
0xe2: {  	v31 =	vld.idx.msk [tilespmem:v31+s17+$0x0], $0xffff  }
0xe3: {  	v33 =	vld.idx.msk [tilespmem:v40+s17+$0x0], $0xffff  }
0xe4: {  	v35 =	vld.idx.msk [tilespmem:v39+s17+$0x0], $0xffff  }
0xe5: {  	v34 =	vld.idx.msk [tilespmem:v49+s17+$0x0], $0xffff  }
0xe6: {  	v44 =	vld.idx.msk [tilespmem:v44+s17+$0x0], $0xffff  }
0xe7: {  	v49 =	vor.u32 s28, v0;
	v45 =	vld.idx.msk [tilespmem:v42+s17+$0x0], $0xffff  }
0xe8: {  	v53 =	vor.u32 s28, v16;
	v40 =	vld.idx.msk [tilespmem:v47+s17+$0x0], $0xffff  }
0xe9: {  	v54 =	vor.u32 s28, v17;
	v43 =	vld.idx.msk [tilespmem:v43+s17+$0x0], $0xffff  }
0xea: {  	v39 =	vld.idx.msk [tilespmem:v50+s17+$0x0], $0xffff;
	v50 =	vor.u32 s28, v18  }
0xeb: {  	v55 =	vor.u32 s28, v19;
	v41 =	vld.idx.msk [tilespmem:v48+s17+$0x0], $0xffff  }
0xec: {  	v48 =	vor.u32 s28, v20;
	v42 =	vld.idx.msk [tilespmem:v46+s17+$0x0], $0xffff  }
.Ltmp0:
0xed: {  	v47 =	vor.u32 s28, v21;
	[tilespmem:v49+s19+$0x0] =	vst.idx.msk $0xffff, v45;
	(pc) =	sbr.rel @p0 .LBB2_3-.Ltmp0, $4  }
0xee: {  	v46 =	vor.u32 s28, v22;
	[tilespmem:v53+s19+$0x0] =	vst.idx.msk $0xffff, v51  }
0xef: {  	v45 =	vor.u32 s28, v23;
	[tilespmem:v54+s19+$0x0] =	vst.idx.msk $0xffff, v43  }
0xf0: {  	[tilespmem:v50+s19+$0x0] =	vst.idx.msk $0xffff, v44;
	v44 =	vor.u32 s28, v24  }
0xf1: {  	v43 =	vor.u32 s28, v25;
	[tilespmem:v55+s19+$0x0] =	vst.idx.msk $0xffff, v52  }
0xf2: {  	_ =	sdelay $0x3  }
0xf3: {  	[tilespmem:v48+s19+$0x0] =	vst.idx.msk $0xffff, v38  }
0xf4: {  	[tilespmem:v47+s19+$0x0] =	vst.idx.msk $0xffff, v42  }
0xf5: {  	v62 =	vor.u32 s28, v27;
	[tilespmem:v46+s19+$0x0] =	vst.idx.msk $0xffff, v37  }
0xf6: {  	v63 =	vor.u32 s28, v28;
	[tilespmem:v45+s19+$0x0] =	vst.idx.msk $0xffff, v40  }
0xf7: {  	v45 =	vor.u32 s28, v29;
	[tilespmem:v44+s19+$0x0] =	vst.idx.msk $0xffff, v41  }
0xf8: {  	v46 =	vor.u32 s28, v30;
	[tilespmem:v43+s19+$0x0] =	vst.idx.msk $0xffff, v35  }
0xf9: {  	[tilespmem:v36+s19+$0x0] =	vst.idx.msk $0xffff, v34  }
0xfa: {  	[tilespmem:v62+s19+$0x0] =	vst.idx.msk $0xffff, v33  }
0xfb: {  	s0 =	sshll.u32 s26, $0x8;
	s8 =	sshll.u32 s26, $0x13;
	[tilespmem:v63+s19+$0x0] =	vst.idx.msk $0xffff, v39  }
0xfc: {  	s28 =	sand.u32 $0x3FFFFF00, s0;
	s0 =	sor.u32 s4, s8;
	[tilespmem:v45+s19+$0x0] =	vst.idx.msk $0xffff, v32  }
0xfd: {  	s2 =	sadd.s32 $0x100, s28;
	s29 =	sshrl.u32 s0, $0x3;
	[tilespmem:v46+s19+$0x0] =	vst.idx.msk $0xffff, v31  }
0xfe: {  	[tilespmem:s17], [sflag:$0x1] =	stream.indirect.gather [hbm4b:s5+s16], $0x80, s2, s16, $0xb8;
	[tilespmem:$0x12400] =	vst v63  }
0xff: {  	s3 =	simm.s32 $0x0;
	s0 =	sadd.s32 s1, s29  }
0x100: {  	[hbm4b:s0+s13] =	stream.strided.scatter [tilespmem:s19], [sflag:$0x3], $0x2000, s14, s13, $0x38;
	[tilespmem:$0x12400] =	vst v63  }
0x101: {  	s0 =	sand.u32 $0x3, s3  }
0x102: {  	s8 =	simm.s32 $0x0;
	s30 =	sshll.u32 s0, $0x4  }
0x103: {  	_ =	swait.ge [sflag:s23], $0x4000;
	s2 =	sor.u32 s30, s8  }
0x104: {  	[sflag:s23] =	ssyncset.done $0x0;
	v31 =	vor.u32 s2, v1  }
0x105: {  	[sflag:s23] =	ssyncadd.s32 $0xFFFFC000;
	v47 =	vor.u32 s2, v5  }
0x106: {  	v48 =	vor.u32 s2, v7;
	_ =	swait.ge [sflag:s24], $0x2000  }
0x107: {  	v49 =	vor.u32 s2, v4;
	[sflag:s24] =	ssyncset.done $0x0  }
0x108: {  	v50 =	vor.u32 s2, v14;
	[sflag:s24] =	ssyncadd.s32 $0xFFFFE000  }
0x109: {  	v51 =	vor.u32 s2, v12;
	v36 =	vld.idx.msk [tilespmem:v31+s18+$0x0], $0xffff  }
0x10a: {  	v52 =	vor.u32 s2, v10;
	v38 =	vld.idx.msk [tilespmem:v47+s18+$0x0], $0xffff  }
0x10b: {  	v53 =	vor.u32 s2, v11;
	v37 =	vld.idx.msk [tilespmem:v48+s18+$0x0], $0xffff  }
0x10c: {  	v54 =	vor.u32 s2, v3;
	v43 =	vld.idx.msk [tilespmem:v49+s18+$0x0], $0xffff  }
0x10d: {  	v55 =	vor.u32 s2, v0;
	v32 =	vld.idx.msk [tilespmem:v50+s18+$0x0], $0xffff  }
0x10e: {  	v56 =	vor.u32 s2, v8;
	v33 =	vld.idx.msk [tilespmem:v51+s18+$0x0], $0xffff  }
0x10f: {  	v57 =	vor.u32 s2, v2;
	v35 =	vld.idx.msk [tilespmem:v52+s18+$0x0], $0xffff  }
0x110: {  	v58 =	vor.u32 s2, v13;
	v34 =	vld.idx.msk [tilespmem:v53+s18+$0x0], $0xffff  }
0x111: {  	s0 =	sshll.u32 s0, $0xB;
	v59 =	vor.u32 s2, v9;
	v49 =	vld.idx.msk [tilespmem:v54+s18+$0x0], $0xffff  }
0x112: {  	s30 =	sadd.s32 $0x0, s0;
	v60 =	vor.u32 s2, v6;
	v44 =	vld.idx.msk [tilespmem:v55+s18+$0x0], $0xffff  }
0x113: {  	v61 =	vor.u32 s30, v0;
	v31 =	vor.u32 s2, v15;
	v40 =	vld.idx.msk [tilespmem:v56+s18+$0x0], $0xffff  }
0x114: {  	v62 =	vor.u32 s30, v16;
	v63 =	vld.idx.msk [tilespmem:v57+s18+$0x0], $0xffff  }
0x115: {  	v50 =	vor.u32 s30, v17;
	v39 =	vld.idx.msk [tilespmem:v58+s18+$0x0], $0xffff  }
0x116: {  	v51 =	vor.u32 s30, v18;
	v41 =	vld.idx.msk [tilespmem:v59+s18+$0x0], $0xffff  }
0x117: {  	v52 =	vor.u32 s30, v19;
	v42 =	vld.idx.msk [tilespmem:v60+s18+$0x0], $0xffff  }
0x118: {  	v48 =	vor.u32 s30, v20;
	v31 =	vld.idx.msk [tilespmem:v31+s18+$0x0], $0xffff;
	[tilespmem:v61+s20+$0x0] =	vst.idx.msk $0xffff, v44  }
0x119: {  	v47 =	vor.u32 s30, v21;
	[tilespmem:v62+s20+$0x0] =	vst.idx.msk $0xffff, v36  }
0x11a: {  	v46 =	vor.u32 s30, v22;
	[tilespmem:v50+s20+$0x0] =	vst.idx.msk $0xffff, v63  }
0x11b: {  	v45 =	vor.u32 s30, v23;
	[tilespmem:v51+s20+$0x0] =	vst.idx.msk $0xffff, v49  }
0x11c: {  	s31 =	simm.s32 $0x1;
	v44 =	vor.u32 s30, v24;
	v36 =	vor.u32 s30, v26;
	[tilespmem:v52+s20+$0x0] =	vst.idx.msk $0xffff, v43;
	v43 =	vor.u32 s30, v25  }
.LBB2_5:
0x11d: {  	p0 =	sne.s32 s31, $0x1F;
	[tilespmem:v48+s20+$0x0] =	vst.idx.msk $0xffff, v38;
	s0 =	smov.u32 s31;
	s31 =	sadd.s32 $0x1, s31  }
0x11e: {  	v38 =	vor.u32 s30, v27;
	[tilespmem:v47+s20+$0x0] =	vst.idx.msk $0xffff, v42  }
0x11f: {  	[tilespmem:v46+s20+$0x0] =	vst.idx.msk $0xffff, v37;
	v37 =	vor.u32 s30, v28  }
0x120: {  	s2 =	sshrl.u32 s0, $0x2;
	s0 =	sand.u32 $0x3, s0;
	[tilespmem:v45+s20+$0x0] =	vst.idx.msk $0xffff, v40;
	v40 =	vor.u32 s30, v29  }
0x121: {  	s3 =	sshll.u32 s2, $0xB;
	s8 =	sshll.u32 s0, $0x4;
	s0 =	sshll.u32 s0, $0xB;
	[tilespmem:v44+s20+$0x0] =	vst.idx.msk $0xffff, v41;
	v41 =	vor.u32 s30, v30  }
0x122: {  	s2 =	sshll.u32 s2, $0x4;
	s3 =	sor.u32 s8, s3;
	[tilespmem:v43+s20+$0x0] =	vst.idx.msk $0xffff, v35  }
0x123: {  	s30 =	sadd.s32 s2, s0;
	v42 =	vor.u32 s3, v0;
	v35 =	vor.u32 s3, v1;
	v43 =	vor.u32 s3, v2;
	[tilespmem:v36+s20+$0x0] =	vst.idx.msk $0xffff, v34  }
0x124: {  	v44 =	vor.u32 s3, v3;
	v45 =	vor.u32 s3, v5;
	v34 =	vor.u32 s3, v4;
	[tilespmem:v38+s20+$0x0] =	vst.idx.msk $0xffff, v33  }
0x125: {  	v46 =	vor.u32 s3, v6;
	v47 =	vor.u32 s3, v8;
	v33 =	vor.u32 s3, v7;
	[tilespmem:v37+s20+$0x0] =	vst.idx.msk $0xffff, v39  }
0x126: {  	v48 =	vor.u32 s3, v9;
	v49 =	vor.u32 s3, v11;
	v39 =	vor.u32 s3, v10;
	[tilespmem:v40+s20+$0x0] =	vst.idx.msk $0xffff, v32  }
0x127: {  	v50 =	vor.u32 s3, v13;
	v40 =	vor.u32 s3, v12;
	v32 =	vor.u32 s3, v14;
	[tilespmem:v41+s20+$0x0] =	vst.idx.msk $0xffff, v31  }
0x128: {  	v36 =	vor.u32 s30, v26;
	v31 =	vor.u32 s3, v15;
	v51 =	vld.idx.msk [tilespmem:v35+s18+$0x0], $0xffff  }
0x129: {  	v38 =	vld.idx.msk [tilespmem:v45+s18+$0x0], $0xffff  }
0x12a: {  	v37 =	vld.idx.msk [tilespmem:v33+s18+$0x0], $0xffff  }
0x12b: {  	v52 =	vld.idx.msk [tilespmem:v34+s18+$0x0], $0xffff  }
0x12c: {  	v32 =	vld.idx.msk [tilespmem:v32+s18+$0x0], $0xffff  }
0x12d: {  	v31 =	vld.idx.msk [tilespmem:v31+s18+$0x0], $0xffff  }
0x12e: {  	v33 =	vld.idx.msk [tilespmem:v40+s18+$0x0], $0xffff  }
0x12f: {  	v35 =	vld.idx.msk [tilespmem:v39+s18+$0x0], $0xffff  }
0x130: {  	v34 =	vld.idx.msk [tilespmem:v49+s18+$0x0], $0xffff  }
0x131: {  	v44 =	vld.idx.msk [tilespmem:v44+s18+$0x0], $0xffff  }
0x132: {  	v49 =	vor.u32 s30, v0;
	v45 =	vld.idx.msk [tilespmem:v42+s18+$0x0], $0xffff  }
0x133: {  	v53 =	vor.u32 s30, v16;
	v40 =	vld.idx.msk [tilespmem:v47+s18+$0x0], $0xffff  }
0x134: {  	v54 =	vor.u32 s30, v17;
	v43 =	vld.idx.msk [tilespmem:v43+s18+$0x0], $0xffff  }
0x135: {  	v39 =	vld.idx.msk [tilespmem:v50+s18+$0x0], $0xffff;
	v50 =	vor.u32 s30, v18  }
0x136: {  	v55 =	vor.u32 s30, v19;
	v41 =	vld.idx.msk [tilespmem:v48+s18+$0x0], $0xffff  }
0x137: {  	v48 =	vor.u32 s30, v20;
	v42 =	vld.idx.msk [tilespmem:v46+s18+$0x0], $0xffff  }
.Ltmp1:
0x138: {  	v47 =	vor.u32 s30, v21;
	[tilespmem:v49+s20+$0x0] =	vst.idx.msk $0xffff, v45;
	(pc) =	sbr.rel @p0 .LBB2_5-.Ltmp1, $4  }
0x139: {  	v46 =	vor.u32 s30, v22;
	[tilespmem:v53+s20+$0x0] =	vst.idx.msk $0xffff, v51  }
0x13a: {  	v45 =	vor.u32 s30, v23;
	[tilespmem:v54+s20+$0x0] =	vst.idx.msk $0xffff, v43  }
0x13b: {  	[tilespmem:v50+s20+$0x0] =	vst.idx.msk $0xffff, v44;
	v44 =	vor.u32 s30, v24  }
0x13c: {  	v43 =	vor.u32 s30, v25;
	[tilespmem:v55+s20+$0x0] =	vst.idx.msk $0xffff, v52  }
0x13d: {  	_ =	sdelay $0x3  }
0x13e: {  	[tilespmem:v48+s20+$0x0] =	vst.idx.msk $0xffff, v38  }
0x13f: {  	[tilespmem:v47+s20+$0x0] =	vst.idx.msk $0xffff, v42  }
0x140: {  	v60 =	vor.u32 s30, v27;
	[tilespmem:v46+s20+$0x0] =	vst.idx.msk $0xffff, v37  }
0x141: {  	v61 =	vor.u32 s30, v28;
	[tilespmem:v45+s20+$0x0] =	vst.idx.msk $0xffff, v40  }
0x142: {  	v62 =	vor.u32 s30, v29;
	[tilespmem:v44+s20+$0x0] =	vst.idx.msk $0xffff, v41  }
0x143: {  	v63 =	vor.u32 s30, v30;
	[tilespmem:v43+s20+$0x0] =	vst.idx.msk $0xffff, v35  }
0x144: {  	[tilespmem:v36+s20+$0x0] =	vst.idx.msk $0xffff, v34  }
0x145: {  	s26 =	sadd.s32 $0x1, s26;
	[tilespmem:v60+s20+$0x0] =	vst.idx.msk $0xffff, v33  }
0x146: {  	p0 =	sne.s32 s26, $0x63;
	[tilespmem:v61+s20+$0x0] =	vst.idx.msk $0xffff, v39  }
.Ltmp2:
0x147: {  	[tilespmem:v62+s20+$0x0] =	vst.idx.msk $0xffff, v32;
	(pc) =	sbr.rel @p0 .LBB2_2-.Ltmp2, $4  }
0x148: {  	s0 =	sadd.s32 $0x180, s28;
	[tilespmem:v63+s20+$0x0] =	vst.idx.msk $0xffff, v31  }
0x149: {  	[tilespmem:s18], [sflag:$0x2] =	stream.indirect.gather [hbm4b:s5+s16], $0x80, s0, s16, $0xb8;
	[tilespmem:$0x12400] =	vst v63  }
0x14a: {  	s31 =	sadd.s32 s29, s7  }
0x14b: {  	[hbm4b:s31+s13] =	stream.strided.scatter [tilespmem:s20], [sflag:$0x4], $0x2000, s14, s13, $0x38;
	[tilespmem:$0x12400] =	vst v63  }
0x14c: {  	s0 =	simm.s32 $0x0  }
0x14d: {  	s0 =	sand.u32 $0x3, s0  }
0x14e: {  	s2 =	simm.s32 $0x0;
	s3 =	sshll.u32 s0, $0x4  }
0x14f: {  	_ =	swait.ge [sflag:s21], $0x4000;
	s2 =	sor.u32 s3, s2  }
0x150: {  	[sflag:s21] =	ssyncset.done $0x0;
	v31 =	vor.u32 s2, v1  }
0x151: {  	[sflag:s21] =	ssyncadd.s32 $0xFFFFC000;
	v32 =	vor.u32 s2, v5  }
0x152: {  	_ =	swait.ge [sflag:s22], $0x2000;
	v33 =	vor.u32 s2, v7  }
0x153: {  	[sflag:s22] =	ssyncset.done $0x0;
	v34 =	vor.u32 s2, v4  }
0x154: {  	v35 =	vor.u32 s2, v14;
	[sflag:s22] =	ssyncadd.s32 $0xFFFFE000  }
0x155: {  	v39 =	vor.u32 s2, v12;
	v36 =	vld.idx.msk [tilespmem:v31+s17+$0x0], $0xffff  }
0x156: {  	v40 =	vor.u32 s2, v10;
	v38 =	vld.idx.msk [tilespmem:v32+s17+$0x0], $0xffff  }
0x157: {  	v41 =	vor.u32 s2, v11;
	v37 =	vld.idx.msk [tilespmem:v33+s17+$0x0], $0xffff  }
0x158: {  	v42 =	vor.u32 s2, v3;
	v43 =	vld.idx.msk [tilespmem:v34+s17+$0x0], $0xffff  }
0x159: {  	v44 =	vor.u32 s2, v0;
	v32 =	vld.idx.msk [tilespmem:v35+s17+$0x0], $0xffff  }
0x15a: {  	v45 =	vor.u32 s2, v8;
	v33 =	vld.idx.msk [tilespmem:v39+s17+$0x0], $0xffff  }
0x15b: {  	v60 =	vor.u32 s2, v2;
	v35 =	vld.idx.msk [tilespmem:v40+s17+$0x0], $0xffff  }
0x15c: {  	v46 =	vor.u32 s2, v13;
	v34 =	vld.idx.msk [tilespmem:v41+s17+$0x0], $0xffff  }
0x15d: {  	s0 =	sshll.u32 s0, $0xB;
	v61 =	vor.u32 s2, v9;
	v49 =	vld.idx.msk [tilespmem:v42+s17+$0x0], $0xffff  }
0x15e: {  	s26 =	sadd.s32 $0x0, s0;
	v62 =	vor.u32 s2, v6;
	v44 =	vld.idx.msk [tilespmem:v44+s17+$0x0], $0xffff  }
0x15f: {  	v47 =	vor.u32 s26, v0;
	v31 =	vor.u32 s2, v15;
	v40 =	vld.idx.msk [tilespmem:v45+s17+$0x0], $0xffff  }
0x160: {  	v63 =	vor.u32 s26, v16;
	v48 =	vld.idx.msk [tilespmem:v60+s17+$0x0], $0xffff  }
0x161: {  	v50 =	vor.u32 s26, v17;
	v39 =	vld.idx.msk [tilespmem:v46+s17+$0x0], $0xffff  }
0x162: {  	v41 =	vld.idx.msk [tilespmem:v61+s17+$0x0], $0xffff  }
0x163: {  	v42 =	vld.idx.msk [tilespmem:v62+s17+$0x0], $0xffff  }
0x164: {  	v51 =	vor.u32 s26, v18;
	v31 =	vld.idx.msk [tilespmem:v31+s17+$0x0], $0xffff;
	[tilespmem:v47+s19+$0x0] =	vst.idx.msk $0xffff, v44  }
0x165: {  	v52 =	vor.u32 s26, v19;
	[tilespmem:v63+s19+$0x0] =	vst.idx.msk $0xffff, v36  }
0x166: {  	[tilespmem:v50+s19+$0x0] =	vst.idx.msk $0xffff, v48;
	v48 =	vor.u32 s26, v20  }
0x167: {  	v47 =	vor.u32 s26, v21  }
0x168: {  	v46 =	vor.u32 s26, v22  }
0x169: {  	v45 =	vor.u32 s26, v23;
	[tilespmem:v51+s19+$0x0] =	vst.idx.msk $0xffff, v49  }
0x16a: {  	s28 =	simm.s32 $0x1;
	v44 =	vor.u32 s26, v24;
	v36 =	vor.u32 s26, v26;
	[tilespmem:v52+s19+$0x0] =	vst.idx.msk $0xffff, v43;
	v43 =	vor.u32 s26, v25  }
.LBB2_8:
0x16b: {  	p0 =	sne.s32 s28, $0x1F;
	[tilespmem:v48+s19+$0x0] =	vst.idx.msk $0xffff, v38;
	s0 =	smov.u32 s28;
	s28 =	sadd.s32 $0x1, s28  }
0x16c: {  	v38 =	vor.u32 s26, v27;
	[tilespmem:v47+s19+$0x0] =	vst.idx.msk $0xffff, v42  }
0x16d: {  	[tilespmem:v46+s19+$0x0] =	vst.idx.msk $0xffff, v37;
	v37 =	vor.u32 s26, v28  }
0x16e: {  	s2 =	sshrl.u32 s0, $0x2;
	s0 =	sand.u32 $0x3, s0;
	[tilespmem:v45+s19+$0x0] =	vst.idx.msk $0xffff, v40;
	v40 =	vor.u32 s26, v29  }
0x16f: {  	s3 =	sshll.u32 s2, $0xB;
	s8 =	sshll.u32 s0, $0x4;
	s0 =	sshll.u32 s0, $0xB;
	[tilespmem:v44+s19+$0x0] =	vst.idx.msk $0xffff, v41;
	v41 =	vor.u32 s26, v30  }
0x170: {  	s2 =	sshll.u32 s2, $0x4;
	s3 =	sor.u32 s8, s3;
	[tilespmem:v43+s19+$0x0] =	vst.idx.msk $0xffff, v35  }
0x171: {  	s26 =	sadd.s32 s2, s0;
	v42 =	vor.u32 s3, v0;
	v35 =	vor.u32 s3, v1;
	v43 =	vor.u32 s3, v2;
	[tilespmem:v36+s19+$0x0] =	vst.idx.msk $0xffff, v34  }
0x172: {  	v44 =	vor.u32 s3, v3;
	v45 =	vor.u32 s3, v5;
	v34 =	vor.u32 s3, v4;
	[tilespmem:v38+s19+$0x0] =	vst.idx.msk $0xffff, v33  }
0x173: {  	v46 =	vor.u32 s3, v6;
	v47 =	vor.u32 s3, v8;
	v33 =	vor.u32 s3, v7;
	[tilespmem:v37+s19+$0x0] =	vst.idx.msk $0xffff, v39  }
0x174: {  	v48 =	vor.u32 s3, v9;
	v49 =	vor.u32 s3, v11;
	v39 =	vor.u32 s3, v10;
	[tilespmem:v40+s19+$0x0] =	vst.idx.msk $0xffff, v32  }
0x175: {  	v50 =	vor.u32 s3, v13;
	v40 =	vor.u32 s3, v12;
	v32 =	vor.u32 s3, v14;
	[tilespmem:v41+s19+$0x0] =	vst.idx.msk $0xffff, v31  }
0x176: {  	v36 =	vor.u32 s26, v26;
	v31 =	vor.u32 s3, v15;
	v51 =	vld.idx.msk [tilespmem:v35+s17+$0x0], $0xffff  }
0x177: {  	v38 =	vld.idx.msk [tilespmem:v45+s17+$0x0], $0xffff  }
0x178: {  	v37 =	vld.idx.msk [tilespmem:v33+s17+$0x0], $0xffff  }
0x179: {  	v52 =	vld.idx.msk [tilespmem:v34+s17+$0x0], $0xffff  }
0x17a: {  	v32 =	vld.idx.msk [tilespmem:v32+s17+$0x0], $0xffff  }
0x17b: {  	v31 =	vld.idx.msk [tilespmem:v31+s17+$0x0], $0xffff  }
0x17c: {  	v33 =	vld.idx.msk [tilespmem:v40+s17+$0x0], $0xffff  }
0x17d: {  	v35 =	vld.idx.msk [tilespmem:v39+s17+$0x0], $0xffff  }
0x17e: {  	v34 =	vld.idx.msk [tilespmem:v49+s17+$0x0], $0xffff  }
0x17f: {  	v44 =	vld.idx.msk [tilespmem:v44+s17+$0x0], $0xffff  }
0x180: {  	v49 =	vor.u32 s26, v0;
	v45 =	vld.idx.msk [tilespmem:v42+s17+$0x0], $0xffff  }
0x181: {  	v53 =	vor.u32 s26, v16;
	v40 =	vld.idx.msk [tilespmem:v47+s17+$0x0], $0xffff  }
0x182: {  	v54 =	vor.u32 s26, v17;
	v43 =	vld.idx.msk [tilespmem:v43+s17+$0x0], $0xffff  }
0x183: {  	v39 =	vld.idx.msk [tilespmem:v50+s17+$0x0], $0xffff;
	v50 =	vor.u32 s26, v18  }
0x184: {  	v55 =	vor.u32 s26, v19;
	v41 =	vld.idx.msk [tilespmem:v48+s17+$0x0], $0xffff  }
0x185: {  	v48 =	vor.u32 s26, v20;
	v42 =	vld.idx.msk [tilespmem:v46+s17+$0x0], $0xffff  }
.Ltmp3:
0x186: {  	v47 =	vor.u32 s26, v21;
	[tilespmem:v49+s19+$0x0] =	vst.idx.msk $0xffff, v45;
	(pc) =	sbr.rel @p0 .LBB2_8-.Ltmp3, $4  }
0x187: {  	v46 =	vor.u32 s26, v22;
	[tilespmem:v53+s19+$0x0] =	vst.idx.msk $0xffff, v51  }
0x188: {  	v45 =	vor.u32 s26, v23;
	[tilespmem:v54+s19+$0x0] =	vst.idx.msk $0xffff, v43  }
0x189: {  	[tilespmem:v50+s19+$0x0] =	vst.idx.msk $0xffff, v44;
	v44 =	vor.u32 s26, v24  }
0x18a: {  	v43 =	vor.u32 s26, v25;
	[tilespmem:v55+s19+$0x0] =	vst.idx.msk $0xffff, v52  }
0x18b: {  	_ =	sdelay $0x3  }
0x18c: {  	[tilespmem:v48+s19+$0x0] =	vst.idx.msk $0xffff, v38  }
0x18d: {  	[tilespmem:v47+s19+$0x0] =	vst.idx.msk $0xffff, v42  }
0x18e: {  	v62 =	vor.u32 s26, v27;
	[tilespmem:v46+s19+$0x0] =	vst.idx.msk $0xffff, v37  }
0x18f: {  	v63 =	vor.u32 s26, v28;
	[tilespmem:v45+s19+$0x0] =	vst.idx.msk $0xffff, v40  }
0x190: {  	v45 =	vor.u32 s26, v29;
	[tilespmem:v44+s19+$0x0] =	vst.idx.msk $0xffff, v41  }
0x191: {  	v46 =	vor.u32 s26, v30;
	[tilespmem:v43+s19+$0x0] =	vst.idx.msk $0xffff, v35  }
0x192: {  	[tilespmem:v36+s19+$0x0] =	vst.idx.msk $0xffff, v34  }
0x193: {  	[tilespmem:v62+s19+$0x0] =	vst.idx.msk $0xffff, v33  }
0x194: {  	s0 =	simm.s32 $0x0;
	[tilespmem:v63+s19+$0x0] =	vst.idx.msk $0xffff, v39  }
0x195: {  	s0 =	sand.u32 $0x3, s0;
	[tilespmem:v45+s19+$0x0] =	vst.idx.msk $0xffff, v32  }
0x196: {  	s2 =	simm.s32 $0x0;
	s3 =	sshll.u32 s0, $0x4;
	[tilespmem:v46+s19+$0x0] =	vst.idx.msk $0xffff, v31  }
0x197: {  	[hbm4b:s10+s13] =	stream.strided.scatter [tilespmem:s19], [sflag:$0x3], $0x2000, s14, s13, $0x38;
	[tilespmem:$0x12400] =	vst v63  }
0x198: {  	s2 =	sor.u32 s3, s2;
	_ =	swait.ge [sflag:s23], $0x4000  }
0x199: {  	v31 =	vor.u32 s2, v1;
	[sflag:s23] =	ssyncset.done $0x0  }
0x19a: {  	v47 =	vor.u32 s2, v5;
	[sflag:s23] =	ssyncadd.s32 $0xFFFFC000  }
0x19b: {  	v48 =	vor.u32 s2, v7;
	_ =	swait.ge [sflag:s24], $0x2000  }
0x19c: {  	v49 =	vor.u32 s2, v4;
	[sflag:s24] =	ssyncset.done $0x0  }
0x19d: {  	v50 =	vor.u32 s2, v14;
	[sflag:s24] =	ssyncadd.s32 $0xFFFFE000  }
0x19e: {  	v51 =	vor.u32 s2, v12;
	v36 =	vld.idx.msk [tilespmem:v31+s18+$0x0], $0xffff  }
0x19f: {  	v52 =	vor.u32 s2, v10;
	v38 =	vld.idx.msk [tilespmem:v47+s18+$0x0], $0xffff  }
0x1a0: {  	v53 =	vor.u32 s2, v11;
	v37 =	vld.idx.msk [tilespmem:v48+s18+$0x0], $0xffff  }
0x1a1: {  	v54 =	vor.u32 s2, v3;
	v43 =	vld.idx.msk [tilespmem:v49+s18+$0x0], $0xffff  }
0x1a2: {  	v55 =	vor.u32 s2, v0;
	v32 =	vld.idx.msk [tilespmem:v50+s18+$0x0], $0xffff  }
0x1a3: {  	v56 =	vor.u32 s2, v8;
	v33 =	vld.idx.msk [tilespmem:v51+s18+$0x0], $0xffff  }
0x1a4: {  	v57 =	vor.u32 s2, v2;
	v35 =	vld.idx.msk [tilespmem:v52+s18+$0x0], $0xffff  }
0x1a5: {  	v58 =	vor.u32 s2, v13;
	v34 =	vld.idx.msk [tilespmem:v53+s18+$0x0], $0xffff  }
0x1a6: {  	s0 =	sshll.u32 s0, $0xB;
	v59 =	vor.u32 s2, v9;
	v49 =	vld.idx.msk [tilespmem:v54+s18+$0x0], $0xffff  }
0x1a7: {  	s26 =	sadd.s32 $0x0, s0;
	v60 =	vor.u32 s2, v6;
	v44 =	vld.idx.msk [tilespmem:v55+s18+$0x0], $0xffff  }
0x1a8: {  	v61 =	vor.u32 s26, v0;
	v31 =	vor.u32 s2, v15;
	v40 =	vld.idx.msk [tilespmem:v56+s18+$0x0], $0xffff  }
0x1a9: {  	v62 =	vor.u32 s26, v16;
	v63 =	vld.idx.msk [tilespmem:v57+s18+$0x0], $0xffff  }
0x1aa: {  	v50 =	vor.u32 s26, v17;
	v39 =	vld.idx.msk [tilespmem:v58+s18+$0x0], $0xffff  }
0x1ab: {  	v51 =	vor.u32 s26, v18;
	v41 =	vld.idx.msk [tilespmem:v59+s18+$0x0], $0xffff  }
0x1ac: {  	v52 =	vor.u32 s26, v19;
	v42 =	vld.idx.msk [tilespmem:v60+s18+$0x0], $0xffff  }
0x1ad: {  	v48 =	vor.u32 s26, v20;
	v31 =	vld.idx.msk [tilespmem:v31+s18+$0x0], $0xffff;
	[tilespmem:v61+s20+$0x0] =	vst.idx.msk $0xffff, v44  }
0x1ae: {  	v47 =	vor.u32 s26, v21;
	[tilespmem:v62+s20+$0x0] =	vst.idx.msk $0xffff, v36  }
0x1af: {  	v46 =	vor.u32 s26, v22;
	[tilespmem:v50+s20+$0x0] =	vst.idx.msk $0xffff, v63  }
0x1b0: {  	v45 =	vor.u32 s26, v23;
	[tilespmem:v51+s20+$0x0] =	vst.idx.msk $0xffff, v49  }
0x1b1: {  	s28 =	simm.s32 $0x1;
	v44 =	vor.u32 s26, v24;
	v36 =	vor.u32 s26, v26;
	[tilespmem:v52+s20+$0x0] =	vst.idx.msk $0xffff, v43;
	v43 =	vor.u32 s26, v25  }
.LBB2_10:
0x1b2: {  	p0 =	sne.s32 s28, $0x1F;
	[tilespmem:v48+s20+$0x0] =	vst.idx.msk $0xffff, v38;
	s0 =	smov.u32 s28;
	s28 =	sadd.s32 $0x1, s28  }
0x1b3: {  	v38 =	vor.u32 s26, v27;
	[tilespmem:v47+s20+$0x0] =	vst.idx.msk $0xffff, v42  }
0x1b4: {  	[tilespmem:v46+s20+$0x0] =	vst.idx.msk $0xffff, v37;
	v37 =	vor.u32 s26, v28  }
0x1b5: {  	s2 =	sshrl.u32 s0, $0x2;
	s0 =	sand.u32 $0x3, s0;
	[tilespmem:v45+s20+$0x0] =	vst.idx.msk $0xffff, v40;
	v40 =	vor.u32 s26, v29  }
0x1b6: {  	s3 =	sshll.u32 s2, $0xB;
	s8 =	sshll.u32 s0, $0x4;
	s0 =	sshll.u32 s0, $0xB;
	[tilespmem:v44+s20+$0x0] =	vst.idx.msk $0xffff, v41;
	v41 =	vor.u32 s26, v30  }
0x1b7: {  	s2 =	sshll.u32 s2, $0x4;
	s3 =	sor.u32 s8, s3;
	[tilespmem:v43+s20+$0x0] =	vst.idx.msk $0xffff, v35  }
0x1b8: {  	s26 =	sadd.s32 s2, s0;
	v42 =	vor.u32 s3, v0;
	v35 =	vor.u32 s3, v1;
	v43 =	vor.u32 s3, v2;
	[tilespmem:v36+s20+$0x0] =	vst.idx.msk $0xffff, v34  }
0x1b9: {  	v44 =	vor.u32 s3, v3;
	v45 =	vor.u32 s3, v5;
	v34 =	vor.u32 s3, v4;
	[tilespmem:v38+s20+$0x0] =	vst.idx.msk $0xffff, v33  }
0x1ba: {  	v46 =	vor.u32 s3, v6;
	v47 =	vor.u32 s3, v8;
	v33 =	vor.u32 s3, v7;
	[tilespmem:v37+s20+$0x0] =	vst.idx.msk $0xffff, v39  }
0x1bb: {  	v48 =	vor.u32 s3, v9;
	v49 =	vor.u32 s3, v11;
	v39 =	vor.u32 s3, v10;
	[tilespmem:v40+s20+$0x0] =	vst.idx.msk $0xffff, v32  }
0x1bc: {  	v50 =	vor.u32 s3, v13;
	v40 =	vor.u32 s3, v12;
	v32 =	vor.u32 s3, v14;
	[tilespmem:v41+s20+$0x0] =	vst.idx.msk $0xffff, v31  }
0x1bd: {  	v36 =	vor.u32 s26, v26;
	v31 =	vor.u32 s3, v15;
	v51 =	vld.idx.msk [tilespmem:v35+s18+$0x0], $0xffff  }
0x1be: {  	v38 =	vld.idx.msk [tilespmem:v45+s18+$0x0], $0xffff  }
0x1bf: {  	v37 =	vld.idx.msk [tilespmem:v33+s18+$0x0], $0xffff  }
0x1c0: {  	v52 =	vld.idx.msk [tilespmem:v34+s18+$0x0], $0xffff  }
0x1c1: {  	v32 =	vld.idx.msk [tilespmem:v32+s18+$0x0], $0xffff  }
0x1c2: {  	v31 =	vld.idx.msk [tilespmem:v31+s18+$0x0], $0xffff  }
0x1c3: {  	v33 =	vld.idx.msk [tilespmem:v40+s18+$0x0], $0xffff  }
0x1c4: {  	v35 =	vld.idx.msk [tilespmem:v39+s18+$0x0], $0xffff  }
0x1c5: {  	v34 =	vld.idx.msk [tilespmem:v49+s18+$0x0], $0xffff  }
0x1c6: {  	v44 =	vld.idx.msk [tilespmem:v44+s18+$0x0], $0xffff  }
0x1c7: {  	v49 =	vor.u32 s26, v0;
	v45 =	vld.idx.msk [tilespmem:v42+s18+$0x0], $0xffff  }
0x1c8: {  	v53 =	vor.u32 s26, v16;
	v40 =	vld.idx.msk [tilespmem:v47+s18+$0x0], $0xffff  }
0x1c9: {  	v54 =	vor.u32 s26, v17;
	v43 =	vld.idx.msk [tilespmem:v43+s18+$0x0], $0xffff  }
0x1ca: {  	v39 =	vld.idx.msk [tilespmem:v50+s18+$0x0], $0xffff;
	v50 =	vor.u32 s26, v18  }
0x1cb: {  	v55 =	vor.u32 s26, v19;
	v41 =	vld.idx.msk [tilespmem:v48+s18+$0x0], $0xffff  }
0x1cc: {  	v48 =	vor.u32 s26, v20;
	v42 =	vld.idx.msk [tilespmem:v46+s18+$0x0], $0xffff  }
.Ltmp4:
0x1cd: {  	v47 =	vor.u32 s26, v21;
	[tilespmem:v49+s20+$0x0] =	vst.idx.msk $0xffff, v45;
	(pc) =	sbr.rel @p0 .LBB2_10-.Ltmp4, $4  }
0x1ce: {  	v46 =	vor.u32 s26, v22;
	[tilespmem:v53+s20+$0x0] =	vst.idx.msk $0xffff, v51  }
0x1cf: {  	v45 =	vor.u32 s26, v23;
	[tilespmem:v54+s20+$0x0] =	vst.idx.msk $0xffff, v43  }
0x1d0: {  	[tilespmem:v50+s20+$0x0] =	vst.idx.msk $0xffff, v44;
	v44 =	vor.u32 s26, v24  }
0x1d1: {  	v43 =	vor.u32 s26, v25;
	[tilespmem:v55+s20+$0x0] =	vst.idx.msk $0xffff, v52  }
0x1d2: {  	_ =	sdelay $0x3  }
0x1d3: {  	[tilespmem:v48+s20+$0x0] =	vst.idx.msk $0xffff, v38  }
0x1d4: {  	[tilespmem:v47+s20+$0x0] =	vst.idx.msk $0xffff, v42  }
0x1d5: {  	v60 =	vor.u32 s26, v27;
	[tilespmem:v46+s20+$0x0] =	vst.idx.msk $0xffff, v37  }
0x1d6: {  	v61 =	vor.u32 s26, v28;
	[tilespmem:v45+s20+$0x0] =	vst.idx.msk $0xffff, v40  }
0x1d7: {  	v62 =	vor.u32 s26, v29;
	[tilespmem:v44+s20+$0x0] =	vst.idx.msk $0xffff, v41  }
0x1d8: {  	v63 =	vor.u32 s26, v30;
	[tilespmem:v43+s20+$0x0] =	vst.idx.msk $0xffff, v35  }
0x1d9: {  	[tilespmem:v36+s20+$0x0] =	vst.idx.msk $0xffff, v34  }
0x1da: {  	[tilespmem:v60+s20+$0x0] =	vst.idx.msk $0xffff, v33  }
0x1db: {  	[tilespmem:v61+s20+$0x0] =	vst.idx.msk $0xffff, v39  }
0x1dc: {  	[tilespmem:v62+s20+$0x0] =	vst.idx.msk $0xffff, v32  }
0x1dd: {  	s25 =	sadd.s32 $0x1, s25;
	[tilespmem:v63+s20+$0x0] =	vst.idx.msk $0xffff, v31  }
0x1de: {  	[hbm4b:s11+s13] =	stream.strided.scatter [tilespmem:s20], [sflag:$0x4], $0x2000, s14, s13, $0x38;
	[tilespmem:$0x12400] =	vst v63  }
0x1df: {  	p0 =	sne.s32 s25, s12;
	_ =	swait.ge [sflag:s22], $0x2000  }
.Ltmp5:
0x1e0: {  	[sflag:s22] =	ssyncset.done $0x0;
	(pc) =	sbr.rel @p0 .LBB2_1-.Ltmp5, $4  }
0x1e1: {  	[sflag:s22] =	ssyncadd.s32 $0xFFFFE000  }
0x1e2: {  	_ =	swait.ge [sflag:s24], $0x2000  }
0x1e3: {  	[sflag:s24] =	ssyncset.done $0x0  }
0x1e4: {  	[sflag:s24] =	ssyncadd.s32 $0xFFFFE000  }
0x1e5: {  	_ =	sfence.sel $0x180000  }
0x1e6: {  	[bflag:$0x0] =	sbarrier.arrive $0xFFFF  }
0x1e7: {  	_ =	strace $0x9000004A  }
0x1e8: {  	s0 =	stileid.u32;
	[bflag:$0x2] =	sbarrier.arrive $0xFFFF  }
0x1e9: {  	p0 =	sne.s32 s0, $0x0;
	s0 =	rddreg [dreg:$0x3]  }
0x1ea: {  	s0 =	sadd.s32 @!p0 $0x100000, s0  }
0x1eb: {  	[sflag:s0] =	ssyncadd.tile.s32 @!p0 $0x1;
	_ =	shalt  }
.Lfunc_end2:
_tile_overlayer_lowered:
.L_overlay_start_2:
0x1ec: {  	(tag) =	ssettag $0x2  }
0x1ed: {  	s0 =	rddreg [dreg:$0x0];
	s2 =	stileid.u32  }
0x1ee: {  	s1 =	rddreg [dreg:$0x1];
	p0 =	sne.s32 s2, $0x0  }
0x1ef: {  	s3 =	rddreg [dreg:$0x2];
	[bflag:$0x3] =	sbarrier.arrive $0xFFFF;
	s2 =	simm.s32 @!p0 $0x1C05  }
0x1f0: {  	[timem:s3], [sflag:s2] =	dma.local @!p0 [hbm:s0], s1  }
0x1f1: {  	s0 =	simm.s32 @!p0 $0x5  }
0x1f2: {  	_ =	swait.ge @!p0 [sflag:s0], s1  }
0x1f3: {  	s1 =	ssub.s32 @!p0 $0x0, s1;
	[sflag:s0] =	ssyncset.done @!p0 $0x0  }
0x1f4: {  	[sflag:s0] =	ssyncadd.s32 @!p0 s1  }
0x1f5: {  	[bflag:$0x3] =	sbarrier.arrive $0xFFFF  }
0x1f6: {  	_ =	shalt  }

</sc_bundles>
